<compile_context>
chip_gen: v7x
topology: tpu7x:2x2x1
jax: 0.10.2.dev20260603
libtpu: 0.0.44.dev20260713+nightly
codegen_flags: <defaults>
</compile_context>

<pallas_src>
import functools

import jax
import jax.numpy as jnp
from jax import lax
from jax.experimental import pallas as pl
from jax.experimental.pallas import tpu as pltpu
from jax.experimental.pallas import tpu_sc as plsc

N = 10000
E = 320000
D_IN = 128
D_H = 128
N_CLASSES = 40

NC = 2
NS = 16
NW = NC * NS
EPW = E // NW
RPW = N // NS

D0 = 136
D1 = 128
D2 = 48

ROW_BLK = 2000
GRID = N // ROW_BLK



CHUNK = 80
SLAG = 2
_NBUF_BY_D = {136: 4, 128: 4, 48: 5}


def _make_sc_agg(d):
  chunk = CHUNK
  nchunk = EPW // chunk
  nbuf = _NBUF_BY_D[d]
  ilead = nbuf - SLAG
  glead = ilead - 1
  ngrp = nchunk // nbuf
  nmain = ngrp * nbuf
  mesh = plsc.VectorSubcoreMesh(core_axis_name="c", subcore_axis_name="s",
                                num_cores=NC, num_subcores=NS)

  @functools.partial(
      pl.kernel,
      out_type=jax.ShapeDtypeStruct((NC, N, d), jnp.float32),
      mesh=mesh,
      scratch_types=[
          [pltpu.VMEM((2, chunk), jnp.int32) for _ in range(nbuf)],
          [pltpu.VMEM((chunk, d), jnp.float32) for _ in range(nbuf)],
          pltpu.SemaphoreType.DMA((nbuf,)),
          pltpu.SemaphoreType.DMA((nbuf,)),
          pltpu.SemaphoreType.DMA((nbuf,)),
          pltpu.VMEM_SHARED((N, d), jnp.float32),
      ],
      compiler_params=pltpu.CompilerParams(use_tc_tiling_on_sc=False),
  )
  def agg(table, edges, zeros, out, ibufs, rbufs, isem, gsem, ssem, acc):
    cid = lax.axis_index("c")
    sid = lax.axis_index("s")
    wid = sid * NC + cid

    pltpu.sync_copy(zeros, acc.at[pl.ds(sid * RPW, RPW)])
    plsc.subcore_barrier()

    base = wid * EPW

    def fire_idx(c, b):
      pltpu.async_copy(edges.at[:, pl.ds(base + c * chunk, chunk)], ibufs[b],
                       isem.at[b])

    def fire_gather(c, b):
      pltpu.make_async_copy(edges.at[:, pl.ds(base + c * chunk, chunk)],
                            ibufs[b], isem.at[b]).wait()
      pltpu.async_copy(table.at[ibufs[b].at[0]], rbufs[b], gsem.at[b])

    def drain_scatter(b):
      pltpu.make_async_copy(rbufs[b], acc.at[ibufs[b].at[1]],
                            ssem.at[b]).wait()

    def consume(c, b):
      pltpu.make_async_copy(table.at[ibufs[b].at[0]], rbufs[b],
                            gsem.at[b]).wait()
      pltpu.async_copy(rbufs[b], acc.at[ibufs[b].at[1]], ssem.at[b],
                       add=True)

    for c in range(ilead):
      fire_idx(c, c)
    for c in range(glead):
      fire_gather(c, c)

    def make_grp(guarded):
      def grp(g, carry):
        for k in range(nbuf):
          c = g * nbuf + k
          bs = (k + nbuf - SLAG) % nbuf
          bg = (k + glead) % nbuf
          if guarded:
            if c >= SLAG:
              drain_scatter(bs)
            if c + ilead < nchunk:
              fire_idx(c + ilead, (k + ilead) % nbuf)
            if c + glead < nchunk:
              fire_gather(c + glead, bg)
          else:
            drain_scatter(bs)
            fire_idx(c + ilead, (k + ilead) % nbuf)
            fire_gather(c + glead, bg)
          consume(c, k)
        return carry
      return grp

    make_grp(True)(0, 0)
    lax.fori_loop(1, ngrp - 1, make_grp(False), 0)
    make_grp(True)(ngrp - 1, 0)
    for c in range(nmain, nchunk):
      pltpu.make_async_copy(table.at[ibufs[c % nbuf].at[0]], rbufs[c % nbuf],
                            gsem.at[c % nbuf]).wait()
      pltpu.async_copy(rbufs[c % nbuf], acc.at[ibufs[c % nbuf].at[1]],
                       ssem.at[c % nbuf], add=True)
    for c in range(nmain - SLAG, nchunk):
      drain_scatter(c % nbuf)
    plsc.subcore_barrier()

    pltpu.sync_copy(acc.at[pl.ds(sid * RPW, RPW)],
                    out.at[cid, pl.ds(sid * RPW, RPW)])

  return agg


_sc_agg_cache = {}


def _agg(table, edges, zeros, d):
  if d not in _sc_agg_cache:
    _sc_agg_cache[d] = _make_sc_agg(d)
  return _sc_agg_cache[d](table, edges, zeros)



def _p_specs(d):
  return [
      pl.BlockSpec((1, ROW_BLK, d), lambda i: (0, i, 0)),
      pl.BlockSpec((1, ROW_BLK, d), lambda i: (1, i, 0)),
  ]


def _stage1_body(x_ref, w_ref, b_ref, o_ref):
  o_ref[...] = (jnp.dot(x_ref[...], w_ref[...],
                        preferred_element_type=jnp.float32) + b_ref[...])


def _tc_stage1(x, w, b):
  return pl.pallas_call(
      _stage1_body,
      grid=(GRID,),
      in_specs=[
          pl.BlockSpec((ROW_BLK, D_IN), lambda i: (i, 0)),
          pl.BlockSpec((D_IN, D0), lambda i: (0, 0)),
          pl.BlockSpec((1, D0), lambda i: (0, 0)),
      ],
      out_specs=pl.BlockSpec((ROW_BLK, D0), lambda i: (i, 0)),
      out_shape=jax.ShapeDtypeStruct((N, D0), jnp.float32),
  )(x, w, b)


def _stage2_body(p0_ref, p1_ref, b_ref, w_ref, t_ref, dinv_ref):
  s = p0_ref[0] + p1_ref[0]
  deg = s[:, D_H:D_H + 1]
  dinv = 1.0 / jnp.maximum(deg, 1.0)
  h = jnp.maximum(s[:, :D_H] * dinv + b_ref[...], 0.0)
  t_ref[...] = jnp.dot(h, w_ref[...], preferred_element_type=jnp.float32)
  dinv_ref[...] = dinv


def _tc_stage2(p, b0, w1):
  return pl.pallas_call(
      _stage2_body,
      grid=(GRID,),
      in_specs=_p_specs(D0) + [
          pl.BlockSpec((1, D_H), lambda i: (0, 0)),
          pl.BlockSpec((D_H, D_H), lambda i: (0, 0)),
      ],
      out_specs=[
          pl.BlockSpec((ROW_BLK, D_H), lambda i: (i, 0)),
          pl.BlockSpec((ROW_BLK, 1), lambda i: (i, 0)),
      ],
      out_shape=[
          jax.ShapeDtypeStruct((N, D_H), jnp.float32),
          jax.ShapeDtypeStruct((N, 1), jnp.float32),
      ],
  )(p, p, b0, w1)


def _stage3_body(p0_ref, p1_ref, dinv_ref, b_ref, w_ref, t_ref):
  s = p0_ref[0] + p1_ref[0]
  h = jnp.maximum(s * dinv_ref[...] + b_ref[...], 0.0)
  t_ref[...] = jnp.dot(h, w_ref[...], preferred_element_type=jnp.float32)


def _tc_stage3(p, dinv, b1, w2):
  return pl.pallas_call(
      _stage3_body,
      grid=(GRID,),
      in_specs=_p_specs(D1) + [
          pl.BlockSpec((ROW_BLK, 1), lambda i: (i, 0)),
          pl.BlockSpec((1, D_H), lambda i: (0, 0)),
          pl.BlockSpec((D_H, D2), lambda i: (0, 0)),
      ],
      out_specs=pl.BlockSpec((ROW_BLK, D2), lambda i: (i, 0)),
      out_shape=jax.ShapeDtypeStruct((N, D2), jnp.float32),
  )(p, p, dinv, b1, w2)


def _stage4_body(p0_ref, p1_ref, dinv_ref, b_ref, o_ref):
  s = p0_ref[0, :, :N_CLASSES] + p1_ref[0, :, :N_CLASSES]
  o_ref[...] = s * dinv_ref[...] + b_ref[...]


def _tc_stage4(p, dinv, b2):
  return pl.pallas_call(
      _stage4_body,
      grid=(GRID,),
      in_specs=_p_specs(D2) + [
          pl.BlockSpec((ROW_BLK, 1), lambda i: (i, 0)),
          pl.BlockSpec((1, N_CLASSES), lambda i: (0, 0)),
      ],
      out_specs=pl.BlockSpec((ROW_BLK, N_CLASSES), lambda i: (i, 0)),
      out_shape=jax.ShapeDtypeStruct((N, N_CLASSES), jnp.float32),
  )(p, p, dinv, b2)



def kernel(features, edge_index, W0, b0, W1, b1, W2, b2):
  ei = edge_index.astype(jnp.int32)

  w0pad = jnp.zeros((D_IN, D0), jnp.float32).at[:, :D_H].set(W0)
  b0aug = jnp.zeros((1, D0), jnp.float32).at[0, D_H].set(1.0)

  w2pad = jnp.zeros((D_H, D2), jnp.float32).at[:, :N_CLASSES].set(W2)

  z0 = jnp.zeros((RPW, D0), jnp.float32)
  z1 = jnp.zeros((RPW, D1), jnp.float32)
  z2 = jnp.zeros((RPW, D2), jnp.float32)

  t0 = _tc_stage1(features, w0pad, b0aug)
  p = _agg(t0, ei, z0, D0)
  t1, dinv = _tc_stage2(p, b0.reshape(1, D_H), W1)
  p = _agg(t1, ei, z1, D1)
  t2 = _tc_stage3(p, dinv, b1.reshape(1, D_H), w2pad)
  p = _agg(t2, ei, z2, D2)
  return _tc_stage4(p, dinv, b2.reshape(1, N_CLASSES))

# --- scband reference (transcript-rebuilt; emitter-appended) ---
"""Pipeline reference for scband-gcn-91087666413879 (READ-ONLY COPY).

The authoritative reference and input builder live on the scoring server;
editing this copy changes nothing except your own understanding.
"""

import jax, jax.numpy as jnp
import numpy as np

N = 10000
E = 320000
D_IN = 128
D_H = 128
N_CLASSES = 40


def setup_inputs(seed: int = 0) -> dict:
    key = jax.random.key(seed)
    ks = jax.random.split(key, 10)
    features = jax.random.normal(ks[0], (N, D_IN), dtype=jnp.float32)
    edge_index = jax.random.randint(ks[1], (2, E), 0, N, dtype=jnp.int64)
    W0 = jax.random.normal(ks[2], (D_IN, D_H), dtype=jnp.float32) * 0.05
    b0 = jnp.zeros((D_H,), dtype=jnp.float32)
    W1 = jax.random.normal(ks[3], (D_H, D_H), dtype=jnp.float32) * 0.05
    b1 = jnp.zeros((D_H,), dtype=jnp.float32)
    W2 = jax.random.normal(ks[4], (D_H, N_CLASSES), dtype=jnp.float32) * 0.05
    b2 = jnp.zeros((N_CLASSES,), dtype=jnp.float32)
    return {"features": features, "edge_index": edge_index,
            "W0": W0, "b0": b0, "W1": W1, "b1": b1, "W2": W2, "b2": b2}


def _graph_conv(h, src, dst, deg_inv, W, b, activation):
    # DGL GraphConv with norm='right': aggregate neighbor messages via
    # scatter-add on dst, then normalize by in-degree, then linear transform.
    msg = jnp.take(h, src, axis=0)                       # gather  [E, d]
    agg = jax.ops.segment_sum(msg, dst, num_segments=N)  # scatter-add [N, d]
    agg = agg * deg_inv[:, None]                         # norm='right'
    out = agg @ W + b
    if activation:
        out = jax.nn.relu(out)
    return out


def reference(features, edge_index, W0, b0, W1, b1, W2, b2):
    src = edge_index[0]
    dst = edge_index[1]
    deg = jax.ops.segment_sum(jnp.ones((E,), dtype=jnp.float32), dst, num_segments=N)
    deg_inv = 1.0 / jnp.clip(deg, 1.0, None)
    # Layer 0: GraphConv(in_feats, n_hidden, activation=relu)
    h = _graph_conv(features, src, dst, deg_inv, W0, b0, True)
    # dropout is identity in eval mode
    # Layer 1: GraphConv(n_hidden, n_hidden, activation=relu)
    h = _graph_conv(h, src, dst, deg_inv, W1, b1, True)
    # Layer 2: GraphConv(n_hidden, n_classes), no activation
    h = _graph_conv(h, src, dst, deg_inv, W2, b2, False)
    return h

if __name__ == "__main__":
    import jax
    _d = setup_inputs()
    print(jax.jit(kernel)(*tuple(_d.values())))

</pallas_src>

<mosaic_0001>
#map = affine_map<(d0, d1) -> (0, 0)>
#map1 = affine_map<(d0, d1) -> (0, 0, 0)>
module attributes {stable_mosaic.version = 14 : i64} {
  func.func @agg(%arg0: i32, %arg1: i32, %arg2: memref<10000x128xf32, #tpu.memory_space<hbm>>, %arg3: memref<2x320000xi32, #tpu.memory_space<hbm>>, %arg4: memref<625x128xf32, #tpu.memory_space<hbm>>, %arg5: memref<2x10000x128xf32, #tpu.memory_space<hbm>>, %arg6: memref<2x80xi32, #tpu.memory_space<vmem>>, %arg7: memref<2x80xi32, #tpu.memory_space<vmem>>, %arg8: memref<2x80xi32, #tpu.memory_space<vmem>>, %arg9: memref<2x80xi32, #tpu.memory_space<vmem>>, %arg10: memref<80x128xf32, #tpu.memory_space<vmem>>, %arg11: memref<80x128xf32, #tpu.memory_space<vmem>>, %arg12: memref<80x128xf32, #tpu.memory_space<vmem>>, %arg13: memref<80x128xf32, #tpu.memory_space<vmem>>, %arg14: memref<4x!tpu.dma_semaphore, #tpu.memory_space<semaphore_mem>>, %arg15: memref<4x!tpu.dma_semaphore, #tpu.memory_space<semaphore_mem>>, %arg16: memref<4x!tpu.dma_semaphore, #tpu.memory_space<semaphore_mem>>, %arg17: memref<10000x128xf32, #tpu.memory_space<vmem_shared>>) attributes {dimension_semantics = [#tpu.dimension_semantics<core_parallel>, #tpu.dimension_semantics<subcore_parallel>], iteration_bounds = array<i64: 2, 16>, scalar_prefetch = 0 : i64, scratch_operands = 12 : i64, tpu.core_type = #tpu.core_type<sc_vector_subcore>, window_params = [{transform_indices = #map}, {transform_indices = #map}, {transform_indices = #map}, {transform_indices = #map1}]} {
    %mul3A = arith.constant 2 : i32
    %mul3A_0 = arith.muli %arg1, %mul3A : i32
    %add3A = arith.addi %mul3A_0, %arg0 : i32
    %mul3A_1 = arith.constant 625 : i32
    %mul3A_2 = arith.muli %arg1, %mul3A_1 : i32
    "tpu.region"() ({
      %run_scoped3A = tpu.sem_alloc : memref<!tpu.dma_semaphore, #tpu.memory_space<semaphore_mem>>
      %dma_start3A_535 = arith.constant 0 : i32
      %dma_start3A_536 = tpu.memref_slice %arg17[%mul3A_2, %dma_start3A_535] : memref<10000x128xf32, #tpu.memory_space<vmem_shared>> -> memref<625x128xf32, #tpu.memory_space<vmem_shared>>
      tpu.enqueue_dma source(%arg4 : memref<625x128xf32, #tpu.memory_space<hbm>>) target(%dma_start3A_536 : memref<625x128xf32, #tpu.memory_space<vmem_shared>>) target_semaphore(%run_scoped3A : memref<!tpu.dma_semaphore, #tpu.memory_space<semaphore_mem>>)
      %dma_wait3A_537 = arith.constant 0 : i32
      %dma_wait3A_538 = tpu.memref_slice %arg17[%mul3A_2, %dma_wait3A_537] : memref<10000x128xf32, #tpu.memory_space<vmem_shared>> -> memref<625x128xf32, #tpu.memory_space<vmem_shared>>
      tpu.wait_dma2 semaphore(%run_scoped3A : memref<!tpu.dma_semaphore, #tpu.memory_space<semaphore_mem>>) src(%arg4 : memref<625x128xf32, #tpu.memory_space<hbm>>) dst(%dma_wait3A_538 : memref<625x128xf32, #tpu.memory_space<vmem_shared>>)
      tpu.yield
    }) : () -> ()
    %barrier3A = arith.constant 0 : index
    tpu.barrier barrier_id(%barrier3A)
    %mul3A_3 = arith.constant 10000 : i32
    %mul3A_4 = arith.muli %add3A, %mul3A_3 : i32
    %add3A_5 = arith.constant 0 : i32
    %add3A_6 = arith.addi %mul3A_4, %add3A_5 : i32
    %dma_start3A = arith.constant 0 : i32
    %dma_start3A_7 = arith.constant 0 : i32
    %dma_start3A_8 = tpu.memref_slice %arg3[%dma_start3A_7, %add3A_6] : memref<2x320000xi32, #tpu.memory_space<hbm>> -> memref<2x80xi32, #tpu.memory_space<hbm>>
    %dma_start3A_9 = tpu.memref_slice %arg14[%dma_start3A] : memref<4x!tpu.dma_semaphore, #tpu.memory_space<semaphore_mem>> -> memref<1x!tpu.dma_semaphore, #tpu.memory_space<semaphore_mem>>
    %dma_start3A_10 = tpu.memref_squeeze %dma_start3A_9 : memref<1x!tpu.dma_semaphore, #tpu.memory_space<semaphore_mem>> -> memref<!tpu.dma_semaphore, #tpu.memory_space<semaphore_mem>>
    %dma_start3A_11 = arith.constant 0 : i32
    %dma_start3A_12 = tpu.memref_slice %arg3[%dma_start3A_11, %add3A_6] : memref<2x320000xi32, #tpu.memory_space<hbm>> -> memref<2x80xi32, #tpu.memory_space<hbm>>
    tpu.enqueue_dma source(%dma_start3A_12 : memref<2x80xi32, #tpu.memory_space<hbm>>) target(%arg6 : memref<2x80xi32, #tpu.memory_space<vmem>>) target_semaphore(%dma_start3A_10 : memref<!tpu.dma_semaphore, #tpu.memory_space<semaphore_mem>>)
    %add3A_13 = arith.constant 80 : i32
    %add3A_14 = arith.addi %mul3A_4, %add3A_13 : i32
    %dma_start3A_15 = arith.constant 1 : i32
    %dma_start3A_16 = arith.constant 0 : i32
    %dma_start3A_17 = tpu.memref_slice %arg3[%dma_start3A_16, %add3A_14] : memref<2x320000xi32, #tpu.memory_space<hbm>> -> memref<2x80xi32, #tpu.memory_space<hbm>>
    %dma_start3A_18 = tpu.memref_slice %arg14[%dma_start3A_15] : memref<4x!tpu.dma_semaphore, #tpu.memory_space<semaphore_mem>> -> memref<1x!tpu.dma_semaphore, #tpu.memory_space<semaphore_mem>>
    %dma_start3A_19 = tpu.memref_squeeze %dma_start3A_18 : memref<1x!tpu.dma_semaphore, #tpu.memory_space<semaphore_mem>> -> memref<!tpu.dma_semaphore, #tpu.memory_space<semaphore_mem>>
    %dma_start3A_20 = arith.constant 0 : i32
    %dma_start3A_21 = tpu.memref_slice %arg3[%dma_start3A_20, %add3A_14] : memref<2x320000xi32, #tpu.memory_space<hbm>> -> memref<2x80xi32, #tpu.memory_space<hbm>>
    tpu.enqueue_dma source(%dma_start3A_21 : memref<2x80xi32, #tpu.memory_space<hbm>>) target(%arg7 : memref<2x80xi32, #tpu.memory_space<vmem>>) target_semaphore(%dma_start3A_19 : memref<!tpu.dma_semaphore, #tpu.memory_space<semaphore_mem>>)
    %add3A_22 = arith.constant 0 : i32
    %add3A_23 = arith.addi %mul3A_4, %add3A_22 : i32
    %dma_wait3A = arith.constant 0 : i32
    %dma_wait3A_24 = arith.constant 0 : i32
    %dma_wait3A_25 = tpu.memref_slice %arg3[%dma_wait3A_24, %add3A_23] : memref<2x320000xi32, #tpu.memory_space<hbm>> -> memref<2x80xi32, #tpu.memory_space<hbm>>
    %dma_wait3A_26 = tpu.memref_slice %arg14[%dma_wait3A] : memref<4x!tpu.dma_semaphore, #tpu.memory_space<semaphore_mem>> -> memref<1x!tpu.dma_semaphore, #tpu.memory_space<semaphore_mem>>
    %dma_wait3A_27 = tpu.memref_squeeze %dma_wait3A_26 : memref<1x!tpu.dma_semaphore, #tpu.memory_space<semaphore_mem>> -> memref<!tpu.dma_semaphore, #tpu.memory_space<semaphore_mem>>
    %dma_wait3A_28 = arith.constant 0 : i32
    %dma_wait3A_29 = tpu.memref_slice %arg3[%dma_wait3A_28, %add3A_23] : memref<2x320000xi32, #tpu.memory_space<hbm>> -> memref<2x80xi32, #tpu.memory_space<hbm>>
    tpu.wait_dma2 semaphore(%dma_wait3A_27 : memref<!tpu.dma_semaphore, #tpu.memory_space<semaphore_mem>>) src(%dma_wait3A_29 : memref<2x80xi32, #tpu.memory_space<hbm>>) dst(%arg6 : memref<2x80xi32, #tpu.memory_space<vmem>>)
    %dma_start3A_30 = arith.constant 0 : i32
    %dma_start3A_31 = arith.constant 0 : i32
    %dma_start3A_32 = arith.constant 0 : i32
    %dma_start3A_33 = tpu.memref_slice %arg6[%dma_start3A_30, %dma_start3A_32] : memref<2x80xi32, #tpu.memory_space<vmem>> -> memref<1x80xi32, #tpu.memory_space<vmem>>
    %dma_start3A_34 = tpu.memref_squeeze %dma_start3A_33 : memref<1x80xi32, #tpu.memory_space<vmem>> -> memref<80xi32, #tpu.memory_space<vmem>>
    %dma_start3A_35 = arith.constant 0 : i32
    %dma_start3A_36 = arith.constant 0 : i32
    %dma_start3A_37 = tpu.memref_slice %arg2[%dma_start3A_35, %dma_start3A_36] : memref<10000x128xf32, #tpu.memory_space<hbm>> -> memref<10000x128xf32, #tpu.memory_space<hbm>>
    %dma_start3A_38 = tpu.memref_slice %arg15[%dma_start3A_31] : memref<4x!tpu.dma_semaphore, #tpu.memory_space<semaphore_mem>> -> memref<1x!tpu.dma_semaphore, #tpu.memory_space<semaphore_mem>>
    %dma_start3A_39 = tpu.memref_squeeze %dma_start3A_38 : memref<1x!tpu.dma_semaphore, #tpu.memory_space<semaphore_mem>> -> memref<!tpu.dma_semaphore, #tpu.memory_space<semaphore_mem>>
    tpu.enqueue_indirect_dma source(%dma_start3A_37 : memref<10000x128xf32, #tpu.memory_space<hbm>>) target(%arg10 : memref<80x128xf32, #tpu.memory_space<vmem>>) offsets(%dma_start3A_34 : memref<80xi32, #tpu.memory_space<vmem>>) semaphore(%dma_start3A_39 : memref<!tpu.dma_semaphore, #tpu.memory_space<semaphore_mem>>)
    %add3A_40 = arith.constant 160 : i32
    %add3A_41 = arith.addi %mul3A_4, %add3A_40 : i32
    %dma_start3A_42 = arith.constant 2 : i32
    %dma_start3A_43 = arith.constant 0 : i32
    %dma_start3A_44 = tpu.memref_slice %arg3[%dma_start3A_43, %add3A_41] : memref<2x320000xi32, #tpu.memory_space<hbm>> -> memref<2x80xi32, #tpu.memory_space<hbm>>
    %dma_start3A_45 = tpu.memref_slice %arg14[%dma_start3A_42] : memref<4x!tpu.dma_semaphore, #tpu.memory_space<semaphore_mem>> -> memref<1x!tpu.dma_semaphore, #tpu.memory_space<semaphore_mem>>
    %dma_start3A_46 = tpu.memref_squeeze %dma_start3A_45 : memref<1x!tpu.dma_semaphore, #tpu.memory_space<semaphore_mem>> -> memref<!tpu.dma_semaphore, #tpu.memory_space<semaphore_mem>>
    %dma_start3A_47 = arith.constant 0 : i32
    %dma_start3A_48 = tpu.memref_slice %arg3[%dma_start3A_47, %add3A_41] : memref<2x320000xi32, #tpu.memory_space<hbm>> -> memref<2x80xi32, #tpu.memory_space<hbm>>
    tpu.enqueue_dma source(%dma_start3A_48 : memref<2x80xi32, #tpu.memory_space<hbm>>) target(%arg8 : memref<2x80xi32, #tpu.memory_space<vmem>>) target_semaphore(%dma_start3A_46 : memref<!tpu.dma_semaphore, #tpu.memory_space<semaphore_mem>>)
    %add3A_49 = arith.constant 80 : i32
    %add3A_50 = arith.addi %mul3A_4, %add3A_49 : i32
    %dma_wait3A_51 = arith.constant 1 : i32
    %dma_wait3A_52 = arith.constant 0 : i32
    %dma_wait3A_53 = tpu.memref_slice %arg3[%dma_wait3A_52, %add3A_50] : memref<2x320000xi32, #tpu.memory_space<hbm>> -> memref<2x80xi32, #tpu.memory_space<hbm>>
    %dma_wait3A_54 = tpu.memref_slice %arg14[%dma_wait3A_51] : memref<4x!tpu.dma_semaphore, #tpu.memory_space<semaphore_mem>> -> memref<1x!tpu.dma_semaphore, #tpu.memory_space<semaphore_mem>>
    %dma_wait3A_55 = tpu.memref_squeeze %dma_wait3A_54 : memref<1x!tpu.dma_semaphore, #tpu.memory_space<semaphore_mem>> -> memref<!tpu.dma_semaphore, #tpu.memory_space<semaphore_mem>>
    %dma_wait3A_56 = arith.constant 0 : i32
    %dma_wait3A_57 = tpu.memref_slice %arg3[%dma_wait3A_56, %add3A_50] : memref<2x320000xi32, #tpu.memory_space<hbm>> -> memref<2x80xi32, #tpu.memory_space<hbm>>
    tpu.wait_dma2 semaphore(%dma_wait3A_55 : memref<!tpu.dma_semaphore, #tpu.memory_space<semaphore_mem>>) src(%dma_wait3A_57 : memref<2x80xi32, #tpu.memory_space<hbm>>) dst(%arg7 : memref<2x80xi32, #tpu.memory_space<vmem>>)
    %dma_start3A_58 = arith.constant 0 : i32
    %dma_start3A_59 = arith.constant 1 : i32
    %dma_start3A_60 = arith.constant 0 : i32
    %dma_start3A_61 = tpu.memref_slice %arg7[%dma_start3A_58, %dma_start3A_60] : memref<2x80xi32, #tpu.memory_space<vmem>> -> memref<1x80xi32, #tpu.memory_space<vmem>>
    %dma_start3A_62 = tpu.memref_squeeze %dma_start3A_61 : memref<1x80xi32, #tpu.memory_space<vmem>> -> memref<80xi32, #tpu.memory_space<vmem>>
    %dma_start3A_63 = arith.constant 0 : i32
    %dma_start3A_64 = arith.constant 0 : i32
    %dma_start3A_65 = tpu.memref_slice %arg2[%dma_start3A_63, %dma_start3A_64] : memref<10000x128xf32, #tpu.memory_space<hbm>> -> memref<10000x128xf32, #tpu.memory_space<hbm>>
    %dma_start3A_66 = tpu.memref_slice %arg15[%dma_start3A_59] : memref<4x!tpu.dma_semaphore, #tpu.memory_space<semaphore_mem>> -> memref<1x!tpu.dma_semaphore, #tpu.memory_space<semaphore_mem>>
    %dma_start3A_67 = tpu.memref_squeeze %dma_start3A_66 : memref<1x!tpu.dma_semaphore, #tpu.memory_space<semaphore_mem>> -> memref<!tpu.dma_semaphore, #tpu.memory_space<semaphore_mem>>
    tpu.enqueue_indirect_dma source(%dma_start3A_65 : memref<10000x128xf32, #tpu.memory_space<hbm>>) target(%arg11 : memref<80x128xf32, #tpu.memory_space<vmem>>) offsets(%dma_start3A_62 : memref<80xi32, #tpu.memory_space<vmem>>) semaphore(%dma_start3A_67 : memref<!tpu.dma_semaphore, #tpu.memory_space<semaphore_mem>>)
    %dma_wait3A_68 = arith.constant 0 : i32
    %dma_wait3A_69 = arith.constant 0 : i32
    %dma_wait3A_70 = arith.constant 0 : i32
    %dma_wait3A_71 = tpu.memref_slice %arg6[%dma_wait3A_68, %dma_wait3A_70] : memref<2x80xi32, #tpu.memory_space<vmem>> -> memref<1x80xi32, #tpu.memory_space<vmem>>
    %dma_wait3A_72 = tpu.memref_squeeze %dma_wait3A_71 : memref<1x80xi32, #tpu.memory_space<vmem>> -> memref<80xi32, #tpu.memory_space<vmem>>
    %dma_wait3A_73 = arith.constant 0 : i32
    %dma_wait3A_74 = arith.constant 0 : i32
    %dma_wait3A_75 = tpu.memref_slice %arg2[%dma_wait3A_73, %dma_wait3A_74] : memref<10000x128xf32, #tpu.memory_space<hbm>> -> memref<10000x128xf32, #tpu.memory_space<hbm>>
    %dma_wait3A_76 = tpu.memref_slice %arg15[%dma_wait3A_69] : memref<4x!tpu.dma_semaphore, #tpu.memory_space<semaphore_mem>> -> memref<1x!tpu.dma_semaphore, #tpu.memory_space<semaphore_mem>>
    %dma_wait3A_77 = tpu.memref_squeeze %dma_wait3A_76 : memref<1x!tpu.dma_semaphore, #tpu.memory_space<semaphore_mem>> -> memref<!tpu.dma_semaphore, #tpu.memory_space<semaphore_mem>>
    tpu.wait_indirect_dma semaphore(%dma_wait3A_77 : memref<!tpu.dma_semaphore, #tpu.memory_space<semaphore_mem>>) src(%dma_wait3A_75 : memref<10000x128xf32, #tpu.memory_space<hbm>>) dst(%arg10 : memref<80x128xf32, #tpu.memory_space<vmem>>)
    %dma_start3A_78 = arith.constant 1 : i32
    %dma_start3A_79 = arith.constant 0 : i32
    %dma_start3A_80 = arith.constant 0 : i32
    %dma_start3A_81 = tpu.memref_slice %arg6[%dma_start3A_78, %dma_start3A_80] : memref<2x80xi32, #tpu.memory_space<vmem>> -> memref<1x80xi32, #tpu.memory_space<vmem>>
    %dma_start3A_82 = tpu.memref_squeeze %dma_start3A_81 : memref<1x80xi32, #tpu.memory_space<vmem>> -> memref<80xi32, #tpu.memory_space<vmem>>
    %dma_start3A_83 = arith.constant 0 : i32
    %dma_start3A_84 = arith.constant 0 : i32
    %dma_start3A_85 = tpu.memref_slice %arg17[%dma_start3A_83, %dma_start3A_84] : memref<10000x128xf32, #tpu.memory_space<vmem_shared>> -> memref<10000x128xf32, #tpu.memory_space<vmem_shared>>
    %dma_start3A_86 = tpu.memref_slice %arg16[%dma_start3A_79] : memref<4x!tpu.dma_semaphore, #tpu.memory_space<semaphore_mem>> -> memref<1x!tpu.dma_semaphore, #tpu.memory_space<semaphore_mem>>
    %dma_start3A_87 = tpu.memref_squeeze %dma_start3A_86 : memref<1x!tpu.dma_semaphore, #tpu.memory_space<semaphore_mem>> -> memref<!tpu.dma_semaphore, #tpu.memory_space<semaphore_mem>>
    tpu.enqueue_indirect_dma source(%arg10 : memref<80x128xf32, #tpu.memory_space<vmem>>) target(%dma_start3A_85 : memref<10000x128xf32, #tpu.memory_space<vmem_shared>>) offsets(%dma_start3A_82 : memref<80xi32, #tpu.memory_space<vmem>>) semaphore(%dma_start3A_87 : memref<!tpu.dma_semaphore, #tpu.memory_space<semaphore_mem>>) {add = true}
    %add3A_88 = arith.constant 240 : i32
    %add3A_89 = arith.addi %mul3A_4, %add3A_88 : i32
    %dma_start3A_90 = arith.constant 3 : i32
    %dma_start3A_91 = arith.constant 0 : i32
    %dma_start3A_92 = tpu.memref_slice %arg3[%dma_start3A_91, %add3A_89] : memref<2x320000xi32, #tpu.memory_space<hbm>> -> memref<2x80xi32, #tpu.memory_space<hbm>>
    %dma_start3A_93 = tpu.memref_slice %arg14[%dma_start3A_90] : memref<4x!tpu.dma_semaphore, #tpu.memory_space<semaphore_mem>> -> memref<1x!tpu.dma_semaphore, #tpu.memory_space<semaphore_mem>>
    %dma_start3A_94 = tpu.memref_squeeze %dma_start3A_93 : memref<1x!tpu.dma_semaphore, #tpu.memory_space<semaphore_mem>> -> memref<!tpu.dma_semaphore, #tpu.memory_space<semaphore_mem>>
    %dma_start3A_95 = arith.constant 0 : i32
    %dma_start3A_96 = tpu.memref_slice %arg3[%dma_start3A_95, %add3A_89] : memref<2x320000xi32, #tpu.memory_space<hbm>> -> memref<2x80xi32, #tpu.memory_space<hbm>>
    tpu.enqueue_dma source(%dma_start3A_96 : memref<2x80xi32, #tpu.memory_space<hbm>>) target(%arg9 : memref<2x80xi32, #tpu.memory_space<vmem>>) target_semaphore(%dma_start3A_94 : memref<!tpu.dma_semaphore, #tpu.memory_space<semaphore_mem>>)
    %add3A_97 = arith.constant 160 : i32
    %add3A_98 = arith.addi %mul3A_4, %add3A_97 : i32
    %dma_wait3A_99 = arith.constant 2 : i32
    %dma_wait3A_100 = arith.constant 0 : i32
    %dma_wait3A_101 = tpu.memref_slice %arg3[%dma_wait3A_100, %add3A_98] : memref<2x320000xi32, #tpu.memory_space<hbm>> -> memref<2x80xi32, #tpu.memory_space<hbm>>
    %dma_wait3A_102 = tpu.memref_slice %arg14[%dma_wait3A_99] : memref<4x!tpu.dma_semaphore, #tpu.memory_space<semaphore_mem>> -> memref<1x!tpu.dma_semaphore, #tpu.memory_space<semaphore_mem>>
    %dma_wait3A_103 = tpu.memref_squeeze %dma_wait3A_102 : memref<1x!tpu.dma_semaphore, #tpu.memory_space<semaphore_mem>> -> memref<!tpu.dma_semaphore, #tpu.memory_space<semaphore_mem>>
    %dma_wait3A_104 = arith.constant 0 : i32
    %dma_wait3A_105 = tpu.memref_slice %arg3[%dma_wait3A_104, %add3A_98] : memref<2x320000xi32, #tpu.memory_space<hbm>> -> memref<2x80xi32, #tpu.memory_space<hbm>>
    tpu.wait_dma2 semaphore(%dma_wait3A_103 : memref<!tpu.dma_semaphore, #tpu.memory_space<semaphore_mem>>) src(%dma_wait3A_105 : memref<2x80xi32, #tpu.memory_space<hbm>>) dst(%arg8 : memref<2x80xi32, #tpu.memory_space<vmem>>)
    %dma_start3A_106 = arith.constant 0 : i32
    %dma_start3A_107 = arith.constant 2 : i32
    %dma_start3A_108 = arith.constant 0 : i32
    %dma_start3A_109 = tpu.memref_slice %arg8[%dma_start3A_106, %dma_start3A_108] : memref<2x80xi32, #tpu.memory_space<vmem>> -> memref<1x80xi32, #tpu.memory_space<vmem>>
    %dma_start3A_110 = tpu.memref_squeeze %dma_start3A_109 : memref<1x80xi32, #tpu.memory_space<vmem>> -> memref<80xi32, #tpu.memory_space<vmem>>
    %dma_start3A_111 = arith.constant 0 : i32
    %dma_start3A_112 = arith.constant 0 : i32
    %dma_start3A_113 = tpu.memref_slice %arg2[%dma_start3A_111, %dma_start3A_112] : memref<10000x128xf32, #tpu.memory_space<hbm>> -> memref<10000x128xf32, #tpu.memory_space<hbm>>
    %dma_start3A_114 = tpu.memref_slice %arg15[%dma_start3A_107] : memref<4x!tpu.dma_semaphore, #tpu.memory_space<semaphore_mem>> -> memref<1x!tpu.dma_semaphore, #tpu.memory_space<semaphore_mem>>
    %dma_start3A_115 = tpu.memref_squeeze %dma_start3A_114 : memref<1x!tpu.dma_semaphore, #tpu.memory_space<semaphore_mem>> -> memref<!tpu.dma_semaphore, #tpu.memory_space<semaphore_mem>>
    tpu.enqueue_indirect_dma source(%dma_start3A_113 : memref<10000x128xf32, #tpu.memory_space<hbm>>) target(%arg12 : memref<80x128xf32, #tpu.memory_space<vmem>>) offsets(%dma_start3A_110 : memref<80xi32, #tpu.memory_space<vmem>>) semaphore(%dma_start3A_115 : memref<!tpu.dma_semaphore, #tpu.memory_space<semaphore_mem>>)
    %dma_wait3A_116 = arith.constant 0 : i32
    %dma_wait3A_117 = arith.constant 1 : i32
    %dma_wait3A_118 = arith.constant 0 : i32
    %dma_wait3A_119 = tpu.memref_slice %arg7[%dma_wait3A_116, %dma_wait3A_118] : memref<2x80xi32, #tpu.memory_space<vmem>> -> memref<1x80xi32, #tpu.memory_space<vmem>>
    %dma_wait3A_120 = tpu.memref_squeeze %dma_wait3A_119 : memref<1x80xi32, #tpu.memory_space<vmem>> -> memref<80xi32, #tpu.memory_space<vmem>>
    %dma_wait3A_121 = arith.constant 0 : i32
    %dma_wait3A_122 = arith.constant 0 : i32
    %dma_wait3A_123 = tpu.memref_slice %arg2[%dma_wait3A_121, %dma_wait3A_122] : memref<10000x128xf32, #tpu.memory_space<hbm>> -> memref<10000x128xf32, #tpu.memory_space<hbm>>
    %dma_wait3A_124 = tpu.memref_slice %arg15[%dma_wait3A_117] : memref<4x!tpu.dma_semaphore, #tpu.memory_space<semaphore_mem>> -> memref<1x!tpu.dma_semaphore, #tpu.memory_space<semaphore_mem>>
    %dma_wait3A_125 = tpu.memref_squeeze %dma_wait3A_124 : memref<1x!tpu.dma_semaphore, #tpu.memory_space<semaphore_mem>> -> memref<!tpu.dma_semaphore, #tpu.memory_space<semaphore_mem>>
    tpu.wait_indirect_dma semaphore(%dma_wait3A_125 : memref<!tpu.dma_semaphore, #tpu.memory_space<semaphore_mem>>) src(%dma_wait3A_123 : memref<10000x128xf32, #tpu.memory_space<hbm>>) dst(%arg11 : memref<80x128xf32, #tpu.memory_space<vmem>>)
    %dma_start3A_126 = arith.constant 1 : i32
    %dma_start3A_127 = arith.constant 1 : i32
    %dma_start3A_128 = arith.constant 0 : i32
    %dma_start3A_129 = tpu.memref_slice %arg7[%dma_start3A_126, %dma_start3A_128] : memref<2x80xi32, #tpu.memory_space<vmem>> -> memref<1x80xi32, #tpu.memory_space<vmem>>
    %dma_start3A_130 = tpu.memref_squeeze %dma_start3A_129 : memref<1x80xi32, #tpu.memory_space<vmem>> -> memref<80xi32, #tpu.memory_space<vmem>>
    %dma_start3A_131 = arith.constant 0 : i32
    %dma_start3A_132 = arith.constant 0 : i32
    %dma_start3A_133 = tpu.memref_slice %arg17[%dma_start3A_131, %dma_start3A_132] : memref<10000x128xf32, #tpu.memory_space<vmem_shared>> -> memref<10000x128xf32, #tpu.memory_space<vmem_shared>>
    %dma_start3A_134 = tpu.memref_slice %arg16[%dma_start3A_127] : memref<4x!tpu.dma_semaphore, #tpu.memory_space<semaphore_mem>> -> memref<1x!tpu.dma_semaphore, #tpu.memory_space<semaphore_mem>>
    %dma_start3A_135 = tpu.memref_squeeze %dma_start3A_134 : memref<1x!tpu.dma_semaphore, #tpu.memory_space<semaphore_mem>> -> memref<!tpu.dma_semaphore, #tpu.memory_space<semaphore_mem>>
    tpu.enqueue_indirect_dma source(%arg11 : memref<80x128xf32, #tpu.memory_space<vmem>>) target(%dma_start3A_133 : memref<10000x128xf32, #tpu.memory_space<vmem_shared>>) offsets(%dma_start3A_130 : memref<80xi32, #tpu.memory_space<vmem>>) semaphore(%dma_start3A_135 : memref<!tpu.dma_semaphore, #tpu.memory_space<semaphore_mem>>) {add = true}
    %dma_wait3A_136 = arith.constant 1 : i32
    %dma_wait3A_137 = arith.constant 0 : i32
    %dma_wait3A_138 = arith.constant 0 : i32
    %dma_wait3A_139 = tpu.memref_slice %arg6[%dma_wait3A_136, %dma_wait3A_138] : memref<2x80xi32, #tpu.memory_space<vmem>> -> memref<1x80xi32, #tpu.memory_space<vmem>>
    %dma_wait3A_140 = tpu.memref_squeeze %dma_wait3A_139 : memref<1x80xi32, #tpu.memory_space<vmem>> -> memref<80xi32, #tpu.memory_space<vmem>>
    %dma_wait3A_141 = arith.constant 0 : i32
    %dma_wait3A_142 = arith.constant 0 : i32
    %dma_wait3A_143 = tpu.memref_slice %arg17[%dma_wait3A_141, %dma_wait3A_142] : memref<10000x128xf32, #tpu.memory_space<vmem_shared>> -> memref<10000x128xf32, #tpu.memory_space<vmem_shared>>
    %dma_wait3A_144 = tpu.memref_slice %arg16[%dma_wait3A_137] : memref<4x!tpu.dma_semaphore, #tpu.memory_space<semaphore_mem>> -> memref<1x!tpu.dma_semaphore, #tpu.memory_space<semaphore_mem>>
    %dma_wait3A_145 = tpu.memref_squeeze %dma_wait3A_144 : memref<1x!tpu.dma_semaphore, #tpu.memory_space<semaphore_mem>> -> memref<!tpu.dma_semaphore, #tpu.memory_space<semaphore_mem>>
    tpu.wait_indirect_dma semaphore(%dma_wait3A_145 : memref<!tpu.dma_semaphore, #tpu.memory_space<semaphore_mem>>) src(%arg10 : memref<80x128xf32, #tpu.memory_space<vmem>>) dst(%dma_wait3A_143 : memref<10000x128xf32, #tpu.memory_space<vmem_shared>>)
    %add3A_146 = arith.constant 320 : i32
    %add3A_147 = arith.addi %mul3A_4, %add3A_146 : i32
    %dma_start3A_148 = arith.constant 0 : i32
    %dma_start3A_149 = arith.constant 0 : i32
    %dma_start3A_150 = tpu.memref_slice %arg3[%dma_start3A_149, %add3A_147] : memref<2x320000xi32, #tpu.memory_space<hbm>> -> memref<2x80xi32, #tpu.memory_space<hbm>>
    %dma_start3A_151 = tpu.memref_slice %arg14[%dma_start3A_148] : memref<4x!tpu.dma_semaphore, #tpu.memory_space<semaphore_mem>> -> memref<1x!tpu.dma_semaphore, #tpu.memory_space<semaphore_mem>>
    %dma_start3A_152 = tpu.memref_squeeze %dma_start3A_151 : memref<1x!tpu.dma_semaphore, #tpu.memory_space<semaphore_mem>> -> memref<!tpu.dma_semaphore, #tpu.memory_space<semaphore_mem>>
    %dma_start3A_153 = arith.constant 0 : i32
    %dma_start3A_154 = tpu.memref_slice %arg3[%dma_start3A_153, %add3A_147] : memref<2x320000xi32, #tpu.memory_space<hbm>> -> memref<2x80xi32, #tpu.memory_space<hbm>>
    tpu.enqueue_dma source(%dma_start3A_154 : memref<2x80xi32, #tpu.memory_space<hbm>>) target(%arg6 : memref<2x80xi32, #tpu.memory_space<vmem>>) target_semaphore(%dma_start3A_152 : memref<!tpu.dma_semaphore, #tpu.memory_space<semaphore_mem>>)
    %add3A_155 = arith.constant 240 : i32
    %add3A_156 = arith.addi %mul3A_4, %add3A_155 : i32
    %dma_wait3A_157 = arith.constant 3 : i32
    %dma_wait3A_158 = arith.constant 0 : i32
    %dma_wait3A_159 = tpu.memref_slice %arg3[%dma_wait3A_158, %add3A_156] : memref<2x320000xi32, #tpu.memory_space<hbm>> -> memref<2x80xi32, #tpu.memory_space<hbm>>
    %dma_wait3A_160 = tpu.memref_slice %arg14[%dma_wait3A_157] : memref<4x!tpu.dma_semaphore, #tpu.memory_space<semaphore_mem>> -> memref<1x!tpu.dma_semaphore, #tpu.memory_space<semaphore_mem>>
    %dma_wait3A_161 = tpu.memref_squeeze %dma_wait3A_160 : memref<1x!tpu.dma_semaphore, #tpu.memory_space<semaphore_mem>> -> memref<!tpu.dma_semaphore, #tpu.memory_space<semaphore_mem>>
    %dma_wait3A_162 = arith.constant 0 : i32
    %dma_wait3A_163 = tpu.memref_slice %arg3[%dma_wait3A_162, %add3A_156] : memref<2x320000xi32, #tpu.memory_space<hbm>> -> memref<2x80xi32, #tpu.memory_space<hbm>>
    tpu.wait_dma2 semaphore(%dma_wait3A_161 : memref<!tpu.dma_semaphore, #tpu.memory_space<semaphore_mem>>) src(%dma_wait3A_163 : memref<2x80xi32, #tpu.memory_space<hbm>>) dst(%arg9 : memref<2x80xi32, #tpu.memory_space<vmem>>)
    %dma_start3A_164 = arith.constant 0 : i32
    %dma_start3A_165 = arith.constant 3 : i32
    %dma_start3A_166 = arith.constant 0 : i32
    %dma_start3A_167 = tpu.memref_slice %arg9[%dma_start3A_164, %dma_start3A_166] : memref<2x80xi32, #tpu.memory_space<vmem>> -> memref<1x80xi32, #tpu.memory_space<vmem>>
    %dma_start3A_168 = tpu.memref_squeeze %dma_start3A_167 : memref<1x80xi32, #tpu.memory_space<vmem>> -> memref<80xi32, #tpu.memory_space<vmem>>
    %dma_start3A_169 = arith.constant 0 : i32
    %dma_start3A_170 = arith.constant 0 : i32
    %dma_start3A_171 = tpu.memref_slice %arg2[%dma_start3A_169, %dma_start3A_170] : memref<10000x128xf32, #tpu.memory_space<hbm>> -> memref<10000x128xf32, #tpu.memory_space<hbm>>
    %dma_start3A_172 = tpu.memref_slice %arg15[%dma_start3A_165] : memref<4x!tpu.dma_semaphore, #tpu.memory_space<semaphore_mem>> -> memref<1x!tpu.dma_semaphore, #tpu.memory_space<semaphore_mem>>
    %dma_start3A_173 = tpu.memref_squeeze %dma_start3A_172 : memref<1x!tpu.dma_semaphore, #tpu.memory_space<semaphore_mem>> -> memref<!tpu.dma_semaphore, #tpu.memory_space<semaphore_mem>>
    tpu.enqueue_indirect_dma source(%dma_start3A_171 : memref<10000x128xf32, #tpu.memory_space<hbm>>) target(%arg13 : memref<80x128xf32, #tpu.memory_space<vmem>>) offsets(%dma_start3A_168 : memref<80xi32, #tpu.memory_space<vmem>>) semaphore(%dma_start3A_173 : memref<!tpu.dma_semaphore, #tpu.memory_space<semaphore_mem>>)
    %dma_wait3A_174 = arith.constant 0 : i32
    %dma_wait3A_175 = arith.constant 2 : i32
    %dma_wait3A_176 = arith.constant 0 : i32
    %dma_wait3A_177 = tpu.memref_slice %arg8[%dma_wait3A_174, %dma_wait3A_176] : memref<2x80xi32, #tpu.memory_space<vmem>> -> memref<1x80xi32, #tpu.memory_space<vmem>>
    %dma_wait3A_178 = tpu.memref_squeeze %dma_wait3A_177 : memref<1x80xi32, #tpu.memory_space<vmem>> -> memref<80xi32, #tpu.memory_space<vmem>>
    %dma_wait3A_179 = arith.constant 0 : i32
    %dma_wait3A_180 = arith.constant 0 : i32
    %dma_wait3A_181 = tpu.memref_slice %arg2[%dma_wait3A_179, %dma_wait3A_180] : memref<10000x128xf32, #tpu.memory_space<hbm>> -> memref<10000x128xf32, #tpu.memory_space<hbm>>
    %dma_wait3A_182 = tpu.memref_slice %arg15[%dma_wait3A_175] : memref<4x!tpu.dma_semaphore, #tpu.memory_space<semaphore_mem>> -> memref<1x!tpu.dma_semaphore, #tpu.memory_space<semaphore_mem>>
    %dma_wait3A_183 = tpu.memref_squeeze %dma_wait3A_182 : memref<1x!tpu.dma_semaphore, #tpu.memory_space<semaphore_mem>> -> memref<!tpu.dma_semaphore, #tpu.memory_space<semaphore_mem>>
    tpu.wait_indirect_dma semaphore(%dma_wait3A_183 : memref<!tpu.dma_semaphore, #tpu.memory_space<semaphore_mem>>) src(%dma_wait3A_181 : memref<10000x128xf32, #tpu.memory_space<hbm>>) dst(%arg12 : memref<80x128xf32, #tpu.memory_space<vmem>>)
    %dma_start3A_184 = arith.constant 1 : i32
    %dma_start3A_185 = arith.constant 2 : i32
    %dma_start3A_186 = arith.constant 0 : i32
    %dma_start3A_187 = tpu.memref_slice %arg8[%dma_start3A_184, %dma_start3A_186] : memref<2x80xi32, #tpu.memory_space<vmem>> -> memref<1x80xi32, #tpu.memory_space<vmem>>
    %dma_start3A_188 = tpu.memref_squeeze %dma_start3A_187 : memref<1x80xi32, #tpu.memory_space<vmem>> -> memref<80xi32, #tpu.memory_space<vmem>>
    %dma_start3A_189 = arith.constant 0 : i32
    %dma_start3A_190 = arith.constant 0 : i32
    %dma_start3A_191 = tpu.memref_slice %arg17[%dma_start3A_189, %dma_start3A_190] : memref<10000x128xf32, #tpu.memory_space<vmem_shared>> -> memref<10000x128xf32, #tpu.memory_space<vmem_shared>>
    %dma_start3A_192 = tpu.memref_slice %arg16[%dma_start3A_185] : memref<4x!tpu.dma_semaphore, #tpu.memory_space<semaphore_mem>> -> memref<1x!tpu.dma_semaphore, #tpu.memory_space<semaphore_mem>>
    %dma_start3A_193 = tpu.memref_squeeze %dma_start3A_192 : memref<1x!tpu.dma_semaphore, #tpu.memory_space<semaphore_mem>> -> memref<!tpu.dma_semaphore, #tpu.memory_space<semaphore_mem>>
    tpu.enqueue_indirect_dma source(%arg12 : memref<80x128xf32, #tpu.memory_space<vmem>>) target(%dma_start3A_191 : memref<10000x128xf32, #tpu.memory_space<vmem_shared>>) offsets(%dma_start3A_188 : memref<80xi32, #tpu.memory_space<vmem>>) semaphore(%dma_start3A_193 : memref<!tpu.dma_semaphore, #tpu.memory_space<semaphore_mem>>) {add = true}
    %dma_wait3A_194 = arith.constant 1 : i32
    %dma_wait3A_195 = arith.constant 1 : i32
    %dma_wait3A_196 = arith.constant 0 : i32
    %dma_wait3A_197 = tpu.memref_slice %arg7[%dma_wait3A_194, %dma_wait3A_196] : memref<2x80xi32, #tpu.memory_space<vmem>> -> memref<1x80xi32, #tpu.memory_space<vmem>>
    %dma_wait3A_198 = tpu.memref_squeeze %dma_wait3A_197 : memref<1x80xi32, #tpu.memory_space<vmem>> -> memref<80xi32, #tpu.memory_space<vmem>>
    %dma_wait3A_199 = arith.constant 0 : i32
    %dma_wait3A_200 = arith.constant 0 : i32
    %dma_wait3A_201 = tpu.memref_slice %arg17[%dma_wait3A_199, %dma_wait3A_200] : memref<10000x128xf32, #tpu.memory_space<vmem_shared>> -> memref<10000x128xf32, #tpu.memory_space<vmem_shared>>
    %dma_wait3A_202 = tpu.memref_slice %arg16[%dma_wait3A_195] : memref<4x!tpu.dma_semaphore, #tpu.memory_space<semaphore_mem>> -> memref<1x!tpu.dma_semaphore, #tpu.memory_space<semaphore_mem>>
    %dma_wait3A_203 = tpu.memref_squeeze %dma_wait3A_202 : memref<1x!tpu.dma_semaphore, #tpu.memory_space<semaphore_mem>> -> memref<!tpu.dma_semaphore, #tpu.memory_space<semaphore_mem>>
    tpu.wait_indirect_dma semaphore(%dma_wait3A_203 : memref<!tpu.dma_semaphore, #tpu.memory_space<semaphore_mem>>) src(%arg11 : memref<80x128xf32, #tpu.memory_space<vmem>>) dst(%dma_wait3A_201 : memref<10000x128xf32, #tpu.memory_space<vmem_shared>>)
    %add3A_204 = arith.constant 400 : i32
    %add3A_205 = arith.addi %mul3A_4, %add3A_204 : i32
    %dma_start3A_206 = arith.constant 1 : i32
    %dma_start3A_207 = arith.constant 0 : i32
    %dma_start3A_208 = tpu.memref_slice %arg3[%dma_start3A_207, %add3A_205] : memref<2x320000xi32, #tpu.memory_space<hbm>> -> memref<2x80xi32, #tpu.memory_space<hbm>>
    %dma_start3A_209 = tpu.memref_slice %arg14[%dma_start3A_206] : memref<4x!tpu.dma_semaphore, #tpu.memory_space<semaphore_mem>> -> memref<1x!tpu.dma_semaphore, #tpu.memory_space<semaphore_mem>>
    %dma_start3A_210 = tpu.memref_squeeze %dma_start3A_209 : memref<1x!tpu.dma_semaphore, #tpu.memory_space<semaphore_mem>> -> memref<!tpu.dma_semaphore, #tpu.memory_space<semaphore_mem>>
    %dma_start3A_211 = arith.constant 0 : i32
    %dma_start3A_212 = tpu.memref_slice %arg3[%dma_start3A_211, %add3A_205] : memref<2x320000xi32, #tpu.memory_space<hbm>> -> memref<2x80xi32, #tpu.memory_space<hbm>>
    tpu.enqueue_dma source(%dma_start3A_212 : memref<2x80xi32, #tpu.memory_space<hbm>>) target(%arg7 : memref<2x80xi32, #tpu.memory_space<vmem>>) target_semaphore(%dma_start3A_210 : memref<!tpu.dma_semaphore, #tpu.memory_space<semaphore_mem>>)
    %add3A_213 = arith.constant 320 : i32
    %add3A_214 = arith.addi %mul3A_4, %add3A_213 : i32
    %dma_wait3A_215 = arith.constant 0 : i32
    %dma_wait3A_216 = arith.constant 0 : i32
    %dma_wait3A_217 = tpu.memref_slice %arg3[%dma_wait3A_216, %add3A_214] : memref<2x320000xi32, #tpu.memory_space<hbm>> -> memref<2x80xi32, #tpu.memory_space<hbm>>
    %dma_wait3A_218 = tpu.memref_slice %arg14[%dma_wait3A_215] : memref<4x!tpu.dma_semaphore, #tpu.memory_space<semaphore_mem>> -> memref<1x!tpu.dma_semaphore, #tpu.memory_space<semaphore_mem>>
    %dma_wait3A_219 = tpu.memref_squeeze %dma_wait3A_218 : memref<1x!tpu.dma_semaphore, #tpu.memory_space<semaphore_mem>> -> memref<!tpu.dma_semaphore, #tpu.memory_space<semaphore_mem>>
    %dma_wait3A_220 = arith.constant 0 : i32
    %dma_wait3A_221 = tpu.memref_slice %arg3[%dma_wait3A_220, %add3A_214] : memref<2x320000xi32, #tpu.memory_space<hbm>> -> memref<2x80xi32, #tpu.memory_space<hbm>>
    tpu.wait_dma2 semaphore(%dma_wait3A_219 : memref<!tpu.dma_semaphore, #tpu.memory_space<semaphore_mem>>) src(%dma_wait3A_221 : memref<2x80xi32, #tpu.memory_space<hbm>>) dst(%arg6 : memref<2x80xi32, #tpu.memory_space<vmem>>)
    %dma_start3A_222 = arith.constant 0 : i32
    %dma_start3A_223 = arith.constant 0 : i32
    %dma_start3A_224 = arith.constant 0 : i32
    %dma_start3A_225 = tpu.memref_slice %arg6[%dma_start3A_222, %dma_start3A_224] : memref<2x80xi32, #tpu.memory_space<vmem>> -> memref<1x80xi32, #tpu.memory_space<vmem>>
    %dma_start3A_226 = tpu.memref_squeeze %dma_start3A_225 : memref<1x80xi32, #tpu.memory_space<vmem>> -> memref<80xi32, #tpu.memory_space<vmem>>
    %dma_start3A_227 = arith.constant 0 : i32
    %dma_start3A_228 = arith.constant 0 : i32
    %dma_start3A_229 = tpu.memref_slice %arg2[%dma_start3A_227, %dma_start3A_228] : memref<10000x128xf32, #tpu.memory_space<hbm>> -> memref<10000x128xf32, #tpu.memory_space<hbm>>
    %dma_start3A_230 = tpu.memref_slice %arg15[%dma_start3A_223] : memref<4x!tpu.dma_semaphore, #tpu.memory_space<semaphore_mem>> -> memref<1x!tpu.dma_semaphore, #tpu.memory_space<semaphore_mem>>
    %dma_start3A_231 = tpu.memref_squeeze %dma_start3A_230 : memref<1x!tpu.dma_semaphore, #tpu.memory_space<semaphore_mem>> -> memref<!tpu.dma_semaphore, #tpu.memory_space<semaphore_mem>>
    tpu.enqueue_indirect_dma source(%dma_start3A_229 : memref<10000x128xf32, #tpu.memory_space<hbm>>) target(%arg10 : memref<80x128xf32, #tpu.memory_space<vmem>>) offsets(%dma_start3A_226 : memref<80xi32, #tpu.memory_space<vmem>>) semaphore(%dma_start3A_231 : memref<!tpu.dma_semaphore, #tpu.memory_space<semaphore_mem>>)
    %dma_wait3A_232 = arith.constant 0 : i32
    %dma_wait3A_233 = arith.constant 3 : i32
    %dma_wait3A_234 = arith.constant 0 : i32
    %dma_wait3A_235 = tpu.memref_slice %arg9[%dma_wait3A_232, %dma_wait3A_234] : memref<2x80xi32, #tpu.memory_space<vmem>> -> memref<1x80xi32, #tpu.memory_space<vmem>>
    %dma_wait3A_236 = tpu.memref_squeeze %dma_wait3A_235 : memref<1x80xi32, #tpu.memory_space<vmem>> -> memref<80xi32, #tpu.memory_space<vmem>>
    %dma_wait3A_237 = arith.constant 0 : i32
    %dma_wait3A_238 = arith.constant 0 : i32
    %dma_wait3A_239 = tpu.memref_slice %arg2[%dma_wait3A_237, %dma_wait3A_238] : memref<10000x128xf32, #tpu.memory_space<hbm>> -> memref<10000x128xf32, #tpu.memory_space<hbm>>
    %dma_wait3A_240 = tpu.memref_slice %arg15[%dma_wait3A_233] : memref<4x!tpu.dma_semaphore, #tpu.memory_space<semaphore_mem>> -> memref<1x!tpu.dma_semaphore, #tpu.memory_space<semaphore_mem>>
    %dma_wait3A_241 = tpu.memref_squeeze %dma_wait3A_240 : memref<1x!tpu.dma_semaphore, #tpu.memory_space<semaphore_mem>> -> memref<!tpu.dma_semaphore, #tpu.memory_space<semaphore_mem>>
    tpu.wait_indirect_dma semaphore(%dma_wait3A_241 : memref<!tpu.dma_semaphore, #tpu.memory_space<semaphore_mem>>) src(%dma_wait3A_239 : memref<10000x128xf32, #tpu.memory_space<hbm>>) dst(%arg13 : memref<80x128xf32, #tpu.memory_space<vmem>>)
    %dma_start3A_242 = arith.constant 1 : i32
    %dma_start3A_243 = arith.constant 3 : i32
    %dma_start3A_244 = arith.constant 0 : i32
    %dma_start3A_245 = tpu.memref_slice %arg9[%dma_start3A_242, %dma_start3A_244] : memref<2x80xi32, #tpu.memory_space<vmem>> -> memref<1x80xi32, #tpu.memory_space<vmem>>
    %dma_start3A_246 = tpu.memref_squeeze %dma_start3A_245 : memref<1x80xi32, #tpu.memory_space<vmem>> -> memref<80xi32, #tpu.memory_space<vmem>>
    %dma_start3A_247 = arith.constant 0 : i32
    %dma_start3A_248 = arith.constant 0 : i32
    %dma_start3A_249 = tpu.memref_slice %arg17[%dma_start3A_247, %dma_start3A_248] : memref<10000x128xf32, #tpu.memory_space<vmem_shared>> -> memref<10000x128xf32, #tpu.memory_space<vmem_shared>>
    %dma_start3A_250 = tpu.memref_slice %arg16[%dma_start3A_243] : memref<4x!tpu.dma_semaphore, #tpu.memory_space<semaphore_mem>> -> memref<1x!tpu.dma_semaphore, #tpu.memory_space<semaphore_mem>>
    %dma_start3A_251 = tpu.memref_squeeze %dma_start3A_250 : memref<1x!tpu.dma_semaphore, #tpu.memory_space<semaphore_mem>> -> memref<!tpu.dma_semaphore, #tpu.memory_space<semaphore_mem>>
    tpu.enqueue_indirect_dma source(%arg13 : memref<80x128xf32, #tpu.memory_space<vmem>>) target(%dma_start3A_249 : memref<10000x128xf32, #tpu.memory_space<vmem_shared>>) offsets(%dma_start3A_246 : memref<80xi32, #tpu.memory_space<vmem>>) semaphore(%dma_start3A_251 : memref<!tpu.dma_semaphore, #tpu.memory_space<semaphore_mem>>) {add = true}
    %scan3A = arith.constant 0 : i32
    %scan3A_252 = arith.constant 1 : i32
    %scan3A_253 = arith.constant 29 : i32
    %scan3A_254 = arith.addi %scan3A_252, %scan3A_253 : i32
    %scan3A_255 = arith.constant 1 : i32
    scf.for %scan3A_535 = %scan3A_252 to %scan3A_254 step %scan3A_255  : i32 {
      %mul3A_536 = arith.constant 4 : i32
      %mul3A_537 = arith.muli %scan3A_535, %mul3A_536 : i32
      %add3A_538 = arith.constant 0 : i32
      %add3A_539 = arith.addi %mul3A_537, %add3A_538 : i32
      %dma_wait3A_540 = arith.constant 1 : i32
      %dma_wait3A_541 = arith.constant 2 : i32
      %dma_wait3A_542 = arith.constant 0 : i32
      %dma_wait3A_543 = tpu.memref_slice %arg8[%dma_wait3A_540, %dma_wait3A_542] : memref<2x80xi32, #tpu.memory_space<vmem>> -> memref<1x80xi32, #tpu.memory_space<vmem>>
      %dma_wait3A_544 = tpu.memref_squeeze %dma_wait3A_543 : memref<1x80xi32, #tpu.memory_space<vmem>> -> memref<80xi32, #tpu.memory_space<vmem>>
      %dma_wait3A_545 = arith.constant 0 : i32
      %dma_wait3A_546 = arith.constant 0 : i32
      %dma_wait3A_547 = tpu.memref_slice %arg17[%dma_wait3A_545, %dma_wait3A_546] : memref<10000x128xf32, #tpu.memory_space<vmem_shared>> -> memref<10000x128xf32, #tpu.memory_space<vmem_shared>>
      %dma_wait3A_548 = tpu.memref_slice %arg16[%dma_wait3A_541] : memref<4x!tpu.dma_semaphore, #tpu.memory_space<semaphore_mem>> -> memref<1x!tpu.dma_semaphore, #tpu.memory_space<semaphore_mem>>
      %dma_wait3A_549 = tpu.memref_squeeze %dma_wait3A_548 : memref<1x!tpu.dma_semaphore, #tpu.memory_space<semaphore_mem>> -> memref<!tpu.dma_semaphore, #tpu.memory_space<semaphore_mem>>
      tpu.wait_indirect_dma semaphore(%dma_wait3A_549 : memref<!tpu.dma_semaphore, #tpu.memory_space<semaphore_mem>>) src(%arg12 : memref<80x128xf32, #tpu.memory_space<vmem>>) dst(%dma_wait3A_547 : memref<10000x128xf32, #tpu.memory_space<vmem_shared>>)
      %add3A_550 = arith.constant 2 : i32
      %add3A_551 = arith.addi %add3A_539, %add3A_550 : i32
      %mul3A_552 = arith.constant 80 : i32
      %mul3A_553 = arith.muli %add3A_551, %mul3A_552 : i32
      %add3A_554 = arith.addi %mul3A_4, %mul3A_553 : i32
      %dma_start3A_555 = arith.constant 2 : i32
      %dma_start3A_556 = arith.constant 0 : i32
      %dma_start3A_557 = tpu.memref_slice %arg3[%dma_start3A_556, %add3A_554] : memref<2x320000xi32, #tpu.memory_space<hbm>> -> memref<2x80xi32, #tpu.memory_space<hbm>>
      %dma_start3A_558 = tpu.memref_slice %arg14[%dma_start3A_555] : memref<4x!tpu.dma_semaphore, #tpu.memory_space<semaphore_mem>> -> memref<1x!tpu.dma_semaphore, #tpu.memory_space<semaphore_mem>>
      %dma_start3A_559 = tpu.memref_squeeze %dma_start3A_558 : memref<1x!tpu.dma_semaphore, #tpu.memory_space<semaphore_mem>> -> memref<!tpu.dma_semaphore, #tpu.memory_space<semaphore_mem>>
      %dma_start3A_560 = arith.constant 0 : i32
      %dma_start3A_561 = tpu.memref_slice %arg3[%dma_start3A_560, %add3A_554] : memref<2x320000xi32, #tpu.memory_space<hbm>> -> memref<2x80xi32, #tpu.memory_space<hbm>>
      tpu.enqueue_dma source(%dma_start3A_561 : memref<2x80xi32, #tpu.memory_space<hbm>>) target(%arg8 : memref<2x80xi32, #tpu.memory_space<vmem>>) target_semaphore(%dma_start3A_559 : memref<!tpu.dma_semaphore, #tpu.memory_space<semaphore_mem>>)
      %add3A_562 = arith.constant 1 : i32
      %add3A_563 = arith.addi %add3A_539, %add3A_562 : i32
      %mul3A_564 = arith.constant 80 : i32
      %mul3A_565 = arith.muli %add3A_563, %mul3A_564 : i32
      %add3A_566 = arith.addi %mul3A_4, %mul3A_565 : i32
      %dma_wait3A_567 = arith.constant 1 : i32
      %dma_wait3A_568 = arith.constant 0 : i32
      %dma_wait3A_569 = tpu.memref_slice %arg3[%dma_wait3A_568, %add3A_566] : memref<2x320000xi32, #tpu.memory_space<hbm>> -> memref<2x80xi32, #tpu.memory_space<hbm>>
      %dma_wait3A_570 = tpu.memref_slice %arg14[%dma_wait3A_567] : memref<4x!tpu.dma_semaphore, #tpu.memory_space<semaphore_mem>> -> memref<1x!tpu.dma_semaphore, #tpu.memory_space<semaphore_mem>>
      %dma_wait3A_571 = tpu.memref_squeeze %dma_wait3A_570 : memref<1x!tpu.dma_semaphore, #tpu.memory_space<semaphore_mem>> -> memref<!tpu.dma_semaphore, #tpu.memory_space<semaphore_mem>>
      %dma_wait3A_572 = arith.constant 0 : i32
      %dma_wait3A_573 = tpu.memref_slice %arg3[%dma_wait3A_572, %add3A_566] : memref<2x320000xi32, #tpu.memory_space<hbm>> -> memref<2x80xi32, #tpu.memory_space<hbm>>
      tpu.wait_dma2 semaphore(%dma_wait3A_571 : memref<!tpu.dma_semaphore, #tpu.memory_space<semaphore_mem>>) src(%dma_wait3A_573 : memref<2x80xi32, #tpu.memory_space<hbm>>) dst(%arg7 : memref<2x80xi32, #tpu.memory_space<vmem>>)
      %dma_start3A_574 = arith.constant 0 : i32
      %dma_start3A_575 = arith.constant 1 : i32
      %dma_start3A_576 = arith.constant 0 : i32
      %dma_start3A_577 = tpu.memref_slice %arg7[%dma_start3A_574, %dma_start3A_576] : memref<2x80xi32, #tpu.memory_space<vmem>> -> memref<1x80xi32, #tpu.memory_space<vmem>>
      %dma_start3A_578 = tpu.memref_squeeze %dma_start3A_577 : memref<1x80xi32, #tpu.memory_space<vmem>> -> memref<80xi32, #tpu.memory_space<vmem>>
      %dma_start3A_579 = arith.constant 0 : i32
      %dma_start3A_580 = arith.constant 0 : i32
      %dma_start3A_581 = tpu.memref_slice %arg2[%dma_start3A_579, %dma_start3A_580] : memref<10000x128xf32, #tpu.memory_space<hbm>> -> memref<10000x128xf32, #tpu.memory_space<hbm>>
      %dma_start3A_582 = tpu.memref_slice %arg15[%dma_start3A_575] : memref<4x!tpu.dma_semaphore, #tpu.memory_space<semaphore_mem>> -> memref<1x!tpu.dma_semaphore, #tpu.memory_space<semaphore_mem>>
      %dma_start3A_583 = tpu.memref_squeeze %dma_start3A_582 : memref<1x!tpu.dma_semaphore, #tpu.memory_space<semaphore_mem>> -> memref<!tpu.dma_semaphore, #tpu.memory_space<semaphore_mem>>
      tpu.enqueue_indirect_dma source(%dma_start3A_581 : memref<10000x128xf32, #tpu.memory_space<hbm>>) target(%arg11 : memref<80x128xf32, #tpu.memory_space<vmem>>) offsets(%dma_start3A_578 : memref<80xi32, #tpu.memory_space<vmem>>) semaphore(%dma_start3A_583 : memref<!tpu.dma_semaphore, #tpu.memory_space<semaphore_mem>>)
      %dma_wait3A_584 = arith.constant 0 : i32
      %dma_wait3A_585 = arith.constant 0 : i32
      %dma_wait3A_586 = arith.constant 0 : i32
      %dma_wait3A_587 = tpu.memref_slice %arg6[%dma_wait3A_584, %dma_wait3A_586] : memref<2x80xi32, #tpu.memory_space<vmem>> -> memref<1x80xi32, #tpu.memory_space<vmem>>
      %dma_wait3A_588 = tpu.memref_squeeze %dma_wait3A_587 : memref<1x80xi32, #tpu.memory_space<vmem>> -> memref<80xi32, #tpu.memory_space<vmem>>
      %dma_wait3A_589 = arith.constant 0 : i32
      %dma_wait3A_590 = arith.constant 0 : i32
      %dma_wait3A_591 = tpu.memref_slice %arg2[%dma_wait3A_589, %dma_wait3A_590] : memref<10000x128xf32, #tpu.memory_space<hbm>> -> memref<10000x128xf32, #tpu.memory_space<hbm>>
      %dma_wait3A_592 = tpu.memref_slice %arg15[%dma_wait3A_585] : memref<4x!tpu.dma_semaphore, #tpu.memory_space<semaphore_mem>> -> memref<1x!tpu.dma_semaphore, #tpu.memory_space<semaphore_mem>>
      %dma_wait3A_593 = tpu.memref_squeeze %dma_wait3A_592 : memref<1x!tpu.dma_semaphore, #tpu.memory_space<semaphore_mem>> -> memref<!tpu.dma_semaphore, #tpu.memory_space<semaphore_mem>>
      tpu.wait_indirect_dma semaphore(%dma_wait3A_593 : memref<!tpu.dma_semaphore, #tpu.memory_space<semaphore_mem>>) src(%dma_wait3A_591 : memref<10000x128xf32, #tpu.memory_space<hbm>>) dst(%arg10 : memref<80x128xf32, #tpu.memory_space<vmem>>)
      %dma_start3A_594 = arith.constant 1 : i32
      %dma_start3A_595 = arith.constant 0 : i32
      %dma_start3A_596 = arith.constant 0 : i32
      %dma_start3A_597 = tpu.memref_slice %arg6[%dma_start3A_594, %dma_start3A_596] : memref<2x80xi32, #tpu.memory_space<vmem>> -> memref<1x80xi32, #tpu.memory_space<vmem>>
      %dma_start3A_598 = tpu.memref_squeeze %dma_start3A_597 : memref<1x80xi32, #tpu.memory_space<vmem>> -> memref<80xi32, #tpu.memory_space<vmem>>
      %dma_start3A_599 = arith.constant 0 : i32
      %dma_start3A_600 = arith.constant 0 : i32
      %dma_start3A_601 = tpu.memref_slice %arg17[%dma_start3A_599, %dma_start3A_600] : memref<10000x128xf32, #tpu.memory_space<vmem_shared>> -> memref<10000x128xf32, #tpu.memory_space<vmem_shared>>
      %dma_start3A_602 = tpu.memref_slice %arg16[%dma_start3A_595] : memref<4x!tpu.dma_semaphore, #tpu.memory_space<semaphore_mem>> -> memref<1x!tpu.dma_semaphore, #tpu.memory_space<semaphore_mem>>
      %dma_start3A_603 = tpu.memref_squeeze %dma_start3A_602 : memref<1x!tpu.dma_semaphore, #tpu.memory_space<semaphore_mem>> -> memref<!tpu.dma_semaphore, #tpu.memory_space<semaphore_mem>>
      tpu.enqueue_indirect_dma source(%arg10 : memref<80x128xf32, #tpu.memory_space<vmem>>) target(%dma_start3A_601 : memref<10000x128xf32, #tpu.memory_space<vmem_shared>>) offsets(%dma_start3A_598 : memref<80xi32, #tpu.memory_space<vmem>>) semaphore(%dma_start3A_603 : memref<!tpu.dma_semaphore, #tpu.memory_space<semaphore_mem>>) {add = true}
      %mul3A_604 = arith.constant 4 : i32
      %mul3A_605 = arith.muli %scan3A_535, %mul3A_604 : i32
      %add3A_606 = arith.constant 1 : i32
      %add3A_607 = arith.addi %mul3A_605, %add3A_606 : i32
      %dma_wait3A_608 = arith.constant 1 : i32
      %dma_wait3A_609 = arith.constant 3 : i32
      %dma_wait3A_610 = arith.constant 0 : i32
      %dma_wait3A_611 = tpu.memref_slice %arg9[%dma_wait3A_608, %dma_wait3A_610] : memref<2x80xi32, #tpu.memory_space<vmem>> -> memref<1x80xi32, #tpu.memory_space<vmem>>
      %dma_wait3A_612 = tpu.memref_squeeze %dma_wait3A_611 : memref<1x80xi32, #tpu.memory_space<vmem>> -> memref<80xi32, #tpu.memory_space<vmem>>
      %dma_wait3A_613 = arith.constant 0 : i32
      %dma_wait3A_614 = arith.constant 0 : i32
      %dma_wait3A_615 = tpu.memref_slice %arg17[%dma_wait3A_613, %dma_wait3A_614] : memref<10000x128xf32, #tpu.memory_space<vmem_shared>> -> memref<10000x128xf32, #tpu.memory_space<vmem_shared>>
      %dma_wait3A_616 = tpu.memref_slice %arg16[%dma_wait3A_609] : memref<4x!tpu.dma_semaphore, #tpu.memory_space<semaphore_mem>> -> memref<1x!tpu.dma_semaphore, #tpu.memory_space<semaphore_mem>>
      %dma_wait3A_617 = tpu.memref_squeeze %dma_wait3A_616 : memref<1x!tpu.dma_semaphore, #tpu.memory_space<semaphore_mem>> -> memref<!tpu.dma_semaphore, #tpu.memory_space<semaphore_mem>>
      tpu.wait_indirect_dma semaphore(%dma_wait3A_617 : memref<!tpu.dma_semaphore, #tpu.memory_space<semaphore_mem>>) src(%arg13 : memref<80x128xf32, #tpu.memory_space<vmem>>) dst(%dma_wait3A_615 : memref<10000x128xf32, #tpu.memory_space<vmem_shared>>)
      %add3A_618 = arith.constant 2 : i32
      %add3A_619 = arith.addi %add3A_607, %add3A_618 : i32
      %mul3A_620 = arith.constant 80 : i32
      %mul3A_621 = arith.muli %add3A_619, %mul3A_620 : i32
      %add3A_622 = arith.addi %mul3A_4, %mul3A_621 : i32
      %dma_start3A_623 = arith.constant 3 : i32
      %dma_start3A_624 = arith.constant 0 : i32
      %dma_start3A_625 = tpu.memref_slice %arg3[%dma_start3A_624, %add3A_622] : memref<2x320000xi32, #tpu.memory_space<hbm>> -> memref<2x80xi32, #tpu.memory_space<hbm>>
      %dma_start3A_626 = tpu.memref_slice %arg14[%dma_start3A_623] : memref<4x!tpu.dma_semaphore, #tpu.memory_space<semaphore_mem>> -> memref<1x!tpu.dma_semaphore, #tpu.memory_space<semaphore_mem>>
      %dma_start3A_627 = tpu.memref_squeeze %dma_start3A_626 : memref<1x!tpu.dma_semaphore, #tpu.memory_space<semaphore_mem>> -> memref<!tpu.dma_semaphore, #tpu.memory_space<semaphore_mem>>
      %dma_start3A_628 = arith.constant 0 : i32
      %dma_start3A_629 = tpu.memref_slice %arg3[%dma_start3A_628, %add3A_622] : memref<2x320000xi32, #tpu.memory_space<hbm>> -> memref<2x80xi32, #tpu.memory_space<hbm>>
      tpu.enqueue_dma source(%dma_start3A_629 : memref<2x80xi32, #tpu.memory_space<hbm>>) target(%arg9 : memref<2x80xi32, #tpu.memory_space<vmem>>) target_semaphore(%dma_start3A_627 : memref<!tpu.dma_semaphore, #tpu.memory_space<semaphore_mem>>)
      %add3A_630 = arith.constant 1 : i32
      %add3A_631 = arith.addi %add3A_607, %add3A_630 : i32
      %mul3A_632 = arith.constant 80 : i32
      %mul3A_633 = arith.muli %add3A_631, %mul3A_632 : i32
      %add3A_634 = arith.addi %mul3A_4, %mul3A_633 : i32
      %dma_wait3A_635 = arith.constant 2 : i32
      %dma_wait3A_636 = arith.constant 0 : i32
      %dma_wait3A_637 = tpu.memref_slice %arg3[%dma_wait3A_636, %add3A_634] : memref<2x320000xi32, #tpu.memory_space<hbm>> -> memref<2x80xi32, #tpu.memory_space<hbm>>
      %dma_wait3A_638 = tpu.memref_slice %arg14[%dma_wait3A_635] : memref<4x!tpu.dma_semaphore, #tpu.memory_space<semaphore_mem>> -> memref<1x!tpu.dma_semaphore, #tpu.memory_space<semaphore_mem>>
      %dma_wait3A_639 = tpu.memref_squeeze %dma_wait3A_638 : memref<1x!tpu.dma_semaphore, #tpu.memory_space<semaphore_mem>> -> memref<!tpu.dma_semaphore, #tpu.memory_space<semaphore_mem>>
      %dma_wait3A_640 = arith.constant 0 : i32
      %dma_wait3A_641 = tpu.memref_slice %arg3[%dma_wait3A_640, %add3A_634] : memref<2x320000xi32, #tpu.memory_space<hbm>> -> memref<2x80xi32, #tpu.memory_space<hbm>>
      tpu.wait_dma2 semaphore(%dma_wait3A_639 : memref<!tpu.dma_semaphore, #tpu.memory_space<semaphore_mem>>) src(%dma_wait3A_641 : memref<2x80xi32, #tpu.memory_space<hbm>>) dst(%arg8 : memref<2x80xi32, #tpu.memory_space<vmem>>)
      %dma_start3A_642 = arith.constant 0 : i32
      %dma_start3A_643 = arith.constant 2 : i32
      %dma_start3A_644 = arith.constant 0 : i32
      %dma_start3A_645 = tpu.memref_slice %arg8[%dma_start3A_642, %dma_start3A_644] : memref<2x80xi32, #tpu.memory_space<vmem>> -> memref<1x80xi32, #tpu.memory_space<vmem>>
      %dma_start3A_646 = tpu.memref_squeeze %dma_start3A_645 : memref<1x80xi32, #tpu.memory_space<vmem>> -> memref<80xi32, #tpu.memory_space<vmem>>
      %dma_start3A_647 = arith.constant 0 : i32
      %dma_start3A_648 = arith.constant 0 : i32
      %dma_start3A_649 = tpu.memref_slice %arg2[%dma_start3A_647, %dma_start3A_648] : memref<10000x128xf32, #tpu.memory_space<hbm>> -> memref<10000x128xf32, #tpu.memory_space<hbm>>
      %dma_start3A_650 = tpu.memref_slice %arg15[%dma_start3A_643] : memref<4x!tpu.dma_semaphore, #tpu.memory_space<semaphore_mem>> -> memref<1x!tpu.dma_semaphore, #tpu.memory_space<semaphore_mem>>
      %dma_start3A_651 = tpu.memref_squeeze %dma_start3A_650 : memref<1x!tpu.dma_semaphore, #tpu.memory_space<semaphore_mem>> -> memref<!tpu.dma_semaphore, #tpu.memory_space<semaphore_mem>>
      tpu.enqueue_indirect_dma source(%dma_start3A_649 : memref<10000x128xf32, #tpu.memory_space<hbm>>) target(%arg12 : memref<80x128xf32, #tpu.memory_space<vmem>>) offsets(%dma_start3A_646 : memref<80xi32, #tpu.memory_space<vmem>>) semaphore(%dma_start3A_651 : memref<!tpu.dma_semaphore, #tpu.memory_space<semaphore_mem>>)
      %dma_wait3A_652 = arith.constant 0 : i32
      %dma_wait3A_653 = arith.constant 1 : i32
      %dma_wait3A_654 = arith.constant 0 : i32
      %dma_wait3A_655 = tpu.memref_slice %arg7[%dma_wait3A_652, %dma_wait3A_654] : memref<2x80xi32, #tpu.memory_space<vmem>> -> memref<1x80xi32, #tpu.memory_space<vmem>>
      %dma_wait3A_656 = tpu.memref_squeeze %dma_wait3A_655 : memref<1x80xi32, #tpu.memory_space<vmem>> -> memref<80xi32, #tpu.memory_space<vmem>>
      %dma_wait3A_657 = arith.constant 0 : i32
      %dma_wait3A_658 = arith.constant 0 : i32
      %dma_wait3A_659 = tpu.memref_slice %arg2[%dma_wait3A_657, %dma_wait3A_658] : memref<10000x128xf32, #tpu.memory_space<hbm>> -> memref<10000x128xf32, #tpu.memory_space<hbm>>
      %dma_wait3A_660 = tpu.memref_slice %arg15[%dma_wait3A_653] : memref<4x!tpu.dma_semaphore, #tpu.memory_space<semaphore_mem>> -> memref<1x!tpu.dma_semaphore, #tpu.memory_space<semaphore_mem>>
      %dma_wait3A_661 = tpu.memref_squeeze %dma_wait3A_660 : memref<1x!tpu.dma_semaphore, #tpu.memory_space<semaphore_mem>> -> memref<!tpu.dma_semaphore, #tpu.memory_space<semaphore_mem>>
      tpu.wait_indirect_dma semaphore(%dma_wait3A_661 : memref<!tpu.dma_semaphore, #tpu.memory_space<semaphore_mem>>) src(%dma_wait3A_659 : memref<10000x128xf32, #tpu.memory_space<hbm>>) dst(%arg11 : memref<80x128xf32, #tpu.memory_space<vmem>>)
      %dma_start3A_662 = arith.constant 1 : i32
      %dma_start3A_663 = arith.constant 1 : i32
      %dma_start3A_664 = arith.constant 0 : i32
      %dma_start3A_665 = tpu.memref_slice %arg7[%dma_start3A_662, %dma_start3A_664] : memref<2x80xi32, #tpu.memory_space<vmem>> -> memref<1x80xi32, #tpu.memory_space<vmem>>
      %dma_start3A_666 = tpu.memref_squeeze %dma_start3A_665 : memref<1x80xi32, #tpu.memory_space<vmem>> -> memref<80xi32, #tpu.memory_space<vmem>>
      %dma_start3A_667 = arith.constant 0 : i32
      %dma_start3A_668 = arith.constant 0 : i32
      %dma_start3A_669 = tpu.memref_slice %arg17[%dma_start3A_667, %dma_start3A_668] : memref<10000x128xf32, #tpu.memory_space<vmem_shared>> -> memref<10000x128xf32, #tpu.memory_space<vmem_shared>>
      %dma_start3A_670 = tpu.memref_slice %arg16[%dma_start3A_663] : memref<4x!tpu.dma_semaphore, #tpu.memory_space<semaphore_mem>> -> memref<1x!tpu.dma_semaphore, #tpu.memory_space<semaphore_mem>>
      %dma_start3A_671 = tpu.memref_squeeze %dma_start3A_670 : memref<1x!tpu.dma_semaphore, #tpu.memory_space<semaphore_mem>> -> memref<!tpu.dma_semaphore, #tpu.memory_space<semaphore_mem>>
      tpu.enqueue_indirect_dma source(%arg11 : memref<80x128xf32, #tpu.memory_space<vmem>>) target(%dma_start3A_669 : memref<10000x128xf32, #tpu.memory_space<vmem_shared>>) offsets(%dma_start3A_666 : memref<80xi32, #tpu.memory_space<vmem>>) semaphore(%dma_start3A_671 : memref<!tpu.dma_semaphore, #tpu.memory_space<semaphore_mem>>) {add = true}
      %mul3A_672 = arith.constant 4 : i32
      %mul3A_673 = arith.muli %scan3A_535, %mul3A_672 : i32
      %add3A_674 = arith.constant 2 : i32
      %add3A_675 = arith.addi %mul3A_673, %add3A_674 : i32
      %dma_wait3A_676 = arith.constant 1 : i32
      %dma_wait3A_677 = arith.constant 0 : i32
      %dma_wait3A_678 = arith.constant 0 : i32
      %dma_wait3A_679 = tpu.memref_slice %arg6[%dma_wait3A_676, %dma_wait3A_678] : memref<2x80xi32, #tpu.memory_space<vmem>> -> memref<1x80xi32, #tpu.memory_space<vmem>>
      %dma_wait3A_680 = tpu.memref_squeeze %dma_wait3A_679 : memref<1x80xi32, #tpu.memory_space<vmem>> -> memref<80xi32, #tpu.memory_space<vmem>>
      %dma_wait3A_681 = arith.constant 0 : i32
      %dma_wait3A_682 = arith.constant 0 : i32
      %dma_wait3A_683 = tpu.memref_slice %arg17[%dma_wait3A_681, %dma_wait3A_682] : memref<10000x128xf32, #tpu.memory_space<vmem_shared>> -> memref<10000x128xf32, #tpu.memory_space<vmem_shared>>
      %dma_wait3A_684 = tpu.memref_slice %arg16[%dma_wait3A_677] : memref<4x!tpu.dma_semaphore, #tpu.memory_space<semaphore_mem>> -> memref<1x!tpu.dma_semaphore, #tpu.memory_space<semaphore_mem>>
      %dma_wait3A_685 = tpu.memref_squeeze %dma_wait3A_684 : memref<1x!tpu.dma_semaphore, #tpu.memory_space<semaphore_mem>> -> memref<!tpu.dma_semaphore, #tpu.memory_space<semaphore_mem>>
      tpu.wait_indirect_dma semaphore(%dma_wait3A_685 : memref<!tpu.dma_semaphore, #tpu.memory_space<semaphore_mem>>) src(%arg10 : memref<80x128xf32, #tpu.memory_space<vmem>>) dst(%dma_wait3A_683 : memref<10000x128xf32, #tpu.memory_space<vmem_shared>>)
      %add3A_686 = arith.constant 2 : i32
      %add3A_687 = arith.addi %add3A_675, %add3A_686 : i32
      %mul3A_688 = arith.constant 80 : i32
      %mul3A_689 = arith.muli %add3A_687, %mul3A_688 : i32
      %add3A_690 = arith.addi %mul3A_4, %mul3A_689 : i32
      %dma_start3A_691 = arith.constant 0 : i32
      %dma_start3A_692 = arith.constant 0 : i32
      %dma_start3A_693 = tpu.memref_slice %arg3[%dma_start3A_692, %add3A_690] : memref<2x320000xi32, #tpu.memory_space<hbm>> -> memref<2x80xi32, #tpu.memory_space<hbm>>
      %dma_start3A_694 = tpu.memref_slice %arg14[%dma_start3A_691] : memref<4x!tpu.dma_semaphore, #tpu.memory_space<semaphore_mem>> -> memref<1x!tpu.dma_semaphore, #tpu.memory_space<semaphore_mem>>
      %dma_start3A_695 = tpu.memref_squeeze %dma_start3A_694 : memref<1x!tpu.dma_semaphore, #tpu.memory_space<semaphore_mem>> -> memref<!tpu.dma_semaphore, #tpu.memory_space<semaphore_mem>>
      %dma_start3A_696 = arith.constant 0 : i32
      %dma_start3A_697 = tpu.memref_slice %arg3[%dma_start3A_696, %add3A_690] : memref<2x320000xi32, #tpu.memory_space<hbm>> -> memref<2x80xi32, #tpu.memory_space<hbm>>
      tpu.enqueue_dma source(%dma_start3A_697 : memref<2x80xi32, #tpu.memory_space<hbm>>) target(%arg6 : memref<2x80xi32, #tpu.memory_space<vmem>>) target_semaphore(%dma_start3A_695 : memref<!tpu.dma_semaphore, #tpu.memory_space<semaphore_mem>>)
      %add3A_698 = arith.constant 1 : i32
      %add3A_699 = arith.addi %add3A_675, %add3A_698 : i32
      %mul3A_700 = arith.constant 80 : i32
      %mul3A_701 = arith.muli %add3A_699, %mul3A_700 : i32
      %add3A_702 = arith.addi %mul3A_4, %mul3A_701 : i32
      %dma_wait3A_703 = arith.constant 3 : i32
      %dma_wait3A_704 = arith.constant 0 : i32
      %dma_wait3A_705 = tpu.memref_slice %arg3[%dma_wait3A_704, %add3A_702] : memref<2x320000xi32, #tpu.memory_space<hbm>> -> memref<2x80xi32, #tpu.memory_space<hbm>>
      %dma_wait3A_706 = tpu.memref_slice %arg14[%dma_wait3A_703] : memref<4x!tpu.dma_semaphore, #tpu.memory_space<semaphore_mem>> -> memref<1x!tpu.dma_semaphore, #tpu.memory_space<semaphore_mem>>
      %dma_wait3A_707 = tpu.memref_squeeze %dma_wait3A_706 : memref<1x!tpu.dma_semaphore, #tpu.memory_space<semaphore_mem>> -> memref<!tpu.dma_semaphore, #tpu.memory_space<semaphore_mem>>
      %dma_wait3A_708 = arith.constant 0 : i32
      %dma_wait3A_709 = tpu.memref_slice %arg3[%dma_wait3A_708, %add3A_702] : memref<2x320000xi32, #tpu.memory_space<hbm>> -> memref<2x80xi32, #tpu.memory_space<hbm>>
      tpu.wait_dma2 semaphore(%dma_wait3A_707 : memref<!tpu.dma_semaphore, #tpu.memory_space<semaphore_mem>>) src(%dma_wait3A_709 : memref<2x80xi32, #tpu.memory_space<hbm>>) dst(%arg9 : memref<2x80xi32, #tpu.memory_space<vmem>>)
      %dma_start3A_710 = arith.constant 0 : i32
      %dma_start3A_711 = arith.constant 3 : i32
      %dma_start3A_712 = arith.constant 0 : i32
      %dma_start3A_713 = tpu.memref_slice %arg9[%dma_start3A_710, %dma_start3A_712] : memref<2x80xi32, #tpu.memory_space<vmem>> -> memref<1x80xi32, #tpu.memory_space<vmem>>
      %dma_start3A_714 = tpu.memref_squeeze %dma_start3A_713 : memref<1x80xi32, #tpu.memory_space<vmem>> -> memref<80xi32, #tpu.memory_space<vmem>>
      %dma_start3A_715 = arith.constant 0 : i32
      %dma_start3A_716 = arith.constant 0 : i32
      %dma_start3A_717 = tpu.memref_slice %arg2[%dma_start3A_715, %dma_start3A_716] : memref<10000x128xf32, #tpu.memory_space<hbm>> -> memref<10000x128xf32, #tpu.memory_space<hbm>>
      %dma_start3A_718 = tpu.memref_slice %arg15[%dma_start3A_711] : memref<4x!tpu.dma_semaphore, #tpu.memory_space<semaphore_mem>> -> memref<1x!tpu.dma_semaphore, #tpu.memory_space<semaphore_mem>>
      %dma_start3A_719 = tpu.memref_squeeze %dma_start3A_718 : memref<1x!tpu.dma_semaphore, #tpu.memory_space<semaphore_mem>> -> memref<!tpu.dma_semaphore, #tpu.memory_space<semaphore_mem>>
      tpu.enqueue_indirect_dma source(%dma_start3A_717 : memref<10000x128xf32, #tpu.memory_space<hbm>>) target(%arg13 : memref<80x128xf32, #tpu.memory_space<vmem>>) offsets(%dma_start3A_714 : memref<80xi32, #tpu.memory_space<vmem>>) semaphore(%dma_start3A_719 : memref<!tpu.dma_semaphore, #tpu.memory_space<semaphore_mem>>)
      %dma_wait3A_720 = arith.constant 0 : i32
      %dma_wait3A_721 = arith.constant 2 : i32
      %dma_wait3A_722 = arith.constant 0 : i32
      %dma_wait3A_723 = tpu.memref_slice %arg8[%dma_wait3A_720, %dma_wait3A_722] : memref<2x80xi32, #tpu.memory_space<vmem>> -> memref<1x80xi32, #tpu.memory_space<vmem>>
      %dma_wait3A_724 = tpu.memref_squeeze %dma_wait3A_723 : memref<1x80xi32, #tpu.memory_space<vmem>> -> memref<80xi32, #tpu.memory_space<vmem>>
      %dma_wait3A_725 = arith.constant 0 : i32
      %dma_wait3A_726 = arith.constant 0 : i32
      %dma_wait3A_727 = tpu.memref_slice %arg2[%dma_wait3A_725, %dma_wait3A_726] : memref<10000x128xf32, #tpu.memory_space<hbm>> -> memref<10000x128xf32, #tpu.memory_space<hbm>>
      %dma_wait3A_728 = tpu.memref_slice %arg15[%dma_wait3A_721] : memref<4x!tpu.dma_semaphore, #tpu.memory_space<semaphore_mem>> -> memref<1x!tpu.dma_semaphore, #tpu.memory_space<semaphore_mem>>
      %dma_wait3A_729 = tpu.memref_squeeze %dma_wait3A_728 : memref<1x!tpu.dma_semaphore, #tpu.memory_space<semaphore_mem>> -> memref<!tpu.dma_semaphore, #tpu.memory_space<semaphore_mem>>
      tpu.wait_indirect_dma semaphore(%dma_wait3A_729 : memref<!tpu.dma_semaphore, #tpu.memory_space<semaphore_mem>>) src(%dma_wait3A_727 : memref<10000x128xf32, #tpu.memory_space<hbm>>) dst(%arg12 : memref<80x128xf32, #tpu.memory_space<vmem>>)
      %dma_start3A_730 = arith.constant 1 : i32
      %dma_start3A_731 = arith.constant 2 : i32
      %dma_start3A_732 = arith.constant 0 : i32
      %dma_start3A_733 = tpu.memref_slice %arg8[%dma_start3A_730, %dma_start3A_732] : memref<2x80xi32, #tpu.memory_space<vmem>> -> memref<1x80xi32, #tpu.memory_space<vmem>>
      %dma_start3A_734 = tpu.memref_squeeze %dma_start3A_733 : memref<1x80xi32, #tpu.memory_space<vmem>> -> memref<80xi32, #tpu.memory_space<vmem>>
      %dma_start3A_735 = arith.constant 0 : i32
      %dma_start3A_736 = arith.constant 0 : i32
      %dma_start3A_737 = tpu.memref_slice %arg17[%dma_start3A_735, %dma_start3A_736] : memref<10000x128xf32, #tpu.memory_space<vmem_shared>> -> memref<10000x128xf32, #tpu.memory_space<vmem_shared>>
      %dma_start3A_738 = tpu.memref_slice %arg16[%dma_start3A_731] : memref<4x!tpu.dma_semaphore, #tpu.memory_space<semaphore_mem>> -> memref<1x!tpu.dma_semaphore, #tpu.memory_space<semaphore_mem>>
      %dma_start3A_739 = tpu.memref_squeeze %dma_start3A_738 : memref<1x!tpu.dma_semaphore, #tpu.memory_space<semaphore_mem>> -> memref<!tpu.dma_semaphore, #tpu.memory_space<semaphore_mem>>
      tpu.enqueue_indirect_dma source(%arg12 : memref<80x128xf32, #tpu.memory_space<vmem>>) target(%dma_start3A_737 : memref<10000x128xf32, #tpu.memory_space<vmem_shared>>) offsets(%dma_start3A_734 : memref<80xi32, #tpu.memory_space<vmem>>) semaphore(%dma_start3A_739 : memref<!tpu.dma_semaphore, #tpu.memory_space<semaphore_mem>>) {add = true}
      %mul3A_740 = arith.constant 4 : i32
      %mul3A_741 = arith.muli %scan3A_535, %mul3A_740 : i32
      %add3A_742 = arith.constant 3 : i32
      %add3A_743 = arith.addi %mul3A_741, %add3A_742 : i32
      %dma_wait3A_744 = arith.constant 1 : i32
      %dma_wait3A_745 = arith.constant 1 : i32
      %dma_wait3A_746 = arith.constant 0 : i32
      %dma_wait3A_747 = tpu.memref_slice %arg7[%dma_wait3A_744, %dma_wait3A_746] : memref<2x80xi32, #tpu.memory_space<vmem>> -> memref<1x80xi32, #tpu.memory_space<vmem>>
      %dma_wait3A_748 = tpu.memref_squeeze %dma_wait3A_747 : memref<1x80xi32, #tpu.memory_space<vmem>> -> memref<80xi32, #tpu.memory_space<vmem>>
      %dma_wait3A_749 = arith.constant 0 : i32
      %dma_wait3A_750 = arith.constant 0 : i32
      %dma_wait3A_751 = tpu.memref_slice %arg17[%dma_wait3A_749, %dma_wait3A_750] : memref<10000x128xf32, #tpu.memory_space<vmem_shared>> -> memref<10000x128xf32, #tpu.memory_space<vmem_shared>>
      %dma_wait3A_752 = tpu.memref_slice %arg16[%dma_wait3A_745] : memref<4x!tpu.dma_semaphore, #tpu.memory_space<semaphore_mem>> -> memref<1x!tpu.dma_semaphore, #tpu.memory_space<semaphore_mem>>
      %dma_wait3A_753 = tpu.memref_squeeze %dma_wait3A_752 : memref<1x!tpu.dma_semaphore, #tpu.memory_space<semaphore_mem>> -> memref<!tpu.dma_semaphore, #tpu.memory_space<semaphore_mem>>
      tpu.wait_indirect_dma semaphore(%dma_wait3A_753 : memref<!tpu.dma_semaphore, #tpu.memory_space<semaphore_mem>>) src(%arg11 : memref<80x128xf32, #tpu.memory_space<vmem>>) dst(%dma_wait3A_751 : memref<10000x128xf32, #tpu.memory_space<vmem_shared>>)
      %add3A_754 = arith.constant 2 : i32
      %add3A_755 = arith.addi %add3A_743, %add3A_754 : i32
      %mul3A_756 = arith.constant 80 : i32
      %mul3A_757 = arith.muli %add3A_755, %mul3A_756 : i32
      %add3A_758 = arith.addi %mul3A_4, %mul3A_757 : i32
      %dma_start3A_759 = arith.constant 1 : i32
      %dma_start3A_760 = arith.constant 0 : i32
      %dma_start3A_761 = tpu.memref_slice %arg3[%dma_start3A_760, %add3A_758] : memref<2x320000xi32, #tpu.memory_space<hbm>> -> memref<2x80xi32, #tpu.memory_space<hbm>>
      %dma_start3A_762 = tpu.memref_slice %arg14[%dma_start3A_759] : memref<4x!tpu.dma_semaphore, #tpu.memory_space<semaphore_mem>> -> memref<1x!tpu.dma_semaphore, #tpu.memory_space<semaphore_mem>>
      %dma_start3A_763 = tpu.memref_squeeze %dma_start3A_762 : memref<1x!tpu.dma_semaphore, #tpu.memory_space<semaphore_mem>> -> memref<!tpu.dma_semaphore, #tpu.memory_space<semaphore_mem>>
      %dma_start3A_764 = arith.constant 0 : i32
      %dma_start3A_765 = tpu.memref_slice %arg3[%dma_start3A_764, %add3A_758] : memref<2x320000xi32, #tpu.memory_space<hbm>> -> memref<2x80xi32, #tpu.memory_space<hbm>>
      tpu.enqueue_dma source(%dma_start3A_765 : memref<2x80xi32, #tpu.memory_space<hbm>>) target(%arg7 : memref<2x80xi32, #tpu.memory_space<vmem>>) target_semaphore(%dma_start3A_763 : memref<!tpu.dma_semaphore, #tpu.memory_space<semaphore_mem>>)
      %add3A_766 = arith.constant 1 : i32
      %add3A_767 = arith.addi %add3A_743, %add3A_766 : i32
      %mul3A_768 = arith.constant 80 : i32
      %mul3A_769 = arith.muli %add3A_767, %mul3A_768 : i32
      %add3A_770 = arith.addi %mul3A_4, %mul3A_769 : i32
      %dma_wait3A_771 = arith.constant 0 : i32
      %dma_wait3A_772 = arith.constant 0 : i32
      %dma_wait3A_773 = tpu.memref_slice %arg3[%dma_wait3A_772, %add3A_770] : memref<2x320000xi32, #tpu.memory_space<hbm>> -> memref<2x80xi32, #tpu.memory_space<hbm>>
      %dma_wait3A_774 = tpu.memref_slice %arg14[%dma_wait3A_771] : memref<4x!tpu.dma_semaphore, #tpu.memory_space<semaphore_mem>> -> memref<1x!tpu.dma_semaphore, #tpu.memory_space<semaphore_mem>>
      %dma_wait3A_775 = tpu.memref_squeeze %dma_wait3A_774 : memref<1x!tpu.dma_semaphore, #tpu.memory_space<semaphore_mem>> -> memref<!tpu.dma_semaphore, #tpu.memory_space<semaphore_mem>>
      %dma_wait3A_776 = arith.constant 0 : i32
      %dma_wait3A_777 = tpu.memref_slice %arg3[%dma_wait3A_776, %add3A_770] : memref<2x320000xi32, #tpu.memory_space<hbm>> -> memref<2x80xi32, #tpu.memory_space<hbm>>
      tpu.wait_dma2 semaphore(%dma_wait3A_775 : memref<!tpu.dma_semaphore, #tpu.memory_space<semaphore_mem>>) src(%dma_wait3A_777 : memref<2x80xi32, #tpu.memory_space<hbm>>) dst(%arg6 : memref<2x80xi32, #tpu.memory_space<vmem>>)
      %dma_start3A_778 = arith.constant 0 : i32
      %dma_start3A_779 = arith.constant 0 : i32
      %dma_start3A_780 = arith.constant 0 : i32
      %dma_start3A_781 = tpu.memref_slice %arg6[%dma_start3A_778, %dma_start3A_780] : memref<2x80xi32, #tpu.memory_space<vmem>> -> memref<1x80xi32, #tpu.memory_space<vmem>>
      %dma_start3A_782 = tpu.memref_squeeze %dma_start3A_781 : memref<1x80xi32, #tpu.memory_space<vmem>> -> memref<80xi32, #tpu.memory_space<vmem>>
      %dma_start3A_783 = arith.constant 0 : i32
      %dma_start3A_784 = arith.constant 0 : i32
      %dma_start3A_785 = tpu.memref_slice %arg2[%dma_start3A_783, %dma_start3A_784] : memref<10000x128xf32, #tpu.memory_space<hbm>> -> memref<10000x128xf32, #tpu.memory_space<hbm>>
      %dma_start3A_786 = tpu.memref_slice %arg15[%dma_start3A_779] : memref<4x!tpu.dma_semaphore, #tpu.memory_space<semaphore_mem>> -> memref<1x!tpu.dma_semaphore, #tpu.memory_space<semaphore_mem>>
      %dma_start3A_787 = tpu.memref_squeeze %dma_start3A_786 : memref<1x!tpu.dma_semaphore, #tpu.memory_space<semaphore_mem>> -> memref<!tpu.dma_semaphore, #tpu.memory_space<semaphore_mem>>
      tpu.enqueue_indirect_dma source(%dma_start3A_785 : memref<10000x128xf32, #tpu.memory_space<hbm>>) target(%arg10 : memref<80x128xf32, #tpu.memory_space<vmem>>) offsets(%dma_start3A_782 : memref<80xi32, #tpu.memory_space<vmem>>) semaphore(%dma_start3A_787 : memref<!tpu.dma_semaphore, #tpu.memory_space<semaphore_mem>>)
      %dma_wait3A_788 = arith.constant 0 : i32
      %dma_wait3A_789 = arith.constant 3 : i32
      %dma_wait3A_790 = arith.constant 0 : i32
      %dma_wait3A_791 = tpu.memref_slice %arg9[%dma_wait3A_788, %dma_wait3A_790] : memref<2x80xi32, #tpu.memory_space<vmem>> -> memref<1x80xi32, #tpu.memory_space<vmem>>
      %dma_wait3A_792 = tpu.memref_squeeze %dma_wait3A_791 : memref<1x80xi32, #tpu.memory_space<vmem>> -> memref<80xi32, #tpu.memory_space<vmem>>
      %dma_wait3A_793 = arith.constant 0 : i32
      %dma_wait3A_794 = arith.constant 0 : i32
      %dma_wait3A_795 = tpu.memref_slice %arg2[%dma_wait3A_793, %dma_wait3A_794] : memref<10000x128xf32, #tpu.memory_space<hbm>> -> memref<10000x128xf32, #tpu.memory_space<hbm>>
      %dma_wait3A_796 = tpu.memref_slice %arg15[%dma_wait3A_789] : memref<4x!tpu.dma_semaphore, #tpu.memory_space<semaphore_mem>> -> memref<1x!tpu.dma_semaphore, #tpu.memory_space<semaphore_mem>>
      %dma_wait3A_797 = tpu.memref_squeeze %dma_wait3A_796 : memref<1x!tpu.dma_semaphore, #tpu.memory_space<semaphore_mem>> -> memref<!tpu.dma_semaphore, #tpu.memory_space<semaphore_mem>>
      tpu.wait_indirect_dma semaphore(%dma_wait3A_797 : memref<!tpu.dma_semaphore, #tpu.memory_space<semaphore_mem>>) src(%dma_wait3A_795 : memref<10000x128xf32, #tpu.memory_space<hbm>>) dst(%arg13 : memref<80x128xf32, #tpu.memory_space<vmem>>)
      %dma_start3A_798 = arith.constant 1 : i32
      %dma_start3A_799 = arith.constant 3 : i32
      %dma_start3A_800 = arith.constant 0 : i32
      %dma_start3A_801 = tpu.memref_slice %arg9[%dma_start3A_798, %dma_start3A_800] : memref<2x80xi32, #tpu.memory_space<vmem>> -> memref<1x80xi32, #tpu.memory_space<vmem>>
      %dma_start3A_802 = tpu.memref_squeeze %dma_start3A_801 : memref<1x80xi32, #tpu.memory_space<vmem>> -> memref<80xi32, #tpu.memory_space<vmem>>
      %dma_start3A_803 = arith.constant 0 : i32
      %dma_start3A_804 = arith.constant 0 : i32
      %dma_start3A_805 = tpu.memref_slice %arg17[%dma_start3A_803, %dma_start3A_804] : memref<10000x128xf32, #tpu.memory_space<vmem_shared>> -> memref<10000x128xf32, #tpu.memory_space<vmem_shared>>
      %dma_start3A_806 = tpu.memref_slice %arg16[%dma_start3A_799] : memref<4x!tpu.dma_semaphore, #tpu.memory_space<semaphore_mem>> -> memref<1x!tpu.dma_semaphore, #tpu.memory_space<semaphore_mem>>
      %dma_start3A_807 = tpu.memref_squeeze %dma_start3A_806 : memref<1x!tpu.dma_semaphore, #tpu.memory_space<semaphore_mem>> -> memref<!tpu.dma_semaphore, #tpu.memory_space<semaphore_mem>>
      tpu.enqueue_indirect_dma source(%arg13 : memref<80x128xf32, #tpu.memory_space<vmem>>) target(%dma_start3A_805 : memref<10000x128xf32, #tpu.memory_space<vmem_shared>>) offsets(%dma_start3A_802 : memref<80xi32, #tpu.memory_space<vmem>>) semaphore(%dma_start3A_807 : memref<!tpu.dma_semaphore, #tpu.memory_space<semaphore_mem>>) {add = true}
    }
    %scan3A_256 = arith.constant 29 : i32
    %dma_wait3A_257 = arith.constant 1 : i32
    %dma_wait3A_258 = arith.constant 2 : i32
    %dma_wait3A_259 = arith.constant 0 : i32
    %dma_wait3A_260 = tpu.memref_slice %arg8[%dma_wait3A_257, %dma_wait3A_259] : memref<2x80xi32, #tpu.memory_space<vmem>> -> memref<1x80xi32, #tpu.memory_space<vmem>>
    %dma_wait3A_261 = tpu.memref_squeeze %dma_wait3A_260 : memref<1x80xi32, #tpu.memory_space<vmem>> -> memref<80xi32, #tpu.memory_space<vmem>>
    %dma_wait3A_262 = arith.constant 0 : i32
    %dma_wait3A_263 = arith.constant 0 : i32
    %dma_wait3A_264 = tpu.memref_slice %arg17[%dma_wait3A_262, %dma_wait3A_263] : memref<10000x128xf32, #tpu.memory_space<vmem_shared>> -> memref<10000x128xf32, #tpu.memory_space<vmem_shared>>
    %dma_wait3A_265 = tpu.memref_slice %arg16[%dma_wait3A_258] : memref<4x!tpu.dma_semaphore, #tpu.memory_space<semaphore_mem>> -> memref<1x!tpu.dma_semaphore, #tpu.memory_space<semaphore_mem>>
    %dma_wait3A_266 = tpu.memref_squeeze %dma_wait3A_265 : memref<1x!tpu.dma_semaphore, #tpu.memory_space<semaphore_mem>> -> memref<!tpu.dma_semaphore, #tpu.memory_space<semaphore_mem>>
    tpu.wait_indirect_dma semaphore(%dma_wait3A_266 : memref<!tpu.dma_semaphore, #tpu.memory_space<semaphore_mem>>) src(%arg12 : memref<80x128xf32, #tpu.memory_space<vmem>>) dst(%dma_wait3A_264 : memref<10000x128xf32, #tpu.memory_space<vmem_shared>>)
    %add3A_267 = arith.constant 9760 : i32
    %add3A_268 = arith.addi %mul3A_4, %add3A_267 : i32
    %dma_start3A_269 = arith.constant 2 : i32
    %dma_start3A_270 = arith.constant 0 : i32
    %dma_start3A_271 = tpu.memref_slice %arg3[%dma_start3A_270, %add3A_268] : memref<2x320000xi32, #tpu.memory_space<hbm>> -> memref<2x80xi32, #tpu.memory_space<hbm>>
    %dma_start3A_272 = tpu.memref_slice %arg14[%dma_start3A_269] : memref<4x!tpu.dma_semaphore, #tpu.memory_space<semaphore_mem>> -> memref<1x!tpu.dma_semaphore, #tpu.memory_space<semaphore_mem>>
    %dma_start3A_273 = tpu.memref_squeeze %dma_start3A_272 : memref<1x!tpu.dma_semaphore, #tpu.memory_space<semaphore_mem>> -> memref<!tpu.dma_semaphore, #tpu.memory_space<semaphore_mem>>
    %dma_start3A_274 = arith.constant 0 : i32
    %dma_start3A_275 = tpu.memref_slice %arg3[%dma_start3A_274, %add3A_268] : memref<2x320000xi32, #tpu.memory_space<hbm>> -> memref<2x80xi32, #tpu.memory_space<hbm>>
    tpu.enqueue_dma source(%dma_start3A_275 : memref<2x80xi32, #tpu.memory_space<hbm>>) target(%arg8 : memref<2x80xi32, #tpu.memory_space<vmem>>) target_semaphore(%dma_start3A_273 : memref<!tpu.dma_semaphore, #tpu.memory_space<semaphore_mem>>)
    %add3A_276 = arith.constant 9680 : i32
    %add3A_277 = arith.addi %mul3A_4, %add3A_276 : i32
    %dma_wait3A_278 = arith.constant 1 : i32
    %dma_wait3A_279 = arith.constant 0 : i32
    %dma_wait3A_280 = tpu.memref_slice %arg3[%dma_wait3A_279, %add3A_277] : memref<2x320000xi32, #tpu.memory_space<hbm>> -> memref<2x80xi32, #tpu.memory_space<hbm>>
    %dma_wait3A_281 = tpu.memref_slice %arg14[%dma_wait3A_278] : memref<4x!tpu.dma_semaphore, #tpu.memory_space<semaphore_mem>> -> memref<1x!tpu.dma_semaphore, #tpu.memory_space<semaphore_mem>>
    %dma_wait3A_282 = tpu.memref_squeeze %dma_wait3A_281 : memref<1x!tpu.dma_semaphore, #tpu.memory_space<semaphore_mem>> -> memref<!tpu.dma_semaphore, #tpu.memory_space<semaphore_mem>>
    %dma_wait3A_283 = arith.constant 0 : i32
    %dma_wait3A_284 = tpu.memref_slice %arg3[%dma_wait3A_283, %add3A_277] : memref<2x320000xi32, #tpu.memory_space<hbm>> -> memref<2x80xi32, #tpu.memory_space<hbm>>
    tpu.wait_dma2 semaphore(%dma_wait3A_282 : memref<!tpu.dma_semaphore, #tpu.memory_space<semaphore_mem>>) src(%dma_wait3A_284 : memref<2x80xi32, #tpu.memory_space<hbm>>) dst(%arg7 : memref<2x80xi32, #tpu.memory_space<vmem>>)
    %dma_start3A_285 = arith.constant 0 : i32
    %dma_start3A_286 = arith.constant 1 : i32
    %dma_start3A_287 = arith.constant 0 : i32
    %dma_start3A_288 = tpu.memref_slice %arg7[%dma_start3A_285, %dma_start3A_287] : memref<2x80xi32, #tpu.memory_space<vmem>> -> memref<1x80xi32, #tpu.memory_space<vmem>>
    %dma_start3A_289 = tpu.memref_squeeze %dma_start3A_288 : memref<1x80xi32, #tpu.memory_space<vmem>> -> memref<80xi32, #tpu.memory_space<vmem>>
    %dma_start3A_290 = arith.constant 0 : i32
    %dma_start3A_291 = arith.constant 0 : i32
    %dma_start3A_292 = tpu.memref_slice %arg2[%dma_start3A_290, %dma_start3A_291] : memref<10000x128xf32, #tpu.memory_space<hbm>> -> memref<10000x128xf32, #tpu.memory_space<hbm>>
    %dma_start3A_293 = tpu.memref_slice %arg15[%dma_start3A_286] : memref<4x!tpu.dma_semaphore, #tpu.memory_space<semaphore_mem>> -> memref<1x!tpu.dma_semaphore, #tpu.memory_space<semaphore_mem>>
    %dma_start3A_294 = tpu.memref_squeeze %dma_start3A_293 : memref<1x!tpu.dma_semaphore, #tpu.memory_space<semaphore_mem>> -> memref<!tpu.dma_semaphore, #tpu.memory_space<semaphore_mem>>
    tpu.enqueue_indirect_dma source(%dma_start3A_292 : memref<10000x128xf32, #tpu.memory_space<hbm>>) target(%arg11 : memref<80x128xf32, #tpu.memory_space<vmem>>) offsets(%dma_start3A_289 : memref<80xi32, #tpu.memory_space<vmem>>) semaphore(%dma_start3A_294 : memref<!tpu.dma_semaphore, #tpu.memory_space<semaphore_mem>>)
    %dma_wait3A_295 = arith.constant 0 : i32
    %dma_wait3A_296 = arith.constant 0 : i32
    %dma_wait3A_297 = arith.constant 0 : i32
    %dma_wait3A_298 = tpu.memref_slice %arg6[%dma_wait3A_295, %dma_wait3A_297] : memref<2x80xi32, #tpu.memory_space<vmem>> -> memref<1x80xi32, #tpu.memory_space<vmem>>
    %dma_wait3A_299 = tpu.memref_squeeze %dma_wait3A_298 : memref<1x80xi32, #tpu.memory_space<vmem>> -> memref<80xi32, #tpu.memory_space<vmem>>
    %dma_wait3A_300 = arith.constant 0 : i32
    %dma_wait3A_301 = arith.constant 0 : i32
    %dma_wait3A_302 = tpu.memref_slice %arg2[%dma_wait3A_300, %dma_wait3A_301] : memref<10000x128xf32, #tpu.memory_space<hbm>> -> memref<10000x128xf32, #tpu.memory_space<hbm>>
    %dma_wait3A_303 = tpu.memref_slice %arg15[%dma_wait3A_296] : memref<4x!tpu.dma_semaphore, #tpu.memory_space<semaphore_mem>> -> memref<1x!tpu.dma_semaphore, #tpu.memory_space<semaphore_mem>>
    %dma_wait3A_304 = tpu.memref_squeeze %dma_wait3A_303 : memref<1x!tpu.dma_semaphore, #tpu.memory_space<semaphore_mem>> -> memref<!tpu.dma_semaphore, #tpu.memory_space<semaphore_mem>>
    tpu.wait_indirect_dma semaphore(%dma_wait3A_304 : memref<!tpu.dma_semaphore, #tpu.memory_space<semaphore_mem>>) src(%dma_wait3A_302 : memref<10000x128xf32, #tpu.memory_space<hbm>>) dst(%arg10 : memref<80x128xf32, #tpu.memory_space<vmem>>)
    %dma_start3A_305 = arith.constant 1 : i32
    %dma_start3A_306 = arith.constant 0 : i32
    %dma_start3A_307 = arith.constant 0 : i32
    %dma_start3A_308 = tpu.memref_slice %arg6[%dma_start3A_305, %dma_start3A_307] : memref<2x80xi32, #tpu.memory_space<vmem>> -> memref<1x80xi32, #tpu.memory_space<vmem>>
    %dma_start3A_309 = tpu.memref_squeeze %dma_start3A_308 : memref<1x80xi32, #tpu.memory_space<vmem>> -> memref<80xi32, #tpu.memory_space<vmem>>
    %dma_start3A_310 = arith.constant 0 : i32
    %dma_start3A_311 = arith.constant 0 : i32
    %dma_start3A_312 = tpu.memref_slice %arg17[%dma_start3A_310, %dma_start3A_311] : memref<10000x128xf32, #tpu.memory_space<vmem_shared>> -> memref<10000x128xf32, #tpu.memory_space<vmem_shared>>
    %dma_start3A_313 = tpu.memref_slice %arg16[%dma_start3A_306] : memref<4x!tpu.dma_semaphore, #tpu.memory_space<semaphore_mem>> -> memref<1x!tpu.dma_semaphore, #tpu.memory_space<semaphore_mem>>
    %dma_start3A_314 = tpu.memref_squeeze %dma_start3A_313 : memref<1x!tpu.dma_semaphore, #tpu.memory_space<semaphore_mem>> -> memref<!tpu.dma_semaphore, #tpu.memory_space<semaphore_mem>>
    tpu.enqueue_indirect_dma source(%arg10 : memref<80x128xf32, #tpu.memory_space<vmem>>) target(%dma_start3A_312 : memref<10000x128xf32, #tpu.memory_space<vmem_shared>>) offsets(%dma_start3A_309 : memref<80xi32, #tpu.memory_space<vmem>>) semaphore(%dma_start3A_314 : memref<!tpu.dma_semaphore, #tpu.memory_space<semaphore_mem>>) {add = true}
    %dma_wait3A_315 = arith.constant 1 : i32
    %dma_wait3A_316 = arith.constant 3 : i32
    %dma_wait3A_317 = arith.constant 0 : i32
    %dma_wait3A_318 = tpu.memref_slice %arg9[%dma_wait3A_315, %dma_wait3A_317] : memref<2x80xi32, #tpu.memory_space<vmem>> -> memref<1x80xi32, #tpu.memory_space<vmem>>
    %dma_wait3A_319 = tpu.memref_squeeze %dma_wait3A_318 : memref<1x80xi32, #tpu.memory_space<vmem>> -> memref<80xi32, #tpu.memory_space<vmem>>
    %dma_wait3A_320 = arith.constant 0 : i32
    %dma_wait3A_321 = arith.constant 0 : i32
    %dma_wait3A_322 = tpu.memref_slice %arg17[%dma_wait3A_320, %dma_wait3A_321] : memref<10000x128xf32, #tpu.memory_space<vmem_shared>> -> memref<10000x128xf32, #tpu.memory_space<vmem_shared>>
    %dma_wait3A_323 = tpu.memref_slice %arg16[%dma_wait3A_316] : memref<4x!tpu.dma_semaphore, #tpu.memory_space<semaphore_mem>> -> memref<1x!tpu.dma_semaphore, #tpu.memory_space<semaphore_mem>>
    %dma_wait3A_324 = tpu.memref_squeeze %dma_wait3A_323 : memref<1x!tpu.dma_semaphore, #tpu.memory_space<semaphore_mem>> -> memref<!tpu.dma_semaphore, #tpu.memory_space<semaphore_mem>>
    tpu.wait_indirect_dma semaphore(%dma_wait3A_324 : memref<!tpu.dma_semaphore, #tpu.memory_space<semaphore_mem>>) src(%arg13 : memref<80x128xf32, #tpu.memory_space<vmem>>) dst(%dma_wait3A_322 : memref<10000x128xf32, #tpu.memory_space<vmem_shared>>)
    %add3A_325 = arith.constant 9840 : i32
    %add3A_326 = arith.addi %mul3A_4, %add3A_325 : i32
    %dma_start3A_327 = arith.constant 3 : i32
    %dma_start3A_328 = arith.constant 0 : i32
    %dma_start3A_329 = tpu.memref_slice %arg3[%dma_start3A_328, %add3A_326] : memref<2x320000xi32, #tpu.memory_space<hbm>> -> memref<2x80xi32, #tpu.memory_space<hbm>>
    %dma_start3A_330 = tpu.memref_slice %arg14[%dma_start3A_327] : memref<4x!tpu.dma_semaphore, #tpu.memory_space<semaphore_mem>> -> memref<1x!tpu.dma_semaphore, #tpu.memory_space<semaphore_mem>>
    %dma_start3A_331 = tpu.memref_squeeze %dma_start3A_330 : memref<1x!tpu.dma_semaphore, #tpu.memory_space<semaphore_mem>> -> memref<!tpu.dma_semaphore, #tpu.memory_space<semaphore_mem>>
    %dma_start3A_332 = arith.constant 0 : i32
    %dma_start3A_333 = tpu.memref_slice %arg3[%dma_start3A_332, %add3A_326] : memref<2x320000xi32, #tpu.memory_space<hbm>> -> memref<2x80xi32, #tpu.memory_space<hbm>>
    tpu.enqueue_dma source(%dma_start3A_333 : memref<2x80xi32, #tpu.memory_space<hbm>>) target(%arg9 : memref<2x80xi32, #tpu.memory_space<vmem>>) target_semaphore(%dma_start3A_331 : memref<!tpu.dma_semaphore, #tpu.memory_space<semaphore_mem>>)
    %add3A_334 = arith.constant 9760 : i32
    %add3A_335 = arith.addi %mul3A_4, %add3A_334 : i32
    %dma_wait3A_336 = arith.constant 2 : i32
    %dma_wait3A_337 = arith.constant 0 : i32
    %dma_wait3A_338 = tpu.memref_slice %arg3[%dma_wait3A_337, %add3A_335] : memref<2x320000xi32, #tpu.memory_space<hbm>> -> memref<2x80xi32, #tpu.memory_space<hbm>>
    %dma_wait3A_339 = tpu.memref_slice %arg14[%dma_wait3A_336] : memref<4x!tpu.dma_semaphore, #tpu.memory_space<semaphore_mem>> -> memref<1x!tpu.dma_semaphore, #tpu.memory_space<semaphore_mem>>
    %dma_wait3A_340 = tpu.memref_squeeze %dma_wait3A_339 : memref<1x!tpu.dma_semaphore, #tpu.memory_space<semaphore_mem>> -> memref<!tpu.dma_semaphore, #tpu.memory_space<semaphore_mem>>
    %dma_wait3A_341 = arith.constant 0 : i32
    %dma_wait3A_342 = tpu.memref_slice %arg3[%dma_wait3A_341, %add3A_335] : memref<2x320000xi32, #tpu.memory_space<hbm>> -> memref<2x80xi32, #tpu.memory_space<hbm>>
    tpu.wait_dma2 semaphore(%dma_wait3A_340 : memref<!tpu.dma_semaphore, #tpu.memory_space<semaphore_mem>>) src(%dma_wait3A_342 : memref<2x80xi32, #tpu.memory_space<hbm>>) dst(%arg8 : memref<2x80xi32, #tpu.memory_space<vmem>>)
    %dma_start3A_343 = arith.constant 0 : i32
    %dma_start3A_344 = arith.constant 2 : i32
    %dma_start3A_345 = arith.constant 0 : i32
    %dma_start3A_346 = tpu.memref_slice %arg8[%dma_start3A_343, %dma_start3A_345] : memref<2x80xi32, #tpu.memory_space<vmem>> -> memref<1x80xi32, #tpu.memory_space<vmem>>
    %dma_start3A_347 = tpu.memref_squeeze %dma_start3A_346 : memref<1x80xi32, #tpu.memory_space<vmem>> -> memref<80xi32, #tpu.memory_space<vmem>>
    %dma_start3A_348 = arith.constant 0 : i32
    %dma_start3A_349 = arith.constant 0 : i32
    %dma_start3A_350 = tpu.memref_slice %arg2[%dma_start3A_348, %dma_start3A_349] : memref<10000x128xf32, #tpu.memory_space<hbm>> -> memref<10000x128xf32, #tpu.memory_space<hbm>>
    %dma_start3A_351 = tpu.memref_slice %arg15[%dma_start3A_344] : memref<4x!tpu.dma_semaphore, #tpu.memory_space<semaphore_mem>> -> memref<1x!tpu.dma_semaphore, #tpu.memory_space<semaphore_mem>>
    %dma_start3A_352 = tpu.memref_squeeze %dma_start3A_351 : memref<1x!tpu.dma_semaphore, #tpu.memory_space<semaphore_mem>> -> memref<!tpu.dma_semaphore, #tpu.memory_space<semaphore_mem>>
    tpu.enqueue_indirect_dma source(%dma_start3A_350 : memref<10000x128xf32, #tpu.memory_space<hbm>>) target(%arg12 : memref<80x128xf32, #tpu.memory_space<vmem>>) offsets(%dma_start3A_347 : memref<80xi32, #tpu.memory_space<vmem>>) semaphore(%dma_start3A_352 : memref<!tpu.dma_semaphore, #tpu.memory_space<semaphore_mem>>)
    %dma_wait3A_353 = arith.constant 0 : i32
    %dma_wait3A_354 = arith.constant 1 : i32
    %dma_wait3A_355 = arith.constant 0 : i32
    %dma_wait3A_356 = tpu.memref_slice %arg7[%dma_wait3A_353, %dma_wait3A_355] : memref<2x80xi32, #tpu.memory_space<vmem>> -> memref<1x80xi32, #tpu.memory_space<vmem>>
    %dma_wait3A_357 = tpu.memref_squeeze %dma_wait3A_356 : memref<1x80xi32, #tpu.memory_space<vmem>> -> memref<80xi32, #tpu.memory_space<vmem>>
    %dma_wait3A_358 = arith.constant 0 : i32
    %dma_wait3A_359 = arith.constant 0 : i32
    %dma_wait3A_360 = tpu.memref_slice %arg2[%dma_wait3A_358, %dma_wait3A_359] : memref<10000x128xf32, #tpu.memory_space<hbm>> -> memref<10000x128xf32, #tpu.memory_space<hbm>>
    %dma_wait3A_361 = tpu.memref_slice %arg15[%dma_wait3A_354] : memref<4x!tpu.dma_semaphore, #tpu.memory_space<semaphore_mem>> -> memref<1x!tpu.dma_semaphore, #tpu.memory_space<semaphore_mem>>
    %dma_wait3A_362 = tpu.memref_squeeze %dma_wait3A_361 : memref<1x!tpu.dma_semaphore, #tpu.memory_space<semaphore_mem>> -> memref<!tpu.dma_semaphore, #tpu.memory_space<semaphore_mem>>
    tpu.wait_indirect_dma semaphore(%dma_wait3A_362 : memref<!tpu.dma_semaphore, #tpu.memory_space<semaphore_mem>>) src(%dma_wait3A_360 : memref<10000x128xf32, #tpu.memory_space<hbm>>) dst(%arg11 : memref<80x128xf32, #tpu.memory_space<vmem>>)
    %dma_start3A_363 = arith.constant 1 : i32
    %dma_start3A_364 = arith.constant 1 : i32
    %dma_start3A_365 = arith.constant 0 : i32
    %dma_start3A_366 = tpu.memref_slice %arg7[%dma_start3A_363, %dma_start3A_365] : memref<2x80xi32, #tpu.memory_space<vmem>> -> memref<1x80xi32, #tpu.memory_space<vmem>>
    %dma_start3A_367 = tpu.memref_squeeze %dma_start3A_366 : memref<1x80xi32, #tpu.memory_space<vmem>> -> memref<80xi32, #tpu.memory_space<vmem>>
    %dma_start3A_368 = arith.constant 0 : i32
    %dma_start3A_369 = arith.constant 0 : i32
    %dma_start3A_370 = tpu.memref_slice %arg17[%dma_start3A_368, %dma_start3A_369] : memref<10000x128xf32, #tpu.memory_space<vmem_shared>> -> memref<10000x128xf32, #tpu.memory_space<vmem_shared>>
    %dma_start3A_371 = tpu.memref_slice %arg16[%dma_start3A_364] : memref<4x!tpu.dma_semaphore, #tpu.memory_space<semaphore_mem>> -> memref<1x!tpu.dma_semaphore, #tpu.memory_space<semaphore_mem>>
    %dma_start3A_372 = tpu.memref_squeeze %dma_start3A_371 : memref<1x!tpu.dma_semaphore, #tpu.memory_space<semaphore_mem>> -> memref<!tpu.dma_semaphore, #tpu.memory_space<semaphore_mem>>
    tpu.enqueue_indirect_dma source(%arg11 : memref<80x128xf32, #tpu.memory_space<vmem>>) target(%dma_start3A_370 : memref<10000x128xf32, #tpu.memory_space<vmem_shared>>) offsets(%dma_start3A_367 : memref<80xi32, #tpu.memory_space<vmem>>) semaphore(%dma_start3A_372 : memref<!tpu.dma_semaphore, #tpu.memory_space<semaphore_mem>>) {add = true}
    %dma_wait3A_373 = arith.constant 1 : i32
    %dma_wait3A_374 = arith.constant 0 : i32
    %dma_wait3A_375 = arith.constant 0 : i32
    %dma_wait3A_376 = tpu.memref_slice %arg6[%dma_wait3A_373, %dma_wait3A_375] : memref<2x80xi32, #tpu.memory_space<vmem>> -> memref<1x80xi32, #tpu.memory_space<vmem>>
    %dma_wait3A_377 = tpu.memref_squeeze %dma_wait3A_376 : memref<1x80xi32, #tpu.memory_space<vmem>> -> memref<80xi32, #tpu.memory_space<vmem>>
    %dma_wait3A_378 = arith.constant 0 : i32
    %dma_wait3A_379 = arith.constant 0 : i32
    %dma_wait3A_380 = tpu.memref_slice %arg17[%dma_wait3A_378, %dma_wait3A_379] : memref<10000x128xf32, #tpu.memory_space<vmem_shared>> -> memref<10000x128xf32, #tpu.memory_space<vmem_shared>>
    %dma_wait3A_381 = tpu.memref_slice %arg16[%dma_wait3A_374] : memref<4x!tpu.dma_semaphore, #tpu.memory_space<semaphore_mem>> -> memref<1x!tpu.dma_semaphore, #tpu.memory_space<semaphore_mem>>
    %dma_wait3A_382 = tpu.memref_squeeze %dma_wait3A_381 : memref<1x!tpu.dma_semaphore, #tpu.memory_space<semaphore_mem>> -> memref<!tpu.dma_semaphore, #tpu.memory_space<semaphore_mem>>
    tpu.wait_indirect_dma semaphore(%dma_wait3A_382 : memref<!tpu.dma_semaphore, #tpu.memory_space<semaphore_mem>>) src(%arg10 : memref<80x128xf32, #tpu.memory_space<vmem>>) dst(%dma_wait3A_380 : memref<10000x128xf32, #tpu.memory_space<vmem_shared>>)
    %add3A_383 = arith.constant 9920 : i32
    %add3A_384 = arith.addi %mul3A_4, %add3A_383 : i32
    %dma_start3A_385 = arith.constant 0 : i32
    %dma_start3A_386 = arith.constant 0 : i32
    %dma_start3A_387 = tpu.memref_slice %arg3[%dma_start3A_386, %add3A_384] : memref<2x320000xi32, #tpu.memory_space<hbm>> -> memref<2x80xi32, #tpu.memory_space<hbm>>
    %dma_start3A_388 = tpu.memref_slice %arg14[%dma_start3A_385] : memref<4x!tpu.dma_semaphore, #tpu.memory_space<semaphore_mem>> -> memref<1x!tpu.dma_semaphore, #tpu.memory_space<semaphore_mem>>
    %dma_start3A_389 = tpu.memref_squeeze %dma_start3A_388 : memref<1x!tpu.dma_semaphore, #tpu.memory_space<semaphore_mem>> -> memref<!tpu.dma_semaphore, #tpu.memory_space<semaphore_mem>>
    %dma_start3A_390 = arith.constant 0 : i32
    %dma_start3A_391 = tpu.memref_slice %arg3[%dma_start3A_390, %add3A_384] : memref<2x320000xi32, #tpu.memory_space<hbm>> -> memref<2x80xi32, #tpu.memory_space<hbm>>
    tpu.enqueue_dma source(%dma_start3A_391 : memref<2x80xi32, #tpu.memory_space<hbm>>) target(%arg6 : memref<2x80xi32, #tpu.memory_space<vmem>>) target_semaphore(%dma_start3A_389 : memref<!tpu.dma_semaphore, #tpu.memory_space<semaphore_mem>>)
    %add3A_392 = arith.constant 9840 : i32
    %add3A_393 = arith.addi %mul3A_4, %add3A_392 : i32
    %dma_wait3A_394 = arith.constant 3 : i32
    %dma_wait3A_395 = arith.constant 0 : i32
    %dma_wait3A_396 = tpu.memref_slice %arg3[%dma_wait3A_395, %add3A_393] : memref<2x320000xi32, #tpu.memory_space<hbm>> -> memref<2x80xi32, #tpu.memory_space<hbm>>
    %dma_wait3A_397 = tpu.memref_slice %arg14[%dma_wait3A_394] : memref<4x!tpu.dma_semaphore, #tpu.memory_space<semaphore_mem>> -> memref<1x!tpu.dma_semaphore, #tpu.memory_space<semaphore_mem>>
    %dma_wait3A_398 = tpu.memref_squeeze %dma_wait3A_397 : memref<1x!tpu.dma_semaphore, #tpu.memory_space<semaphore_mem>> -> memref<!tpu.dma_semaphore, #tpu.memory_space<semaphore_mem>>
    %dma_wait3A_399 = arith.constant 0 : i32
    %dma_wait3A_400 = tpu.memref_slice %arg3[%dma_wait3A_399, %add3A_393] : memref<2x320000xi32, #tpu.memory_space<hbm>> -> memref<2x80xi32, #tpu.memory_space<hbm>>
    tpu.wait_dma2 semaphore(%dma_wait3A_398 : memref<!tpu.dma_semaphore, #tpu.memory_space<semaphore_mem>>) src(%dma_wait3A_400 : memref<2x80xi32, #tpu.memory_space<hbm>>) dst(%arg9 : memref<2x80xi32, #tpu.memory_space<vmem>>)
    %dma_start3A_401 = arith.constant 0 : i32
    %dma_start3A_402 = arith.constant 3 : i32
    %dma_start3A_403 = arith.constant 0 : i32
    %dma_start3A_404 = tpu.memref_slice %arg9[%dma_start3A_401, %dma_start3A_403] : memref<2x80xi32, #tpu.memory_space<vmem>> -> memref<1x80xi32, #tpu.memory_space<vmem>>
    %dma_start3A_405 = tpu.memref_squeeze %dma_start3A_404 : memref<1x80xi32, #tpu.memory_space<vmem>> -> memref<80xi32, #tpu.memory_space<vmem>>
    %dma_start3A_406 = arith.constant 0 : i32
    %dma_start3A_407 = arith.constant 0 : i32
    %dma_start3A_408 = tpu.memref_slice %arg2[%dma_start3A_406, %dma_start3A_407] : memref<10000x128xf32, #tpu.memory_space<hbm>> -> memref<10000x128xf32, #tpu.memory_space<hbm>>
    %dma_start3A_409 = tpu.memref_slice %arg15[%dma_start3A_402] : memref<4x!tpu.dma_semaphore, #tpu.memory_space<semaphore_mem>> -> memref<1x!tpu.dma_semaphore, #tpu.memory_space<semaphore_mem>>
    %dma_start3A_410 = tpu.memref_squeeze %dma_start3A_409 : memref<1x!tpu.dma_semaphore, #tpu.memory_space<semaphore_mem>> -> memref<!tpu.dma_semaphore, #tpu.memory_space<semaphore_mem>>
    tpu.enqueue_indirect_dma source(%dma_start3A_408 : memref<10000x128xf32, #tpu.memory_space<hbm>>) target(%arg13 : memref<80x128xf32, #tpu.memory_space<vmem>>) offsets(%dma_start3A_405 : memref<80xi32, #tpu.memory_space<vmem>>) semaphore(%dma_start3A_410 : memref<!tpu.dma_semaphore, #tpu.memory_space<semaphore_mem>>)
    %dma_wait3A_411 = arith.constant 0 : i32
    %dma_wait3A_412 = arith.constant 2 : i32
    %dma_wait3A_413 = arith.constant 0 : i32
    %dma_wait3A_414 = tpu.memref_slice %arg8[%dma_wait3A_411, %dma_wait3A_413] : memref<2x80xi32, #tpu.memory_space<vmem>> -> memref<1x80xi32, #tpu.memory_space<vmem>>
    %dma_wait3A_415 = tpu.memref_squeeze %dma_wait3A_414 : memref<1x80xi32, #tpu.memory_space<vmem>> -> memref<80xi32, #tpu.memory_space<vmem>>
    %dma_wait3A_416 = arith.constant 0 : i32
    %dma_wait3A_417 = arith.constant 0 : i32
    %dma_wait3A_418 = tpu.memref_slice %arg2[%dma_wait3A_416, %dma_wait3A_417] : memref<10000x128xf32, #tpu.memory_space<hbm>> -> memref<10000x128xf32, #tpu.memory_space<hbm>>
    %dma_wait3A_419 = tpu.memref_slice %arg15[%dma_wait3A_412] : memref<4x!tpu.dma_semaphore, #tpu.memory_space<semaphore_mem>> -> memref<1x!tpu.dma_semaphore, #tpu.memory_space<semaphore_mem>>
    %dma_wait3A_420 = tpu.memref_squeeze %dma_wait3A_419 : memref<1x!tpu.dma_semaphore, #tpu.memory_space<semaphore_mem>> -> memref<!tpu.dma_semaphore, #tpu.memory_space<semaphore_mem>>
    tpu.wait_indirect_dma semaphore(%dma_wait3A_420 : memref<!tpu.dma_semaphore, #tpu.memory_space<semaphore_mem>>) src(%dma_wait3A_418 : memref<10000x128xf32, #tpu.memory_space<hbm>>) dst(%arg12 : memref<80x128xf32, #tpu.memory_space<vmem>>)
    %dma_start3A_421 = arith.constant 1 : i32
    %dma_start3A_422 = arith.constant 2 : i32
    %dma_start3A_423 = arith.constant 0 : i32
    %dma_start3A_424 = tpu.memref_slice %arg8[%dma_start3A_421, %dma_start3A_423] : memref<2x80xi32, #tpu.memory_space<vmem>> -> memref<1x80xi32, #tpu.memory_space<vmem>>
    %dma_start3A_425 = tpu.memref_squeeze %dma_start3A_424 : memref<1x80xi32, #tpu.memory_space<vmem>> -> memref<80xi32, #tpu.memory_space<vmem>>
    %dma_start3A_426 = arith.constant 0 : i32
    %dma_start3A_427 = arith.constant 0 : i32
    %dma_start3A_428 = tpu.memref_slice %arg17[%dma_start3A_426, %dma_start3A_427] : memref<10000x128xf32, #tpu.memory_space<vmem_shared>> -> memref<10000x128xf32, #tpu.memory_space<vmem_shared>>
    %dma_start3A_429 = tpu.memref_slice %arg16[%dma_start3A_422] : memref<4x!tpu.dma_semaphore, #tpu.memory_space<semaphore_mem>> -> memref<1x!tpu.dma_semaphore, #tpu.memory_space<semaphore_mem>>
    %dma_start3A_430 = tpu.memref_squeeze %dma_start3A_429 : memref<1x!tpu.dma_semaphore, #tpu.memory_space<semaphore_mem>> -> memref<!tpu.dma_semaphore, #tpu.memory_space<semaphore_mem>>
    tpu.enqueue_indirect_dma source(%arg12 : memref<80x128xf32, #tpu.memory_space<vmem>>) target(%dma_start3A_428 : memref<10000x128xf32, #tpu.memory_space<vmem_shared>>) offsets(%dma_start3A_425 : memref<80xi32, #tpu.memory_space<vmem>>) semaphore(%dma_start3A_430 : memref<!tpu.dma_semaphore, #tpu.memory_space<semaphore_mem>>) {add = true}
    %dma_wait3A_431 = arith.constant 1 : i32
    %dma_wait3A_432 = arith.constant 1 : i32
    %dma_wait3A_433 = arith.constant 0 : i32
    %dma_wait3A_434 = tpu.memref_slice %arg7[%dma_wait3A_431, %dma_wait3A_433] : memref<2x80xi32, #tpu.memory_space<vmem>> -> memref<1x80xi32, #tpu.memory_space<vmem>>
    %dma_wait3A_435 = tpu.memref_squeeze %dma_wait3A_434 : memref<1x80xi32, #tpu.memory_space<vmem>> -> memref<80xi32, #tpu.memory_space<vmem>>
    %dma_wait3A_436 = arith.constant 0 : i32
    %dma_wait3A_437 = arith.constant 0 : i32
    %dma_wait3A_438 = tpu.memref_slice %arg17[%dma_wait3A_436, %dma_wait3A_437] : memref<10000x128xf32, #tpu.memory_space<vmem_shared>> -> memref<10000x128xf32, #tpu.memory_space<vmem_shared>>
    %dma_wait3A_439 = tpu.memref_slice %arg16[%dma_wait3A_432] : memref<4x!tpu.dma_semaphore, #tpu.memory_space<semaphore_mem>> -> memref<1x!tpu.dma_semaphore, #tpu.memory_space<semaphore_mem>>
    %dma_wait3A_440 = tpu.memref_squeeze %dma_wait3A_439 : memref<1x!tpu.dma_semaphore, #tpu.memory_space<semaphore_mem>> -> memref<!tpu.dma_semaphore, #tpu.memory_space<semaphore_mem>>
    tpu.wait_indirect_dma semaphore(%dma_wait3A_440 : memref<!tpu.dma_semaphore, #tpu.memory_space<semaphore_mem>>) src(%arg11 : memref<80x128xf32, #tpu.memory_space<vmem>>) dst(%dma_wait3A_438 : memref<10000x128xf32, #tpu.memory_space<vmem_shared>>)
    %add3A_441 = arith.constant 9920 : i32
    %add3A_442 = arith.addi %mul3A_4, %add3A_441 : i32
    %dma_wait3A_443 = arith.constant 0 : i32
    %dma_wait3A_444 = arith.constant 0 : i32
    %dma_wait3A_445 = tpu.memref_slice %arg3[%dma_wait3A_444, %add3A_442] : memref<2x320000xi32, #tpu.memory_space<hbm>> -> memref<2x80xi32, #tpu.memory_space<hbm>>
    %dma_wait3A_446 = tpu.memref_slice %arg14[%dma_wait3A_443] : memref<4x!tpu.dma_semaphore, #tpu.memory_space<semaphore_mem>> -> memref<1x!tpu.dma_semaphore, #tpu.memory_space<semaphore_mem>>
    %dma_wait3A_447 = tpu.memref_squeeze %dma_wait3A_446 : memref<1x!tpu.dma_semaphore, #tpu.memory_space<semaphore_mem>> -> memref<!tpu.dma_semaphore, #tpu.memory_space<semaphore_mem>>
    %dma_wait3A_448 = arith.constant 0 : i32
    %dma_wait3A_449 = tpu.memref_slice %arg3[%dma_wait3A_448, %add3A_442] : memref<2x320000xi32, #tpu.memory_space<hbm>> -> memref<2x80xi32, #tpu.memory_space<hbm>>
    tpu.wait_dma2 semaphore(%dma_wait3A_447 : memref<!tpu.dma_semaphore, #tpu.memory_space<semaphore_mem>>) src(%dma_wait3A_449 : memref<2x80xi32, #tpu.memory_space<hbm>>) dst(%arg6 : memref<2x80xi32, #tpu.memory_space<vmem>>)
    %dma_start3A_450 = arith.constant 0 : i32
    %dma_start3A_451 = arith.constant 0 : i32
    %dma_start3A_452 = arith.constant 0 : i32
    %dma_start3A_453 = tpu.memref_slice %arg6[%dma_start3A_450, %dma_start3A_452] : memref<2x80xi32, #tpu.memory_space<vmem>> -> memref<1x80xi32, #tpu.memory_space<vmem>>
    %dma_start3A_454 = tpu.memref_squeeze %dma_start3A_453 : memref<1x80xi32, #tpu.memory_space<vmem>> -> memref<80xi32, #tpu.memory_space<vmem>>
    %dma_start3A_455 = arith.constant 0 : i32
    %dma_start3A_456 = arith.constant 0 : i32
    %dma_start3A_457 = tpu.memref_slice %arg2[%dma_start3A_455, %dma_start3A_456] : memref<10000x128xf32, #tpu.memory_space<hbm>> -> memref<10000x128xf32, #tpu.memory_space<hbm>>
    %dma_start3A_458 = tpu.memref_slice %arg15[%dma_start3A_451] : memref<4x!tpu.dma_semaphore, #tpu.memory_space<semaphore_mem>> -> memref<1x!tpu.dma_semaphore, #tpu.memory_space<semaphore_mem>>
    %dma_start3A_459 = tpu.memref_squeeze %dma_start3A_458 : memref<1x!tpu.dma_semaphore, #tpu.memory_space<semaphore_mem>> -> memref<!tpu.dma_semaphore, #tpu.memory_space<semaphore_mem>>
    tpu.enqueue_indirect_dma source(%dma_start3A_457 : memref<10000x128xf32, #tpu.memory_space<hbm>>) target(%arg10 : memref<80x128xf32, #tpu.memory_space<vmem>>) offsets(%dma_start3A_454 : memref<80xi32, #tpu.memory_space<vmem>>) semaphore(%dma_start3A_459 : memref<!tpu.dma_semaphore, #tpu.memory_space<semaphore_mem>>)
    %dma_wait3A_460 = arith.constant 0 : i32
    %dma_wait3A_461 = arith.constant 3 : i32
    %dma_wait3A_462 = arith.constant 0 : i32
    %dma_wait3A_463 = tpu.memref_slice %arg9[%dma_wait3A_460, %dma_wait3A_462] : memref<2x80xi32, #tpu.memory_space<vmem>> -> memref<1x80xi32, #tpu.memory_space<vmem>>
    %dma_wait3A_464 = tpu.memref_squeeze %dma_wait3A_463 : memref<1x80xi32, #tpu.memory_space<vmem>> -> memref<80xi32, #tpu.memory_space<vmem>>
    %dma_wait3A_465 = arith.constant 0 : i32
    %dma_wait3A_466 = arith.constant 0 : i32
    %dma_wait3A_467 = tpu.memref_slice %arg2[%dma_wait3A_465, %dma_wait3A_466] : memref<10000x128xf32, #tpu.memory_space<hbm>> -> memref<10000x128xf32, #tpu.memory_space<hbm>>
    %dma_wait3A_468 = tpu.memref_slice %arg15[%dma_wait3A_461] : memref<4x!tpu.dma_semaphore, #tpu.memory_space<semaphore_mem>> -> memref<1x!tpu.dma_semaphore, #tpu.memory_space<semaphore_mem>>
    %dma_wait3A_469 = tpu.memref_squeeze %dma_wait3A_468 : memref<1x!tpu.dma_semaphore, #tpu.memory_space<semaphore_mem>> -> memref<!tpu.dma_semaphore, #tpu.memory_space<semaphore_mem>>
    tpu.wait_indirect_dma semaphore(%dma_wait3A_469 : memref<!tpu.dma_semaphore, #tpu.memory_space<semaphore_mem>>) src(%dma_wait3A_467 : memref<10000x128xf32, #tpu.memory_space<hbm>>) dst(%arg13 : memref<80x128xf32, #tpu.memory_space<vmem>>)
    %dma_start3A_470 = arith.constant 1 : i32
    %dma_start3A_471 = arith.constant 3 : i32
    %dma_start3A_472 = arith.constant 0 : i32
    %dma_start3A_473 = tpu.memref_slice %arg9[%dma_start3A_470, %dma_start3A_472] : memref<2x80xi32, #tpu.memory_space<vmem>> -> memref<1x80xi32, #tpu.memory_space<vmem>>
    %dma_start3A_474 = tpu.memref_squeeze %dma_start3A_473 : memref<1x80xi32, #tpu.memory_space<vmem>> -> memref<80xi32, #tpu.memory_space<vmem>>
    %dma_start3A_475 = arith.constant 0 : i32
    %dma_start3A_476 = arith.constant 0 : i32
    %dma_start3A_477 = tpu.memref_slice %arg17[%dma_start3A_475, %dma_start3A_476] : memref<10000x128xf32, #tpu.memory_space<vmem_shared>> -> memref<10000x128xf32, #tpu.memory_space<vmem_shared>>
    %dma_start3A_478 = tpu.memref_slice %arg16[%dma_start3A_471] : memref<4x!tpu.dma_semaphore, #tpu.memory_space<semaphore_mem>> -> memref<1x!tpu.dma_semaphore, #tpu.memory_space<semaphore_mem>>
    %dma_start3A_479 = tpu.memref_squeeze %dma_start3A_478 : memref<1x!tpu.dma_semaphore, #tpu.memory_space<semaphore_mem>> -> memref<!tpu.dma_semaphore, #tpu.memory_space<semaphore_mem>>
    tpu.enqueue_indirect_dma source(%arg13 : memref<80x128xf32, #tpu.memory_space<vmem>>) target(%dma_start3A_477 : memref<10000x128xf32, #tpu.memory_space<vmem_shared>>) offsets(%dma_start3A_474 : memref<80xi32, #tpu.memory_space<vmem>>) semaphore(%dma_start3A_479 : memref<!tpu.dma_semaphore, #tpu.memory_space<semaphore_mem>>) {add = true}
    %dma_wait3A_480 = arith.constant 0 : i32
    %dma_wait3A_481 = arith.constant 0 : i32
    %dma_wait3A_482 = arith.constant 0 : i32
    %dma_wait3A_483 = tpu.memref_slice %arg6[%dma_wait3A_480, %dma_wait3A_482] : memref<2x80xi32, #tpu.memory_space<vmem>> -> memref<1x80xi32, #tpu.memory_space<vmem>>
    %dma_wait3A_484 = tpu.memref_squeeze %dma_wait3A_483 : memref<1x80xi32, #tpu.memory_space<vmem>> -> memref<80xi32, #tpu.memory_space<vmem>>
    %dma_wait3A_485 = arith.constant 0 : i32
    %dma_wait3A_486 = arith.constant 0 : i32
    %dma_wait3A_487 = tpu.memref_slice %arg2[%dma_wait3A_485, %dma_wait3A_486] : memref<10000x128xf32, #tpu.memory_space<hbm>> -> memref<10000x128xf32, #tpu.memory_space<hbm>>
    %dma_wait3A_488 = tpu.memref_slice %arg15[%dma_wait3A_481] : memref<4x!tpu.dma_semaphore, #tpu.memory_space<semaphore_mem>> -> memref<1x!tpu.dma_semaphore, #tpu.memory_space<semaphore_mem>>
    %dma_wait3A_489 = tpu.memref_squeeze %dma_wait3A_488 : memref<1x!tpu.dma_semaphore, #tpu.memory_space<semaphore_mem>> -> memref<!tpu.dma_semaphore, #tpu.memory_space<semaphore_mem>>
    tpu.wait_indirect_dma semaphore(%dma_wait3A_489 : memref<!tpu.dma_semaphore, #tpu.memory_space<semaphore_mem>>) src(%dma_wait3A_487 : memref<10000x128xf32, #tpu.memory_space<hbm>>) dst(%arg10 : memref<80x128xf32, #tpu.memory_space<vmem>>)
    %dma_start3A_490 = arith.constant 1 : i32
    %dma_start3A_491 = arith.constant 0 : i32
    %dma_start3A_492 = arith.constant 0 : i32
    %dma_start3A_493 = tpu.memref_slice %arg6[%dma_start3A_490, %dma_start3A_492] : memref<2x80xi32, #tpu.memory_space<vmem>> -> memref<1x80xi32, #tpu.memory_space<vmem>>
    %dma_start3A_494 = tpu.memref_squeeze %dma_start3A_493 : memref<1x80xi32, #tpu.memory_space<vmem>> -> memref<80xi32, #tpu.memory_space<vmem>>
    %dma_start3A_495 = arith.constant 0 : i32
    %dma_start3A_496 = arith.constant 0 : i32
    %dma_start3A_497 = tpu.memref_slice %arg17[%dma_start3A_495, %dma_start3A_496] : memref<10000x128xf32, #tpu.memory_space<vmem_shared>> -> memref<10000x128xf32, #tpu.memory_space<vmem_shared>>
    %dma_start3A_498 = tpu.memref_slice %arg16[%dma_start3A_491] : memref<4x!tpu.dma_semaphore, #tpu.memory_space<semaphore_mem>> -> memref<1x!tpu.dma_semaphore, #tpu.memory_space<semaphore_mem>>
    %dma_start3A_499 = tpu.memref_squeeze %dma_start3A_498 : memref<1x!tpu.dma_semaphore, #tpu.memory_space<semaphore_mem>> -> memref<!tpu.dma_semaphore, #tpu.memory_space<semaphore_mem>>
    tpu.enqueue_indirect_dma source(%arg10 : memref<80x128xf32, #tpu.memory_space<vmem>>) target(%dma_start3A_497 : memref<10000x128xf32, #tpu.memory_space<vmem_shared>>) offsets(%dma_start3A_494 : memref<80xi32, #tpu.memory_space<vmem>>) semaphore(%dma_start3A_499 : memref<!tpu.dma_semaphore, #tpu.memory_space<semaphore_mem>>) {add = true}
    %dma_wait3A_500 = arith.constant 1 : i32
    %dma_wait3A_501 = arith.constant 2 : i32
    %dma_wait3A_502 = arith.constant 0 : i32
    %dma_wait3A_503 = tpu.memref_slice %arg8[%dma_wait3A_500, %dma_wait3A_502] : memref<2x80xi32, #tpu.memory_space<vmem>> -> memref<1x80xi32, #tpu.memory_space<vmem>>
    %dma_wait3A_504 = tpu.memref_squeeze %dma_wait3A_503 : memref<1x80xi32, #tpu.memory_space<vmem>> -> memref<80xi32, #tpu.memory_space<vmem>>
    %dma_wait3A_505 = arith.constant 0 : i32
    %dma_wait3A_506 = arith.constant 0 : i32
    %dma_wait3A_507 = tpu.memref_slice %arg17[%dma_wait3A_505, %dma_wait3A_506] : memref<10000x128xf32, #tpu.memory_space<vmem_shared>> -> memref<10000x128xf32, #tpu.memory_space<vmem_shared>>
    %dma_wait3A_508 = tpu.memref_slice %arg16[%dma_wait3A_501] : memref<4x!tpu.dma_semaphore, #tpu.memory_space<semaphore_mem>> -> memref<1x!tpu.dma_semaphore, #tpu.memory_space<semaphore_mem>>
    %dma_wait3A_509 = tpu.memref_squeeze %dma_wait3A_508 : memref<1x!tpu.dma_semaphore, #tpu.memory_space<semaphore_mem>> -> memref<!tpu.dma_semaphore, #tpu.memory_space<semaphore_mem>>
    tpu.wait_indirect_dma semaphore(%dma_wait3A_509 : memref<!tpu.dma_semaphore, #tpu.memory_space<semaphore_mem>>) src(%arg12 : memref<80x128xf32, #tpu.memory_space<vmem>>) dst(%dma_wait3A_507 : memref<10000x128xf32, #tpu.memory_space<vmem_shared>>)
    %dma_wait3A_510 = arith.constant 1 : i32
    %dma_wait3A_511 = arith.constant 3 : i32
    %dma_wait3A_512 = arith.constant 0 : i32
    %dma_wait3A_513 = tpu.memref_slice %arg9[%dma_wait3A_510, %dma_wait3A_512] : memref<2x80xi32, #tpu.memory_space<vmem>> -> memref<1x80xi32, #tpu.memory_space<vmem>>
    %dma_wait3A_514 = tpu.memref_squeeze %dma_wait3A_513 : memref<1x80xi32, #tpu.memory_space<vmem>> -> memref<80xi32, #tpu.memory_space<vmem>>
    %dma_wait3A_515 = arith.constant 0 : i32
    %dma_wait3A_516 = arith.constant 0 : i32
    %dma_wait3A_517 = tpu.memref_slice %arg17[%dma_wait3A_515, %dma_wait3A_516] : memref<10000x128xf32, #tpu.memory_space<vmem_shared>> -> memref<10000x128xf32, #tpu.memory_space<vmem_shared>>
    %dma_wait3A_518 = tpu.memref_slice %arg16[%dma_wait3A_511] : memref<4x!tpu.dma_semaphore, #tpu.memory_space<semaphore_mem>> -> memref<1x!tpu.dma_semaphore, #tpu.memory_space<semaphore_mem>>
    %dma_wait3A_519 = tpu.memref_squeeze %dma_wait3A_518 : memref<1x!tpu.dma_semaphore, #tpu.memory_space<semaphore_mem>> -> memref<!tpu.dma_semaphore, #tpu.memory_space<semaphore_mem>>
    tpu.wait_indirect_dma semaphore(%dma_wait3A_519 : memref<!tpu.dma_semaphore, #tpu.memory_space<semaphore_mem>>) src(%arg13 : memref<80x128xf32, #tpu.memory_space<vmem>>) dst(%dma_wait3A_517 : memref<10000x128xf32, #tpu.memory_space<vmem_shared>>)
    %dma_wait3A_520 = arith.constant 1 : i32
    %dma_wait3A_521 = arith.constant 0 : i32
    %dma_wait3A_522 = arith.constant 0 : i32
    %dma_wait3A_523 = tpu.memref_slice %arg6[%dma_wait3A_520, %dma_wait3A_522] : memref<2x80xi32, #tpu.memory_space<vmem>> -> memref<1x80xi32, #tpu.memory_space<vmem>>
    %dma_wait3A_524 = tpu.memref_squeeze %dma_wait3A_523 : memref<1x80xi32, #tpu.memory_space<vmem>> -> memref<80xi32, #tpu.memory_space<vmem>>
    %dma_wait3A_525 = arith.constant 0 : i32
    %dma_wait3A_526 = arith.constant 0 : i32
    %dma_wait3A_527 = tpu.memref_slice %arg17[%dma_wait3A_525, %dma_wait3A_526] : memref<10000x128xf32, #tpu.memory_space<vmem_shared>> -> memref<10000x128xf32, #tpu.memory_space<vmem_shared>>
    %dma_wait3A_528 = tpu.memref_slice %arg16[%dma_wait3A_521] : memref<4x!tpu.dma_semaphore, #tpu.memory_space<semaphore_mem>> -> memref<1x!tpu.dma_semaphore, #tpu.memory_space<semaphore_mem>>
    %dma_wait3A_529 = tpu.memref_squeeze %dma_wait3A_528 : memref<1x!tpu.dma_semaphore, #tpu.memory_space<semaphore_mem>> -> memref<!tpu.dma_semaphore, #tpu.memory_space<semaphore_mem>>
    tpu.wait_indirect_dma semaphore(%dma_wait3A_529 : memref<!tpu.dma_semaphore, #tpu.memory_space<semaphore_mem>>) src(%arg10 : memref<80x128xf32, #tpu.memory_space<vmem>>) dst(%dma_wait3A_527 : memref<10000x128xf32, #tpu.memory_space<vmem_shared>>)
    %barrier3A_530 = arith.constant 0 : index
    tpu.barrier barrier_id(%barrier3A_530)
    %mul3A_531 = arith.constant 625 : i32
    %mul3A_532 = arith.muli %arg1, %mul3A_531 : i32
    %mul3A_533 = arith.constant 625 : i32
    %mul3A_534 = arith.muli %arg1, %mul3A_533 : i32
    "tpu.region"() ({
      %run_scoped3A = tpu.sem_alloc : memref<!tpu.dma_semaphore, #tpu.memory_space<semaphore_mem>>
      %dma_start3A_535 = arith.constant 0 : i32
      %dma_start3A_536 = tpu.memref_slice %arg5[%arg0, %mul3A_534, %dma_start3A_535] : memref<2x10000x128xf32, #tpu.memory_space<hbm>> -> memref<1x625x128xf32, #tpu.memory_space<hbm>>
      %dma_start3A_537 = tpu.memref_squeeze %dma_start3A_536 : memref<1x625x128xf32, #tpu.memory_space<hbm>> -> memref<625x128xf32, #tpu.memory_space<hbm>>
      %dma_start3A_538 = arith.constant 0 : i32
      %dma_start3A_539 = tpu.memref_slice %arg17[%mul3A_532, %dma_start3A_538] : memref<10000x128xf32, #tpu.memory_space<vmem_shared>> -> memref<625x128xf32, #tpu.memory_space<vmem_shared>>
      tpu.enqueue_dma source(%dma_start3A_539 : memref<625x128xf32, #tpu.memory_space<vmem_shared>>) target(%dma_start3A_537 : memref<625x128xf32, #tpu.memory_space<hbm>>) target_semaphore(%run_scoped3A : memref<!tpu.dma_semaphore, #tpu.memory_space<semaphore_mem>>)
      %dma_wait3A_540 = arith.constant 0 : i32
      %dma_wait3A_541 = tpu.memref_slice %arg5[%arg0, %mul3A_534, %dma_wait3A_540] : memref<2x10000x128xf32, #tpu.memory_space<hbm>> -> memref<1x625x128xf32, #tpu.memory_space<hbm>>
      %dma_wait3A_542 = tpu.memref_squeeze %dma_wait3A_541 : memref<1x625x128xf32, #tpu.memory_space<hbm>> -> memref<625x128xf32, #tpu.memory_space<hbm>>
      %dma_wait3A_543 = arith.constant 0 : i32
      %dma_wait3A_544 = tpu.memref_slice %arg17[%mul3A_532, %dma_wait3A_543] : memref<10000x128xf32, #tpu.memory_space<vmem_shared>> -> memref<625x128xf32, #tpu.memory_space<vmem_shared>>
      tpu.wait_dma2 semaphore(%run_scoped3A : memref<!tpu.dma_semaphore, #tpu.memory_space<semaphore_mem>>) src(%dma_wait3A_544 : memref<625x128xf32, #tpu.memory_space<vmem_shared>>) dst(%dma_wait3A_542 : memref<625x128xf32, #tpu.memory_space<hbm>>)
      tpu.yield
    }) : () -> ()
    return
  }
}

#map = affine_map<(d0, d1) -> (0, 0)>
#map1 = affine_map<(d0, d1) -> (0, 0, 0)>
module attributes {stable_mosaic.version = 14 : i64} {
  func.func @agg(%arg0: i32, %arg1: i32, %arg2: memref<10000x136xf32, #tpu.memory_space<hbm>>, %arg3: memref<2x320000xi32, #tpu.memory_space<hbm>>, %arg4: memref<625x136xf32, #tpu.memory_space<hbm>>, %arg5: memref<2x10000x136xf32, #tpu.memory_space<hbm>>, %arg6: memref<2x80xi32, #tpu.memory_space<vmem>>, %arg7: memref<2x80xi32, #tpu.memory_space<vmem>>, %arg8: memref<2x80xi32, #tpu.memory_space<vmem>>, %arg9: memref<2x80xi32, #tpu.memory_space<vmem>>, %arg10: memref<80x136xf32, #tpu.memory_space<vmem>>, %arg11: memref<80x136xf32, #tpu.memory_space<vmem>>, %arg12: memref<80x136xf32, #tpu.memory_space<vmem>>, %arg13: memref<80x136xf32, #tpu.memory_space<vmem>>, %arg14: memref<4x!tpu.dma_semaphore, #tpu.memory_space<semaphore_mem>>, %arg15: memref<4x!tpu.dma_semaphore, #tpu.memory_space<semaphore_mem>>, %arg16: memref<4x!tpu.dma_semaphore, #tpu.memory_space<semaphore_mem>>, %arg17: memref<10000x136xf32, #tpu.memory_space<vmem_shared>>) attributes {dimension_semantics = [#tpu.dimension_semantics<core_parallel>, #tpu.dimension_semantics<subcore_parallel>], iteration_bounds = array<i64: 2, 16>, scalar_prefetch = 0 : i64, scratch_operands = 12 : i64, tpu.core_type = #tpu.core_type<sc_vector_subcore>, window_params = [{transform_indices = #map}, {transform_indices = #map}, {transform_indices = #map}, {transform_indices = #map1}]} {
    %mul3A = arith.constant 2 : i32
    %mul3A_0 = arith.muli %arg1, %mul3A : i32
    %add3A = arith.addi %mul3A_0, %arg0 : i32
    %mul3A_1 = arith.constant 625 : i32
    %mul3A_2 = arith.muli %arg1, %mul3A_1 : i32
    "tpu.region"() ({
      %run_scoped3A = tpu.sem_alloc : memref<!tpu.dma_semaphore, #tpu.memory_space<semaphore_mem>>
      %dma_start3A_535 = arith.constant 0 : i32
      %dma_start3A_536 = tpu.memref_slice %arg17[%mul3A_2, %dma_start3A_535] : memref<10000x136xf32, #tpu.memory_space<vmem_shared>> -> memref<625x136xf32, #tpu.memory_space<vmem_shared>>
      tpu.enqueue_dma source(%arg4 : memref<625x136xf32, #tpu.memory_space<hbm>>) target(%dma_start3A_536 : memref<625x136xf32, #tpu.memory_space<vmem_shared>>) target_semaphore(%run_scoped3A : memref<!tpu.dma_semaphore, #tpu.memory_space<semaphore_mem>>)
      %dma_wait3A_537 = arith.constant 0 : i32
      %dma_wait3A_538 = tpu.memref_slice %arg17[%mul3A_2, %dma_wait3A_537] : memref<10000x136xf32, #tpu.memory_space<vmem_shared>> -> memref<625x136xf32, #tpu.memory_space<vmem_shared>>
      tpu.wait_dma2 semaphore(%run_scoped3A : memref<!tpu.dma_semaphore, #tpu.memory_space<semaphore_mem>>) src(%arg4 : memref<625x136xf32, #tpu.memory_space<hbm>>) dst(%dma_wait3A_538 : memref<625x136xf32, #tpu.memory_space<vmem_shared>>)
      tpu.yield
    }) : () -> ()
    %barrier3A = arith.constant 0 : index
    tpu.barrier barrier_id(%barrier3A)
    %mul3A_3 = arith.constant 10000 : i32
    %mul3A_4 = arith.muli %add3A, %mul3A_3 : i32
    %add3A_5 = arith.constant 0 : i32
    %add3A_6 = arith.addi %mul3A_4, %add3A_5 : i32
    %dma_start3A = arith.constant 0 : i32
    %dma_start3A_7 = arith.constant 0 : i32
    %dma_start3A_8 = tpu.memref_slice %arg3[%dma_start3A_7, %add3A_6] : memref<2x320000xi32, #tpu.memory_space<hbm>> -> memref<2x80xi32, #tpu.memory_space<hbm>>
    %dma_start3A_9 = tpu.memref_slice %arg14[%dma_start3A] : memref<4x!tpu.dma_semaphore, #tpu.memory_space<semaphore_mem>> -> memref<1x!tpu.dma_semaphore, #tpu.memory_space<semaphore_mem>>
    %dma_start3A_10 = tpu.memref_squeeze %dma_start3A_9 : memref<1x!tpu.dma_semaphore, #tpu.memory_space<semaphore_mem>> -> memref<!tpu.dma_semaphore, #tpu.memory_space<semaphore_mem>>
    %dma_start3A_11 = arith.constant 0 : i32
    %dma_start3A_12 = tpu.memref_slice %arg3[%dma_start3A_11, %add3A_6] : memref<2x320000xi32, #tpu.memory_space<hbm>> -> memref<2x80xi32, #tpu.memory_space<hbm>>
    tpu.enqueue_dma source(%dma_start3A_12 : memref<2x80xi32, #tpu.memory_space<hbm>>) target(%arg6 : memref<2x80xi32, #tpu.memory_space<vmem>>) target_semaphore(%dma_start3A_10 : memref<!tpu.dma_semaphore, #tpu.memory_space<semaphore_mem>>)
    %add3A_13 = arith.constant 80 : i32
    %add3A_14 = arith.addi %mul3A_4, %add3A_13 : i32
    %dma_start3A_15 = arith.constant 1 : i32
    %dma_start3A_16 = arith.constant 0 : i32
    %dma_start3A_17 = tpu.memref_slice %arg3[%dma_start3A_16, %add3A_14] : memref<2x320000xi32, #tpu.memory_space<hbm>> -> memref<2x80xi32, #tpu.memory_space<hbm>>
    %dma_start3A_18 = tpu.memref_slice %arg14[%dma_start3A_15] : memref<4x!tpu.dma_semaphore, #tpu.memory_space<semaphore_mem>> -> memref<1x!tpu.dma_semaphore, #tpu.memory_space<semaphore_mem>>
    %dma_start3A_19 = tpu.memref_squeeze %dma_start3A_18 : memref<1x!tpu.dma_semaphore, #tpu.memory_space<semaphore_mem>> -> memref<!tpu.dma_semaphore, #tpu.memory_space<semaphore_mem>>
    %dma_start3A_20 = arith.constant 0 : i32
    %dma_start3A_21 = tpu.memref_slice %arg3[%dma_start3A_20, %add3A_14] : memref<2x320000xi32, #tpu.memory_space<hbm>> -> memref<2x80xi32, #tpu.memory_space<hbm>>
    tpu.enqueue_dma source(%dma_start3A_21 : memref<2x80xi32, #tpu.memory_space<hbm>>) target(%arg7 : memref<2x80xi32, #tpu.memory_space<vmem>>) target_semaphore(%dma_start3A_19 : memref<!tpu.dma_semaphore, #tpu.memory_space<semaphore_mem>>)
    %add3A_22 = arith.constant 0 : i32
    %add3A_23 = arith.addi %mul3A_4, %add3A_22 : i32
    %dma_wait3A = arith.constant 0 : i32
    %dma_wait3A_24 = arith.constant 0 : i32
    %dma_wait3A_25 = tpu.memref_slice %arg3[%dma_wait3A_24, %add3A_23] : memref<2x320000xi32, #tpu.memory_space<hbm>> -> memref<2x80xi32, #tpu.memory_space<hbm>>
    %dma_wait3A_26 = tpu.memref_slice %arg14[%dma_wait3A] : memref<4x!tpu.dma_semaphore, #tpu.memory_space<semaphore_mem>> -> memref<1x!tpu.dma_semaphore, #tpu.memory_space<semaphore_mem>>
    %dma_wait3A_27 = tpu.memref_squeeze %dma_wait3A_26 : memref<1x!tpu.dma_semaphore, #tpu.memory_space<semaphore_mem>> -> memref<!tpu.dma_semaphore, #tpu.memory_space<semaphore_mem>>
    %dma_wait3A_28 = arith.constant 0 : i32
    %dma_wait3A_29 = tpu.memref_slice %arg3[%dma_wait3A_28, %add3A_23] : memref<2x320000xi32, #tpu.memory_space<hbm>> -> memref<2x80xi32, #tpu.memory_space<hbm>>
    tpu.wait_dma2 semaphore(%dma_wait3A_27 : memref<!tpu.dma_semaphore, #tpu.memory_space<semaphore_mem>>) src(%dma_wait3A_29 : memref<2x80xi32, #tpu.memory_space<hbm>>) dst(%arg6 : memref<2x80xi32, #tpu.memory_space<vmem>>)
    %dma_start3A_30 = arith.constant 0 : i32
    %dma_start3A_31 = arith.constant 0 : i32
    %dma_start3A_32 = arith.constant 0 : i32
    %dma_start3A_33 = tpu.memref_slice %arg6[%dma_start3A_30, %dma_start3A_32] : memref<2x80xi32, #tpu.memory_space<vmem>> -> memref<1x80xi32, #tpu.memory_space<vmem>>
    %dma_start3A_34 = tpu.memref_squeeze %dma_start3A_33 : memref<1x80xi32, #tpu.memory_space<vmem>> -> memref<80xi32, #tpu.memory_space<vmem>>
    %dma_start3A_35 = arith.constant 0 : i32
    %dma_start3A_36 = arith.constant 0 : i32
    %dma_start3A_37 = tpu.memref_slice %arg2[%dma_start3A_35, %dma_start3A_36] : memref<10000x136xf32, #tpu.memory_space<hbm>> -> memref<10000x136xf32, #tpu.memory_space<hbm>>
    %dma_start3A_38 = tpu.memref_slice %arg15[%dma_start3A_31] : memref<4x!tpu.dma_semaphore, #tpu.memory_space<semaphore_mem>> -> memref<1x!tpu.dma_semaphore, #tpu.memory_space<semaphore_mem>>
    %dma_start3A_39 = tpu.memref_squeeze %dma_start3A_38 : memref<1x!tpu.dma_semaphore, #tpu.memory_space<semaphore_mem>> -> memref<!tpu.dma_semaphore, #tpu.memory_space<semaphore_mem>>
    tpu.enqueue_indirect_dma source(%dma_start3A_37 : memref<10000x136xf32, #tpu.memory_space<hbm>>) target(%arg10 : memref<80x136xf32, #tpu.memory_space<vmem>>) offsets(%dma_start3A_34 : memref<80xi32, #tpu.memory_space<vmem>>) semaphore(%dma_start3A_39 : memref<!tpu.dma_semaphore, #tpu.memory_space<semaphore_mem>>)
    %add3A_40 = arith.constant 160 : i32
    %add3A_41 = arith.addi %mul3A_4, %add3A_40 : i32
    %dma_start3A_42 = arith.constant 2 : i32
    %dma_start3A_43 = arith.constant 0 : i32
    %dma_start3A_44 = tpu.memref_slice %arg3[%dma_start3A_43, %add3A_41] : memref<2x320000xi32, #tpu.memory_space<hbm>> -> memref<2x80xi32, #tpu.memory_space<hbm>>
    %dma_start3A_45 = tpu.memref_slice %arg14[%dma_start3A_42] : memref<4x!tpu.dma_semaphore, #tpu.memory_space<semaphore_mem>> -> memref<1x!tpu.dma_semaphore, #tpu.memory_space<semaphore_mem>>
    %dma_start3A_46 = tpu.memref_squeeze %dma_start3A_45 : memref<1x!tpu.dma_semaphore, #tpu.memory_space<semaphore_mem>> -> memref<!tpu.dma_semaphore, #tpu.memory_space<semaphore_mem>>
    %dma_start3A_47 = arith.constant 0 : i32
    %dma_start3A_48 = tpu.memref_slice %arg3[%dma_start3A_47, %add3A_41] : memref<2x320000xi32, #tpu.memory_space<hbm>> -> memref<2x80xi32, #tpu.memory_space<hbm>>
    tpu.enqueue_dma source(%dma_start3A_48 : memref<2x80xi32, #tpu.memory_space<hbm>>) target(%arg8 : memref<2x80xi32, #tpu.memory_space<vmem>>) target_semaphore(%dma_start3A_46 : memref<!tpu.dma_semaphore, #tpu.memory_space<semaphore_mem>>)
    %add3A_49 = arith.constant 80 : i32
    %add3A_50 = arith.addi %mul3A_4, %add3A_49 : i32
    %dma_wait3A_51 = arith.constant 1 : i32
    %dma_wait3A_52 = arith.constant 0 : i32
    %dma_wait3A_53 = tpu.memref_slice %arg3[%dma_wait3A_52, %add3A_50] : memref<2x320000xi32, #tpu.memory_space<hbm>> -> memref<2x80xi32, #tpu.memory_space<hbm>>
    %dma_wait3A_54 = tpu.memref_slice %arg14[%dma_wait3A_51] : memref<4x!tpu.dma_semaphore, #tpu.memory_space<semaphore_mem>> -> memref<1x!tpu.dma_semaphore, #tpu.memory_space<semaphore_mem>>
    %dma_wait3A_55 = tpu.memref_squeeze %dma_wait3A_54 : memref<1x!tpu.dma_semaphore, #tpu.memory_space<semaphore_mem>> -> memref<!tpu.dma_semaphore, #tpu.memory_space<semaphore_mem>>
    %dma_wait3A_56 = arith.constant 0 : i32
    %dma_wait3A_57 = tpu.memref_slice %arg3[%dma_wait3A_56, %add3A_50] : memref<2x320000xi32, #tpu.memory_space<hbm>> -> memref<2x80xi32, #tpu.memory_space<hbm>>
    tpu.wait_dma2 semaphore(%dma_wait3A_55 : memref<!tpu.dma_semaphore, #tpu.memory_space<semaphore_mem>>) src(%dma_wait3A_57 : memref<2x80xi32, #tpu.memory_space<hbm>>) dst(%arg7 : memref<2x80xi32, #tpu.memory_space<vmem>>)
    %dma_start3A_58 = arith.constant 0 : i32
    %dma_start3A_59 = arith.constant 1 : i32
    %dma_start3A_60 = arith.constant 0 : i32
    %dma_start3A_61 = tpu.memref_slice %arg7[%dma_start3A_58, %dma_start3A_60] : memref<2x80xi32, #tpu.memory_space<vmem>> -> memref<1x80xi32, #tpu.memory_space<vmem>>
    %dma_start3A_62 = tpu.memref_squeeze %dma_start3A_61 : memref<1x80xi32, #tpu.memory_space<vmem>> -> memref<80xi32, #tpu.memory_space<vmem>>
    %dma_start3A_63 = arith.constant 0 : i32
    %dma_start3A_64 = arith.constant 0 : i32
    %dma_start3A_65 = tpu.memref_slice %arg2[%dma_start3A_63, %dma_start3A_64] : memref<10000x136xf32, #tpu.memory_space<hbm>> -> memref<10000x136xf32, #tpu.memory_space<hbm>>
    %dma_start3A_66 = tpu.memref_slice %arg15[%dma_start3A_59] : memref<4x!tpu.dma_semaphore, #tpu.memory_space<semaphore_mem>> -> memref<1x!tpu.dma_semaphore, #tpu.memory_space<semaphore_mem>>
    %dma_start3A_67 = tpu.memref_squeeze %dma_start3A_66 : memref<1x!tpu.dma_semaphore, #tpu.memory_space<semaphore_mem>> -> memref<!tpu.dma_semaphore, #tpu.memory_space<semaphore_mem>>
    tpu.enqueue_indirect_dma source(%dma_start3A_65 : memref<10000x136xf32, #tpu.memory_space<hbm>>) target(%arg11 : memref<80x136xf32, #tpu.memory_space<vmem>>) offsets(%dma_start3A_62 : memref<80xi32, #tpu.memory_space<vmem>>) semaphore(%dma_start3A_67 : memref<!tpu.dma_semaphore, #tpu.memory_space<semaphore_mem>>)
    %dma_wait3A_68 = arith.constant 0 : i32
    %dma_wait3A_69 = arith.constant 0 : i32
    %dma_wait3A_70 = arith.constant 0 : i32
    %dma_wait3A_71 = tpu.memref_slice %arg6[%dma_wait3A_68, %dma_wait3A_70] : memref<2x80xi32, #tpu.memory_space<vmem>> -> memref<1x80xi32, #tpu.memory_space<vmem>>
    %dma_wait3A_72 = tpu.memref_squeeze %dma_wait3A_71 : memref<1x80xi32, #tpu.memory_space<vmem>> -> memref<80xi32, #tpu.memory_space<vmem>>
    %dma_wait3A_73 = arith.constant 0 : i32
    %dma_wait3A_74 = arith.constant 0 : i32
    %dma_wait3A_75 = tpu.memref_slice %arg2[%dma_wait3A_73, %dma_wait3A_74] : memref<10000x136xf32, #tpu.memory_space<hbm>> -> memref<10000x136xf32, #tpu.memory_space<hbm>>
    %dma_wait3A_76 = tpu.memref_slice %arg15[%dma_wait3A_69] : memref<4x!tpu.dma_semaphore, #tpu.memory_space<semaphore_mem>> -> memref<1x!tpu.dma_semaphore, #tpu.memory_space<semaphore_mem>>
    %dma_wait3A_77 = tpu.memref_squeeze %dma_wait3A_76 : memref<1x!tpu.dma_semaphore, #tpu.memory_space<semaphore_mem>> -> memref<!tpu.dma_semaphore, #tpu.memory_space<semaphore_mem>>
    tpu.wait_indirect_dma semaphore(%dma_wait3A_77 : memref<!tpu.dma_semaphore, #tpu.memory_space<semaphore_mem>>) src(%dma_wait3A_75 : memref<10000x136xf32, #tpu.memory_space<hbm>>) dst(%arg10 : memref<80x136xf32, #tpu.memory_space<vmem>>)
    %dma_start3A_78 = arith.constant 1 : i32
    %dma_start3A_79 = arith.constant 0 : i32
    %dma_start3A_80 = arith.constant 0 : i32
    %dma_start3A_81 = tpu.memref_slice %arg6[%dma_start3A_78, %dma_start3A_80] : memref<2x80xi32, #tpu.memory_space<vmem>> -> memref<1x80xi32, #tpu.memory_space<vmem>>
    %dma_start3A_82 = tpu.memref_squeeze %dma_start3A_81 : memref<1x80xi32, #tpu.memory_space<vmem>> -> memref<80xi32, #tpu.memory_space<vmem>>
    %dma_start3A_83 = arith.constant 0 : i32
    %dma_start3A_84 = arith.constant 0 : i32
    %dma_start3A_85 = tpu.memref_slice %arg17[%dma_start3A_83, %dma_start3A_84] : memref<10000x136xf32, #tpu.memory_space<vmem_shared>> -> memref<10000x136xf32, #tpu.memory_space<vmem_shared>>
    %dma_start3A_86 = tpu.memref_slice %arg16[%dma_start3A_79] : memref<4x!tpu.dma_semaphore, #tpu.memory_space<semaphore_mem>> -> memref<1x!tpu.dma_semaphore, #tpu.memory_space<semaphore_mem>>
    %dma_start3A_87 = tpu.memref_squeeze %dma_start3A_86 : memref<1x!tpu.dma_semaphore, #tpu.memory_space<semaphore_mem>> -> memref<!tpu.dma_semaphore, #tpu.memory_space<semaphore_mem>>
    tpu.enqueue_indirect_dma source(%arg10 : memref<80x136xf32, #tpu.memory_space<vmem>>) target(%dma_start3A_85 : memref<10000x136xf32, #tpu.memory_space<vmem_shared>>) offsets(%dma_start3A_82 : memref<80xi32, #tpu.memory_space<vmem>>) semaphore(%dma_start3A_87 : memref<!tpu.dma_semaphore, #tpu.memory_space<semaphore_mem>>) {add = true}
    %add3A_88 = arith.constant 240 : i32
    %add3A_89 = arith.addi %mul3A_4, %add3A_88 : i32
    %dma_start3A_90 = arith.constant 3 : i32
    %dma_start3A_91 = arith.constant 0 : i32
    %dma_start3A_92 = tpu.memref_slice %arg3[%dma_start3A_91, %add3A_89] : memref<2x320000xi32, #tpu.memory_space<hbm>> -> memref<2x80xi32, #tpu.memory_space<hbm>>
    %dma_start3A_93 = tpu.memref_slice %arg14[%dma_start3A_90] : memref<4x!tpu.dma_semaphore, #tpu.memory_space<semaphore_mem>> -> memref<1x!tpu.dma_semaphore, #tpu.memory_space<semaphore_mem>>
    %dma_start3A_94 = tpu.memref_squeeze %dma_start3A_93 : memref<1x!tpu.dma_semaphore, #tpu.memory_space<semaphore_mem>> -> memref<!tpu.dma_semaphore, #tpu.memory_space<semaphore_mem>>
    %dma_start3A_95 = arith.constant 0 : i32
    %dma_start3A_96 = tpu.memref_slice %arg3[%dma_start3A_95, %add3A_89] : memref<2x320000xi32, #tpu.memory_space<hbm>> -> memref<2x80xi32, #tpu.memory_space<hbm>>
    tpu.enqueue_dma source(%dma_start3A_96 : memref<2x80xi32, #tpu.memory_space<hbm>>) target(%arg9 : memref<2x80xi32, #tpu.memory_space<vmem>>) target_semaphore(%dma_start3A_94 : memref<!tpu.dma_semaphore, #tpu.memory_space<semaphore_mem>>)
    %add3A_97 = arith.constant 160 : i32
    %add3A_98 = arith.addi %mul3A_4, %add3A_97 : i32
    %dma_wait3A_99 = arith.constant 2 : i32
    %dma_wait3A_100 = arith.constant 0 : i32
    %dma_wait3A_101 = tpu.memref_slice %arg3[%dma_wait3A_100, %add3A_98] : memref<2x320000xi32, #tpu.memory_space<hbm>> -> memref<2x80xi32, #tpu.memory_space<hbm>>
    %dma_wait3A_102 = tpu.memref_slice %arg14[%dma_wait3A_99] : memref<4x!tpu.dma_semaphore, #tpu.memory_space<semaphore_mem>> -> memref<1x!tpu.dma_semaphore, #tpu.memory_space<semaphore_mem>>
    %dma_wait3A_103 = tpu.memref_squeeze %dma_wait3A_102 : memref<1x!tpu.dma_semaphore, #tpu.memory_space<semaphore_mem>> -> memref<!tpu.dma_semaphore, #tpu.memory_space<semaphore_mem>>
    %dma_wait3A_104 = arith.constant 0 : i32
    %dma_wait3A_105 = tpu.memref_slice %arg3[%dma_wait3A_104, %add3A_98] : memref<2x320000xi32, #tpu.memory_space<hbm>> -> memref<2x80xi32, #tpu.memory_space<hbm>>
    tpu.wait_dma2 semaphore(%dma_wait3A_103 : memref<!tpu.dma_semaphore, #tpu.memory_space<semaphore_mem>>) src(%dma_wait3A_105 : memref<2x80xi32, #tpu.memory_space<hbm>>) dst(%arg8 : memref<2x80xi32, #tpu.memory_space<vmem>>)
    %dma_start3A_106 = arith.constant 0 : i32
    %dma_start3A_107 = arith.constant 2 : i32
    %dma_start3A_108 = arith.constant 0 : i32
    %dma_start3A_109 = tpu.memref_slice %arg8[%dma_start3A_106, %dma_start3A_108] : memref<2x80xi32, #tpu.memory_space<vmem>> -> memref<1x80xi32, #tpu.memory_space<vmem>>
    %dma_start3A_110 = tpu.memref_squeeze %dma_start3A_109 : memref<1x80xi32, #tpu.memory_space<vmem>> -> memref<80xi32, #tpu.memory_space<vmem>>
    %dma_start3A_111 = arith.constant 0 : i32
    %dma_start3A_112 = arith.constant 0 : i32
    %dma_start3A_113 = tpu.memref_slice %arg2[%dma_start3A_111, %dma_start3A_112] : memref<10000x136xf32, #tpu.memory_space<hbm>> -> memref<10000x136xf32, #tpu.memory_space<hbm>>
    %dma_start3A_114 = tpu.memref_slice %arg15[%dma_start3A_107] : memref<4x!tpu.dma_semaphore, #tpu.memory_space<semaphore_mem>> -> memref<1x!tpu.dma_semaphore, #tpu.memory_space<semaphore_mem>>
    %dma_start3A_115 = tpu.memref_squeeze %dma_start3A_114 : memref<1x!tpu.dma_semaphore, #tpu.memory_space<semaphore_mem>> -> memref<!tpu.dma_semaphore, #tpu.memory_space<semaphore_mem>>
    tpu.enqueue_indirect_dma source(%dma_start3A_113 : memref<10000x136xf32, #tpu.memory_space<hbm>>) target(%arg12 : memref<80x136xf32, #tpu.memory_space<vmem>>) offsets(%dma_start3A_110 : memref<80xi32, #tpu.memory_space<vmem>>) semaphore(%dma_start3A_115 : memref<!tpu.dma_semaphore, #tpu.memory_space<semaphore_mem>>)
    %dma_wait3A_116 = arith.constant 0 : i32
    %dma_wait3A_117 = arith.constant 1 : i32
    %dma_wait3A_118 = arith.constant 0 : i32
    %dma_wait3A_119 = tpu.memref_slice %arg7[%dma_wait3A_116, %dma_wait3A_118] : memref<2x80xi32, #tpu.memory_space<vmem>> -> memref<1x80xi32, #tpu.memory_space<vmem>>
    %dma_wait3A_120 = tpu.memref_squeeze %dma_wait3A_119 : memref<1x80xi32, #tpu.memory_space<vmem>> -> memref<80xi32, #tpu.memory_space<vmem>>
    %dma_wait3A_121 = arith.constant 0 : i32
    %dma_wait3A_122 = arith.constant 0 : i32
    %dma_wait3A_123 = tpu.memref_slice %arg2[%dma_wait3A_121, %dma_wait3A_122] : memref<10000x136xf32, #tpu.memory_space<hbm>> -> memref<10000x136xf32, #tpu.memory_space<hbm>>
    %dma_wait3A_124 = tpu.memref_slice %arg15[%dma_wait3A_117] : memref<4x!tpu.dma_semaphore, #tpu.memory_space<semaphore_mem>> -> memref<1x!tpu.dma_semaphore, #tpu.memory_space<semaphore_mem>>
    %dma_wait3A_125 = tpu.memref_squeeze %dma_wait3A_124 : memref<1x!tpu.dma_semaphore, #tpu.memory_space<semaphore_mem>> -> memref<!tpu.dma_semaphore, #tpu.memory_space<semaphore_mem>>
    tpu.wait_indirect_dma semaphore(%dma_wait3A_125 : memref<!tpu.dma_semaphore, #tpu.memory_space<semaphore_mem>>) src(%dma_wait3A_123 : memref<10000x136xf32, #tpu.memory_space<hbm>>) dst(%arg11 : memref<80x136xf32, #tpu.memory_space<vmem>>)
    %dma_start3A_126 = arith.constant 1 : i32
    %dma_start3A_127 = arith.constant 1 : i32
    %dma_start3A_128 = arith.constant 0 : i32
    %dma_start3A_129 = tpu.memref_slice %arg7[%dma_start3A_126, %dma_start3A_128] : memref<2x80xi32, #tpu.memory_space<vmem>> -> memref<1x80xi32, #tpu.memory_space<vmem>>
    %dma_start3A_130 = tpu.memref_squeeze %dma_start3A_129 : memref<1x80xi32, #tpu.memory_space<vmem>> -> memref<80xi32, #tpu.memory_space<vmem>>
    %dma_start3A_131 = arith.constant 0 : i32
    %dma_start3A_132 = arith.constant 0 : i32
    %dma_start3A_133 = tpu.memref_slice %arg17[%dma_start3A_131, %dma_start3A_132] : memref<10000x136xf32, #tpu.memory_space<vmem_shared>> -> memref<10000x136xf32, #tpu.memory_space<vmem_shared>>
    %dma_start3A_134 = tpu.memref_slice %arg16[%dma_start3A_127] : memref<4x!tpu.dma_semaphore, #tpu.memory_space<semaphore_mem>> -> memref<1x!tpu.dma_semaphore, #tpu.memory_space<semaphore_mem>>
    %dma_start3A_135 = tpu.memref_squeeze %dma_start3A_134 : memref<1x!tpu.dma_semaphore, #tpu.memory_space<semaphore_mem>> -> memref<!tpu.dma_semaphore, #tpu.memory_space<semaphore_mem>>
    tpu.enqueue_indirect_dma source(%arg11 : memref<80x136xf32, #tpu.memory_space<vmem>>) target(%dma_start3A_133 : memref<10000x136xf32, #tpu.memory_space<vmem_shared>>) offsets(%dma_start3A_130 : memref<80xi32, #tpu.memory_space<vmem>>) semaphore(%dma_start3A_135 : memref<!tpu.dma_semaphore, #tpu.memory_space<semaphore_mem>>) {add = true}
    %dma_wait3A_136 = arith.constant 1 : i32
    %dma_wait3A_137 = arith.constant 0 : i32
    %dma_wait3A_138 = arith.constant 0 : i32
    %dma_wait3A_139 = tpu.memref_slice %arg6[%dma_wait3A_136, %dma_wait3A_138] : memref<2x80xi32, #tpu.memory_space<vmem>> -> memref<1x80xi32, #tpu.memory_space<vmem>>
    %dma_wait3A_140 = tpu.memref_squeeze %dma_wait3A_139 : memref<1x80xi32, #tpu.memory_space<vmem>> -> memref<80xi32, #tpu.memory_space<vmem>>
    %dma_wait3A_141 = arith.constant 0 : i32
    %dma_wait3A_142 = arith.constant 0 : i32
    %dma_wait3A_143 = tpu.memref_slice %arg17[%dma_wait3A_141, %dma_wait3A_142] : memref<10000x136xf32, #tpu.memory_space<vmem_shared>> -> memref<10000x136xf32, #tpu.memory_space<vmem_shared>>
    %dma_wait3A_144 = tpu.memref_slice %arg16[%dma_wait3A_137] : memref<4x!tpu.dma_semaphore, #tpu.memory_space<semaphore_mem>> -> memref<1x!tpu.dma_semaphore, #tpu.memory_space<semaphore_mem>>
    %dma_wait3A_145 = tpu.memref_squeeze %dma_wait3A_144 : memref<1x!tpu.dma_semaphore, #tpu.memory_space<semaphore_mem>> -> memref<!tpu.dma_semaphore, #tpu.memory_space<semaphore_mem>>
    tpu.wait_indirect_dma semaphore(%dma_wait3A_145 : memref<!tpu.dma_semaphore, #tpu.memory_space<semaphore_mem>>) src(%arg10 : memref<80x136xf32, #tpu.memory_space<vmem>>) dst(%dma_wait3A_143 : memref<10000x136xf32, #tpu.memory_space<vmem_shared>>)
    %add3A_146 = arith.constant 320 : i32
    %add3A_147 = arith.addi %mul3A_4, %add3A_146 : i32
    %dma_start3A_148 = arith.constant 0 : i32
    %dma_start3A_149 = arith.constant 0 : i32
    %dma_start3A_150 = tpu.memref_slice %arg3[%dma_start3A_149, %add3A_147] : memref<2x320000xi32, #tpu.memory_space<hbm>> -> memref<2x80xi32, #tpu.memory_space<hbm>>
    %dma_start3A_151 = tpu.memref_slice %arg14[%dma_start3A_148] : memref<4x!tpu.dma_semaphore, #tpu.memory_space<semaphore_mem>> -> memref<1x!tpu.dma_semaphore, #tpu.memory_space<semaphore_mem>>
    %dma_start3A_152 = tpu.memref_squeeze %dma_start3A_151 : memref<1x!tpu.dma_semaphore, #tpu.memory_space<semaphore_mem>> -> memref<!tpu.dma_semaphore, #tpu.memory_space<semaphore_mem>>
    %dma_start3A_153 = arith.constant 0 : i32
    %dma_start3A_154 = tpu.memref_slice %arg3[%dma_start3A_153, %add3A_147] : memref<2x320000xi32, #tpu.memory_space<hbm>> -> memref<2x80xi32, #tpu.memory_space<hbm>>
    tpu.enqueue_dma source(%dma_start3A_154 : memref<2x80xi32, #tpu.memory_space<hbm>>) target(%arg6 : memref<2x80xi32, #tpu.memory_space<vmem>>) target_semaphore(%dma_start3A_152 : memref<!tpu.dma_semaphore, #tpu.memory_space<semaphore_mem>>)
    %add3A_155 = arith.constant 240 : i32
    %add3A_156 = arith.addi %mul3A_4, %add3A_155 : i32
    %dma_wait3A_157 = arith.constant 3 : i32
    %dma_wait3A_158 = arith.constant 0 : i32
    %dma_wait3A_159 = tpu.memref_slice %arg3[%dma_wait3A_158, %add3A_156] : memref<2x320000xi32, #tpu.memory_space<hbm>> -> memref<2x80xi32, #tpu.memory_space<hbm>>
    %dma_wait3A_160 = tpu.memref_slice %arg14[%dma_wait3A_157] : memref<4x!tpu.dma_semaphore, #tpu.memory_space<semaphore_mem>> -> memref<1x!tpu.dma_semaphore, #tpu.memory_space<semaphore_mem>>
    %dma_wait3A_161 = tpu.memref_squeeze %dma_wait3A_160 : memref<1x!tpu.dma_semaphore, #tpu.memory_space<semaphore_mem>> -> memref<!tpu.dma_semaphore, #tpu.memory_space<semaphore_mem>>
    %dma_wait3A_162 = arith.constant 0 : i32
    %dma_wait3A_163 = tpu.memref_slice %arg3[%dma_wait3A_162, %add3A_156] : memref<2x320000xi32, #tpu.memory_space<hbm>> -> memref<2x80xi32, #tpu.memory_space<hbm>>
    tpu.wait_dma2 semaphore(%dma_wait3A_161 : memref<!tpu.dma_semaphore, #tpu.memory_space<semaphore_mem>>) src(%dma_wait3A_163 : memref<2x80xi32, #tpu.memory_space<hbm>>) dst(%arg9 : memref<2x80xi32, #tpu.memory_space<vmem>>)
    %dma_start3A_164 = arith.constant 0 : i32
    %dma_start3A_165 = arith.constant 3 : i32
    %dma_start3A_166 = arith.constant 0 : i32
    %dma_start3A_167 = tpu.memref_slice %arg9[%dma_start3A_164, %dma_start3A_166] : memref<2x80xi32, #tpu.memory_space<vmem>> -> memref<1x80xi32, #tpu.memory_space<vmem>>
    %dma_start3A_168 = tpu.memref_squeeze %dma_start3A_167 : memref<1x80xi32, #tpu.memory_space<vmem>> -> memref<80xi32, #tpu.memory_space<vmem>>
    %dma_start3A_169 = arith.constant 0 : i32
    %dma_start3A_170 = arith.constant 0 : i32
    %dma_start3A_171 = tpu.memref_slice %arg2[%dma_start3A_169, %dma_start3A_170] : memref<10000x136xf32, #tpu.memory_space<hbm>> -> memref<10000x136xf32, #tpu.memory_space<hbm>>
    %dma_start3A_172 = tpu.memref_slice %arg15[%dma_start3A_165] : memref<4x!tpu.dma_semaphore, #tpu.memory_space<semaphore_mem>> -> memref<1x!tpu.dma_semaphore, #tpu.memory_space<semaphore_mem>>
    %dma_start3A_173 = tpu.memref_squeeze %dma_start3A_172 : memref<1x!tpu.dma_semaphore, #tpu.memory_space<semaphore_mem>> -> memref<!tpu.dma_semaphore, #tpu.memory_space<semaphore_mem>>
    tpu.enqueue_indirect_dma source(%dma_start3A_171 : memref<10000x136xf32, #tpu.memory_space<hbm>>) target(%arg13 : memref<80x136xf32, #tpu.memory_space<vmem>>) offsets(%dma_start3A_168 : memref<80xi32, #tpu.memory_space<vmem>>) semaphore(%dma_start3A_173 : memref<!tpu.dma_semaphore, #tpu.memory_space<semaphore_mem>>)
    %dma_wait3A_174 = arith.constant 0 : i32
    %dma_wait3A_175 = arith.constant 2 : i32
    %dma_wait3A_176 = arith.constant 0 : i32
    %dma_wait3A_177 = tpu.memref_slice %arg8[%dma_wait3A_174, %dma_wait3A_176] : memref<2x80xi32, #tpu.memory_space<vmem>> -> memref<1x80xi32, #tpu.memory_space<vmem>>
    %dma_wait3A_178 = tpu.memref_squeeze %dma_wait3A_177 : memref<1x80xi32, #tpu.memory_space<vmem>> -> memref<80xi32, #tpu.memory_space<vmem>>
    %dma_wait3A_179 = arith.constant 0 : i32
    %dma_wait3A_180 = arith.constant 0 : i32
    %dma_wait3A_181 = tpu.memref_slice %arg2[%dma_wait3A_179, %dma_wait3A_180] : memref<10000x136xf32, #tpu.memory_space<hbm>> -> memref<10000x136xf32, #tpu.memory_space<hbm>>
    %dma_wait3A_182 = tpu.memref_slice %arg15[%dma_wait3A_175] : memref<4x!tpu.dma_semaphore, #tpu.memory_space<semaphore_mem>> -> memref<1x!tpu.dma_semaphore, #tpu.memory_space<semaphore_mem>>
    %dma_wait3A_183 = tpu.memref_squeeze %dma_wait3A_182 : memref<1x!tpu.dma_semaphore, #tpu.memory_space<semaphore_mem>> -> memref<!tpu.dma_semaphore, #tpu.memory_space<semaphore_mem>>
    tpu.wait_indirect_dma semaphore(%dma_wait3A_183 : memref<!tpu.dma_semaphore, #tpu.memory_space<semaphore_mem>>) src(%dma_wait3A_181 : memref<10000x136xf32, #tpu.memory_space<hbm>>) dst(%arg12 : memref<80x136xf32, #tpu.memory_space<vmem>>)
    %dma_start3A_184 = arith.constant 1 : i32
    %dma_start3A_185 = arith.constant 2 : i32
    %dma_start3A_186 = arith.constant 0 : i32
    %dma_start3A_187 = tpu.memref_slice %arg8[%dma_start3A_184, %dma_start3A_186] : memref<2x80xi32, #tpu.memory_space<vmem>> -> memref<1x80xi32, #tpu.memory_space<vmem>>
    %dma_start3A_188 = tpu.memref_squeeze %dma_start3A_187 : memref<1x80xi32, #tpu.memory_space<vmem>> -> memref<80xi32, #tpu.memory_space<vmem>>
    %dma_start3A_189 = arith.constant 0 : i32
    %dma_start3A_190 = arith.constant 0 : i32
    %dma_start3A_191 = tpu.memref_slice %arg17[%dma_start3A_189, %dma_start3A_190] : memref<10000x136xf32, #tpu.memory_space<vmem_shared>> -> memref<10000x136xf32, #tpu.memory_space<vmem_shared>>
    %dma_start3A_192 = tpu.memref_slice %arg16[%dma_start3A_185] : memref<4x!tpu.dma_semaphore, #tpu.memory_space<semaphore_mem>> -> memref<1x!tpu.dma_semaphore, #tpu.memory_space<semaphore_mem>>
    %dma_start3A_193 = tpu.memref_squeeze %dma_start3A_192 : memref<1x!tpu.dma_semaphore, #tpu.memory_space<semaphore_mem>> -> memref<!tpu.dma_semaphore, #tpu.memory_space<semaphore_mem>>
    tpu.enqueue_indirect_dma source(%arg12 : memref<80x136xf32, #tpu.memory_space<vmem>>) target(%dma_start3A_191 : memref<10000x136xf32, #tpu.memory_space<vmem_shared>>) offsets(%dma_start3A_188 : memref<80xi32, #tpu.memory_space<vmem>>) semaphore(%dma_start3A_193 : memref<!tpu.dma_semaphore, #tpu.memory_space<semaphore_mem>>) {add = true}
    %dma_wait3A_194 = arith.constant 1 : i32
    %dma_wait3A_195 = arith.constant 1 : i32
    %dma_wait3A_196 = arith.constant 0 : i32
    %dma_wait3A_197 = tpu.memref_slice %arg7[%dma_wait3A_194, %dma_wait3A_196] : memref<2x80xi32, #tpu.memory_space<vmem>> -> memref<1x80xi32, #tpu.memory_space<vmem>>
    %dma_wait3A_198 = tpu.memref_squeeze %dma_wait3A_197 : memref<1x80xi32, #tpu.memory_space<vmem>> -> memref<80xi32, #tpu.memory_space<vmem>>
    %dma_wait3A_199 = arith.constant 0 : i32
    %dma_wait3A_200 = arith.constant 0 : i32
    %dma_wait3A_201 = tpu.memref_slice %arg17[%dma_wait3A_199, %dma_wait3A_200] : memref<10000x136xf32, #tpu.memory_space<vmem_shared>> -> memref<10000x136xf32, #tpu.memory_space<vmem_shared>>
    %dma_wait3A_202 = tpu.memref_slice %arg16[%dma_wait3A_195] : memref<4x!tpu.dma_semaphore, #tpu.memory_space<semaphore_mem>> -> memref<1x!tpu.dma_semaphore, #tpu.memory_space<semaphore_mem>>
    %dma_wait3A_203 = tpu.memref_squeeze %dma_wait3A_202 : memref<1x!tpu.dma_semaphore, #tpu.memory_space<semaphore_mem>> -> memref<!tpu.dma_semaphore, #tpu.memory_space<semaphore_mem>>
    tpu.wait_indirect_dma semaphore(%dma_wait3A_203 : memref<!tpu.dma_semaphore, #tpu.memory_space<semaphore_mem>>) src(%arg11 : memref<80x136xf32, #tpu.memory_space<vmem>>) dst(%dma_wait3A_201 : memref<10000x136xf32, #tpu.memory_space<vmem_shared>>)
    %add3A_204 = arith.constant 400 : i32
    %add3A_205 = arith.addi %mul3A_4, %add3A_204 : i32
    %dma_start3A_206 = arith.constant 1 : i32
    %dma_start3A_207 = arith.constant 0 : i32
    %dma_start3A_208 = tpu.memref_slice %arg3[%dma_start3A_207, %add3A_205] : memref<2x320000xi32, #tpu.memory_space<hbm>> -> memref<2x80xi32, #tpu.memory_space<hbm>>
    %dma_start3A_209 = tpu.memref_slice %arg14[%dma_start3A_206] : memref<4x!tpu.dma_semaphore, #tpu.memory_space<semaphore_mem>> -> memref<1x!tpu.dma_semaphore, #tpu.memory_space<semaphore_mem>>
    %dma_start3A_210 = tpu.memref_squeeze %dma_start3A_209 : memref<1x!tpu.dma_semaphore, #tpu.memory_space<semaphore_mem>> -> memref<!tpu.dma_semaphore, #tpu.memory_space<semaphore_mem>>
    %dma_start3A_211 = arith.constant 0 : i32
    %dma_start3A_212 = tpu.memref_slice %arg3[%dma_start3A_211, %add3A_205] : memref<2x320000xi32, #tpu.memory_space<hbm>> -> memref<2x80xi32, #tpu.memory_space<hbm>>
    tpu.enqueue_dma source(%dma_start3A_212 : memref<2x80xi32, #tpu.memory_space<hbm>>) target(%arg7 : memref<2x80xi32, #tpu.memory_space<vmem>>) target_semaphore(%dma_start3A_210 : memref<!tpu.dma_semaphore, #tpu.memory_space<semaphore_mem>>)
    %add3A_213 = arith.constant 320 : i32
    %add3A_214 = arith.addi %mul3A_4, %add3A_213 : i32
    %dma_wait3A_215 = arith.constant 0 : i32
    %dma_wait3A_216 = arith.constant 0 : i32
    %dma_wait3A_217 = tpu.memref_slice %arg3[%dma_wait3A_216, %add3A_214] : memref<2x320000xi32, #tpu.memory_space<hbm>> -> memref<2x80xi32, #tpu.memory_space<hbm>>
    %dma_wait3A_218 = tpu.memref_slice %arg14[%dma_wait3A_215] : memref<4x!tpu.dma_semaphore, #tpu.memory_space<semaphore_mem>> -> memref<1x!tpu.dma_semaphore, #tpu.memory_space<semaphore_mem>>
    %dma_wait3A_219 = tpu.memref_squeeze %dma_wait3A_218 : memref<1x!tpu.dma_semaphore, #tpu.memory_space<semaphore_mem>> -> memref<!tpu.dma_semaphore, #tpu.memory_space<semaphore_mem>>
    %dma_wait3A_220 = arith.constant 0 : i32
    %dma_wait3A_221 = tpu.memref_slice %arg3[%dma_wait3A_220, %add3A_214] : memref<2x320000xi32, #tpu.memory_space<hbm>> -> memref<2x80xi32, #tpu.memory_space<hbm>>
    tpu.wait_dma2 semaphore(%dma_wait3A_219 : memref<!tpu.dma_semaphore, #tpu.memory_space<semaphore_mem>>) src(%dma_wait3A_221 : memref<2x80xi32, #tpu.memory_space<hbm>>) dst(%arg6 : memref<2x80xi32, #tpu.memory_space<vmem>>)
    %dma_start3A_222 = arith.constant 0 : i32
    %dma_start3A_223 = arith.constant 0 : i32
    %dma_start3A_224 = arith.constant 0 : i32
    %dma_start3A_225 = tpu.memref_slice %arg6[%dma_start3A_222, %dma_start3A_224] : memref<2x80xi32, #tpu.memory_space<vmem>> -> memref<1x80xi32, #tpu.memory_space<vmem>>
    %dma_start3A_226 = tpu.memref_squeeze %dma_start3A_225 : memref<1x80xi32, #tpu.memory_space<vmem>> -> memref<80xi32, #tpu.memory_space<vmem>>
    %dma_start3A_227 = arith.constant 0 : i32
    %dma_start3A_228 = arith.constant 0 : i32
    %dma_start3A_229 = tpu.memref_slice %arg2[%dma_start3A_227, %dma_start3A_228] : memref<10000x136xf32, #tpu.memory_space<hbm>> -> memref<10000x136xf32, #tpu.memory_space<hbm>>
    %dma_start3A_230 = tpu.memref_slice %arg15[%dma_start3A_223] : memref<4x!tpu.dma_semaphore, #tpu.memory_space<semaphore_mem>> -> memref<1x!tpu.dma_semaphore, #tpu.memory_space<semaphore_mem>>
    %dma_start3A_231 = tpu.memref_squeeze %dma_start3A_230 : memref<1x!tpu.dma_semaphore, #tpu.memory_space<semaphore_mem>> -> memref<!tpu.dma_semaphore, #tpu.memory_space<semaphore_mem>>
    tpu.enqueue_indirect_dma source(%dma_start3A_229 : memref<10000x136xf32, #tpu.memory_space<hbm>>) target(%arg10 : memref<80x136xf32, #tpu.memory_space<vmem>>) offsets(%dma_start3A_226 : memref<80xi32, #tpu.memory_space<vmem>>) semaphore(%dma_start3A_231 : memref<!tpu.dma_semaphore, #tpu.memory_space<semaphore_mem>>)
    %dma_wait3A_232 = arith.constant 0 : i32
    %dma_wait3A_233 = arith.constant 3 : i32
    %dma_wait3A_234 = arith.constant 0 : i32
    %dma_wait3A_235 = tpu.memref_slice %arg9[%dma_wait3A_232, %dma_wait3A_234] : memref<2x80xi32, #tpu.memory_space<vmem>> -> memref<1x80xi32, #tpu.memory_space<vmem>>
    %dma_wait3A_236 = tpu.memref_squeeze %dma_wait3A_235 : memref<1x80xi32, #tpu.memory_space<vmem>> -> memref<80xi32, #tpu.memory_space<vmem>>
    %dma_wait3A_237 = arith.constant 0 : i32
    %dma_wait3A_238 = arith.constant 0 : i32
    %dma_wait3A_239 = tpu.memref_slice %arg2[%dma_wait3A_237, %dma_wait3A_238] : memref<10000x136xf32, #tpu.memory_space<hbm>> -> memref<10000x136xf32, #tpu.memory_space<hbm>>
    %dma_wait3A_240 = tpu.memref_slice %arg15[%dma_wait3A_233] : memref<4x!tpu.dma_semaphore, #tpu.memory_space<semaphore_mem>> -> memref<1x!tpu.dma_semaphore, #tpu.memory_space<semaphore_mem>>
    %dma_wait3A_241 = tpu.memref_squeeze %dma_wait3A_240 : memref<1x!tpu.dma_semaphore, #tpu.memory_space<semaphore_mem>> -> memref<!tpu.dma_semaphore, #tpu.memory_space<semaphore_mem>>
    tpu.wait_indirect_dma semaphore(%dma_wait3A_241 : memref<!tpu.dma_semaphore, #tpu.memory_space<semaphore_mem>>) src(%dma_wait3A_239 : memref<10000x136xf32, #tpu.memory_space<hbm>>) dst(%arg13 : memref<80x136xf32, #tpu.memory_space<vmem>>)
    %dma_start3A_242 = arith.constant 1 : i32
    %dma_start3A_243 = arith.constant 3 : i32
    %dma_start3A_244 = arith.constant 0 : i32
    %dma_start3A_245 = tpu.memref_slice %arg9[%dma_start3A_242, %dma_start3A_244] : memref<2x80xi32, #tpu.memory_space<vmem>> -> memref<1x80xi32, #tpu.memory_space<vmem>>
    %dma_start3A_246 = tpu.memref_squeeze %dma_start3A_245 : memref<1x80xi32, #tpu.memory_space<vmem>> -> memref<80xi32, #tpu.memory_space<vmem>>
    %dma_start3A_247 = arith.constant 0 : i32
    %dma_start3A_248 = arith.constant 0 : i32
    %dma_start3A_249 = tpu.memref_slice %arg17[%dma_start3A_247, %dma_start3A_248] : memref<10000x136xf32, #tpu.memory_space<vmem_shared>> -> memref<10000x136xf32, #tpu.memory_space<vmem_shared>>
    %dma_start3A_250 = tpu.memref_slice %arg16[%dma_start3A_243] : memref<4x!tpu.dma_semaphore, #tpu.memory_space<semaphore_mem>> -> memref<1x!tpu.dma_semaphore, #tpu.memory_space<semaphore_mem>>
    %dma_start3A_251 = tpu.memref_squeeze %dma_start3A_250 : memref<1x!tpu.dma_semaphore, #tpu.memory_space<semaphore_mem>> -> memref<!tpu.dma_semaphore, #tpu.memory_space<semaphore_mem>>
    tpu.enqueue_indirect_dma source(%arg13 : memref<80x136xf32, #tpu.memory_space<vmem>>) target(%dma_start3A_249 : memref<10000x136xf32, #tpu.memory_space<vmem_shared>>) offsets(%dma_start3A_246 : memref<80xi32, #tpu.memory_space<vmem>>) semaphore(%dma_start3A_251 : memref<!tpu.dma_semaphore, #tpu.memory_space<semaphore_mem>>) {add = true}
    %scan3A = arith.constant 0 : i32
    %scan3A_252 = arith.constant 1 : i32
    %scan3A_253 = arith.constant 29 : i32
    %scan3A_254 = arith.addi %scan3A_252, %scan3A_253 : i32
    %scan3A_255 = arith.constant 1 : i32
    scf.for %scan3A_535 = %scan3A_252 to %scan3A_254 step %scan3A_255  : i32 {
      %mul3A_536 = arith.constant 4 : i32
      %mul3A_537 = arith.muli %scan3A_535, %mul3A_536 : i32
      %add3A_538 = arith.constant 0 : i32
      %add3A_539 = arith.addi %mul3A_537, %add3A_538 : i32
      %dma_wait3A_540 = arith.constant 1 : i32
      %dma_wait3A_541 = arith.constant 2 : i32
      %dma_wait3A_542 = arith.constant 0 : i32
      %dma_wait3A_543 = tpu.memref_slice %arg8[%dma_wait3A_540, %dma_wait3A_542] : memref<2x80xi32, #tpu.memory_space<vmem>> -> memref<1x80xi32, #tpu.memory_space<vmem>>
      %dma_wait3A_544 = tpu.memref_squeeze %dma_wait3A_543 : memref<1x80xi32, #tpu.memory_space<vmem>> -> memref<80xi32, #tpu.memory_space<vmem>>
      %dma_wait3A_545 = arith.constant 0 : i32
      %dma_wait3A_546 = arith.constant 0 : i32
      %dma_wait3A_547 = tpu.memref_slice %arg17[%dma_wait3A_545, %dma_wait3A_546] : memref<10000x136xf32, #tpu.memory_space<vmem_shared>> -> memref<10000x136xf32, #tpu.memory_space<vmem_shared>>
      %dma_wait3A_548 = tpu.memref_slice %arg16[%dma_wait3A_541] : memref<4x!tpu.dma_semaphore, #tpu.memory_space<semaphore_mem>> -> memref<1x!tpu.dma_semaphore, #tpu.memory_space<semaphore_mem>>
      %dma_wait3A_549 = tpu.memref_squeeze %dma_wait3A_548 : memref<1x!tpu.dma_semaphore, #tpu.memory_space<semaphore_mem>> -> memref<!tpu.dma_semaphore, #tpu.memory_space<semaphore_mem>>
      tpu.wait_indirect_dma semaphore(%dma_wait3A_549 : memref<!tpu.dma_semaphore, #tpu.memory_space<semaphore_mem>>) src(%arg12 : memref<80x136xf32, #tpu.memory_space<vmem>>) dst(%dma_wait3A_547 : memref<10000x136xf32, #tpu.memory_space<vmem_shared>>)
      %add3A_550 = arith.constant 2 : i32
      %add3A_551 = arith.addi %add3A_539, %add3A_550 : i32
      %mul3A_552 = arith.constant 80 : i32
      %mul3A_553 = arith.muli %add3A_551, %mul3A_552 : i32
      %add3A_554 = arith.addi %mul3A_4, %mul3A_553 : i32
      %dma_start3A_555 = arith.constant 2 : i32
      %dma_start3A_556 = arith.constant 0 : i32
      %dma_start3A_557 = tpu.memref_slice %arg3[%dma_start3A_556, %add3A_554] : memref<2x320000xi32, #tpu.memory_space<hbm>> -> memref<2x80xi32, #tpu.memory_space<hbm>>
      %dma_start3A_558 = tpu.memref_slice %arg14[%dma_start3A_555] : memref<4x!tpu.dma_semaphore, #tpu.memory_space<semaphore_mem>> -> memref<1x!tpu.dma_semaphore, #tpu.memory_space<semaphore_mem>>
      %dma_start3A_559 = tpu.memref_squeeze %dma_start3A_558 : memref<1x!tpu.dma_semaphore, #tpu.memory_space<semaphore_mem>> -> memref<!tpu.dma_semaphore, #tpu.memory_space<semaphore_mem>>
      %dma_start3A_560 = arith.constant 0 : i32
      %dma_start3A_561 = tpu.memref_slice %arg3[%dma_start3A_560, %add3A_554] : memref<2x320000xi32, #tpu.memory_space<hbm>> -> memref<2x80xi32, #tpu.memory_space<hbm>>
      tpu.enqueue_dma source(%dma_start3A_561 : memref<2x80xi32, #tpu.memory_space<hbm>>) target(%arg8 : memref<2x80xi32, #tpu.memory_space<vmem>>) target_semaphore(%dma_start3A_559 : memref<!tpu.dma_semaphore, #tpu.memory_space<semaphore_mem>>)
      %add3A_562 = arith.constant 1 : i32
      %add3A_563 = arith.addi %add3A_539, %add3A_562 : i32
      %mul3A_564 = arith.constant 80 : i32
      %mul3A_565 = arith.muli %add3A_563, %mul3A_564 : i32
      %add3A_566 = arith.addi %mul3A_4, %mul3A_565 : i32
      %dma_wait3A_567 = arith.constant 1 : i32
      %dma_wait3A_568 = arith.constant 0 : i32
      %dma_wait3A_569 = tpu.memref_slice %arg3[%dma_wait3A_568, %add3A_566] : memref<2x320000xi32, #tpu.memory_space<hbm>> -> memref<2x80xi32, #tpu.memory_space<hbm>>
      %dma_wait3A_570 = tpu.memref_slice %arg14[%dma_wait3A_567] : memref<4x!tpu.dma_semaphore, #tpu.memory_space<semaphore_mem>> -> memref<1x!tpu.dma_semaphore, #tpu.memory_space<semaphore_mem>>
      %dma_wait3A_571 = tpu.memref_squeeze %dma_wait3A_570 : memref<1x!tpu.dma_semaphore, #tpu.memory_space<semaphore_mem>> -> memref<!tpu.dma_semaphore, #tpu.memory_space<semaphore_mem>>
      %dma_wait3A_572 = arith.constant 0 : i32
      %dma_wait3A_573 = tpu.memref_slice %arg3[%dma_wait3A_572, %add3A_566] : memref<2x320000xi32, #tpu.memory_space<hbm>> -> memref<2x80xi32, #tpu.memory_space<hbm>>
      tpu.wait_dma2 semaphore(%dma_wait3A_571 : memref<!tpu.dma_semaphore, #tpu.memory_space<semaphore_mem>>) src(%dma_wait3A_573 : memref<2x80xi32, #tpu.memory_space<hbm>>) dst(%arg7 : memref<2x80xi32, #tpu.memory_space<vmem>>)
      %dma_start3A_574 = arith.constant 0 : i32
      %dma_start3A_575 = arith.constant 1 : i32
      %dma_start3A_576 = arith.constant 0 : i32
      %dma_start3A_577 = tpu.memref_slice %arg7[%dma_start3A_574, %dma_start3A_576] : memref<2x80xi32, #tpu.memory_space<vmem>> -> memref<1x80xi32, #tpu.memory_space<vmem>>
      %dma_start3A_578 = tpu.memref_squeeze %dma_start3A_577 : memref<1x80xi32, #tpu.memory_space<vmem>> -> memref<80xi32, #tpu.memory_space<vmem>>
      %dma_start3A_579 = arith.constant 0 : i32
      %dma_start3A_580 = arith.constant 0 : i32
      %dma_start3A_581 = tpu.memref_slice %arg2[%dma_start3A_579, %dma_start3A_580] : memref<10000x136xf32, #tpu.memory_space<hbm>> -> memref<10000x136xf32, #tpu.memory_space<hbm>>
      %dma_start3A_582 = tpu.memref_slice %arg15[%dma_start3A_575] : memref<4x!tpu.dma_semaphore, #tpu.memory_space<semaphore_mem>> -> memref<1x!tpu.dma_semaphore, #tpu.memory_space<semaphore_mem>>
      %dma_start3A_583 = tpu.memref_squeeze %dma_start3A_582 : memref<1x!tpu.dma_semaphore, #tpu.memory_space<semaphore_mem>> -> memref<!tpu.dma_semaphore, #tpu.memory_space<semaphore_mem>>
      tpu.enqueue_indirect_dma source(%dma_start3A_581 : memref<10000x136xf32, #tpu.memory_space<hbm>>) target(%arg11 : memref<80x136xf32, #tpu.memory_space<vmem>>) offsets(%dma_start3A_578 : memref<80xi32, #tpu.memory_space<vmem>>) semaphore(%dma_start3A_583 : memref<!tpu.dma_semaphore, #tpu.memory_space<semaphore_mem>>)
      %dma_wait3A_584 = arith.constant 0 : i32
      %dma_wait3A_585 = arith.constant 0 : i32
      %dma_wait3A_586 = arith.constant 0 : i32
      %dma_wait3A_587 = tpu.memref_slice %arg6[%dma_wait3A_584, %dma_wait3A_586] : memref<2x80xi32, #tpu.memory_space<vmem>> -> memref<1x80xi32, #tpu.memory_space<vmem>>
      %dma_wait3A_588 = tpu.memref_squeeze %dma_wait3A_587 : memref<1x80xi32, #tpu.memory_space<vmem>> -> memref<80xi32, #tpu.memory_space<vmem>>
      %dma_wait3A_589 = arith.constant 0 : i32
      %dma_wait3A_590 = arith.constant 0 : i32
      %dma_wait3A_591 = tpu.memref_slice %arg2[%dma_wait3A_589, %dma_wait3A_590] : memref<10000x136xf32, #tpu.memory_space<hbm>> -> memref<10000x136xf32, #tpu.memory_space<hbm>>
      %dma_wait3A_592 = tpu.memref_slice %arg15[%dma_wait3A_585] : memref<4x!tpu.dma_semaphore, #tpu.memory_space<semaphore_mem>> -> memref<1x!tpu.dma_semaphore, #tpu.memory_space<semaphore_mem>>
      %dma_wait3A_593 = tpu.memref_squeeze %dma_wait3A_592 : memref<1x!tpu.dma_semaphore, #tpu.memory_space<semaphore_mem>> -> memref<!tpu.dma_semaphore, #tpu.memory_space<semaphore_mem>>
      tpu.wait_indirect_dma semaphore(%dma_wait3A_593 : memref<!tpu.dma_semaphore, #tpu.memory_space<semaphore_mem>>) src(%dma_wait3A_591 : memref<10000x136xf32, #tpu.memory_space<hbm>>) dst(%arg10 : memref<80x136xf32, #tpu.memory_space<vmem>>)
      %dma_start3A_594 = arith.constant 1 : i32
      %dma_start3A_595 = arith.constant 0 : i32
      %dma_start3A_596 = arith.constant 0 : i32
      %dma_start3A_597 = tpu.memref_slice %arg6[%dma_start3A_594, %dma_start3A_596] : memref<2x80xi32, #tpu.memory_space<vmem>> -> memref<1x80xi32, #tpu.memory_space<vmem>>
      %dma_start3A_598 = tpu.memref_squeeze %dma_start3A_597 : memref<1x80xi32, #tpu.memory_space<vmem>> -> memref<80xi32, #tpu.memory_space<vmem>>
      %dma_start3A_599 = arith.constant 0 : i32
      %dma_start3A_600 = arith.constant 0 : i32
      %dma_start3A_601 = tpu.memref_slice %arg17[%dma_start3A_599, %dma_start3A_600] : memref<10000x136xf32, #tpu.memory_space<vmem_shared>> -> memref<10000x136xf32, #tpu.memory_space<vmem_shared>>
      %dma_start3A_602 = tpu.memref_slice %arg16[%dma_start3A_595] : memref<4x!tpu.dma_semaphore, #tpu.memory_space<semaphore_mem>> -> memref<1x!tpu.dma_semaphore, #tpu.memory_space<semaphore_mem>>
      %dma_start3A_603 = tpu.memref_squeeze %dma_start3A_602 : memref<1x!tpu.dma_semaphore, #tpu.memory_space<semaphore_mem>> -> memref<!tpu.dma_semaphore, #tpu.memory_space<semaphore_mem>>
      tpu.enqueue_indirect_dma source(%arg10 : memref<80x136xf32, #tpu.memory_space<vmem>>) target(%dma_start3A_601 : memref<10000x136xf32, #tpu.memory_space<vmem_shared>>) offsets(%dma_start3A_598 : memref<80xi32, #tpu.memory_space<vmem>>) semaphore(%dma_start3A_603 : memref<!tpu.dma_semaphore, #tpu.memory_space<semaphore_mem>>) {add = true}
      %mul3A_604 = arith.constant 4 : i32
      %mul3A_605 = arith.muli %scan3A_535, %mul3A_604 : i32
      %add3A_606 = arith.constant 1 : i32
      %add3A_607 = arith.addi %mul3A_605, %add3A_606 : i32
      %dma_wait3A_608 = arith.constant 1 : i32
      %dma_wait3A_609 = arith.constant 3 : i32
      %dma_wait3A_610 = arith.constant 0 : i32
      %dma_wait3A_611 = tpu.memref_slice %arg9[%dma_wait3A_608, %dma_wait3A_610] : memref<2x80xi32, #tpu.memory_space<vmem>> -> memref<1x80xi32, #tpu.memory_space<vmem>>
      %dma_wait3A_612 = tpu.memref_squeeze %dma_wait3A_611 : memref<1x80xi32, #tpu.memory_space<vmem>> -> memref<80xi32, #tpu.memory_space<vmem>>
      %dma_wait3A_613 = arith.constant 0 : i32
      %dma_wait3A_614 = arith.constant 0 : i32
      %dma_wait3A_615 = tpu.memref_slice %arg17[%dma_wait3A_613, %dma_wait3A_614] : memref<10000x136xf32, #tpu.memory_space<vmem_shared>> -> memref<10000x136xf32, #tpu.memory_space<vmem_shared>>
      %dma_wait3A_616 = tpu.memref_slice %arg16[%dma_wait3A_609] : memref<4x!tpu.dma_semaphore, #tpu.memory_space<semaphore_mem>> -> memref<1x!tpu.dma_semaphore, #tpu.memory_space<semaphore_mem>>
      %dma_wait3A_617 = tpu.memref_squeeze %dma_wait3A_616 : memref<1x!tpu.dma_semaphore, #tpu.memory_space<semaphore_mem>> -> memref<!tpu.dma_semaphore, #tpu.memory_space<semaphore_mem>>
      tpu.wait_indirect_dma semaphore(%dma_wait3A_617 : memref<!tpu.dma_semaphore, #tpu.memory_space<semaphore_mem>>) src(%arg13 : memref<80x136xf32, #tpu.memory_space<vmem>>) dst(%dma_wait3A_615 : memref<10000x136xf32, #tpu.memory_space<vmem_shared>>)
      %add3A_618 = arith.constant 2 : i32
      %add3A_619 = arith.addi %add3A_607, %add3A_618 : i32
      %mul3A_620 = arith.constant 80 : i32
      %mul3A_621 = arith.muli %add3A_619, %mul3A_620 : i32
      %add3A_622 = arith.addi %mul3A_4, %mul3A_621 : i32
      %dma_start3A_623 = arith.constant 3 : i32
      %dma_start3A_624 = arith.constant 0 : i32
      %dma_start3A_625 = tpu.memref_slice %arg3[%dma_start3A_624, %add3A_622] : memref<2x320000xi32, #tpu.memory_space<hbm>> -> memref<2x80xi32, #tpu.memory_space<hbm>>
      %dma_start3A_626 = tpu.memref_slice %arg14[%dma_start3A_623] : memref<4x!tpu.dma_semaphore, #tpu.memory_space<semaphore_mem>> -> memref<1x!tpu.dma_semaphore, #tpu.memory_space<semaphore_mem>>
      %dma_start3A_627 = tpu.memref_squeeze %dma_start3A_626 : memref<1x!tpu.dma_semaphore, #tpu.memory_space<semaphore_mem>> -> memref<!tpu.dma_semaphore, #tpu.memory_space<semaphore_mem>>
      %dma_start3A_628 = arith.constant 0 : i32
      %dma_start3A_629 = tpu.memref_slice %arg3[%dma_start3A_628, %add3A_622] : memref<2x320000xi32, #tpu.memory_space<hbm>> -> memref<2x80xi32, #tpu.memory_space<hbm>>
      tpu.enqueue_dma source(%dma_start3A_629 : memref<2x80xi32, #tpu.memory_space<hbm>>) target(%arg9 : memref<2x80xi32, #tpu.memory_space<vmem>>) target_semaphore(%dma_start3A_627 : memref<!tpu.dma_semaphore, #tpu.memory_space<semaphore_mem>>)
      %add3A_630 = arith.constant 1 : i32
      %add3A_631 = arith.addi %add3A_607, %add3A_630 : i32
      %mul3A_632 = arith.constant 80 : i32
      %mul3A_633 = arith.muli %add3A_631, %mul3A_632 : i32
      %add3A_634 = arith.addi %mul3A_4, %mul3A_633 : i32
      %dma_wait3A_635 = arith.constant 2 : i32
      %dma_wait3A_636 = arith.constant 0 : i32
      %dma_wait3A_637 = tpu.memref_slice %arg3[%dma_wait3A_636, %add3A_634] : memref<2x320000xi32, #tpu.memory_space<hbm>> -> memref<2x80xi32, #tpu.memory_space<hbm>>
      %dma_wait3A_638 = tpu.memref_slice %arg14[%dma_wait3A_635] : memref<4x!tpu.dma_semaphore, #tpu.memory_space<semaphore_mem>> -> memref<1x!tpu.dma_semaphore, #tpu.memory_space<semaphore_mem>>
      %dma_wait3A_639 = tpu.memref_squeeze %dma_wait3A_638 : memref<1x!tpu.dma_semaphore, #tpu.memory_space<semaphore_mem>> -> memref<!tpu.dma_semaphore, #tpu.memory_space<semaphore_mem>>
      %dma_wait3A_640 = arith.constant 0 : i32
      %dma_wait3A_641 = tpu.memref_slice %arg3[%dma_wait3A_640, %add3A_634] : memref<2x320000xi32, #tpu.memory_space<hbm>> -> memref<2x80xi32, #tpu.memory_space<hbm>>
      tpu.wait_dma2 semaphore(%dma_wait3A_639 : memref<!tpu.dma_semaphore, #tpu.memory_space<semaphore_mem>>) src(%dma_wait3A_641 : memref<2x80xi32, #tpu.memory_space<hbm>>) dst(%arg8 : memref<2x80xi32, #tpu.memory_space<vmem>>)
      %dma_start3A_642 = arith.constant 0 : i32
      %dma_start3A_643 = arith.constant 2 : i32
      %dma_start3A_644 = arith.constant 0 : i32
      %dma_start3A_645 = tpu.memref_slice %arg8[%dma_start3A_642, %dma_start3A_644] : memref<2x80xi32, #tpu.memory_space<vmem>> -> memref<1x80xi32, #tpu.memory_space<vmem>>
      %dma_start3A_646 = tpu.memref_squeeze %dma_start3A_645 : memref<1x80xi32, #tpu.memory_space<vmem>> -> memref<80xi32, #tpu.memory_space<vmem>>
      %dma_start3A_647 = arith.constant 0 : i32
      %dma_start3A_648 = arith.constant 0 : i32
      %dma_start3A_649 = tpu.memref_slice %arg2[%dma_start3A_647, %dma_start3A_648] : memref<10000x136xf32, #tpu.memory_space<hbm>> -> memref<10000x136xf32, #tpu.memory_space<hbm>>
      %dma_start3A_650 = tpu.memref_slice %arg15[%dma_start3A_643] : memref<4x!tpu.dma_semaphore, #tpu.memory_space<semaphore_mem>> -> memref<1x!tpu.dma_semaphore, #tpu.memory_space<semaphore_mem>>
      %dma_start3A_651 = tpu.memref_squeeze %dma_start3A_650 : memref<1x!tpu.dma_semaphore, #tpu.memory_space<semaphore_mem>> -> memref<!tpu.dma_semaphore, #tpu.memory_space<semaphore_mem>>
      tpu.enqueue_indirect_dma source(%dma_start3A_649 : memref<10000x136xf32, #tpu.memory_space<hbm>>) target(%arg12 : memref<80x136xf32, #tpu.memory_space<vmem>>) offsets(%dma_start3A_646 : memref<80xi32, #tpu.memory_space<vmem>>) semaphore(%dma_start3A_651 : memref<!tpu.dma_semaphore, #tpu.memory_space<semaphore_mem>>)
      %dma_wait3A_652 = arith.constant 0 : i32
      %dma_wait3A_653 = arith.constant 1 : i32
      %dma_wait3A_654 = arith.constant 0 : i32
      %dma_wait3A_655 = tpu.memref_slice %arg7[%dma_wait3A_652, %dma_wait3A_654] : memref<2x80xi32, #tpu.memory_space<vmem>> -> memref<1x80xi32, #tpu.memory_space<vmem>>
      %dma_wait3A_656 = tpu.memref_squeeze %dma_wait3A_655 : memref<1x80xi32, #tpu.memory_space<vmem>> -> memref<80xi32, #tpu.memory_space<vmem>>
      %dma_wait3A_657 = arith.constant 0 : i32
      %dma_wait3A_658 = arith.constant 0 : i32
      %dma_wait3A_659 = tpu.memref_slice %arg2[%dma_wait3A_657, %dma_wait3A_658] : memref<10000x136xf32, #tpu.memory_space<hbm>> -> memref<10000x136xf32, #tpu.memory_space<hbm>>
      %dma_wait3A_660 = tpu.memref_slice %arg15[%dma_wait3A_653] : memref<4x!tpu.dma_semaphore, #tpu.memory_space<semaphore_mem>> -> memref<1x!tpu.dma_semaphore, #tpu.memory_space<semaphore_mem>>
      %dma_wait3A_661 = tpu.memref_squeeze %dma_wait3A_660 : memref<1x!tpu.dma_semaphore, #tpu.memory_space<semaphore_mem>> -> memref<!tpu.dma_semaphore, #tpu.memory_space<semaphore_mem>>
      tpu.wait_indirect_dma semaphore(%dma_wait3A_661 : memref<!tpu.dma_semaphore, #tpu.memory_space<semaphore_mem>>) src(%dma_wait3A_659 : memref<10000x136xf32, #tpu.memory_space<hbm>>) dst(%arg11 : memref<80x136xf32, #tpu.memory_space<vmem>>)
      %dma_start3A_662 = arith.constant 1 : i32
      %dma_start3A_663 = arith.constant 1 : i32
      %dma_start3A_664 = arith.constant 0 : i32
      %dma_start3A_665 = tpu.memref_slice %arg7[%dma_start3A_662, %dma_start3A_664] : memref<2x80xi32, #tpu.memory_space<vmem>> -> memref<1x80xi32, #tpu.memory_space<vmem>>
      %dma_start3A_666 = tpu.memref_squeeze %dma_start3A_665 : memref<1x80xi32, #tpu.memory_space<vmem>> -> memref<80xi32, #tpu.memory_space<vmem>>
      %dma_start3A_667 = arith.constant 0 : i32
      %dma_start3A_668 = arith.constant 0 : i32
      %dma_start3A_669 = tpu.memref_slice %arg17[%dma_start3A_667, %dma_start3A_668] : memref<10000x136xf32, #tpu.memory_space<vmem_shared>> -> memref<10000x136xf32, #tpu.memory_space<vmem_shared>>
      %dma_start3A_670 = tpu.memref_slice %arg16[%dma_start3A_663] : memref<4x!tpu.dma_semaphore, #tpu.memory_space<semaphore_mem>> -> memref<1x!tpu.dma_semaphore, #tpu.memory_space<semaphore_mem>>
      %dma_start3A_671 = tpu.memref_squeeze %dma_start3A_670 : memref<1x!tpu.dma_semaphore, #tpu.memory_space<semaphore_mem>> -> memref<!tpu.dma_semaphore, #tpu.memory_space<semaphore_mem>>
      tpu.enqueue_indirect_dma source(%arg11 : memref<80x136xf32, #tpu.memory_space<vmem>>) target(%dma_start3A_669 : memref<10000x136xf32, #tpu.memory_space<vmem_shared>>) offsets(%dma_start3A_666 : memref<80xi32, #tpu.memory_space<vmem>>) semaphore(%dma_start3A_671 : memref<!tpu.dma_semaphore, #tpu.memory_space<semaphore_mem>>) {add = true}
      %mul3A_672 = arith.constant 4 : i32
      %mul3A_673 = arith.muli %scan3A_535, %mul3A_672 : i32
      %add3A_674 = arith.constant 2 : i32
      %add3A_675 = arith.addi %mul3A_673, %add3A_674 : i32
      %dma_wait3A_676 = arith.constant 1 : i32
      %dma_wait3A_677 = arith.constant 0 : i32
      %dma_wait3A_678 = arith.constant 0 : i32
      %dma_wait3A_679 = tpu.memref_slice %arg6[%dma_wait3A_676, %dma_wait3A_678] : memref<2x80xi32, #tpu.memory_space<vmem>> -> memref<1x80xi32, #tpu.memory_space<vmem>>
      %dma_wait3A_680 = tpu.memref_squeeze %dma_wait3A_679 : memref<1x80xi32, #tpu.memory_space<vmem>> -> memref<80xi32, #tpu.memory_space<vmem>>
      %dma_wait3A_681 = arith.constant 0 : i32
      %dma_wait3A_682 = arith.constant 0 : i32
      %dma_wait3A_683 = tpu.memref_slice %arg17[%dma_wait3A_681, %dma_wait3A_682] : memref<10000x136xf32, #tpu.memory_space<vmem_shared>> -> memref<10000x136xf32, #tpu.memory_space<vmem_shared>>
      %dma_wait3A_684 = tpu.memref_slice %arg16[%dma_wait3A_677] : memref<4x!tpu.dma_semaphore, #tpu.memory_space<semaphore_mem>> -> memref<1x!tpu.dma_semaphore, #tpu.memory_space<semaphore_mem>>
      %dma_wait3A_685 = tpu.memref_squeeze %dma_wait3A_684 : memref<1x!tpu.dma_semaphore, #tpu.memory_space<semaphore_mem>> -> memref<!tpu.dma_semaphore, #tpu.memory_space<semaphore_mem>>
      tpu.wait_indirect_dma semaphore(%dma_wait3A_685 : memref<!tpu.dma_semaphore, #tpu.memory_space<semaphore_mem>>) src(%arg10 : memref<80x136xf32, #tpu.memory_space<vmem>>) dst(%dma_wait3A_683 : memref<10000x136xf32, #tpu.memory_space<vmem_shared>>)
      %add3A_686 = arith.constant 2 : i32
      %add3A_687 = arith.addi %add3A_675, %add3A_686 : i32
      %mul3A_688 = arith.constant 80 : i32
      %mul3A_689 = arith.muli %add3A_687, %mul3A_688 : i32
      %add3A_690 = arith.addi %mul3A_4, %mul3A_689 : i32
      %dma_start3A_691 = arith.constant 0 : i32
      %dma_start3A_692 = arith.constant 0 : i32
      %dma_start3A_693 = tpu.memref_slice %arg3[%dma_start3A_692, %add3A_690] : memref<2x320000xi32, #tpu.memory_space<hbm>> -> memref<2x80xi32, #tpu.memory_space<hbm>>
      %dma_start3A_694 = tpu.memref_slice %arg14[%dma_start3A_691] : memref<4x!tpu.dma_semaphore, #tpu.memory_space<semaphore_mem>> -> memref<1x!tpu.dma_semaphore, #tpu.memory_space<semaphore_mem>>
      %dma_start3A_695 = tpu.memref_squeeze %dma_start3A_694 : memref<1x!tpu.dma_semaphore, #tpu.memory_space<semaphore_mem>> -> memref<!tpu.dma_semaphore, #tpu.memory_space<semaphore_mem>>
      %dma_start3A_696 = arith.constant 0 : i32
      %dma_start3A_697 = tpu.memref_slice %arg3[%dma_start3A_696, %add3A_690] : memref<2x320000xi32, #tpu.memory_space<hbm>> -> memref<2x80xi32, #tpu.memory_space<hbm>>
      tpu.enqueue_dma source(%dma_start3A_697 : memref<2x80xi32, #tpu.memory_space<hbm>>) target(%arg6 : memref<2x80xi32, #tpu.memory_space<vmem>>) target_semaphore(%dma_start3A_695 : memref<!tpu.dma_semaphore, #tpu.memory_space<semaphore_mem>>)
      %add3A_698 = arith.constant 1 : i32
      %add3A_699 = arith.addi %add3A_675, %add3A_698 : i32
      %mul3A_700 = arith.constant 80 : i32
      %mul3A_701 = arith.muli %add3A_699, %mul3A_700 : i32
      %add3A_702 = arith.addi %mul3A_4, %mul3A_701 : i32
      %dma_wait3A_703 = arith.constant 3 : i32
      %dma_wait3A_704 = arith.constant 0 : i32
      %dma_wait3A_705 = tpu.memref_slice %arg3[%dma_wait3A_704, %add3A_702] : memref<2x320000xi32, #tpu.memory_space<hbm>> -> memref<2x80xi32, #tpu.memory_space<hbm>>
      %dma_wait3A_706 = tpu.memref_slice %arg14[%dma_wait3A_703] : memref<4x!tpu.dma_semaphore, #tpu.memory_space<semaphore_mem>> -> memref<1x!tpu.dma_semaphore, #tpu.memory_space<semaphore_mem>>
      %dma_wait3A_707 = tpu.memref_squeeze %dma_wait3A_706 : memref<1x!tpu.dma_semaphore, #tpu.memory_space<semaphore_mem>> -> memref<!tpu.dma_semaphore, #tpu.memory_space<semaphore_mem>>
      %dma_wait3A_708 = arith.constant 0 : i32
      %dma_wait3A_709 = tpu.memref_slice %arg3[%dma_wait3A_708, %add3A_702] : memref<2x320000xi32, #tpu.memory_space<hbm>> -> memref<2x80xi32, #tpu.memory_space<hbm>>
      tpu.wait_dma2 semaphore(%dma_wait3A_707 : memref<!tpu.dma_semaphore, #tpu.memory_space<semaphore_mem>>) src(%dma_wait3A_709 : memref<2x80xi32, #tpu.memory_space<hbm>>) dst(%arg9 : memref<2x80xi32, #tpu.memory_space<vmem>>)
      %dma_start3A_710 = arith.constant 0 : i32
      %dma_start3A_711 = arith.constant 3 : i32
      %dma_start3A_712 = arith.constant 0 : i32
      %dma_start3A_713 = tpu.memref_slice %arg9[%dma_start3A_710, %dma_start3A_712] : memref<2x80xi32, #tpu.memory_space<vmem>> -> memref<1x80xi32, #tpu.memory_space<vmem>>
      %dma_start3A_714 = tpu.memref_squeeze %dma_start3A_713 : memref<1x80xi32, #tpu.memory_space<vmem>> -> memref<80xi32, #tpu.memory_space<vmem>>
      %dma_start3A_715 = arith.constant 0 : i32
      %dma_start3A_716 = arith.constant 0 : i32
      %dma_start3A_717 = tpu.memref_slice %arg2[%dma_start3A_715, %dma_start3A_716] : memref<10000x136xf32, #tpu.memory_space<hbm>> -> memref<10000x136xf32, #tpu.memory_space<hbm>>
      %dma_start3A_718 = tpu.memref_slice %arg15[%dma_start3A_711] : memref<4x!tpu.dma_semaphore, #tpu.memory_space<semaphore_mem>> -> memref<1x!tpu.dma_semaphore, #tpu.memory_space<semaphore_mem>>
      %dma_start3A_719 = tpu.memref_squeeze %dma_start3A_718 : memref<1x!tpu.dma_semaphore, #tpu.memory_space<semaphore_mem>> -> memref<!tpu.dma_semaphore, #tpu.memory_space<semaphore_mem>>
      tpu.enqueue_indirect_dma source(%dma_start3A_717 : memref<10000x136xf32, #tpu.memory_space<hbm>>) target(%arg13 : memref<80x136xf32, #tpu.memory_space<vmem>>) offsets(%dma_start3A_714 : memref<80xi32, #tpu.memory_space<vmem>>) semaphore(%dma_start3A_719 : memref<!tpu.dma_semaphore, #tpu.memory_space<semaphore_mem>>)
      %dma_wait3A_720 = arith.constant 0 : i32
      %dma_wait3A_721 = arith.constant 2 : i32
      %dma_wait3A_722 = arith.constant 0 : i32
      %dma_wait3A_723 = tpu.memref_slice %arg8[%dma_wait3A_720, %dma_wait3A_722] : memref<2x80xi32, #tpu.memory_space<vmem>> -> memref<1x80xi32, #tpu.memory_space<vmem>>
      %dma_wait3A_724 = tpu.memref_squeeze %dma_wait3A_723 : memref<1x80xi32, #tpu.memory_space<vmem>> -> memref<80xi32, #tpu.memory_space<vmem>>
      %dma_wait3A_725 = arith.constant 0 : i32
      %dma_wait3A_726 = arith.constant 0 : i32
      %dma_wait3A_727 = tpu.memref_slice %arg2[%dma_wait3A_725, %dma_wait3A_726] : memref<10000x136xf32, #tpu.memory_space<hbm>> -> memref<10000x136xf32, #tpu.memory_space<hbm>>
      %dma_wait3A_728 = tpu.memref_slice %arg15[%dma_wait3A_721] : memref<4x!tpu.dma_semaphore, #tpu.memory_space<semaphore_mem>> -> memref<1x!tpu.dma_semaphore, #tpu.memory_space<semaphore_mem>>
      %dma_wait3A_729 = tpu.memref_squeeze %dma_wait3A_728 : memref<1x!tpu.dma_semaphore, #tpu.memory_space<semaphore_mem>> -> memref<!tpu.dma_semaphore, #tpu.memory_space<semaphore_mem>>
      tpu.wait_indirect_dma semaphore(%dma_wait3A_729 : memref<!tpu.dma_semaphore, #tpu.memory_space<semaphore_mem>>) src(%dma_wait3A_727 : memref<10000x136xf32, #tpu.memory_space<hbm>>) dst(%arg12 : memref<80x136xf32, #tpu.memory_space<vmem>>)
      %dma_start3A_730 = arith.constant 1 : i32
      %dma_start3A_731 = arith.constant 2 : i32
      %dma_start3A_732 = arith.constant 0 : i32
      %dma_start3A_733 = tpu.memref_slice %arg8[%dma_start3A_730, %dma_start3A_732] : memref<2x80xi32, #tpu.memory_space<vmem>> -> memref<1x80xi32, #tpu.memory_space<vmem>>
      %dma_start3A_734 = tpu.memref_squeeze %dma_start3A_733 : memref<1x80xi32, #tpu.memory_space<vmem>> -> memref<80xi32, #tpu.memory_space<vmem>>
      %dma_start3A_735 = arith.constant 0 : i32
      %dma_start3A_736 = arith.constant 0 : i32
      %dma_start3A_737 = tpu.memref_slice %arg17[%dma_start3A_735, %dma_start3A_736] : memref<10000x136xf32, #tpu.memory_space<vmem_shared>> -> memref<10000x136xf32, #tpu.memory_space<vmem_shared>>
      %dma_start3A_738 = tpu.memref_slice %arg16[%dma_start3A_731] : memref<4x!tpu.dma_semaphore, #tpu.memory_space<semaphore_mem>> -> memref<1x!tpu.dma_semaphore, #tpu.memory_space<semaphore_mem>>
      %dma_start3A_739 = tpu.memref_squeeze %dma_start3A_738 : memref<1x!tpu.dma_semaphore, #tpu.memory_space<semaphore_mem>> -> memref<!tpu.dma_semaphore, #tpu.memory_space<semaphore_mem>>
      tpu.enqueue_indirect_dma source(%arg12 : memref<80x136xf32, #tpu.memory_space<vmem>>) target(%dma_start3A_737 : memref<10000x136xf32, #tpu.memory_space<vmem_shared>>) offsets(%dma_start3A_734 : memref<80xi32, #tpu.memory_space<vmem>>) semaphore(%dma_start3A_739 : memref<!tpu.dma_semaphore, #tpu.memory_space<semaphore_mem>>) {add = true}
      %mul3A_740 = arith.constant 4 : i32
      %mul3A_741 = arith.muli %scan3A_535, %mul3A_740 : i32
      %add3A_742 = arith.constant 3 : i32
      %add3A_743 = arith.addi %mul3A_741, %add3A_742 : i32
      %dma_wait3A_744 = arith.constant 1 : i32
      %dma_wait3A_745 = arith.constant 1 : i32
      %dma_wait3A_746 = arith.constant 0 : i32
      %dma_wait3A_747 = tpu.memref_slice %arg7[%dma_wait3A_744, %dma_wait3A_746] : memref<2x80xi32, #tpu.memory_space<vmem>> -> memref<1x80xi32, #tpu.memory_space<vmem>>
      %dma_wait3A_748 = tpu.memref_squeeze %dma_wait3A_747 : memref<1x80xi32, #tpu.memory_space<vmem>> -> memref<80xi32, #tpu.memory_space<vmem>>
      %dma_wait3A_749 = arith.constant 0 : i32
      %dma_wait3A_750 = arith.constant 0 : i32
      %dma_wait3A_751 = tpu.memref_slice %arg17[%dma_wait3A_749, %dma_wait3A_750] : memref<10000x136xf32, #tpu.memory_space<vmem_shared>> -> memref<10000x136xf32, #tpu.memory_space<vmem_shared>>
      %dma_wait3A_752 = tpu.memref_slice %arg16[%dma_wait3A_745] : memref<4x!tpu.dma_semaphore, #tpu.memory_space<semaphore_mem>> -> memref<1x!tpu.dma_semaphore, #tpu.memory_space<semaphore_mem>>
      %dma_wait3A_753 = tpu.memref_squeeze %dma_wait3A_752 : memref<1x!tpu.dma_semaphore, #tpu.memory_space<semaphore_mem>> -> memref<!tpu.dma_semaphore, #tpu.memory_space<semaphore_mem>>
      tpu.wait_indirect_dma semaphore(%dma_wait3A_753 : memref<!tpu.dma_semaphore, #tpu.memory_space<semaphore_mem>>) src(%arg11 : memref<80x136xf32, #tpu.memory_space<vmem>>) dst(%dma_wait3A_751 : memref<10000x136xf32, #tpu.memory_space<vmem_shared>>)
      %add3A_754 = arith.constant 2 : i32
      %add3A_755 = arith.addi %add3A_743, %add3A_754 : i32
      %mul3A_756 = arith.constant 80 : i32
      %mul3A_757 = arith.muli %add3A_755, %mul3A_756 : i32
      %add3A_758 = arith.addi %mul3A_4, %mul3A_757 : i32
      %dma_start3A_759 = arith.constant 1 : i32
      %dma_start3A_760 = arith.constant 0 : i32
      %dma_start3A_761 = tpu.memref_slice %arg3[%dma_start3A_760, %add3A_758] : memref<2x320000xi32, #tpu.memory_space<hbm>> -> memref<2x80xi32, #tpu.memory_space<hbm>>
      %dma_start3A_762 = tpu.memref_slice %arg14[%dma_start3A_759] : memref<4x!tpu.dma_semaphore, #tpu.memory_space<semaphore_mem>> -> memref<1x!tpu.dma_semaphore, #tpu.memory_space<semaphore_mem>>
      %dma_start3A_763 = tpu.memref_squeeze %dma_start3A_762 : memref<1x!tpu.dma_semaphore, #tpu.memory_space<semaphore_mem>> -> memref<!tpu.dma_semaphore, #tpu.memory_space<semaphore_mem>>
      %dma_start3A_764 = arith.constant 0 : i32
      %dma_start3A_765 = tpu.memref_slice %arg3[%dma_start3A_764, %add3A_758] : memref<2x320000xi32, #tpu.memory_space<hbm>> -> memref<2x80xi32, #tpu.memory_space<hbm>>
      tpu.enqueue_dma source(%dma_start3A_765 : memref<2x80xi32, #tpu.memory_space<hbm>>) target(%arg7 : memref<2x80xi32, #tpu.memory_space<vmem>>) target_semaphore(%dma_start3A_763 : memref<!tpu.dma_semaphore, #tpu.memory_space<semaphore_mem>>)
      %add3A_766 = arith.constant 1 : i32
      %add3A_767 = arith.addi %add3A_743, %add3A_766 : i32
      %mul3A_768 = arith.constant 80 : i32
      %mul3A_769 = arith.muli %add3A_767, %mul3A_768 : i32
      %add3A_770 = arith.addi %mul3A_4, %mul3A_769 : i32
      %dma_wait3A_771 = arith.constant 0 : i32
      %dma_wait3A_772 = arith.constant 0 : i32
      %dma_wait3A_773 = tpu.memref_slice %arg3[%dma_wait3A_772, %add3A_770] : memref<2x320000xi32, #tpu.memory_space<hbm>> -> memref<2x80xi32, #tpu.memory_space<hbm>>
      %dma_wait3A_774 = tpu.memref_slice %arg14[%dma_wait3A_771] : memref<4x!tpu.dma_semaphore, #tpu.memory_space<semaphore_mem>> -> memref<1x!tpu.dma_semaphore, #tpu.memory_space<semaphore_mem>>
      %dma_wait3A_775 = tpu.memref_squeeze %dma_wait3A_774 : memref<1x!tpu.dma_semaphore, #tpu.memory_space<semaphore_mem>> -> memref<!tpu.dma_semaphore, #tpu.memory_space<semaphore_mem>>
      %dma_wait3A_776 = arith.constant 0 : i32
      %dma_wait3A_777 = tpu.memref_slice %arg3[%dma_wait3A_776, %add3A_770] : memref<2x320000xi32, #tpu.memory_space<hbm>> -> memref<2x80xi32, #tpu.memory_space<hbm>>
      tpu.wait_dma2 semaphore(%dma_wait3A_775 : memref<!tpu.dma_semaphore, #tpu.memory_space<semaphore_mem>>) src(%dma_wait3A_777 : memref<2x80xi32, #tpu.memory_space<hbm>>) dst(%arg6 : memref<2x80xi32, #tpu.memory_space<vmem>>)
      %dma_start3A_778 = arith.constant 0 : i32
      %dma_start3A_779 = arith.constant 0 : i32
      %dma_start3A_780 = arith.constant 0 : i32
      %dma_start3A_781 = tpu.memref_slice %arg6[%dma_start3A_778, %dma_start3A_780] : memref<2x80xi32, #tpu.memory_space<vmem>> -> memref<1x80xi32, #tpu.memory_space<vmem>>
      %dma_start3A_782 = tpu.memref_squeeze %dma_start3A_781 : memref<1x80xi32, #tpu.memory_space<vmem>> -> memref<80xi32, #tpu.memory_space<vmem>>
      %dma_start3A_783 = arith.constant 0 : i32
      %dma_start3A_784 = arith.constant 0 : i32
      %dma_start3A_785 = tpu.memref_slice %arg2[%dma_start3A_783, %dma_start3A_784] : memref<10000x136xf32, #tpu.memory_space<hbm>> -> memref<10000x136xf32, #tpu.memory_space<hbm>>
      %dma_start3A_786 = tpu.memref_slice %arg15[%dma_start3A_779] : memref<4x!tpu.dma_semaphore, #tpu.memory_space<semaphore_mem>> -> memref<1x!tpu.dma_semaphore, #tpu.memory_space<semaphore_mem>>
      %dma_start3A_787 = tpu.memref_squeeze %dma_start3A_786 : memref<1x!tpu.dma_semaphore, #tpu.memory_space<semaphore_mem>> -> memref<!tpu.dma_semaphore, #tpu.memory_space<semaphore_mem>>
      tpu.enqueue_indirect_dma source(%dma_start3A_785 : memref<10000x136xf32, #tpu.memory_space<hbm>>) target(%arg10 : memref<80x136xf32, #tpu.memory_space<vmem>>) offsets(%dma_start3A_782 : memref<80xi32, #tpu.memory_space<vmem>>) semaphore(%dma_start3A_787 : memref<!tpu.dma_semaphore, #tpu.memory_space<semaphore_mem>>)
      %dma_wait3A_788 = arith.constant 0 : i32
      %dma_wait3A_789 = arith.constant 3 : i32
      %dma_wait3A_790 = arith.constant 0 : i32
      %dma_wait3A_791 = tpu.memref_slice %arg9[%dma_wait3A_788, %dma_wait3A_790] : memref<2x80xi32, #tpu.memory_space<vmem>> -> memref<1x80xi32, #tpu.memory_space<vmem>>
      %dma_wait3A_792 = tpu.memref_squeeze %dma_wait3A_791 : memref<1x80xi32, #tpu.memory_space<vmem>> -> memref<80xi32, #tpu.memory_space<vmem>>
      %dma_wait3A_793 = arith.constant 0 : i32
      %dma_wait3A_794 = arith.constant 0 : i32
      %dma_wait3A_795 = tpu.memref_slice %arg2[%dma_wait3A_793, %dma_wait3A_794] : memref<10000x136xf32, #tpu.memory_space<hbm>> -> memref<10000x136xf32, #tpu.memory_space<hbm>>
      %dma_wait3A_796 = tpu.memref_slice %arg15[%dma_wait3A_789] : memref<4x!tpu.dma_semaphore, #tpu.memory_space<semaphore_mem>> -> memref<1x!tpu.dma_semaphore, #tpu.memory_space<semaphore_mem>>
      %dma_wait3A_797 = tpu.memref_squeeze %dma_wait3A_796 : memref<1x!tpu.dma_semaphore, #tpu.memory_space<semaphore_mem>> -> memref<!tpu.dma_semaphore, #tpu.memory_space<semaphore_mem>>
      tpu.wait_indirect_dma semaphore(%dma_wait3A_797 : memref<!tpu.dma_semaphore, #tpu.memory_space<semaphore_mem>>) src(%dma_wait3A_795 : memref<10000x136xf32, #tpu.memory_space<hbm>>) dst(%arg13 : memref<80x136xf32, #tpu.memory_space<vmem>>)
      %dma_start3A_798 = arith.constant 1 : i32
      %dma_start3A_799 = arith.constant 3 : i32
      %dma_start3A_800 = arith.constant 0 : i32
      %dma_start3A_801 = tpu.memref_slice %arg9[%dma_start3A_798, %dma_start3A_800] : memref<2x80xi32, #tpu.memory_space<vmem>> -> memref<1x80xi32, #tpu.memory_space<vmem>>
      %dma_start3A_802 = tpu.memref_squeeze %dma_start3A_801 : memref<1x80xi32, #tpu.memory_space<vmem>> -> memref<80xi32, #tpu.memory_space<vmem>>
      %dma_start3A_803 = arith.constant 0 : i32
      %dma_start3A_804 = arith.constant 0 : i32
      %dma_start3A_805 = tpu.memref_slice %arg17[%dma_start3A_803, %dma_start3A_804] : memref<10000x136xf32, #tpu.memory_space<vmem_shared>> -> memref<10000x136xf32, #tpu.memory_space<vmem_shared>>
      %dma_start3A_806 = tpu.memref_slice %arg16[%dma_start3A_799] : memref<4x!tpu.dma_semaphore, #tpu.memory_space<semaphore_mem>> -> memref<1x!tpu.dma_semaphore, #tpu.memory_space<semaphore_mem>>
      %dma_start3A_807 = tpu.memref_squeeze %dma_start3A_806 : memref<1x!tpu.dma_semaphore, #tpu.memory_space<semaphore_mem>> -> memref<!tpu.dma_semaphore, #tpu.memory_space<semaphore_mem>>
      tpu.enqueue_indirect_dma source(%arg13 : memref<80x136xf32, #tpu.memory_space<vmem>>) target(%dma_start3A_805 : memref<10000x136xf32, #tpu.memory_space<vmem_shared>>) offsets(%dma_start3A_802 : memref<80xi32, #tpu.memory_space<vmem>>) semaphore(%dma_start3A_807 : memref<!tpu.dma_semaphore, #tpu.memory_space<semaphore_mem>>) {add = true}
    }
    %scan3A_256 = arith.constant 29 : i32
    %dma_wait3A_257 = arith.constant 1 : i32
    %dma_wait3A_258 = arith.constant 2 : i32
    %dma_wait3A_259 = arith.constant 0 : i32
    %dma_wait3A_260 = tpu.memref_slice %arg8[%dma_wait3A_257, %dma_wait3A_259] : memref<2x80xi32, #tpu.memory_space<vmem>> -> memref<1x80xi32, #tpu.memory_space<vmem>>
    %dma_wait3A_261 = tpu.memref_squeeze %dma_wait3A_260 : memref<1x80xi32, #tpu.memory_space<vmem>> -> memref<80xi32, #tpu.memory_space<vmem>>
    %dma_wait3A_262 = arith.constant 0 : i32
    %dma_wait3A_263 = arith.constant 0 : i32
    %dma_wait3A_264 = tpu.memref_slice %arg17[%dma_wait3A_262, %dma_wait3A_263] : memref<10000x136xf32, #tpu.memory_space<vmem_shared>> -> memref<10000x136xf32, #tpu.memory_space<vmem_shared>>
    %dma_wait3A_265 = tpu.memref_slice %arg16[%dma_wait3A_258] : memref<4x!tpu.dma_semaphore, #tpu.memory_space<semaphore_mem>> -> memref<1x!tpu.dma_semaphore, #tpu.memory_space<semaphore_mem>>
    %dma_wait3A_266 = tpu.memref_squeeze %dma_wait3A_265 : memref<1x!tpu.dma_semaphore, #tpu.memory_space<semaphore_mem>> -> memref<!tpu.dma_semaphore, #tpu.memory_space<semaphore_mem>>
    tpu.wait_indirect_dma semaphore(%dma_wait3A_266 : memref<!tpu.dma_semaphore, #tpu.memory_space<semaphore_mem>>) src(%arg12 : memref<80x136xf32, #tpu.memory_space<vmem>>) dst(%dma_wait3A_264 : memref<10000x136xf32, #tpu.memory_space<vmem_shared>>)
    %add3A_267 = arith.constant 9760 : i32
    %add3A_268 = arith.addi %mul3A_4, %add3A_267 : i32
    %dma_start3A_269 = arith.constant 2 : i32
    %dma_start3A_270 = arith.constant 0 : i32
    %dma_start3A_271 = tpu.memref_slice %arg3[%dma_start3A_270, %add3A_268] : memref<2x320000xi32, #tpu.memory_space<hbm>> -> memref<2x80xi32, #tpu.memory_space<hbm>>
    %dma_start3A_272 = tpu.memref_slice %arg14[%dma_start3A_269] : memref<4x!tpu.dma_semaphore, #tpu.memory_space<semaphore_mem>> -> memref<1x!tpu.dma_semaphore, #tpu.memory_space<semaphore_mem>>
    %dma_start3A_273 = tpu.memref_squeeze %dma_start3A_272 : memref<1x!tpu.dma_semaphore, #tpu.memory_space<semaphore_mem>> -> memref<!tpu.dma_semaphore, #tpu.memory_space<semaphore_mem>>
    %dma_start3A_274 = arith.constant 0 : i32
    %dma_start3A_275 = tpu.memref_slice %arg3[%dma_start3A_274, %add3A_268] : memref<2x320000xi32, #tpu.memory_space<hbm>> -> memref<2x80xi32, #tpu.memory_space<hbm>>
    tpu.enqueue_dma source(%dma_start3A_275 : memref<2x80xi32, #tpu.memory_space<hbm>>) target(%arg8 : memref<2x80xi32, #tpu.memory_space<vmem>>) target_semaphore(%dma_start3A_273 : memref<!tpu.dma_semaphore, #tpu.memory_space<semaphore_mem>>)
    %add3A_276 = arith.constant 9680 : i32
    %add3A_277 = arith.addi %mul3A_4, %add3A_276 : i32
    %dma_wait3A_278 = arith.constant 1 : i32
    %dma_wait3A_279 = arith.constant 0 : i32
    %dma_wait3A_280 = tpu.memref_slice %arg3[%dma_wait3A_279, %add3A_277] : memref<2x320000xi32, #tpu.memory_space<hbm>> -> memref<2x80xi32, #tpu.memory_space<hbm>>
    %dma_wait3A_281 = tpu.memref_slice %arg14[%dma_wait3A_278] : memref<4x!tpu.dma_semaphore, #tpu.memory_space<semaphore_mem>> -> memref<1x!tpu.dma_semaphore, #tpu.memory_space<semaphore_mem>>
    %dma_wait3A_282 = tpu.memref_squeeze %dma_wait3A_281 : memref<1x!tpu.dma_semaphore, #tpu.memory_space<semaphore_mem>> -> memref<!tpu.dma_semaphore, #tpu.memory_space<semaphore_mem>>
    %dma_wait3A_283 = arith.constant 0 : i32
    %dma_wait3A_284 = tpu.memref_slice %arg3[%dma_wait3A_283, %add3A_277] : memref<2x320000xi32, #tpu.memory_space<hbm>> -> memref<2x80xi32, #tpu.memory_space<hbm>>
    tpu.wait_dma2 semaphore(%dma_wait3A_282 : memref<!tpu.dma_semaphore, #tpu.memory_space<semaphore_mem>>) src(%dma_wait3A_284 : memref<2x80xi32, #tpu.memory_space<hbm>>) dst(%arg7 : memref<2x80xi32, #tpu.memory_space<vmem>>)
    %dma_start3A_285 = arith.constant 0 : i32
    %dma_start3A_286 = arith.constant 1 : i32
    %dma_start3A_287 = arith.constant 0 : i32
    %dma_start3A_288 = tpu.memref_slice %arg7[%dma_start3A_285, %dma_start3A_287] : memref<2x80xi32, #tpu.memory_space<vmem>> -> memref<1x80xi32, #tpu.memory_space<vmem>>
    %dma_start3A_289 = tpu.memref_squeeze %dma_start3A_288 : memref<1x80xi32, #tpu.memory_space<vmem>> -> memref<80xi32, #tpu.memory_space<vmem>>
    %dma_start3A_290 = arith.constant 0 : i32
    %dma_start3A_291 = arith.constant 0 : i32
    %dma_start3A_292 = tpu.memref_slice %arg2[%dma_start3A_290, %dma_start3A_291] : memref<10000x136xf32, #tpu.memory_space<hbm>> -> memref<10000x136xf32, #tpu.memory_space<hbm>>
    %dma_start3A_293 = tpu.memref_slice %arg15[%dma_start3A_286] : memref<4x!tpu.dma_semaphore, #tpu.memory_space<semaphore_mem>> -> memref<1x!tpu.dma_semaphore, #tpu.memory_space<semaphore_mem>>
    %dma_start3A_294 = tpu.memref_squeeze %dma_start3A_293 : memref<1x!tpu.dma_semaphore, #tpu.memory_space<semaphore_mem>> -> memref<!tpu.dma_semaphore, #tpu.memory_space<semaphore_mem>>
    tpu.enqueue_indirect_dma source(%dma_start3A_292 : memref<10000x136xf32, #tpu.memory_space<hbm>>) target(%arg11 : memref<80x136xf32, #tpu.memory_space<vmem>>) offsets(%dma_start3A_289 : memref<80xi32, #tpu.memory_space<vmem>>) semaphore(%dma_start3A_294 : memref<!tpu.dma_semaphore, #tpu.memory_space<semaphore_mem>>)
    %dma_wait3A_295 = arith.constant 0 : i32
    %dma_wait3A_296 = arith.constant 0 : i32
    %dma_wait3A_297 = arith.constant 0 : i32
    %dma_wait3A_298 = tpu.memref_slice %arg6[%dma_wait3A_295, %dma_wait3A_297] : memref<2x80xi32, #tpu.memory_space<vmem>> -> memref<1x80xi32, #tpu.memory_space<vmem>>
    %dma_wait3A_299 = tpu.memref_squeeze %dma_wait3A_298 : memref<1x80xi32, #tpu.memory_space<vmem>> -> memref<80xi32, #tpu.memory_space<vmem>>
    %dma_wait3A_300 = arith.constant 0 : i32
    %dma_wait3A_301 = arith.constant 0 : i32
    %dma_wait3A_302 = tpu.memref_slice %arg2[%dma_wait3A_300, %dma_wait3A_301] : memref<10000x136xf32, #tpu.memory_space<hbm>> -> memref<10000x136xf32, #tpu.memory_space<hbm>>
    %dma_wait3A_303 = tpu.memref_slice %arg15[%dma_wait3A_296] : memref<4x!tpu.dma_semaphore, #tpu.memory_space<semaphore_mem>> -> memref<1x!tpu.dma_semaphore, #tpu.memory_space<semaphore_mem>>
    %dma_wait3A_304 = tpu.memref_squeeze %dma_wait3A_303 : memref<1x!tpu.dma_semaphore, #tpu.memory_space<semaphore_mem>> -> memref<!tpu.dma_semaphore, #tpu.memory_space<semaphore_mem>>
    tpu.wait_indirect_dma semaphore(%dma_wait3A_304 : memref<!tpu.dma_semaphore, #tpu.memory_space<semaphore_mem>>) src(%dma_wait3A_302 : memref<10000x136xf32, #tpu.memory_space<hbm>>) dst(%arg10 : memref<80x136xf32, #tpu.memory_space<vmem>>)
    %dma_start3A_305 = arith.constant 1 : i32
    %dma_start3A_306 = arith.constant 0 : i32
    %dma_start3A_307 = arith.constant 0 : i32
    %dma_start3A_308 = tpu.memref_slice %arg6[%dma_start3A_305, %dma_start3A_307] : memref<2x80xi32, #tpu.memory_space<vmem>> -> memref<1x80xi32, #tpu.memory_space<vmem>>
    %dma_start3A_309 = tpu.memref_squeeze %dma_start3A_308 : memref<1x80xi32, #tpu.memory_space<vmem>> -> memref<80xi32, #tpu.memory_space<vmem>>
    %dma_start3A_310 = arith.constant 0 : i32
    %dma_start3A_311 = arith.constant 0 : i32
    %dma_start3A_312 = tpu.memref_slice %arg17[%dma_start3A_310, %dma_start3A_311] : memref<10000x136xf32, #tpu.memory_space<vmem_shared>> -> memref<10000x136xf32, #tpu.memory_space<vmem_shared>>
    %dma_start3A_313 = tpu.memref_slice %arg16[%dma_start3A_306] : memref<4x!tpu.dma_semaphore, #tpu.memory_space<semaphore_mem>> -> memref<1x!tpu.dma_semaphore, #tpu.memory_space<semaphore_mem>>
    %dma_start3A_314 = tpu.memref_squeeze %dma_start3A_313 : memref<1x!tpu.dma_semaphore, #tpu.memory_space<semaphore_mem>> -> memref<!tpu.dma_semaphore, #tpu.memory_space<semaphore_mem>>
    tpu.enqueue_indirect_dma source(%arg10 : memref<80x136xf32, #tpu.memory_space<vmem>>) target(%dma_start3A_312 : memref<10000x136xf32, #tpu.memory_space<vmem_shared>>) offsets(%dma_start3A_309 : memref<80xi32, #tpu.memory_space<vmem>>) semaphore(%dma_start3A_314 : memref<!tpu.dma_semaphore, #tpu.memory_space<semaphore_mem>>) {add = true}
    %dma_wait3A_315 = arith.constant 1 : i32
    %dma_wait3A_316 = arith.constant 3 : i32
    %dma_wait3A_317 = arith.constant 0 : i32
    %dma_wait3A_318 = tpu.memref_slice %arg9[%dma_wait3A_315, %dma_wait3A_317] : memref<2x80xi32, #tpu.memory_space<vmem>> -> memref<1x80xi32, #tpu.memory_space<vmem>>
    %dma_wait3A_319 = tpu.memref_squeeze %dma_wait3A_318 : memref<1x80xi32, #tpu.memory_space<vmem>> -> memref<80xi32, #tpu.memory_space<vmem>>
    %dma_wait3A_320 = arith.constant 0 : i32
    %dma_wait3A_321 = arith.constant 0 : i32
    %dma_wait3A_322 = tpu.memref_slice %arg17[%dma_wait3A_320, %dma_wait3A_321] : memref<10000x136xf32, #tpu.memory_space<vmem_shared>> -> memref<10000x136xf32, #tpu.memory_space<vmem_shared>>
    %dma_wait3A_323 = tpu.memref_slice %arg16[%dma_wait3A_316] : memref<4x!tpu.dma_semaphore, #tpu.memory_space<semaphore_mem>> -> memref<1x!tpu.dma_semaphore, #tpu.memory_space<semaphore_mem>>
    %dma_wait3A_324 = tpu.memref_squeeze %dma_wait3A_323 : memref<1x!tpu.dma_semaphore, #tpu.memory_space<semaphore_mem>> -> memref<!tpu.dma_semaphore, #tpu.memory_space<semaphore_mem>>
    tpu.wait_indirect_dma semaphore(%dma_wait3A_324 : memref<!tpu.dma_semaphore, #tpu.memory_space<semaphore_mem>>) src(%arg13 : memref<80x136xf32, #tpu.memory_space<vmem>>) dst(%dma_wait3A_322 : memref<10000x136xf32, #tpu.memory_space<vmem_shared>>)
    %add3A_325 = arith.constant 9840 : i32
    %add3A_326 = arith.addi %mul3A_4, %add3A_325 : i32
    %dma_start3A_327 = arith.constant 3 : i32
    %dma_start3A_328 = arith.constant 0 : i32
    %dma_start3A_329 = tpu.memref_slice %arg3[%dma_start3A_328, %add3A_326] : memref<2x320000xi32, #tpu.memory_space<hbm>> -> memref<2x80xi32, #tpu.memory_space<hbm>>
    %dma_start3A_330 = tpu.memref_slice %arg14[%dma_start3A_327] : memref<4x!tpu.dma_semaphore, #tpu.memory_space<semaphore_mem>> -> memref<1x!tpu.dma_semaphore, #tpu.memory_space<semaphore_mem>>
    %dma_start3A_331 = tpu.memref_squeeze %dma_start3A_330 : memref<1x!tpu.dma_semaphore, #tpu.memory_space<semaphore_mem>> -> memref<!tpu.dma_semaphore, #tpu.memory_space<semaphore_mem>>
    %dma_start3A_332 = arith.constant 0 : i32
    %dma_start3A_333 = tpu.memref_slice %arg3[%dma_start3A_332, %add3A_326] : memref<2x320000xi32, #tpu.memory_space<hbm>> -> memref<2x80xi32, #tpu.memory_space<hbm>>
    tpu.enqueue_dma source(%dma_start3A_333 : memref<2x80xi32, #tpu.memory_space<hbm>>) target(%arg9 : memref<2x80xi32, #tpu.memory_space<vmem>>) target_semaphore(%dma_start3A_331 : memref<!tpu.dma_semaphore, #tpu.memory_space<semaphore_mem>>)
    %add3A_334 = arith.constant 9760 : i32
    %add3A_335 = arith.addi %mul3A_4, %add3A_334 : i32
    %dma_wait3A_336 = arith.constant 2 : i32
    %dma_wait3A_337 = arith.constant 0 : i32
    %dma_wait3A_338 = tpu.memref_slice %arg3[%dma_wait3A_337, %add3A_335] : memref<2x320000xi32, #tpu.memory_space<hbm>> -> memref<2x80xi32, #tpu.memory_space<hbm>>
    %dma_wait3A_339 = tpu.memref_slice %arg14[%dma_wait3A_336] : memref<4x!tpu.dma_semaphore, #tpu.memory_space<semaphore_mem>> -> memref<1x!tpu.dma_semaphore, #tpu.memory_space<semaphore_mem>>
    %dma_wait3A_340 = tpu.memref_squeeze %dma_wait3A_339 : memref<1x!tpu.dma_semaphore, #tpu.memory_space<semaphore_mem>> -> memref<!tpu.dma_semaphore, #tpu.memory_space<semaphore_mem>>
    %dma_wait3A_341 = arith.constant 0 : i32
    %dma_wait3A_342 = tpu.memref_slice %arg3[%dma_wait3A_341, %add3A_335] : memref<2x320000xi32, #tpu.memory_space<hbm>> -> memref<2x80xi32, #tpu.memory_space<hbm>>
    tpu.wait_dma2 semaphore(%dma_wait3A_340 : memref<!tpu.dma_semaphore, #tpu.memory_space<semaphore_mem>>) src(%dma_wait3A_342 : memref<2x80xi32, #tpu.memory_space<hbm>>) dst(%arg8 : memref<2x80xi32, #tpu.memory_space<vmem>>)
    %dma_start3A_343 = arith.constant 0 : i32
    %dma_start3A_344 = arith.constant 2 : i32
    %dma_start3A_345 = arith.constant 0 : i32
    %dma_start3A_346 = tpu.memref_slice %arg8[%dma_start3A_343, %dma_start3A_345] : memref<2x80xi32, #tpu.memory_space<vmem>> -> memref<1x80xi32, #tpu.memory_space<vmem>>
    %dma_start3A_347 = tpu.memref_squeeze %dma_start3A_346 : memref<1x80xi32, #tpu.memory_space<vmem>> -> memref<80xi32, #tpu.memory_space<vmem>>
    %dma_start3A_348 = arith.constant 0 : i32
    %dma_start3A_349 = arith.constant 0 : i32
    %dma_start3A_350 = tpu.memref_slice %arg2[%dma_start3A_348, %dma_start3A_349] : memref<10000x136xf32, #tpu.memory_space<hbm>> -> memref<10000x136xf32, #tpu.memory_space<hbm>>
    %dma_start3A_351 = tpu.memref_slice %arg15[%dma_start3A_344] : memref<4x!tpu.dma_semaphore, #tpu.memory_space<semaphore_mem>> -> memref<1x!tpu.dma_semaphore, #tpu.memory_space<semaphore_mem>>
    %dma_start3A_352 = tpu.memref_squeeze %dma_start3A_351 : memref<1x!tpu.dma_semaphore, #tpu.memory_space<semaphore_mem>> -> memref<!tpu.dma_semaphore, #tpu.memory_space<semaphore_mem>>
    tpu.enqueue_indirect_dma source(%dma_start3A_350 : memref<10000x136xf32, #tpu.memory_space<hbm>>) target(%arg12 : memref<80x136xf32, #tpu.memory_space<vmem>>) offsets(%dma_start3A_347 : memref<80xi32, #tpu.memory_space<vmem>>) semaphore(%dma_start3A_352 : memref<!tpu.dma_semaphore, #tpu.memory_space<semaphore_mem>>)
    %dma_wait3A_353 = arith.constant 0 : i32
    %dma_wait3A_354 = arith.constant 1 : i32
    %dma_wait3A_355 = arith.constant 0 : i32
    %dma_wait3A_356 = tpu.memref_slice %arg7[%dma_wait3A_353, %dma_wait3A_355] : memref<2x80xi32, #tpu.memory_space<vmem>> -> memref<1x80xi32, #tpu.memory_space<vmem>>
    %dma_wait3A_357 = tpu.memref_squeeze %dma_wait3A_356 : memref<1x80xi32, #tpu.memory_space<vmem>> -> memref<80xi32, #tpu.memory_space<vmem>>
    %dma_wait3A_358 = arith.constant 0 : i32
    %dma_wait3A_359 = arith.constant 0 : i32
    %dma_wait3A_360 = tpu.memref_slice %arg2[%dma_wait3A_358, %dma_wait3A_359] : memref<10000x136xf32, #tpu.memory_space<hbm>> -> memref<10000x136xf32, #tpu.memory_space<hbm>>
    %dma_wait3A_361 = tpu.memref_slice %arg15[%dma_wait3A_354] : memref<4x!tpu.dma_semaphore, #tpu.memory_space<semaphore_mem>> -> memref<1x!tpu.dma_semaphore, #tpu.memory_space<semaphore_mem>>
    %dma_wait3A_362 = tpu.memref_squeeze %dma_wait3A_361 : memref<1x!tpu.dma_semaphore, #tpu.memory_space<semaphore_mem>> -> memref<!tpu.dma_semaphore, #tpu.memory_space<semaphore_mem>>
    tpu.wait_indirect_dma semaphore(%dma_wait3A_362 : memref<!tpu.dma_semaphore, #tpu.memory_space<semaphore_mem>>) src(%dma_wait3A_360 : memref<10000x136xf32, #tpu.memory_space<hbm>>) dst(%arg11 : memref<80x136xf32, #tpu.memory_space<vmem>>)
    %dma_start3A_363 = arith.constant 1 : i32
    %dma_start3A_364 = arith.constant 1 : i32
    %dma_start3A_365 = arith.constant 0 : i32
    %dma_start3A_366 = tpu.memref_slice %arg7[%dma_start3A_363, %dma_start3A_365] : memref<2x80xi32, #tpu.memory_space<vmem>> -> memref<1x80xi32, #tpu.memory_space<vmem>>
    %dma_start3A_367 = tpu.memref_squeeze %dma_start3A_366 : memref<1x80xi32, #tpu.memory_space<vmem>> -> memref<80xi32, #tpu.memory_space<vmem>>
    %dma_start3A_368 = arith.constant 0 : i32
    %dma_start3A_369 = arith.constant 0 : i32
    %dma_start3A_370 = tpu.memref_slice %arg17[%dma_start3A_368, %dma_start3A_369] : memref<10000x136xf32, #tpu.memory_space<vmem_shared>> -> memref<10000x136xf32, #tpu.memory_space<vmem_shared>>
    %dma_start3A_371 = tpu.memref_slice %arg16[%dma_start3A_364] : memref<4x!tpu.dma_semaphore, #tpu.memory_space<semaphore_mem>> -> memref<1x!tpu.dma_semaphore, #tpu.memory_space<semaphore_mem>>
    %dma_start3A_372 = tpu.memref_squeeze %dma_start3A_371 : memref<1x!tpu.dma_semaphore, #tpu.memory_space<semaphore_mem>> -> memref<!tpu.dma_semaphore, #tpu.memory_space<semaphore_mem>>
    tpu.enqueue_indirect_dma source(%arg11 : memref<80x136xf32, #tpu.memory_space<vmem>>) target(%dma_start3A_370 : memref<10000x136xf32, #tpu.memory_space<vmem_shared>>) offsets(%dma_start3A_367 : memref<80xi32, #tpu.memory_space<vmem>>) semaphore(%dma_start3A_372 : memref<!tpu.dma_semaphore, #tpu.memory_space<semaphore_mem>>) {add = true}
    %dma_wait3A_373 = arith.constant 1 : i32
    %dma_wait3A_374 = arith.constant 0 : i32
    %dma_wait3A_375 = arith.constant 0 : i32
    %dma_wait3A_376 = tpu.memref_slice %arg6[%dma_wait3A_373, %dma_wait3A_375] : memref<2x80xi32, #tpu.memory_space<vmem>> -> memref<1x80xi32, #tpu.memory_space<vmem>>
    %dma_wait3A_377 = tpu.memref_squeeze %dma_wait3A_376 : memref<1x80xi32, #tpu.memory_space<vmem>> -> memref<80xi32, #tpu.memory_space<vmem>>
    %dma_wait3A_378 = arith.constant 0 : i32
    %dma_wait3A_379 = arith.constant 0 : i32
    %dma_wait3A_380 = tpu.memref_slice %arg17[%dma_wait3A_378, %dma_wait3A_379] : memref<10000x136xf32, #tpu.memory_space<vmem_shared>> -> memref<10000x136xf32, #tpu.memory_space<vmem_shared>>
    %dma_wait3A_381 = tpu.memref_slice %arg16[%dma_wait3A_374] : memref<4x!tpu.dma_semaphore, #tpu.memory_space<semaphore_mem>> -> memref<1x!tpu.dma_semaphore, #tpu.memory_space<semaphore_mem>>
    %dma_wait3A_382 = tpu.memref_squeeze %dma_wait3A_381 : memref<1x!tpu.dma_semaphore, #tpu.memory_space<semaphore_mem>> -> memref<!tpu.dma_semaphore, #tpu.memory_space<semaphore_mem>>
    tpu.wait_indirect_dma semaphore(%dma_wait3A_382 : memref<!tpu.dma_semaphore, #tpu.memory_space<semaphore_mem>>) src(%arg10 : memref<80x136xf32, #tpu.memory_space<vmem>>) dst(%dma_wait3A_380 : memref<10000x136xf32, #tpu.memory_space<vmem_shared>>)
    %add3A_383 = arith.constant 9920 : i32
    %add3A_384 = arith.addi %mul3A_4, %add3A_383 : i32
    %dma_start3A_385 = arith.constant 0 : i32
    %dma_start3A_386 = arith.constant 0 : i32
    %dma_start3A_387 = tpu.memref_slice %arg3[%dma_start3A_386, %add3A_384] : memref<2x320000xi32, #tpu.memory_space<hbm>> -> memref<2x80xi32, #tpu.memory_space<hbm>>
    %dma_start3A_388 = tpu.memref_slice %arg14[%dma_start3A_385] : memref<4x!tpu.dma_semaphore, #tpu.memory_space<semaphore_mem>> -> memref<1x!tpu.dma_semaphore, #tpu.memory_space<semaphore_mem>>
    %dma_start3A_389 = tpu.memref_squeeze %dma_start3A_388 : memref<1x!tpu.dma_semaphore, #tpu.memory_space<semaphore_mem>> -> memref<!tpu.dma_semaphore, #tpu.memory_space<semaphore_mem>>
    %dma_start3A_390 = arith.constant 0 : i32
    %dma_start3A_391 = tpu.memref_slice %arg3[%dma_start3A_390, %add3A_384] : memref<2x320000xi32, #tpu.memory_space<hbm>> -> memref<2x80xi32, #tpu.memory_space<hbm>>
    tpu.enqueue_dma source(%dma_start3A_391 : memref<2x80xi32, #tpu.memory_space<hbm>>) target(%arg6 : memref<2x80xi32, #tpu.memory_space<vmem>>) target_semaphore(%dma_start3A_389 : memref<!tpu.dma_semaphore, #tpu.memory_space<semaphore_mem>>)
    %add3A_392 = arith.constant 9840 : i32
    %add3A_393 = arith.addi %mul3A_4, %add3A_392 : i32
    %dma_wait3A_394 = arith.constant 3 : i32
    %dma_wait3A_395 = arith.constant 0 : i32
    %dma_wait3A_396 = tpu.memref_slice %arg3[%dma_wait3A_395, %add3A_393] : memref<2x320000xi32, #tpu.memory_space<hbm>> -> memref<2x80xi32, #tpu.memory_space<hbm>>
    %dma_wait3A_397 = tpu.memref_slice %arg14[%dma_wait3A_394] : memref<4x!tpu.dma_semaphore, #tpu.memory_space<semaphore_mem>> -> memref<1x!tpu.dma_semaphore, #tpu.memory_space<semaphore_mem>>
    %dma_wait3A_398 = tpu.memref_squeeze %dma_wait3A_397 : memref<1x!tpu.dma_semaphore, #tpu.memory_space<semaphore_mem>> -> memref<!tpu.dma_semaphore, #tpu.memory_space<semaphore_mem>>
    %dma_wait3A_399 = arith.constant 0 : i32
    %dma_wait3A_400 = tpu.memref_slice %arg3[%dma_wait3A_399, %add3A_393] : memref<2x320000xi32, #tpu.memory_space<hbm>> -> memref<2x80xi32, #tpu.memory_space<hbm>>
    tpu.wait_dma2 semaphore(%dma_wait3A_398 : memref<!tpu.dma_semaphore, #tpu.memory_space<semaphore_mem>>) src(%dma_wait3A_400 : memref<2x80xi32, #tpu.memory_space<hbm>>) dst(%arg9 : memref<2x80xi32, #tpu.memory_space<vmem>>)
    %dma_start3A_401 = arith.constant 0 : i32
    %dma_start3A_402 = arith.constant 3 : i32
    %dma_start3A_403 = arith.constant 0 : i32
    %dma_start3A_404 = tpu.memref_slice %arg9[%dma_start3A_401, %dma_start3A_403] : memref<2x80xi32, #tpu.memory_space<vmem>> -> memref<1x80xi32, #tpu.memory_space<vmem>>
    %dma_start3A_405 = tpu.memref_squeeze %dma_start3A_404 : memref<1x80xi32, #tpu.memory_space<vmem>> -> memref<80xi32, #tpu.memory_space<vmem>>
    %dma_start3A_406 = arith.constant 0 : i32
    %dma_start3A_407 = arith.constant 0 : i32
    %dma_start3A_408 = tpu.memref_slice %arg2[%dma_start3A_406, %dma_start3A_407] : memref<10000x136xf32, #tpu.memory_space<hbm>> -> memref<10000x136xf32, #tpu.memory_space<hbm>>
    %dma_start3A_409 = tpu.memref_slice %arg15[%dma_start3A_402] : memref<4x!tpu.dma_semaphore, #tpu.memory_space<semaphore_mem>> -> memref<1x!tpu.dma_semaphore, #tpu.memory_space<semaphore_mem>>
    %dma_start3A_410 = tpu.memref_squeeze %dma_start3A_409 : memref<1x!tpu.dma_semaphore, #tpu.memory_space<semaphore_mem>> -> memref<!tpu.dma_semaphore, #tpu.memory_space<semaphore_mem>>
    tpu.enqueue_indirect_dma source(%dma_start3A_408 : memref<10000x136xf32, #tpu.memory_space<hbm>>) target(%arg13 : memref<80x136xf32, #tpu.memory_space<vmem>>) offsets(%dma_start3A_405 : memref<80xi32, #tpu.memory_space<vmem>>) semaphore(%dma_start3A_410 : memref<!tpu.dma_semaphore, #tpu.memory_space<semaphore_mem>>)
    %dma_wait3A_411 = arith.constant 0 : i32
    %dma_wait3A_412 = arith.constant 2 : i32
    %dma_wait3A_413 = arith.constant 0 : i32
    %dma_wait3A_414 = tpu.memref_slice %arg8[%dma_wait3A_411, %dma_wait3A_413] : memref<2x80xi32, #tpu.memory_space<vmem>> -> memref<1x80xi32, #tpu.memory_space<vmem>>
    %dma_wait3A_415 = tpu.memref_squeeze %dma_wait3A_414 : memref<1x80xi32, #tpu.memory_space<vmem>> -> memref<80xi32, #tpu.memory_space<vmem>>
    %dma_wait3A_416 = arith.constant 0 : i32
    %dma_wait3A_417 = arith.constant 0 : i32
    %dma_wait3A_418 = tpu.memref_slice %arg2[%dma_wait3A_416, %dma_wait3A_417] : memref<10000x136xf32, #tpu.memory_space<hbm>> -> memref<10000x136xf32, #tpu.memory_space<hbm>>
    %dma_wait3A_419 = tpu.memref_slice %arg15[%dma_wait3A_412] : memref<4x!tpu.dma_semaphore, #tpu.memory_space<semaphore_mem>> -> memref<1x!tpu.dma_semaphore, #tpu.memory_space<semaphore_mem>>
    %dma_wait3A_420 = tpu.memref_squeeze %dma_wait3A_419 : memref<1x!tpu.dma_semaphore, #tpu.memory_space<semaphore_mem>> -> memref<!tpu.dma_semaphore, #tpu.memory_space<semaphore_mem>>
    tpu.wait_indirect_dma semaphore(%dma_wait3A_420 : memref<!tpu.dma_semaphore, #tpu.memory_space<semaphore_mem>>) src(%dma_wait3A_418 : memref<10000x136xf32, #tpu.memory_space<hbm>>) dst(%arg12 : memref<80x136xf32, #tpu.memory_space<vmem>>)
    %dma_start3A_421 = arith.constant 1 : i32
    %dma_start3A_422 = arith.constant 2 : i32
    %dma_start3A_423 = arith.constant 0 : i32
    %dma_start3A_424 = tpu.memref_slice %arg8[%dma_start3A_421, %dma_start3A_423] : memref<2x80xi32, #tpu.memory_space<vmem>> -> memref<1x80xi32, #tpu.memory_space<vmem>>
    %dma_start3A_425 = tpu.memref_squeeze %dma_start3A_424 : memref<1x80xi32, #tpu.memory_space<vmem>> -> memref<80xi32, #tpu.memory_space<vmem>>
    %dma_start3A_426 = arith.constant 0 : i32
    %dma_start3A_427 = arith.constant 0 : i32
    %dma_start3A_428 = tpu.memref_slice %arg17[%dma_start3A_426, %dma_start3A_427] : memref<10000x136xf32, #tpu.memory_space<vmem_shared>> -> memref<10000x136xf32, #tpu.memory_space<vmem_shared>>
    %dma_start3A_429 = tpu.memref_slice %arg16[%dma_start3A_422] : memref<4x!tpu.dma_semaphore, #tpu.memory_space<semaphore_mem>> -> memref<1x!tpu.dma_semaphore, #tpu.memory_space<semaphore_mem>>
    %dma_start3A_430 = tpu.memref_squeeze %dma_start3A_429 : memref<1x!tpu.dma_semaphore, #tpu.memory_space<semaphore_mem>> -> memref<!tpu.dma_semaphore, #tpu.memory_space<semaphore_mem>>
    tpu.enqueue_indirect_dma source(%arg12 : memref<80x136xf32, #tpu.memory_space<vmem>>) target(%dma_start3A_428 : memref<10000x136xf32, #tpu.memory_space<vmem_shared>>) offsets(%dma_start3A_425 : memref<80xi32, #tpu.memory_space<vmem>>) semaphore(%dma_start3A_430 : memref<!tpu.dma_semaphore, #tpu.memory_space<semaphore_mem>>) {add = true}
    %dma_wait3A_431 = arith.constant 1 : i32
    %dma_wait3A_432 = arith.constant 1 : i32
    %dma_wait3A_433 = arith.constant 0 : i32
    %dma_wait3A_434 = tpu.memref_slice %arg7[%dma_wait3A_431, %dma_wait3A_433] : memref<2x80xi32, #tpu.memory_space<vmem>> -> memref<1x80xi32, #tpu.memory_space<vmem>>
    %dma_wait3A_435 = tpu.memref_squeeze %dma_wait3A_434 : memref<1x80xi32, #tpu.memory_space<vmem>> -> memref<80xi32, #tpu.memory_space<vmem>>
    %dma_wait3A_436 = arith.constant 0 : i32
    %dma_wait3A_437 = arith.constant 0 : i32
    %dma_wait3A_438 = tpu.memref_slice %arg17[%dma_wait3A_436, %dma_wait3A_437] : memref<10000x136xf32, #tpu.memory_space<vmem_shared>> -> memref<10000x136xf32, #tpu.memory_space<vmem_shared>>
    %dma_wait3A_439 = tpu.memref_slice %arg16[%dma_wait3A_432] : memref<4x!tpu.dma_semaphore, #tpu.memory_space<semaphore_mem>> -> memref<1x!tpu.dma_semaphore, #tpu.memory_space<semaphore_mem>>
    %dma_wait3A_440 = tpu.memref_squeeze %dma_wait3A_439 : memref<1x!tpu.dma_semaphore, #tpu.memory_space<semaphore_mem>> -> memref<!tpu.dma_semaphore, #tpu.memory_space<semaphore_mem>>
    tpu.wait_indirect_dma semaphore(%dma_wait3A_440 : memref<!tpu.dma_semaphore, #tpu.memory_space<semaphore_mem>>) src(%arg11 : memref<80x136xf32, #tpu.memory_space<vmem>>) dst(%dma_wait3A_438 : memref<10000x136xf32, #tpu.memory_space<vmem_shared>>)
    %add3A_441 = arith.constant 9920 : i32
    %add3A_442 = arith.addi %mul3A_4, %add3A_441 : i32
    %dma_wait3A_443 = arith.constant 0 : i32
    %dma_wait3A_444 = arith.constant 0 : i32
    %dma_wait3A_445 = tpu.memref_slice %arg3[%dma_wait3A_444, %add3A_442] : memref<2x320000xi32, #tpu.memory_space<hbm>> -> memref<2x80xi32, #tpu.memory_space<hbm>>
    %dma_wait3A_446 = tpu.memref_slice %arg14[%dma_wait3A_443] : memref<4x!tpu.dma_semaphore, #tpu.memory_space<semaphore_mem>> -> memref<1x!tpu.dma_semaphore, #tpu.memory_space<semaphore_mem>>
    %dma_wait3A_447 = tpu.memref_squeeze %dma_wait3A_446 : memref<1x!tpu.dma_semaphore, #tpu.memory_space<semaphore_mem>> -> memref<!tpu.dma_semaphore, #tpu.memory_space<semaphore_mem>>
    %dma_wait3A_448 = arith.constant 0 : i32
    %dma_wait3A_449 = tpu.memref_slice %arg3[%dma_wait3A_448, %add3A_442] : memref<2x320000xi32, #tpu.memory_space<hbm>> -> memref<2x80xi32, #tpu.memory_space<hbm>>
    tpu.wait_dma2 semaphore(%dma_wait3A_447 : memref<!tpu.dma_semaphore, #tpu.memory_space<semaphore_mem>>) src(%dma_wait3A_449 : memref<2x80xi32, #tpu.memory_space<hbm>>) dst(%arg6 : memref<2x80xi32, #tpu.memory_space<vmem>>)
    %dma_start3A_450 = arith.constant 0 : i32
    %dma_start3A_451 = arith.constant 0 : i32
    %dma_start3A_452 = arith.constant 0 : i32
    %dma_start3A_453 = tpu.memref_slice %arg6[%dma_start3A_450, %dma_start3A_452] : memref<2x80xi32, #tpu.memory_space<vmem>> -> memref<1x80xi32, #tpu.memory_space<vmem>>
    %dma_start3A_454 = tpu.memref_squeeze %dma_start3A_453 : memref<1x80xi32, #tpu.memory_space<vmem>> -> memref<80xi32, #tpu.memory_space<vmem>>
    %dma_start3A_455 = arith.constant 0 : i32
    %dma_start3A_456 = arith.constant 0 : i32
    %dma_start3A_457 = tpu.memref_slice %arg2[%dma_start3A_455, %dma_start3A_456] : memref<10000x136xf32, #tpu.memory_space<hbm>> -> memref<10000x136xf32, #tpu.memory_space<hbm>>
    %dma_start3A_458 = tpu.memref_slice %arg15[%dma_start3A_451] : memref<4x!tpu.dma_semaphore, #tpu.memory_space<semaphore_mem>> -> memref<1x!tpu.dma_semaphore, #tpu.memory_space<semaphore_mem>>
    %dma_start3A_459 = tpu.memref_squeeze %dma_start3A_458 : memref<1x!tpu.dma_semaphore, #tpu.memory_space<semaphore_mem>> -> memref<!tpu.dma_semaphore, #tpu.memory_space<semaphore_mem>>
    tpu.enqueue_indirect_dma source(%dma_start3A_457 : memref<10000x136xf32, #tpu.memory_space<hbm>>) target(%arg10 : memref<80x136xf32, #tpu.memory_space<vmem>>) offsets(%dma_start3A_454 : memref<80xi32, #tpu.memory_space<vmem>>) semaphore(%dma_start3A_459 : memref<!tpu.dma_semaphore, #tpu.memory_space<semaphore_mem>>)
    %dma_wait3A_460 = arith.constant 0 : i32
    %dma_wait3A_461 = arith.constant 3 : i32
    %dma_wait3A_462 = arith.constant 0 : i32
    %dma_wait3A_463 = tpu.memref_slice %arg9[%dma_wait3A_460, %dma_wait3A_462] : memref<2x80xi32, #tpu.memory_space<vmem>> -> memref<1x80xi32, #tpu.memory_space<vmem>>
    %dma_wait3A_464 = tpu.memref_squeeze %dma_wait3A_463 : memref<1x80xi32, #tpu.memory_space<vmem>> -> memref<80xi32, #tpu.memory_space<vmem>>
    %dma_wait3A_465 = arith.constant 0 : i32
    %dma_wait3A_466 = arith.constant 0 : i32
    %dma_wait3A_467 = tpu.memref_slice %arg2[%dma_wait3A_465, %dma_wait3A_466] : memref<10000x136xf32, #tpu.memory_space<hbm>> -> memref<10000x136xf32, #tpu.memory_space<hbm>>
    %dma_wait3A_468 = tpu.memref_slice %arg15[%dma_wait3A_461] : memref<4x!tpu.dma_semaphore, #tpu.memory_space<semaphore_mem>> -> memref<1x!tpu.dma_semaphore, #tpu.memory_space<semaphore_mem>>
    %dma_wait3A_469 = tpu.memref_squeeze %dma_wait3A_468 : memref<1x!tpu.dma_semaphore, #tpu.memory_space<semaphore_mem>> -> memref<!tpu.dma_semaphore, #tpu.memory_space<semaphore_mem>>
    tpu.wait_indirect_dma semaphore(%dma_wait3A_469 : memref<!tpu.dma_semaphore, #tpu.memory_space<semaphore_mem>>) src(%dma_wait3A_467 : memref<10000x136xf32, #tpu.memory_space<hbm>>) dst(%arg13 : memref<80x136xf32, #tpu.memory_space<vmem>>)
    %dma_start3A_470 = arith.constant 1 : i32
    %dma_start3A_471 = arith.constant 3 : i32
    %dma_start3A_472 = arith.constant 0 : i32
    %dma_start3A_473 = tpu.memref_slice %arg9[%dma_start3A_470, %dma_start3A_472] : memref<2x80xi32, #tpu.memory_space<vmem>> -> memref<1x80xi32, #tpu.memory_space<vmem>>
    %dma_start3A_474 = tpu.memref_squeeze %dma_start3A_473 : memref<1x80xi32, #tpu.memory_space<vmem>> -> memref<80xi32, #tpu.memory_space<vmem>>
    %dma_start3A_475 = arith.constant 0 : i32
    %dma_start3A_476 = arith.constant 0 : i32
    %dma_start3A_477 = tpu.memref_slice %arg17[%dma_start3A_475, %dma_start3A_476] : memref<10000x136xf32, #tpu.memory_space<vmem_shared>> -> memref<10000x136xf32, #tpu.memory_space<vmem_shared>>
    %dma_start3A_478 = tpu.memref_slice %arg16[%dma_start3A_471] : memref<4x!tpu.dma_semaphore, #tpu.memory_space<semaphore_mem>> -> memref<1x!tpu.dma_semaphore, #tpu.memory_space<semaphore_mem>>
    %dma_start3A_479 = tpu.memref_squeeze %dma_start3A_478 : memref<1x!tpu.dma_semaphore, #tpu.memory_space<semaphore_mem>> -> memref<!tpu.dma_semaphore, #tpu.memory_space<semaphore_mem>>
    tpu.enqueue_indirect_dma source(%arg13 : memref<80x136xf32, #tpu.memory_space<vmem>>) target(%dma_start3A_477 : memref<10000x136xf32, #tpu.memory_space<vmem_shared>>) offsets(%dma_start3A_474 : memref<80xi32, #tpu.memory_space<vmem>>) semaphore(%dma_start3A_479 : memref<!tpu.dma_semaphore, #tpu.memory_space<semaphore_mem>>) {add = true}
    %dma_wait3A_480 = arith.constant 0 : i32
    %dma_wait3A_481 = arith.constant 0 : i32
    %dma_wait3A_482 = arith.constant 0 : i32
    %dma_wait3A_483 = tpu.memref_slice %arg6[%dma_wait3A_480, %dma_wait3A_482] : memref<2x80xi32, #tpu.memory_space<vmem>> -> memref<1x80xi32, #tpu.memory_space<vmem>>
    %dma_wait3A_484 = tpu.memref_squeeze %dma_wait3A_483 : memref<1x80xi32, #tpu.memory_space<vmem>> -> memref<80xi32, #tpu.memory_space<vmem>>
    %dma_wait3A_485 = arith.constant 0 : i32
    %dma_wait3A_486 = arith.constant 0 : i32
    %dma_wait3A_487 = tpu.memref_slice %arg2[%dma_wait3A_485, %dma_wait3A_486] : memref<10000x136xf32, #tpu.memory_space<hbm>> -> memref<10000x136xf32, #tpu.memory_space<hbm>>
    %dma_wait3A_488 = tpu.memref_slice %arg15[%dma_wait3A_481] : memref<4x!tpu.dma_semaphore, #tpu.memory_space<semaphore_mem>> -> memref<1x!tpu.dma_semaphore, #tpu.memory_space<semaphore_mem>>
    %dma_wait3A_489 = tpu.memref_squeeze %dma_wait3A_488 : memref<1x!tpu.dma_semaphore, #tpu.memory_space<semaphore_mem>> -> memref<!tpu.dma_semaphore, #tpu.memory_space<semaphore_mem>>
    tpu.wait_indirect_dma semaphore(%dma_wait3A_489 : memref<!tpu.dma_semaphore, #tpu.memory_space<semaphore_mem>>) src(%dma_wait3A_487 : memref<10000x136xf32, #tpu.memory_space<hbm>>) dst(%arg10 : memref<80x136xf32, #tpu.memory_space<vmem>>)
    %dma_start3A_490 = arith.constant 1 : i32
    %dma_start3A_491 = arith.constant 0 : i32
    %dma_start3A_492 = arith.constant 0 : i32
    %dma_start3A_493 = tpu.memref_slice %arg6[%dma_start3A_490, %dma_start3A_492] : memref<2x80xi32, #tpu.memory_space<vmem>> -> memref<1x80xi32, #tpu.memory_space<vmem>>
    %dma_start3A_494 = tpu.memref_squeeze %dma_start3A_493 : memref<1x80xi32, #tpu.memory_space<vmem>> -> memref<80xi32, #tpu.memory_space<vmem>>
    %dma_start3A_495 = arith.constant 0 : i32
    %dma_start3A_496 = arith.constant 0 : i32
    %dma_start3A_497 = tpu.memref_slice %arg17[%dma_start3A_495, %dma_start3A_496] : memref<10000x136xf32, #tpu.memory_space<vmem_shared>> -> memref<10000x136xf32, #tpu.memory_space<vmem_shared>>
    %dma_start3A_498 = tpu.memref_slice %arg16[%dma_start3A_491] : memref<4x!tpu.dma_semaphore, #tpu.memory_space<semaphore_mem>> -> memref<1x!tpu.dma_semaphore, #tpu.memory_space<semaphore_mem>>
    %dma_start3A_499 = tpu.memref_squeeze %dma_start3A_498 : memref<1x!tpu.dma_semaphore, #tpu.memory_space<semaphore_mem>> -> memref<!tpu.dma_semaphore, #tpu.memory_space<semaphore_mem>>
    tpu.enqueue_indirect_dma source(%arg10 : memref<80x136xf32, #tpu.memory_space<vmem>>) target(%dma_start3A_497 : memref<10000x136xf32, #tpu.memory_space<vmem_shared>>) offsets(%dma_start3A_494 : memref<80xi32, #tpu.memory_space<vmem>>) semaphore(%dma_start3A_499 : memref<!tpu.dma_semaphore, #tpu.memory_space<semaphore_mem>>) {add = true}
    %dma_wait3A_500 = arith.constant 1 : i32
    %dma_wait3A_501 = arith.constant 2 : i32
    %dma_wait3A_502 = arith.constant 0 : i32
    %dma_wait3A_503 = tpu.memref_slice %arg8[%dma_wait3A_500, %dma_wait3A_502] : memref<2x80xi32, #tpu.memory_space<vmem>> -> memref<1x80xi32, #tpu.memory_space<vmem>>
    %dma_wait3A_504 = tpu.memref_squeeze %dma_wait3A_503 : memref<1x80xi32, #tpu.memory_space<vmem>> -> memref<80xi32, #tpu.memory_space<vmem>>
    %dma_wait3A_505 = arith.constant 0 : i32
    %dma_wait3A_506 = arith.constant 0 : i32
    %dma_wait3A_507 = tpu.memref_slice %arg17[%dma_wait3A_505, %dma_wait3A_506] : memref<10000x136xf32, #tpu.memory_space<vmem_shared>> -> memref<10000x136xf32, #tpu.memory_space<vmem_shared>>
    %dma_wait3A_508 = tpu.memref_slice %arg16[%dma_wait3A_501] : memref<4x!tpu.dma_semaphore, #tpu.memory_space<semaphore_mem>> -> memref<1x!tpu.dma_semaphore, #tpu.memory_space<semaphore_mem>>
    %dma_wait3A_509 = tpu.memref_squeeze %dma_wait3A_508 : memref<1x!tpu.dma_semaphore, #tpu.memory_space<semaphore_mem>> -> memref<!tpu.dma_semaphore, #tpu.memory_space<semaphore_mem>>
    tpu.wait_indirect_dma semaphore(%dma_wait3A_509 : memref<!tpu.dma_semaphore, #tpu.memory_space<semaphore_mem>>) src(%arg12 : memref<80x136xf32, #tpu.memory_space<vmem>>) dst(%dma_wait3A_507 : memref<10000x136xf32, #tpu.memory_space<vmem_shared>>)
    %dma_wait3A_510 = arith.constant 1 : i32
    %dma_wait3A_511 = arith.constant 3 : i32
    %dma_wait3A_512 = arith.constant 0 : i32
    %dma_wait3A_513 = tpu.memref_slice %arg9[%dma_wait3A_510, %dma_wait3A_512] : memref<2x80xi32, #tpu.memory_space<vmem>> -> memref<1x80xi32, #tpu.memory_space<vmem>>
    %dma_wait3A_514 = tpu.memref_squeeze %dma_wait3A_513 : memref<1x80xi32, #tpu.memory_space<vmem>> -> memref<80xi32, #tpu.memory_space<vmem>>
    %dma_wait3A_515 = arith.constant 0 : i32
    %dma_wait3A_516 = arith.constant 0 : i32
    %dma_wait3A_517 = tpu.memref_slice %arg17[%dma_wait3A_515, %dma_wait3A_516] : memref<10000x136xf32, #tpu.memory_space<vmem_shared>> -> memref<10000x136xf32, #tpu.memory_space<vmem_shared>>
    %dma_wait3A_518 = tpu.memref_slice %arg16[%dma_wait3A_511] : memref<4x!tpu.dma_semaphore, #tpu.memory_space<semaphore_mem>> -> memref<1x!tpu.dma_semaphore, #tpu.memory_space<semaphore_mem>>
    %dma_wait3A_519 = tpu.memref_squeeze %dma_wait3A_518 : memref<1x!tpu.dma_semaphore, #tpu.memory_space<semaphore_mem>> -> memref<!tpu.dma_semaphore, #tpu.memory_space<semaphore_mem>>
    tpu.wait_indirect_dma semaphore(%dma_wait3A_519 : memref<!tpu.dma_semaphore, #tpu.memory_space<semaphore_mem>>) src(%arg13 : memref<80x136xf32, #tpu.memory_space<vmem>>) dst(%dma_wait3A_517 : memref<10000x136xf32, #tpu.memory_space<vmem_shared>>)
    %dma_wait3A_520 = arith.constant 1 : i32
    %dma_wait3A_521 = arith.constant 0 : i32
    %dma_wait3A_522 = arith.constant 0 : i32
    %dma_wait3A_523 = tpu.memref_slice %arg6[%dma_wait3A_520, %dma_wait3A_522] : memref<2x80xi32, #tpu.memory_space<vmem>> -> memref<1x80xi32, #tpu.memory_space<vmem>>
    %dma_wait3A_524 = tpu.memref_squeeze %dma_wait3A_523 : memref<1x80xi32, #tpu.memory_space<vmem>> -> memref<80xi32, #tpu.memory_space<vmem>>
    %dma_wait3A_525 = arith.constant 0 : i32
    %dma_wait3A_526 = arith.constant 0 : i32
    %dma_wait3A_527 = tpu.memref_slice %arg17[%dma_wait3A_525, %dma_wait3A_526] : memref<10000x136xf32, #tpu.memory_space<vmem_shared>> -> memref<10000x136xf32, #tpu.memory_space<vmem_shared>>
    %dma_wait3A_528 = tpu.memref_slice %arg16[%dma_wait3A_521] : memref<4x!tpu.dma_semaphore, #tpu.memory_space<semaphore_mem>> -> memref<1x!tpu.dma_semaphore, #tpu.memory_space<semaphore_mem>>
    %dma_wait3A_529 = tpu.memref_squeeze %dma_wait3A_528 : memref<1x!tpu.dma_semaphore, #tpu.memory_space<semaphore_mem>> -> memref<!tpu.dma_semaphore, #tpu.memory_space<semaphore_mem>>
    tpu.wait_indirect_dma semaphore(%dma_wait3A_529 : memref<!tpu.dma_semaphore, #tpu.memory_space<semaphore_mem>>) src(%arg10 : memref<80x136xf32, #tpu.memory_space<vmem>>) dst(%dma_wait3A_527 : memref<10000x136xf32, #tpu.memory_space<vmem_shared>>)
    %barrier3A_530 = arith.constant 0 : index
    tpu.barrier barrier_id(%barrier3A_530)
    %mul3A_531 = arith.constant 625 : i32
    %mul3A_532 = arith.muli %arg1, %mul3A_531 : i32
    %mul3A_533 = arith.constant 625 : i32
    %mul3A_534 = arith.muli %arg1, %mul3A_533 : i32
    "tpu.region"() ({
      %run_scoped3A = tpu.sem_alloc : memref<!tpu.dma_semaphore, #tpu.memory_space<semaphore_mem>>
      %dma_start3A_535 = arith.constant 0 : i32
      %dma_start3A_536 = tpu.memref_slice %arg5[%arg0, %mul3A_534, %dma_start3A_535] : memref<2x10000x136xf32, #tpu.memory_space<hbm>> -> memref<1x625x136xf32, #tpu.memory_space<hbm>>
      %dma_start3A_537 = tpu.memref_squeeze %dma_start3A_536 : memref<1x625x136xf32, #tpu.memory_space<hbm>> -> memref<625x136xf32, #tpu.memory_space<hbm>>
      %dma_start3A_538 = arith.constant 0 : i32
      %dma_start3A_539 = tpu.memref_slice %arg17[%mul3A_532, %dma_start3A_538] : memref<10000x136xf32, #tpu.memory_space<vmem_shared>> -> memref<625x136xf32, #tpu.memory_space<vmem_shared>>
      tpu.enqueue_dma source(%dma_start3A_539 : memref<625x136xf32, #tpu.memory_space<vmem_shared>>) target(%dma_start3A_537 : memref<625x136xf32, #tpu.memory_space<hbm>>) target_semaphore(%run_scoped3A : memref<!tpu.dma_semaphore, #tpu.memory_space<semaphore_mem>>)
      %dma_wait3A_540 = arith.constant 0 : i32
      %dma_wait3A_541 = tpu.memref_slice %arg5[%arg0, %mul3A_534, %dma_wait3A_540] : memref<2x10000x136xf32, #tpu.memory_space<hbm>> -> memref<1x625x136xf32, #tpu.memory_space<hbm>>
      %dma_wait3A_542 = tpu.memref_squeeze %dma_wait3A_541 : memref<1x625x136xf32, #tpu.memory_space<hbm>> -> memref<625x136xf32, #tpu.memory_space<hbm>>
      %dma_wait3A_543 = arith.constant 0 : i32
      %dma_wait3A_544 = tpu.memref_slice %arg17[%mul3A_532, %dma_wait3A_543] : memref<10000x136xf32, #tpu.memory_space<vmem_shared>> -> memref<625x136xf32, #tpu.memory_space<vmem_shared>>
      tpu.wait_dma2 semaphore(%run_scoped3A : memref<!tpu.dma_semaphore, #tpu.memory_space<semaphore_mem>>) src(%dma_wait3A_544 : memref<625x136xf32, #tpu.memory_space<vmem_shared>>) dst(%dma_wait3A_542 : memref<625x136xf32, #tpu.memory_space<hbm>>)
      tpu.yield
    }) : () -> ()
    return
  }
}

#map = affine_map<(d0, d1) -> (0, 0)>
#map1 = affine_map<(d0, d1) -> (0, 0, 0)>
module attributes {stable_mosaic.version = 14 : i64} {
  func.func @agg(%arg0: i32, %arg1: i32, %arg2: memref<10000x48xf32, #tpu.memory_space<hbm>>, %arg3: memref<2x320000xi32, #tpu.memory_space<hbm>>, %arg4: memref<625x48xf32, #tpu.memory_space<hbm>>, %arg5: memref<2x10000x48xf32, #tpu.memory_space<hbm>>, %arg6: memref<2x80xi32, #tpu.memory_space<vmem>>, %arg7: memref<2x80xi32, #tpu.memory_space<vmem>>, %arg8: memref<2x80xi32, #tpu.memory_space<vmem>>, %arg9: memref<2x80xi32, #tpu.memory_space<vmem>>, %arg10: memref<2x80xi32, #tpu.memory_space<vmem>>, %arg11: memref<80x48xf32, #tpu.memory_space<vmem>>, %arg12: memref<80x48xf32, #tpu.memory_space<vmem>>, %arg13: memref<80x48xf32, #tpu.memory_space<vmem>>, %arg14: memref<80x48xf32, #tpu.memory_space<vmem>>, %arg15: memref<80x48xf32, #tpu.memory_space<vmem>>, %arg16: memref<5x!tpu.dma_semaphore, #tpu.memory_space<semaphore_mem>>, %arg17: memref<5x!tpu.dma_semaphore, #tpu.memory_space<semaphore_mem>>, %arg18: memref<5x!tpu.dma_semaphore, #tpu.memory_space<semaphore_mem>>, %arg19: memref<10000x48xf32, #tpu.memory_space<vmem_shared>>) attributes {dimension_semantics = [#tpu.dimension_semantics<core_parallel>, #tpu.dimension_semantics<subcore_parallel>], iteration_bounds = array<i64: 2, 16>, scalar_prefetch = 0 : i64, scratch_operands = 14 : i64, tpu.core_type = #tpu.core_type<sc_vector_subcore>, window_params = [{transform_indices = #map}, {transform_indices = #map}, {transform_indices = #map}, {transform_indices = #map1}]} {
    %mul3A = arith.constant 2 : i32
    %mul3A_0 = arith.muli %arg1, %mul3A : i32
    %add3A = arith.addi %mul3A_0, %arg0 : i32
    %mul3A_1 = arith.constant 625 : i32
    %mul3A_2 = arith.muli %arg1, %mul3A_1 : i32
    "tpu.region"() ({
      %run_scoped3A = tpu.sem_alloc : memref<!tpu.dma_semaphore, #tpu.memory_space<semaphore_mem>>
      %dma_start3A_593 = arith.constant 0 : i32
      %dma_start3A_594 = tpu.memref_slice %arg19[%mul3A_2, %dma_start3A_593] : memref<10000x48xf32, #tpu.memory_space<vmem_shared>> -> memref<625x48xf32, #tpu.memory_space<vmem_shared>>
      tpu.enqueue_dma source(%arg4 : memref<625x48xf32, #tpu.memory_space<hbm>>) target(%dma_start3A_594 : memref<625x48xf32, #tpu.memory_space<vmem_shared>>) target_semaphore(%run_scoped3A : memref<!tpu.dma_semaphore, #tpu.memory_space<semaphore_mem>>)
      %dma_wait3A_595 = arith.constant 0 : i32
      %dma_wait3A_596 = tpu.memref_slice %arg19[%mul3A_2, %dma_wait3A_595] : memref<10000x48xf32, #tpu.memory_space<vmem_shared>> -> memref<625x48xf32, #tpu.memory_space<vmem_shared>>
      tpu.wait_dma2 semaphore(%run_scoped3A : memref<!tpu.dma_semaphore, #tpu.memory_space<semaphore_mem>>) src(%arg4 : memref<625x48xf32, #tpu.memory_space<hbm>>) dst(%dma_wait3A_596 : memref<625x48xf32, #tpu.memory_space<vmem_shared>>)
      tpu.yield
    }) : () -> ()
    %barrier3A = arith.constant 0 : index
    tpu.barrier barrier_id(%barrier3A)
    %mul3A_3 = arith.constant 10000 : i32
    %mul3A_4 = arith.muli %add3A, %mul3A_3 : i32
    %add3A_5 = arith.constant 0 : i32
    %add3A_6 = arith.addi %mul3A_4, %add3A_5 : i32
    %dma_start3A = arith.constant 0 : i32
    %dma_start3A_7 = arith.constant 0 : i32
    %dma_start3A_8 = tpu.memref_slice %arg3[%dma_start3A_7, %add3A_6] : memref<2x320000xi32, #tpu.memory_space<hbm>> -> memref<2x80xi32, #tpu.memory_space<hbm>>
    %dma_start3A_9 = tpu.memref_slice %arg16[%dma_start3A] : memref<5x!tpu.dma_semaphore, #tpu.memory_space<semaphore_mem>> -> memref<1x!tpu.dma_semaphore, #tpu.memory_space<semaphore_mem>>
    %dma_start3A_10 = tpu.memref_squeeze %dma_start3A_9 : memref<1x!tpu.dma_semaphore, #tpu.memory_space<semaphore_mem>> -> memref<!tpu.dma_semaphore, #tpu.memory_space<semaphore_mem>>
    %dma_start3A_11 = arith.constant 0 : i32
    %dma_start3A_12 = tpu.memref_slice %arg3[%dma_start3A_11, %add3A_6] : memref<2x320000xi32, #tpu.memory_space<hbm>> -> memref<2x80xi32, #tpu.memory_space<hbm>>
    tpu.enqueue_dma source(%dma_start3A_12 : memref<2x80xi32, #tpu.memory_space<hbm>>) target(%arg6 : memref<2x80xi32, #tpu.memory_space<vmem>>) target_semaphore(%dma_start3A_10 : memref<!tpu.dma_semaphore, #tpu.memory_space<semaphore_mem>>)
    %add3A_13 = arith.constant 80 : i32
    %add3A_14 = arith.addi %mul3A_4, %add3A_13 : i32
    %dma_start3A_15 = arith.constant 1 : i32
    %dma_start3A_16 = arith.constant 0 : i32
    %dma_start3A_17 = tpu.memref_slice %arg3[%dma_start3A_16, %add3A_14] : memref<2x320000xi32, #tpu.memory_space<hbm>> -> memref<2x80xi32, #tpu.memory_space<hbm>>
    %dma_start3A_18 = tpu.memref_slice %arg16[%dma_start3A_15] : memref<5x!tpu.dma_semaphore, #tpu.memory_space<semaphore_mem>> -> memref<1x!tpu.dma_semaphore, #tpu.memory_space<semaphore_mem>>
    %dma_start3A_19 = tpu.memref_squeeze %dma_start3A_18 : memref<1x!tpu.dma_semaphore, #tpu.memory_space<semaphore_mem>> -> memref<!tpu.dma_semaphore, #tpu.memory_space<semaphore_mem>>
    %dma_start3A_20 = arith.constant 0 : i32
    %dma_start3A_21 = tpu.memref_slice %arg3[%dma_start3A_20, %add3A_14] : memref<2x320000xi32, #tpu.memory_space<hbm>> -> memref<2x80xi32, #tpu.memory_space<hbm>>
    tpu.enqueue_dma source(%dma_start3A_21 : memref<2x80xi32, #tpu.memory_space<hbm>>) target(%arg7 : memref<2x80xi32, #tpu.memory_space<vmem>>) target_semaphore(%dma_start3A_19 : memref<!tpu.dma_semaphore, #tpu.memory_space<semaphore_mem>>)
    %add3A_22 = arith.constant 160 : i32
    %add3A_23 = arith.addi %mul3A_4, %add3A_22 : i32
    %dma_start3A_24 = arith.constant 2 : i32
    %dma_start3A_25 = arith.constant 0 : i32
    %dma_start3A_26 = tpu.memref_slice %arg3[%dma_start3A_25, %add3A_23] : memref<2x320000xi32, #tpu.memory_space<hbm>> -> memref<2x80xi32, #tpu.memory_space<hbm>>
    %dma_start3A_27 = tpu.memref_slice %arg16[%dma_start3A_24] : memref<5x!tpu.dma_semaphore, #tpu.memory_space<semaphore_mem>> -> memref<1x!tpu.dma_semaphore, #tpu.memory_space<semaphore_mem>>
    %dma_start3A_28 = tpu.memref_squeeze %dma_start3A_27 : memref<1x!tpu.dma_semaphore, #tpu.memory_space<semaphore_mem>> -> memref<!tpu.dma_semaphore, #tpu.memory_space<semaphore_mem>>
    %dma_start3A_29 = arith.constant 0 : i32
    %dma_start3A_30 = tpu.memref_slice %arg3[%dma_start3A_29, %add3A_23] : memref<2x320000xi32, #tpu.memory_space<hbm>> -> memref<2x80xi32, #tpu.memory_space<hbm>>
    tpu.enqueue_dma source(%dma_start3A_30 : memref<2x80xi32, #tpu.memory_space<hbm>>) target(%arg8 : memref<2x80xi32, #tpu.memory_space<vmem>>) target_semaphore(%dma_start3A_28 : memref<!tpu.dma_semaphore, #tpu.memory_space<semaphore_mem>>)
    %add3A_31 = arith.constant 0 : i32
    %add3A_32 = arith.addi %mul3A_4, %add3A_31 : i32
    %dma_wait3A = arith.constant 0 : i32
    %dma_wait3A_33 = arith.constant 0 : i32
    %dma_wait3A_34 = tpu.memref_slice %arg3[%dma_wait3A_33, %add3A_32] : memref<2x320000xi32, #tpu.memory_space<hbm>> -> memref<2x80xi32, #tpu.memory_space<hbm>>
    %dma_wait3A_35 = tpu.memref_slice %arg16[%dma_wait3A] : memref<5x!tpu.dma_semaphore, #tpu.memory_space<semaphore_mem>> -> memref<1x!tpu.dma_semaphore, #tpu.memory_space<semaphore_mem>>
    %dma_wait3A_36 = tpu.memref_squeeze %dma_wait3A_35 : memref<1x!tpu.dma_semaphore, #tpu.memory_space<semaphore_mem>> -> memref<!tpu.dma_semaphore, #tpu.memory_space<semaphore_mem>>
    %dma_wait3A_37 = arith.constant 0 : i32
    %dma_wait3A_38 = tpu.memref_slice %arg3[%dma_wait3A_37, %add3A_32] : memref<2x320000xi32, #tpu.memory_space<hbm>> -> memref<2x80xi32, #tpu.memory_space<hbm>>
    tpu.wait_dma2 semaphore(%dma_wait3A_36 : memref<!tpu.dma_semaphore, #tpu.memory_space<semaphore_mem>>) src(%dma_wait3A_38 : memref<2x80xi32, #tpu.memory_space<hbm>>) dst(%arg6 : memref<2x80xi32, #tpu.memory_space<vmem>>)
    %dma_start3A_39 = arith.constant 0 : i32
    %dma_start3A_40 = arith.constant 0 : i32
    %dma_start3A_41 = arith.constant 0 : i32
    %dma_start3A_42 = tpu.memref_slice %arg6[%dma_start3A_39, %dma_start3A_41] : memref<2x80xi32, #tpu.memory_space<vmem>> -> memref<1x80xi32, #tpu.memory_space<vmem>>
    %dma_start3A_43 = tpu.memref_squeeze %dma_start3A_42 : memref<1x80xi32, #tpu.memory_space<vmem>> -> memref<80xi32, #tpu.memory_space<vmem>>
    %dma_start3A_44 = arith.constant 0 : i32
    %dma_start3A_45 = arith.constant 0 : i32
    %dma_start3A_46 = tpu.memref_slice %arg2[%dma_start3A_44, %dma_start3A_45] : memref<10000x48xf32, #tpu.memory_space<hbm>> -> memref<10000x48xf32, #tpu.memory_space<hbm>>
    %dma_start3A_47 = tpu.memref_slice %arg17[%dma_start3A_40] : memref<5x!tpu.dma_semaphore, #tpu.memory_space<semaphore_mem>> -> memref<1x!tpu.dma_semaphore, #tpu.memory_space<semaphore_mem>>
    %dma_start3A_48 = tpu.memref_squeeze %dma_start3A_47 : memref<1x!tpu.dma_semaphore, #tpu.memory_space<semaphore_mem>> -> memref<!tpu.dma_semaphore, #tpu.memory_space<semaphore_mem>>
    tpu.enqueue_indirect_dma source(%dma_start3A_46 : memref<10000x48xf32, #tpu.memory_space<hbm>>) target(%arg11 : memref<80x48xf32, #tpu.memory_space<vmem>>) offsets(%dma_start3A_43 : memref<80xi32, #tpu.memory_space<vmem>>) semaphore(%dma_start3A_48 : memref<!tpu.dma_semaphore, #tpu.memory_space<semaphore_mem>>)
    %add3A_49 = arith.constant 80 : i32
    %add3A_50 = arith.addi %mul3A_4, %add3A_49 : i32
    %dma_wait3A_51 = arith.constant 1 : i32
    %dma_wait3A_52 = arith.constant 0 : i32
    %dma_wait3A_53 = tpu.memref_slice %arg3[%dma_wait3A_52, %add3A_50] : memref<2x320000xi32, #tpu.memory_space<hbm>> -> memref<2x80xi32, #tpu.memory_space<hbm>>
    %dma_wait3A_54 = tpu.memref_slice %arg16[%dma_wait3A_51] : memref<5x!tpu.dma_semaphore, #tpu.memory_space<semaphore_mem>> -> memref<1x!tpu.dma_semaphore, #tpu.memory_space<semaphore_mem>>
    %dma_wait3A_55 = tpu.memref_squeeze %dma_wait3A_54 : memref<1x!tpu.dma_semaphore, #tpu.memory_space<semaphore_mem>> -> memref<!tpu.dma_semaphore, #tpu.memory_space<semaphore_mem>>
    %dma_wait3A_56 = arith.constant 0 : i32
    %dma_wait3A_57 = tpu.memref_slice %arg3[%dma_wait3A_56, %add3A_50] : memref<2x320000xi32, #tpu.memory_space<hbm>> -> memref<2x80xi32, #tpu.memory_space<hbm>>
    tpu.wait_dma2 semaphore(%dma_wait3A_55 : memref<!tpu.dma_semaphore, #tpu.memory_space<semaphore_mem>>) src(%dma_wait3A_57 : memref<2x80xi32, #tpu.memory_space<hbm>>) dst(%arg7 : memref<2x80xi32, #tpu.memory_space<vmem>>)
    %dma_start3A_58 = arith.constant 0 : i32
    %dma_start3A_59 = arith.constant 1 : i32
    %dma_start3A_60 = arith.constant 0 : i32
    %dma_start3A_61 = tpu.memref_slice %arg7[%dma_start3A_58, %dma_start3A_60] : memref<2x80xi32, #tpu.memory_space<vmem>> -> memref<1x80xi32, #tpu.memory_space<vmem>>
    %dma_start3A_62 = tpu.memref_squeeze %dma_start3A_61 : memref<1x80xi32, #tpu.memory_space<vmem>> -> memref<80xi32, #tpu.memory_space<vmem>>
    %dma_start3A_63 = arith.constant 0 : i32
    %dma_start3A_64 = arith.constant 0 : i32
    %dma_start3A_65 = tpu.memref_slice %arg2[%dma_start3A_63, %dma_start3A_64] : memref<10000x48xf32, #tpu.memory_space<hbm>> -> memref<10000x48xf32, #tpu.memory_space<hbm>>
    %dma_start3A_66 = tpu.memref_slice %arg17[%dma_start3A_59] : memref<5x!tpu.dma_semaphore, #tpu.memory_space<semaphore_mem>> -> memref<1x!tpu.dma_semaphore, #tpu.memory_space<semaphore_mem>>
    %dma_start3A_67 = tpu.memref_squeeze %dma_start3A_66 : memref<1x!tpu.dma_semaphore, #tpu.memory_space<semaphore_mem>> -> memref<!tpu.dma_semaphore, #tpu.memory_space<semaphore_mem>>
    tpu.enqueue_indirect_dma source(%dma_start3A_65 : memref<10000x48xf32, #tpu.memory_space<hbm>>) target(%arg12 : memref<80x48xf32, #tpu.memory_space<vmem>>) offsets(%dma_start3A_62 : memref<80xi32, #tpu.memory_space<vmem>>) semaphore(%dma_start3A_67 : memref<!tpu.dma_semaphore, #tpu.memory_space<semaphore_mem>>)
    %add3A_68 = arith.constant 240 : i32
    %add3A_69 = arith.addi %mul3A_4, %add3A_68 : i32
    %dma_start3A_70 = arith.constant 3 : i32
    %dma_start3A_71 = arith.constant 0 : i32
    %dma_start3A_72 = tpu.memref_slice %arg3[%dma_start3A_71, %add3A_69] : memref<2x320000xi32, #tpu.memory_space<hbm>> -> memref<2x80xi32, #tpu.memory_space<hbm>>
    %dma_start3A_73 = tpu.memref_slice %arg16[%dma_start3A_70] : memref<5x!tpu.dma_semaphore, #tpu.memory_space<semaphore_mem>> -> memref<1x!tpu.dma_semaphore, #tpu.memory_space<semaphore_mem>>
    %dma_start3A_74 = tpu.memref_squeeze %dma_start3A_73 : memref<1x!tpu.dma_semaphore, #tpu.memory_space<semaphore_mem>> -> memref<!tpu.dma_semaphore, #tpu.memory_space<semaphore_mem>>
    %dma_start3A_75 = arith.constant 0 : i32
    %dma_start3A_76 = tpu.memref_slice %arg3[%dma_start3A_75, %add3A_69] : memref<2x320000xi32, #tpu.memory_space<hbm>> -> memref<2x80xi32, #tpu.memory_space<hbm>>
    tpu.enqueue_dma source(%dma_start3A_76 : memref<2x80xi32, #tpu.memory_space<hbm>>) target(%arg9 : memref<2x80xi32, #tpu.memory_space<vmem>>) target_semaphore(%dma_start3A_74 : memref<!tpu.dma_semaphore, #tpu.memory_space<semaphore_mem>>)
    %add3A_77 = arith.constant 160 : i32
    %add3A_78 = arith.addi %mul3A_4, %add3A_77 : i32
    %dma_wait3A_79 = arith.constant 2 : i32
    %dma_wait3A_80 = arith.constant 0 : i32
    %dma_wait3A_81 = tpu.memref_slice %arg3[%dma_wait3A_80, %add3A_78] : memref<2x320000xi32, #tpu.memory_space<hbm>> -> memref<2x80xi32, #tpu.memory_space<hbm>>
    %dma_wait3A_82 = tpu.memref_slice %arg16[%dma_wait3A_79] : memref<5x!tpu.dma_semaphore, #tpu.memory_space<semaphore_mem>> -> memref<1x!tpu.dma_semaphore, #tpu.memory_space<semaphore_mem>>
    %dma_wait3A_83 = tpu.memref_squeeze %dma_wait3A_82 : memref<1x!tpu.dma_semaphore, #tpu.memory_space<semaphore_mem>> -> memref<!tpu.dma_semaphore, #tpu.memory_space<semaphore_mem>>
    %dma_wait3A_84 = arith.constant 0 : i32
    %dma_wait3A_85 = tpu.memref_slice %arg3[%dma_wait3A_84, %add3A_78] : memref<2x320000xi32, #tpu.memory_space<hbm>> -> memref<2x80xi32, #tpu.memory_space<hbm>>
    tpu.wait_dma2 semaphore(%dma_wait3A_83 : memref<!tpu.dma_semaphore, #tpu.memory_space<semaphore_mem>>) src(%dma_wait3A_85 : memref<2x80xi32, #tpu.memory_space<hbm>>) dst(%arg8 : memref<2x80xi32, #tpu.memory_space<vmem>>)
    %dma_start3A_86 = arith.constant 0 : i32
    %dma_start3A_87 = arith.constant 2 : i32
    %dma_start3A_88 = arith.constant 0 : i32
    %dma_start3A_89 = tpu.memref_slice %arg8[%dma_start3A_86, %dma_start3A_88] : memref<2x80xi32, #tpu.memory_space<vmem>> -> memref<1x80xi32, #tpu.memory_space<vmem>>
    %dma_start3A_90 = tpu.memref_squeeze %dma_start3A_89 : memref<1x80xi32, #tpu.memory_space<vmem>> -> memref<80xi32, #tpu.memory_space<vmem>>
    %dma_start3A_91 = arith.constant 0 : i32
    %dma_start3A_92 = arith.constant 0 : i32
    %dma_start3A_93 = tpu.memref_slice %arg2[%dma_start3A_91, %dma_start3A_92] : memref<10000x48xf32, #tpu.memory_space<hbm>> -> memref<10000x48xf32, #tpu.memory_space<hbm>>
    %dma_start3A_94 = tpu.memref_slice %arg17[%dma_start3A_87] : memref<5x!tpu.dma_semaphore, #tpu.memory_space<semaphore_mem>> -> memref<1x!tpu.dma_semaphore, #tpu.memory_space<semaphore_mem>>
    %dma_start3A_95 = tpu.memref_squeeze %dma_start3A_94 : memref<1x!tpu.dma_semaphore, #tpu.memory_space<semaphore_mem>> -> memref<!tpu.dma_semaphore, #tpu.memory_space<semaphore_mem>>
    tpu.enqueue_indirect_dma source(%dma_start3A_93 : memref<10000x48xf32, #tpu.memory_space<hbm>>) target(%arg13 : memref<80x48xf32, #tpu.memory_space<vmem>>) offsets(%dma_start3A_90 : memref<80xi32, #tpu.memory_space<vmem>>) semaphore(%dma_start3A_95 : memref<!tpu.dma_semaphore, #tpu.memory_space<semaphore_mem>>)
    %dma_wait3A_96 = arith.constant 0 : i32
    %dma_wait3A_97 = arith.constant 0 : i32
    %dma_wait3A_98 = arith.constant 0 : i32
    %dma_wait3A_99 = tpu.memref_slice %arg6[%dma_wait3A_96, %dma_wait3A_98] : memref<2x80xi32, #tpu.memory_space<vmem>> -> memref<1x80xi32, #tpu.memory_space<vmem>>
    %dma_wait3A_100 = tpu.memref_squeeze %dma_wait3A_99 : memref<1x80xi32, #tpu.memory_space<vmem>> -> memref<80xi32, #tpu.memory_space<vmem>>
    %dma_wait3A_101 = arith.constant 0 : i32
    %dma_wait3A_102 = arith.constant 0 : i32
    %dma_wait3A_103 = tpu.memref_slice %arg2[%dma_wait3A_101, %dma_wait3A_102] : memref<10000x48xf32, #tpu.memory_space<hbm>> -> memref<10000x48xf32, #tpu.memory_space<hbm>>
    %dma_wait3A_104 = tpu.memref_slice %arg17[%dma_wait3A_97] : memref<5x!tpu.dma_semaphore, #tpu.memory_space<semaphore_mem>> -> memref<1x!tpu.dma_semaphore, #tpu.memory_space<semaphore_mem>>
    %dma_wait3A_105 = tpu.memref_squeeze %dma_wait3A_104 : memref<1x!tpu.dma_semaphore, #tpu.memory_space<semaphore_mem>> -> memref<!tpu.dma_semaphore, #tpu.memory_space<semaphore_mem>>
    tpu.wait_indirect_dma semaphore(%dma_wait3A_105 : memref<!tpu.dma_semaphore, #tpu.memory_space<semaphore_mem>>) src(%dma_wait3A_103 : memref<10000x48xf32, #tpu.memory_space<hbm>>) dst(%arg11 : memref<80x48xf32, #tpu.memory_space<vmem>>)
    %dma_start3A_106 = arith.constant 1 : i32
    %dma_start3A_107 = arith.constant 0 : i32
    %dma_start3A_108 = arith.constant 0 : i32
    %dma_start3A_109 = tpu.memref_slice %arg6[%dma_start3A_106, %dma_start3A_108] : memref<2x80xi32, #tpu.memory_space<vmem>> -> memref<1x80xi32, #tpu.memory_space<vmem>>
    %dma_start3A_110 = tpu.memref_squeeze %dma_start3A_109 : memref<1x80xi32, #tpu.memory_space<vmem>> -> memref<80xi32, #tpu.memory_space<vmem>>
    %dma_start3A_111 = arith.constant 0 : i32
    %dma_start3A_112 = arith.constant 0 : i32
    %dma_start3A_113 = tpu.memref_slice %arg19[%dma_start3A_111, %dma_start3A_112] : memref<10000x48xf32, #tpu.memory_space<vmem_shared>> -> memref<10000x48xf32, #tpu.memory_space<vmem_shared>>
    %dma_start3A_114 = tpu.memref_slice %arg18[%dma_start3A_107] : memref<5x!tpu.dma_semaphore, #tpu.memory_space<semaphore_mem>> -> memref<1x!tpu.dma_semaphore, #tpu.memory_space<semaphore_mem>>
    %dma_start3A_115 = tpu.memref_squeeze %dma_start3A_114 : memref<1x!tpu.dma_semaphore, #tpu.memory_space<semaphore_mem>> -> memref<!tpu.dma_semaphore, #tpu.memory_space<semaphore_mem>>
    tpu.enqueue_indirect_dma source(%arg11 : memref<80x48xf32, #tpu.memory_space<vmem>>) target(%dma_start3A_113 : memref<10000x48xf32, #tpu.memory_space<vmem_shared>>) offsets(%dma_start3A_110 : memref<80xi32, #tpu.memory_space<vmem>>) semaphore(%dma_start3A_115 : memref<!tpu.dma_semaphore, #tpu.memory_space<semaphore_mem>>) {add = true}
    %add3A_116 = arith.constant 320 : i32
    %add3A_117 = arith.addi %mul3A_4, %add3A_116 : i32
    %dma_start3A_118 = arith.constant 4 : i32
    %dma_start3A_119 = arith.constant 0 : i32
    %dma_start3A_120 = tpu.memref_slice %arg3[%dma_start3A_119, %add3A_117] : memref<2x320000xi32, #tpu.memory_space<hbm>> -> memref<2x80xi32, #tpu.memory_space<hbm>>
    %dma_start3A_121 = tpu.memref_slice %arg16[%dma_start3A_118] : memref<5x!tpu.dma_semaphore, #tpu.memory_space<semaphore_mem>> -> memref<1x!tpu.dma_semaphore, #tpu.memory_space<semaphore_mem>>
    %dma_start3A_122 = tpu.memref_squeeze %dma_start3A_121 : memref<1x!tpu.dma_semaphore, #tpu.memory_space<semaphore_mem>> -> memref<!tpu.dma_semaphore, #tpu.memory_space<semaphore_mem>>
    %dma_start3A_123 = arith.constant 0 : i32
    %dma_start3A_124 = tpu.memref_slice %arg3[%dma_start3A_123, %add3A_117] : memref<2x320000xi32, #tpu.memory_space<hbm>> -> memref<2x80xi32, #tpu.memory_space<hbm>>
    tpu.enqueue_dma source(%dma_start3A_124 : memref<2x80xi32, #tpu.memory_space<hbm>>) target(%arg10 : memref<2x80xi32, #tpu.memory_space<vmem>>) target_semaphore(%dma_start3A_122 : memref<!tpu.dma_semaphore, #tpu.memory_space<semaphore_mem>>)
    %add3A_125 = arith.constant 240 : i32
    %add3A_126 = arith.addi %mul3A_4, %add3A_125 : i32
    %dma_wait3A_127 = arith.constant 3 : i32
    %dma_wait3A_128 = arith.constant 0 : i32
    %dma_wait3A_129 = tpu.memref_slice %arg3[%dma_wait3A_128, %add3A_126] : memref<2x320000xi32, #tpu.memory_space<hbm>> -> memref<2x80xi32, #tpu.memory_space<hbm>>
    %dma_wait3A_130 = tpu.memref_slice %arg16[%dma_wait3A_127] : memref<5x!tpu.dma_semaphore, #tpu.memory_space<semaphore_mem>> -> memref<1x!tpu.dma_semaphore, #tpu.memory_space<semaphore_mem>>
    %dma_wait3A_131 = tpu.memref_squeeze %dma_wait3A_130 : memref<1x!tpu.dma_semaphore, #tpu.memory_space<semaphore_mem>> -> memref<!tpu.dma_semaphore, #tpu.memory_space<semaphore_mem>>
    %dma_wait3A_132 = arith.constant 0 : i32
    %dma_wait3A_133 = tpu.memref_slice %arg3[%dma_wait3A_132, %add3A_126] : memref<2x320000xi32, #tpu.memory_space<hbm>> -> memref<2x80xi32, #tpu.memory_space<hbm>>
    tpu.wait_dma2 semaphore(%dma_wait3A_131 : memref<!tpu.dma_semaphore, #tpu.memory_space<semaphore_mem>>) src(%dma_wait3A_133 : memref<2x80xi32, #tpu.memory_space<hbm>>) dst(%arg9 : memref<2x80xi32, #tpu.memory_space<vmem>>)
    %dma_start3A_134 = arith.constant 0 : i32
    %dma_start3A_135 = arith.constant 3 : i32
    %dma_start3A_136 = arith.constant 0 : i32
    %dma_start3A_137 = tpu.memref_slice %arg9[%dma_start3A_134, %dma_start3A_136] : memref<2x80xi32, #tpu.memory_space<vmem>> -> memref<1x80xi32, #tpu.memory_space<vmem>>
    %dma_start3A_138 = tpu.memref_squeeze %dma_start3A_137 : memref<1x80xi32, #tpu.memory_space<vmem>> -> memref<80xi32, #tpu.memory_space<vmem>>
    %dma_start3A_139 = arith.constant 0 : i32
    %dma_start3A_140 = arith.constant 0 : i32
    %dma_start3A_141 = tpu.memref_slice %arg2[%dma_start3A_139, %dma_start3A_140] : memref<10000x48xf32, #tpu.memory_space<hbm>> -> memref<10000x48xf32, #tpu.memory_space<hbm>>
    %dma_start3A_142 = tpu.memref_slice %arg17[%dma_start3A_135] : memref<5x!tpu.dma_semaphore, #tpu.memory_space<semaphore_mem>> -> memref<1x!tpu.dma_semaphore, #tpu.memory_space<semaphore_mem>>
    %dma_start3A_143 = tpu.memref_squeeze %dma_start3A_142 : memref<1x!tpu.dma_semaphore, #tpu.memory_space<semaphore_mem>> -> memref<!tpu.dma_semaphore, #tpu.memory_space<semaphore_mem>>
    tpu.enqueue_indirect_dma source(%dma_start3A_141 : memref<10000x48xf32, #tpu.memory_space<hbm>>) target(%arg14 : memref<80x48xf32, #tpu.memory_space<vmem>>) offsets(%dma_start3A_138 : memref<80xi32, #tpu.memory_space<vmem>>) semaphore(%dma_start3A_143 : memref<!tpu.dma_semaphore, #tpu.memory_space<semaphore_mem>>)
    %dma_wait3A_144 = arith.constant 0 : i32
    %dma_wait3A_145 = arith.constant 1 : i32
    %dma_wait3A_146 = arith.constant 0 : i32
    %dma_wait3A_147 = tpu.memref_slice %arg7[%dma_wait3A_144, %dma_wait3A_146] : memref<2x80xi32, #tpu.memory_space<vmem>> -> memref<1x80xi32, #tpu.memory_space<vmem>>
    %dma_wait3A_148 = tpu.memref_squeeze %dma_wait3A_147 : memref<1x80xi32, #tpu.memory_space<vmem>> -> memref<80xi32, #tpu.memory_space<vmem>>
    %dma_wait3A_149 = arith.constant 0 : i32
    %dma_wait3A_150 = arith.constant 0 : i32
    %dma_wait3A_151 = tpu.memref_slice %arg2[%dma_wait3A_149, %dma_wait3A_150] : memref<10000x48xf32, #tpu.memory_space<hbm>> -> memref<10000x48xf32, #tpu.memory_space<hbm>>
    %dma_wait3A_152 = tpu.memref_slice %arg17[%dma_wait3A_145] : memref<5x!tpu.dma_semaphore, #tpu.memory_space<semaphore_mem>> -> memref<1x!tpu.dma_semaphore, #tpu.memory_space<semaphore_mem>>
    %dma_wait3A_153 = tpu.memref_squeeze %dma_wait3A_152 : memref<1x!tpu.dma_semaphore, #tpu.memory_space<semaphore_mem>> -> memref<!tpu.dma_semaphore, #tpu.memory_space<semaphore_mem>>
    tpu.wait_indirect_dma semaphore(%dma_wait3A_153 : memref<!tpu.dma_semaphore, #tpu.memory_space<semaphore_mem>>) src(%dma_wait3A_151 : memref<10000x48xf32, #tpu.memory_space<hbm>>) dst(%arg12 : memref<80x48xf32, #tpu.memory_space<vmem>>)
    %dma_start3A_154 = arith.constant 1 : i32
    %dma_start3A_155 = arith.constant 1 : i32
    %dma_start3A_156 = arith.constant 0 : i32
    %dma_start3A_157 = tpu.memref_slice %arg7[%dma_start3A_154, %dma_start3A_156] : memref<2x80xi32, #tpu.memory_space<vmem>> -> memref<1x80xi32, #tpu.memory_space<vmem>>
    %dma_start3A_158 = tpu.memref_squeeze %dma_start3A_157 : memref<1x80xi32, #tpu.memory_space<vmem>> -> memref<80xi32, #tpu.memory_space<vmem>>
    %dma_start3A_159 = arith.constant 0 : i32
    %dma_start3A_160 = arith.constant 0 : i32
    %dma_start3A_161 = tpu.memref_slice %arg19[%dma_start3A_159, %dma_start3A_160] : memref<10000x48xf32, #tpu.memory_space<vmem_shared>> -> memref<10000x48xf32, #tpu.memory_space<vmem_shared>>
    %dma_start3A_162 = tpu.memref_slice %arg18[%dma_start3A_155] : memref<5x!tpu.dma_semaphore, #tpu.memory_space<semaphore_mem>> -> memref<1x!tpu.dma_semaphore, #tpu.memory_space<semaphore_mem>>
    %dma_start3A_163 = tpu.memref_squeeze %dma_start3A_162 : memref<1x!tpu.dma_semaphore, #tpu.memory_space<semaphore_mem>> -> memref<!tpu.dma_semaphore, #tpu.memory_space<semaphore_mem>>
    tpu.enqueue_indirect_dma source(%arg12 : memref<80x48xf32, #tpu.memory_space<vmem>>) target(%dma_start3A_161 : memref<10000x48xf32, #tpu.memory_space<vmem_shared>>) offsets(%dma_start3A_158 : memref<80xi32, #tpu.memory_space<vmem>>) semaphore(%dma_start3A_163 : memref<!tpu.dma_semaphore, #tpu.memory_space<semaphore_mem>>) {add = true}
    %dma_wait3A_164 = arith.constant 1 : i32
    %dma_wait3A_165 = arith.constant 0 : i32
    %dma_wait3A_166 = arith.constant 0 : i32
    %dma_wait3A_167 = tpu.memref_slice %arg6[%dma_wait3A_164, %dma_wait3A_166] : memref<2x80xi32, #tpu.memory_space<vmem>> -> memref<1x80xi32, #tpu.memory_space<vmem>>
    %dma_wait3A_168 = tpu.memref_squeeze %dma_wait3A_167 : memref<1x80xi32, #tpu.memory_space<vmem>> -> memref<80xi32, #tpu.memory_space<vmem>>
    %dma_wait3A_169 = arith.constant 0 : i32
    %dma_wait3A_170 = arith.constant 0 : i32
    %dma_wait3A_171 = tpu.memref_slice %arg19[%dma_wait3A_169, %dma_wait3A_170] : memref<10000x48xf32, #tpu.memory_space<vmem_shared>> -> memref<10000x48xf32, #tpu.memory_space<vmem_shared>>
    %dma_wait3A_172 = tpu.memref_slice %arg18[%dma_wait3A_165] : memref<5x!tpu.dma_semaphore, #tpu.memory_space<semaphore_mem>> -> memref<1x!tpu.dma_semaphore, #tpu.memory_space<semaphore_mem>>
    %dma_wait3A_173 = tpu.memref_squeeze %dma_wait3A_172 : memref<1x!tpu.dma_semaphore, #tpu.memory_space<semaphore_mem>> -> memref<!tpu.dma_semaphore, #tpu.memory_space<semaphore_mem>>
    tpu.wait_indirect_dma semaphore(%dma_wait3A_173 : memref<!tpu.dma_semaphore, #tpu.memory_space<semaphore_mem>>) src(%arg11 : memref<80x48xf32, #tpu.memory_space<vmem>>) dst(%dma_wait3A_171 : memref<10000x48xf32, #tpu.memory_space<vmem_shared>>)
    %add3A_174 = arith.constant 400 : i32
    %add3A_175 = arith.addi %mul3A_4, %add3A_174 : i32
    %dma_start3A_176 = arith.constant 0 : i32
    %dma_start3A_177 = arith.constant 0 : i32
    %dma_start3A_178 = tpu.memref_slice %arg3[%dma_start3A_177, %add3A_175] : memref<2x320000xi32, #tpu.memory_space<hbm>> -> memref<2x80xi32, #tpu.memory_space<hbm>>
    %dma_start3A_179 = tpu.memref_slice %arg16[%dma_start3A_176] : memref<5x!tpu.dma_semaphore, #tpu.memory_space<semaphore_mem>> -> memref<1x!tpu.dma_semaphore, #tpu.memory_space<semaphore_mem>>
    %dma_start3A_180 = tpu.memref_squeeze %dma_start3A_179 : memref<1x!tpu.dma_semaphore, #tpu.memory_space<semaphore_mem>> -> memref<!tpu.dma_semaphore, #tpu.memory_space<semaphore_mem>>
    %dma_start3A_181 = arith.constant 0 : i32
    %dma_start3A_182 = tpu.memref_slice %arg3[%dma_start3A_181, %add3A_175] : memref<2x320000xi32, #tpu.memory_space<hbm>> -> memref<2x80xi32, #tpu.memory_space<hbm>>
    tpu.enqueue_dma source(%dma_start3A_182 : memref<2x80xi32, #tpu.memory_space<hbm>>) target(%arg6 : memref<2x80xi32, #tpu.memory_space<vmem>>) target_semaphore(%dma_start3A_180 : memref<!tpu.dma_semaphore, #tpu.memory_space<semaphore_mem>>)
    %add3A_183 = arith.constant 320 : i32
    %add3A_184 = arith.addi %mul3A_4, %add3A_183 : i32
    %dma_wait3A_185 = arith.constant 4 : i32
    %dma_wait3A_186 = arith.constant 0 : i32
    %dma_wait3A_187 = tpu.memref_slice %arg3[%dma_wait3A_186, %add3A_184] : memref<2x320000xi32, #tpu.memory_space<hbm>> -> memref<2x80xi32, #tpu.memory_space<hbm>>
    %dma_wait3A_188 = tpu.memref_slice %arg16[%dma_wait3A_185] : memref<5x!tpu.dma_semaphore, #tpu.memory_space<semaphore_mem>> -> memref<1x!tpu.dma_semaphore, #tpu.memory_space<semaphore_mem>>
    %dma_wait3A_189 = tpu.memref_squeeze %dma_wait3A_188 : memref<1x!tpu.dma_semaphore, #tpu.memory_space<semaphore_mem>> -> memref<!tpu.dma_semaphore, #tpu.memory_space<semaphore_mem>>
    %dma_wait3A_190 = arith.constant 0 : i32
    %dma_wait3A_191 = tpu.memref_slice %arg3[%dma_wait3A_190, %add3A_184] : memref<2x320000xi32, #tpu.memory_space<hbm>> -> memref<2x80xi32, #tpu.memory_space<hbm>>
    tpu.wait_dma2 semaphore(%dma_wait3A_189 : memref<!tpu.dma_semaphore, #tpu.memory_space<semaphore_mem>>) src(%dma_wait3A_191 : memref<2x80xi32, #tpu.memory_space<hbm>>) dst(%arg10 : memref<2x80xi32, #tpu.memory_space<vmem>>)
    %dma_start3A_192 = arith.constant 0 : i32
    %dma_start3A_193 = arith.constant 4 : i32
    %dma_start3A_194 = arith.constant 0 : i32
    %dma_start3A_195 = tpu.memref_slice %arg10[%dma_start3A_192, %dma_start3A_194] : memref<2x80xi32, #tpu.memory_space<vmem>> -> memref<1x80xi32, #tpu.memory_space<vmem>>
    %dma_start3A_196 = tpu.memref_squeeze %dma_start3A_195 : memref<1x80xi32, #tpu.memory_space<vmem>> -> memref<80xi32, #tpu.memory_space<vmem>>
    %dma_start3A_197 = arith.constant 0 : i32
    %dma_start3A_198 = arith.constant 0 : i32
    %dma_start3A_199 = tpu.memref_slice %arg2[%dma_start3A_197, %dma_start3A_198] : memref<10000x48xf32, #tpu.memory_space<hbm>> -> memref<10000x48xf32, #tpu.memory_space<hbm>>
    %dma_start3A_200 = tpu.memref_slice %arg17[%dma_start3A_193] : memref<5x!tpu.dma_semaphore, #tpu.memory_space<semaphore_mem>> -> memref<1x!tpu.dma_semaphore, #tpu.memory_space<semaphore_mem>>
    %dma_start3A_201 = tpu.memref_squeeze %dma_start3A_200 : memref<1x!tpu.dma_semaphore, #tpu.memory_space<semaphore_mem>> -> memref<!tpu.dma_semaphore, #tpu.memory_space<semaphore_mem>>
    tpu.enqueue_indirect_dma source(%dma_start3A_199 : memref<10000x48xf32, #tpu.memory_space<hbm>>) target(%arg15 : memref<80x48xf32, #tpu.memory_space<vmem>>) offsets(%dma_start3A_196 : memref<80xi32, #tpu.memory_space<vmem>>) semaphore(%dma_start3A_201 : memref<!tpu.dma_semaphore, #tpu.memory_space<semaphore_mem>>)
    %dma_wait3A_202 = arith.constant 0 : i32
    %dma_wait3A_203 = arith.constant 2 : i32
    %dma_wait3A_204 = arith.constant 0 : i32
    %dma_wait3A_205 = tpu.memref_slice %arg8[%dma_wait3A_202, %dma_wait3A_204] : memref<2x80xi32, #tpu.memory_space<vmem>> -> memref<1x80xi32, #tpu.memory_space<vmem>>
    %dma_wait3A_206 = tpu.memref_squeeze %dma_wait3A_205 : memref<1x80xi32, #tpu.memory_space<vmem>> -> memref<80xi32, #tpu.memory_space<vmem>>
    %dma_wait3A_207 = arith.constant 0 : i32
    %dma_wait3A_208 = arith.constant 0 : i32
    %dma_wait3A_209 = tpu.memref_slice %arg2[%dma_wait3A_207, %dma_wait3A_208] : memref<10000x48xf32, #tpu.memory_space<hbm>> -> memref<10000x48xf32, #tpu.memory_space<hbm>>
    %dma_wait3A_210 = tpu.memref_slice %arg17[%dma_wait3A_203] : memref<5x!tpu.dma_semaphore, #tpu.memory_space<semaphore_mem>> -> memref<1x!tpu.dma_semaphore, #tpu.memory_space<semaphore_mem>>
    %dma_wait3A_211 = tpu.memref_squeeze %dma_wait3A_210 : memref<1x!tpu.dma_semaphore, #tpu.memory_space<semaphore_mem>> -> memref<!tpu.dma_semaphore, #tpu.memory_space<semaphore_mem>>
    tpu.wait_indirect_dma semaphore(%dma_wait3A_211 : memref<!tpu.dma_semaphore, #tpu.memory_space<semaphore_mem>>) src(%dma_wait3A_209 : memref<10000x48xf32, #tpu.memory_space<hbm>>) dst(%arg13 : memref<80x48xf32, #tpu.memory_space<vmem>>)
    %dma_start3A_212 = arith.constant 1 : i32
    %dma_start3A_213 = arith.constant 2 : i32
    %dma_start3A_214 = arith.constant 0 : i32
    %dma_start3A_215 = tpu.memref_slice %arg8[%dma_start3A_212, %dma_start3A_214] : memref<2x80xi32, #tpu.memory_space<vmem>> -> memref<1x80xi32, #tpu.memory_space<vmem>>
    %dma_start3A_216 = tpu.memref_squeeze %dma_start3A_215 : memref<1x80xi32, #tpu.memory_space<vmem>> -> memref<80xi32, #tpu.memory_space<vmem>>
    %dma_start3A_217 = arith.constant 0 : i32
    %dma_start3A_218 = arith.constant 0 : i32
    %dma_start3A_219 = tpu.memref_slice %arg19[%dma_start3A_217, %dma_start3A_218] : memref<10000x48xf32, #tpu.memory_space<vmem_shared>> -> memref<10000x48xf32, #tpu.memory_space<vmem_shared>>
    %dma_start3A_220 = tpu.memref_slice %arg18[%dma_start3A_213] : memref<5x!tpu.dma_semaphore, #tpu.memory_space<semaphore_mem>> -> memref<1x!tpu.dma_semaphore, #tpu.memory_space<semaphore_mem>>
    %dma_start3A_221 = tpu.memref_squeeze %dma_start3A_220 : memref<1x!tpu.dma_semaphore, #tpu.memory_space<semaphore_mem>> -> memref<!tpu.dma_semaphore, #tpu.memory_space<semaphore_mem>>
    tpu.enqueue_indirect_dma source(%arg13 : memref<80x48xf32, #tpu.memory_space<vmem>>) target(%dma_start3A_219 : memref<10000x48xf32, #tpu.memory_space<vmem_shared>>) offsets(%dma_start3A_216 : memref<80xi32, #tpu.memory_space<vmem>>) semaphore(%dma_start3A_221 : memref<!tpu.dma_semaphore, #tpu.memory_space<semaphore_mem>>) {add = true}
    %dma_wait3A_222 = arith.constant 1 : i32
    %dma_wait3A_223 = arith.constant 1 : i32
    %dma_wait3A_224 = arith.constant 0 : i32
    %dma_wait3A_225 = tpu.memref_slice %arg7[%dma_wait3A_222, %dma_wait3A_224] : memref<2x80xi32, #tpu.memory_space<vmem>> -> memref<1x80xi32, #tpu.memory_space<vmem>>
    %dma_wait3A_226 = tpu.memref_squeeze %dma_wait3A_225 : memref<1x80xi32, #tpu.memory_space<vmem>> -> memref<80xi32, #tpu.memory_space<vmem>>
    %dma_wait3A_227 = arith.constant 0 : i32
    %dma_wait3A_228 = arith.constant 0 : i32
    %dma_wait3A_229 = tpu.memref_slice %arg19[%dma_wait3A_227, %dma_wait3A_228] : memref<10000x48xf32, #tpu.memory_space<vmem_shared>> -> memref<10000x48xf32, #tpu.memory_space<vmem_shared>>
    %dma_wait3A_230 = tpu.memref_slice %arg18[%dma_wait3A_223] : memref<5x!tpu.dma_semaphore, #tpu.memory_space<semaphore_mem>> -> memref<1x!tpu.dma_semaphore, #tpu.memory_space<semaphore_mem>>
    %dma_wait3A_231 = tpu.memref_squeeze %dma_wait3A_230 : memref<1x!tpu.dma_semaphore, #tpu.memory_space<semaphore_mem>> -> memref<!tpu.dma_semaphore, #tpu.memory_space<semaphore_mem>>
    tpu.wait_indirect_dma semaphore(%dma_wait3A_231 : memref<!tpu.dma_semaphore, #tpu.memory_space<semaphore_mem>>) src(%arg12 : memref<80x48xf32, #tpu.memory_space<vmem>>) dst(%dma_wait3A_229 : memref<10000x48xf32, #tpu.memory_space<vmem_shared>>)
    %add3A_232 = arith.constant 480 : i32
    %add3A_233 = arith.addi %mul3A_4, %add3A_232 : i32
    %dma_start3A_234 = arith.constant 1 : i32
    %dma_start3A_235 = arith.constant 0 : i32
    %dma_start3A_236 = tpu.memref_slice %arg3[%dma_start3A_235, %add3A_233] : memref<2x320000xi32, #tpu.memory_space<hbm>> -> memref<2x80xi32, #tpu.memory_space<hbm>>
    %dma_start3A_237 = tpu.memref_slice %arg16[%dma_start3A_234] : memref<5x!tpu.dma_semaphore, #tpu.memory_space<semaphore_mem>> -> memref<1x!tpu.dma_semaphore, #tpu.memory_space<semaphore_mem>>
    %dma_start3A_238 = tpu.memref_squeeze %dma_start3A_237 : memref<1x!tpu.dma_semaphore, #tpu.memory_space<semaphore_mem>> -> memref<!tpu.dma_semaphore, #tpu.memory_space<semaphore_mem>>
    %dma_start3A_239 = arith.constant 0 : i32
    %dma_start3A_240 = tpu.memref_slice %arg3[%dma_start3A_239, %add3A_233] : memref<2x320000xi32, #tpu.memory_space<hbm>> -> memref<2x80xi32, #tpu.memory_space<hbm>>
    tpu.enqueue_dma source(%dma_start3A_240 : memref<2x80xi32, #tpu.memory_space<hbm>>) target(%arg7 : memref<2x80xi32, #tpu.memory_space<vmem>>) target_semaphore(%dma_start3A_238 : memref<!tpu.dma_semaphore, #tpu.memory_space<semaphore_mem>>)
    %add3A_241 = arith.constant 400 : i32
    %add3A_242 = arith.addi %mul3A_4, %add3A_241 : i32
    %dma_wait3A_243 = arith.constant 0 : i32
    %dma_wait3A_244 = arith.constant 0 : i32
    %dma_wait3A_245 = tpu.memref_slice %arg3[%dma_wait3A_244, %add3A_242] : memref<2x320000xi32, #tpu.memory_space<hbm>> -> memref<2x80xi32, #tpu.memory_space<hbm>>
    %dma_wait3A_246 = tpu.memref_slice %arg16[%dma_wait3A_243] : memref<5x!tpu.dma_semaphore, #tpu.memory_space<semaphore_mem>> -> memref<1x!tpu.dma_semaphore, #tpu.memory_space<semaphore_mem>>
    %dma_wait3A_247 = tpu.memref_squeeze %dma_wait3A_246 : memref<1x!tpu.dma_semaphore, #tpu.memory_space<semaphore_mem>> -> memref<!tpu.dma_semaphore, #tpu.memory_space<semaphore_mem>>
    %dma_wait3A_248 = arith.constant 0 : i32
    %dma_wait3A_249 = tpu.memref_slice %arg3[%dma_wait3A_248, %add3A_242] : memref<2x320000xi32, #tpu.memory_space<hbm>> -> memref<2x80xi32, #tpu.memory_space<hbm>>
    tpu.wait_dma2 semaphore(%dma_wait3A_247 : memref<!tpu.dma_semaphore, #tpu.memory_space<semaphore_mem>>) src(%dma_wait3A_249 : memref<2x80xi32, #tpu.memory_space<hbm>>) dst(%arg6 : memref<2x80xi32, #tpu.memory_space<vmem>>)
    %dma_start3A_250 = arith.constant 0 : i32
    %dma_start3A_251 = arith.constant 0 : i32
    %dma_start3A_252 = arith.constant 0 : i32
    %dma_start3A_253 = tpu.memref_slice %arg6[%dma_start3A_250, %dma_start3A_252] : memref<2x80xi32, #tpu.memory_space<vmem>> -> memref<1x80xi32, #tpu.memory_space<vmem>>
    %dma_start3A_254 = tpu.memref_squeeze %dma_start3A_253 : memref<1x80xi32, #tpu.memory_space<vmem>> -> memref<80xi32, #tpu.memory_space<vmem>>
    %dma_start3A_255 = arith.constant 0 : i32
    %dma_start3A_256 = arith.constant 0 : i32
    %dma_start3A_257 = tpu.memref_slice %arg2[%dma_start3A_255, %dma_start3A_256] : memref<10000x48xf32, #tpu.memory_space<hbm>> -> memref<10000x48xf32, #tpu.memory_space<hbm>>
    %dma_start3A_258 = tpu.memref_slice %arg17[%dma_start3A_251] : memref<5x!tpu.dma_semaphore, #tpu.memory_space<semaphore_mem>> -> memref<1x!tpu.dma_semaphore, #tpu.memory_space<semaphore_mem>>
    %dma_start3A_259 = tpu.memref_squeeze %dma_start3A_258 : memref<1x!tpu.dma_semaphore, #tpu.memory_space<semaphore_mem>> -> memref<!tpu.dma_semaphore, #tpu.memory_space<semaphore_mem>>
    tpu.enqueue_indirect_dma source(%dma_start3A_257 : memref<10000x48xf32, #tpu.memory_space<hbm>>) target(%arg11 : memref<80x48xf32, #tpu.memory_space<vmem>>) offsets(%dma_start3A_254 : memref<80xi32, #tpu.memory_space<vmem>>) semaphore(%dma_start3A_259 : memref<!tpu.dma_semaphore, #tpu.memory_space<semaphore_mem>>)
    %dma_wait3A_260 = arith.constant 0 : i32
    %dma_wait3A_261 = arith.constant 3 : i32
    %dma_wait3A_262 = arith.constant 0 : i32
    %dma_wait3A_263 = tpu.memref_slice %arg9[%dma_wait3A_260, %dma_wait3A_262] : memref<2x80xi32, #tpu.memory_space<vmem>> -> memref<1x80xi32, #tpu.memory_space<vmem>>
    %dma_wait3A_264 = tpu.memref_squeeze %dma_wait3A_263 : memref<1x80xi32, #tpu.memory_space<vmem>> -> memref<80xi32, #tpu.memory_space<vmem>>
    %dma_wait3A_265 = arith.constant 0 : i32
    %dma_wait3A_266 = arith.constant 0 : i32
    %dma_wait3A_267 = tpu.memref_slice %arg2[%dma_wait3A_265, %dma_wait3A_266] : memref<10000x48xf32, #tpu.memory_space<hbm>> -> memref<10000x48xf32, #tpu.memory_space<hbm>>
    %dma_wait3A_268 = tpu.memref_slice %arg17[%dma_wait3A_261] : memref<5x!tpu.dma_semaphore, #tpu.memory_space<semaphore_mem>> -> memref<1x!tpu.dma_semaphore, #tpu.memory_space<semaphore_mem>>
    %dma_wait3A_269 = tpu.memref_squeeze %dma_wait3A_268 : memref<1x!tpu.dma_semaphore, #tpu.memory_space<semaphore_mem>> -> memref<!tpu.dma_semaphore, #tpu.memory_space<semaphore_mem>>
    tpu.wait_indirect_dma semaphore(%dma_wait3A_269 : memref<!tpu.dma_semaphore, #tpu.memory_space<semaphore_mem>>) src(%dma_wait3A_267 : memref<10000x48xf32, #tpu.memory_space<hbm>>) dst(%arg14 : memref<80x48xf32, #tpu.memory_space<vmem>>)
    %dma_start3A_270 = arith.constant 1 : i32
    %dma_start3A_271 = arith.constant 3 : i32
    %dma_start3A_272 = arith.constant 0 : i32
    %dma_start3A_273 = tpu.memref_slice %arg9[%dma_start3A_270, %dma_start3A_272] : memref<2x80xi32, #tpu.memory_space<vmem>> -> memref<1x80xi32, #tpu.memory_space<vmem>>
    %dma_start3A_274 = tpu.memref_squeeze %dma_start3A_273 : memref<1x80xi32, #tpu.memory_space<vmem>> -> memref<80xi32, #tpu.memory_space<vmem>>
    %dma_start3A_275 = arith.constant 0 : i32
    %dma_start3A_276 = arith.constant 0 : i32
    %dma_start3A_277 = tpu.memref_slice %arg19[%dma_start3A_275, %dma_start3A_276] : memref<10000x48xf32, #tpu.memory_space<vmem_shared>> -> memref<10000x48xf32, #tpu.memory_space<vmem_shared>>
    %dma_start3A_278 = tpu.memref_slice %arg18[%dma_start3A_271] : memref<5x!tpu.dma_semaphore, #tpu.memory_space<semaphore_mem>> -> memref<1x!tpu.dma_semaphore, #tpu.memory_space<semaphore_mem>>
    %dma_start3A_279 = tpu.memref_squeeze %dma_start3A_278 : memref<1x!tpu.dma_semaphore, #tpu.memory_space<semaphore_mem>> -> memref<!tpu.dma_semaphore, #tpu.memory_space<semaphore_mem>>
    tpu.enqueue_indirect_dma source(%arg14 : memref<80x48xf32, #tpu.memory_space<vmem>>) target(%dma_start3A_277 : memref<10000x48xf32, #tpu.memory_space<vmem_shared>>) offsets(%dma_start3A_274 : memref<80xi32, #tpu.memory_space<vmem>>) semaphore(%dma_start3A_279 : memref<!tpu.dma_semaphore, #tpu.memory_space<semaphore_mem>>) {add = true}
    %dma_wait3A_280 = arith.constant 1 : i32
    %dma_wait3A_281 = arith.constant 2 : i32
    %dma_wait3A_282 = arith.constant 0 : i32
    %dma_wait3A_283 = tpu.memref_slice %arg8[%dma_wait3A_280, %dma_wait3A_282] : memref<2x80xi32, #tpu.memory_space<vmem>> -> memref<1x80xi32, #tpu.memory_space<vmem>>
    %dma_wait3A_284 = tpu.memref_squeeze %dma_wait3A_283 : memref<1x80xi32, #tpu.memory_space<vmem>> -> memref<80xi32, #tpu.memory_space<vmem>>
    %dma_wait3A_285 = arith.constant 0 : i32
    %dma_wait3A_286 = arith.constant 0 : i32
    %dma_wait3A_287 = tpu.memref_slice %arg19[%dma_wait3A_285, %dma_wait3A_286] : memref<10000x48xf32, #tpu.memory_space<vmem_shared>> -> memref<10000x48xf32, #tpu.memory_space<vmem_shared>>
    %dma_wait3A_288 = tpu.memref_slice %arg18[%dma_wait3A_281] : memref<5x!tpu.dma_semaphore, #tpu.memory_space<semaphore_mem>> -> memref<1x!tpu.dma_semaphore, #tpu.memory_space<semaphore_mem>>
    %dma_wait3A_289 = tpu.memref_squeeze %dma_wait3A_288 : memref<1x!tpu.dma_semaphore, #tpu.memory_space<semaphore_mem>> -> memref<!tpu.dma_semaphore, #tpu.memory_space<semaphore_mem>>
    tpu.wait_indirect_dma semaphore(%dma_wait3A_289 : memref<!tpu.dma_semaphore, #tpu.memory_space<semaphore_mem>>) src(%arg13 : memref<80x48xf32, #tpu.memory_space<vmem>>) dst(%dma_wait3A_287 : memref<10000x48xf32, #tpu.memory_space<vmem_shared>>)
    %add3A_290 = arith.constant 560 : i32
    %add3A_291 = arith.addi %mul3A_4, %add3A_290 : i32
    %dma_start3A_292 = arith.constant 2 : i32
    %dma_start3A_293 = arith.constant 0 : i32
    %dma_start3A_294 = tpu.memref_slice %arg3[%dma_start3A_293, %add3A_291] : memref<2x320000xi32, #tpu.memory_space<hbm>> -> memref<2x80xi32, #tpu.memory_space<hbm>>
    %dma_start3A_295 = tpu.memref_slice %arg16[%dma_start3A_292] : memref<5x!tpu.dma_semaphore, #tpu.memory_space<semaphore_mem>> -> memref<1x!tpu.dma_semaphore, #tpu.memory_space<semaphore_mem>>
    %dma_start3A_296 = tpu.memref_squeeze %dma_start3A_295 : memref<1x!tpu.dma_semaphore, #tpu.memory_space<semaphore_mem>> -> memref<!tpu.dma_semaphore, #tpu.memory_space<semaphore_mem>>
    %dma_start3A_297 = arith.constant 0 : i32
    %dma_start3A_298 = tpu.memref_slice %arg3[%dma_start3A_297, %add3A_291] : memref<2x320000xi32, #tpu.memory_space<hbm>> -> memref<2x80xi32, #tpu.memory_space<hbm>>
    tpu.enqueue_dma source(%dma_start3A_298 : memref<2x80xi32, #tpu.memory_space<hbm>>) target(%arg8 : memref<2x80xi32, #tpu.memory_space<vmem>>) target_semaphore(%dma_start3A_296 : memref<!tpu.dma_semaphore, #tpu.memory_space<semaphore_mem>>)
    %add3A_299 = arith.constant 480 : i32
    %add3A_300 = arith.addi %mul3A_4, %add3A_299 : i32
    %dma_wait3A_301 = arith.constant 1 : i32
    %dma_wait3A_302 = arith.constant 0 : i32
    %dma_wait3A_303 = tpu.memref_slice %arg3[%dma_wait3A_302, %add3A_300] : memref<2x320000xi32, #tpu.memory_space<hbm>> -> memref<2x80xi32, #tpu.memory_space<hbm>>
    %dma_wait3A_304 = tpu.memref_slice %arg16[%dma_wait3A_301] : memref<5x!tpu.dma_semaphore, #tpu.memory_space<semaphore_mem>> -> memref<1x!tpu.dma_semaphore, #tpu.memory_space<semaphore_mem>>
    %dma_wait3A_305 = tpu.memref_squeeze %dma_wait3A_304 : memref<1x!tpu.dma_semaphore, #tpu.memory_space<semaphore_mem>> -> memref<!tpu.dma_semaphore, #tpu.memory_space<semaphore_mem>>
    %dma_wait3A_306 = arith.constant 0 : i32
    %dma_wait3A_307 = tpu.memref_slice %arg3[%dma_wait3A_306, %add3A_300] : memref<2x320000xi32, #tpu.memory_space<hbm>> -> memref<2x80xi32, #tpu.memory_space<hbm>>
    tpu.wait_dma2 semaphore(%dma_wait3A_305 : memref<!tpu.dma_semaphore, #tpu.memory_space<semaphore_mem>>) src(%dma_wait3A_307 : memref<2x80xi32, #tpu.memory_space<hbm>>) dst(%arg7 : memref<2x80xi32, #tpu.memory_space<vmem>>)
    %dma_start3A_308 = arith.constant 0 : i32
    %dma_start3A_309 = arith.constant 1 : i32
    %dma_start3A_310 = arith.constant 0 : i32
    %dma_start3A_311 = tpu.memref_slice %arg7[%dma_start3A_308, %dma_start3A_310] : memref<2x80xi32, #tpu.memory_space<vmem>> -> memref<1x80xi32, #tpu.memory_space<vmem>>
    %dma_start3A_312 = tpu.memref_squeeze %dma_start3A_311 : memref<1x80xi32, #tpu.memory_space<vmem>> -> memref<80xi32, #tpu.memory_space<vmem>>
    %dma_start3A_313 = arith.constant 0 : i32
    %dma_start3A_314 = arith.constant 0 : i32
    %dma_start3A_315 = tpu.memref_slice %arg2[%dma_start3A_313, %dma_start3A_314] : memref<10000x48xf32, #tpu.memory_space<hbm>> -> memref<10000x48xf32, #tpu.memory_space<hbm>>
    %dma_start3A_316 = tpu.memref_slice %arg17[%dma_start3A_309] : memref<5x!tpu.dma_semaphore, #tpu.memory_space<semaphore_mem>> -> memref<1x!tpu.dma_semaphore, #tpu.memory_space<semaphore_mem>>
    %dma_start3A_317 = tpu.memref_squeeze %dma_start3A_316 : memref<1x!tpu.dma_semaphore, #tpu.memory_space<semaphore_mem>> -> memref<!tpu.dma_semaphore, #tpu.memory_space<semaphore_mem>>
    tpu.enqueue_indirect_dma source(%dma_start3A_315 : memref<10000x48xf32, #tpu.memory_space<hbm>>) target(%arg12 : memref<80x48xf32, #tpu.memory_space<vmem>>) offsets(%dma_start3A_312 : memref<80xi32, #tpu.memory_space<vmem>>) semaphore(%dma_start3A_317 : memref<!tpu.dma_semaphore, #tpu.memory_space<semaphore_mem>>)
    %dma_wait3A_318 = arith.constant 0 : i32
    %dma_wait3A_319 = arith.constant 4 : i32
    %dma_wait3A_320 = arith.constant 0 : i32
    %dma_wait3A_321 = tpu.memref_slice %arg10[%dma_wait3A_318, %dma_wait3A_320] : memref<2x80xi32, #tpu.memory_space<vmem>> -> memref<1x80xi32, #tpu.memory_space<vmem>>
    %dma_wait3A_322 = tpu.memref_squeeze %dma_wait3A_321 : memref<1x80xi32, #tpu.memory_space<vmem>> -> memref<80xi32, #tpu.memory_space<vmem>>
    %dma_wait3A_323 = arith.constant 0 : i32
    %dma_wait3A_324 = arith.constant 0 : i32
    %dma_wait3A_325 = tpu.memref_slice %arg2[%dma_wait3A_323, %dma_wait3A_324] : memref<10000x48xf32, #tpu.memory_space<hbm>> -> memref<10000x48xf32, #tpu.memory_space<hbm>>
    %dma_wait3A_326 = tpu.memref_slice %arg17[%dma_wait3A_319] : memref<5x!tpu.dma_semaphore, #tpu.memory_space<semaphore_mem>> -> memref<1x!tpu.dma_semaphore, #tpu.memory_space<semaphore_mem>>
    %dma_wait3A_327 = tpu.memref_squeeze %dma_wait3A_326 : memref<1x!tpu.dma_semaphore, #tpu.memory_space<semaphore_mem>> -> memref<!tpu.dma_semaphore, #tpu.memory_space<semaphore_mem>>
    tpu.wait_indirect_dma semaphore(%dma_wait3A_327 : memref<!tpu.dma_semaphore, #tpu.memory_space<semaphore_mem>>) src(%dma_wait3A_325 : memref<10000x48xf32, #tpu.memory_space<hbm>>) dst(%arg15 : memref<80x48xf32, #tpu.memory_space<vmem>>)
    %dma_start3A_328 = arith.constant 1 : i32
    %dma_start3A_329 = arith.constant 4 : i32
    %dma_start3A_330 = arith.constant 0 : i32
    %dma_start3A_331 = tpu.memref_slice %arg10[%dma_start3A_328, %dma_start3A_330] : memref<2x80xi32, #tpu.memory_space<vmem>> -> memref<1x80xi32, #tpu.memory_space<vmem>>
    %dma_start3A_332 = tpu.memref_squeeze %dma_start3A_331 : memref<1x80xi32, #tpu.memory_space<vmem>> -> memref<80xi32, #tpu.memory_space<vmem>>
    %dma_start3A_333 = arith.constant 0 : i32
    %dma_start3A_334 = arith.constant 0 : i32
    %dma_start3A_335 = tpu.memref_slice %arg19[%dma_start3A_333, %dma_start3A_334] : memref<10000x48xf32, #tpu.memory_space<vmem_shared>> -> memref<10000x48xf32, #tpu.memory_space<vmem_shared>>
    %dma_start3A_336 = tpu.memref_slice %arg18[%dma_start3A_329] : memref<5x!tpu.dma_semaphore, #tpu.memory_space<semaphore_mem>> -> memref<1x!tpu.dma_semaphore, #tpu.memory_space<semaphore_mem>>
    %dma_start3A_337 = tpu.memref_squeeze %dma_start3A_336 : memref<1x!tpu.dma_semaphore, #tpu.memory_space<semaphore_mem>> -> memref<!tpu.dma_semaphore, #tpu.memory_space<semaphore_mem>>
    tpu.enqueue_indirect_dma source(%arg15 : memref<80x48xf32, #tpu.memory_space<vmem>>) target(%dma_start3A_335 : memref<10000x48xf32, #tpu.memory_space<vmem_shared>>) offsets(%dma_start3A_332 : memref<80xi32, #tpu.memory_space<vmem>>) semaphore(%dma_start3A_337 : memref<!tpu.dma_semaphore, #tpu.memory_space<semaphore_mem>>) {add = true}
    %scan3A = arith.constant 0 : i32
    %scan3A_338 = arith.constant 1 : i32
    %scan3A_339 = arith.constant 23 : i32
    %scan3A_340 = arith.addi %scan3A_338, %scan3A_339 : i32
    %scan3A_341 = arith.constant 1 : i32
    scf.for %scan3A_593 = %scan3A_338 to %scan3A_340 step %scan3A_341  : i32 {
      %mul3A_594 = arith.constant 5 : i32
      %mul3A_595 = arith.muli %scan3A_593, %mul3A_594 : i32
      %add3A_596 = arith.constant 0 : i32
      %add3A_597 = arith.addi %mul3A_595, %add3A_596 : i32
      %dma_wait3A_598 = arith.constant 1 : i32
      %dma_wait3A_599 = arith.constant 3 : i32
      %dma_wait3A_600 = arith.constant 0 : i32
      %dma_wait3A_601 = tpu.memref_slice %arg9[%dma_wait3A_598, %dma_wait3A_600] : memref<2x80xi32, #tpu.memory_space<vmem>> -> memref<1x80xi32, #tpu.memory_space<vmem>>
      %dma_wait3A_602 = tpu.memref_squeeze %dma_wait3A_601 : memref<1x80xi32, #tpu.memory_space<vmem>> -> memref<80xi32, #tpu.memory_space<vmem>>
      %dma_wait3A_603 = arith.constant 0 : i32
      %dma_wait3A_604 = arith.constant 0 : i32
      %dma_wait3A_605 = tpu.memref_slice %arg19[%dma_wait3A_603, %dma_wait3A_604] : memref<10000x48xf32, #tpu.memory_space<vmem_shared>> -> memref<10000x48xf32, #tpu.memory_space<vmem_shared>>
      %dma_wait3A_606 = tpu.memref_slice %arg18[%dma_wait3A_599] : memref<5x!tpu.dma_semaphore, #tpu.memory_space<semaphore_mem>> -> memref<1x!tpu.dma_semaphore, #tpu.memory_space<semaphore_mem>>
      %dma_wait3A_607 = tpu.memref_squeeze %dma_wait3A_606 : memref<1x!tpu.dma_semaphore, #tpu.memory_space<semaphore_mem>> -> memref<!tpu.dma_semaphore, #tpu.memory_space<semaphore_mem>>
      tpu.wait_indirect_dma semaphore(%dma_wait3A_607 : memref<!tpu.dma_semaphore, #tpu.memory_space<semaphore_mem>>) src(%arg14 : memref<80x48xf32, #tpu.memory_space<vmem>>) dst(%dma_wait3A_605 : memref<10000x48xf32, #tpu.memory_space<vmem_shared>>)
      %add3A_608 = arith.constant 3 : i32
      %add3A_609 = arith.addi %add3A_597, %add3A_608 : i32
      %mul3A_610 = arith.constant 80 : i32
      %mul3A_611 = arith.muli %add3A_609, %mul3A_610 : i32
      %add3A_612 = arith.addi %mul3A_4, %mul3A_611 : i32
      %dma_start3A_613 = arith.constant 3 : i32
      %dma_start3A_614 = arith.constant 0 : i32
      %dma_start3A_615 = tpu.memref_slice %arg3[%dma_start3A_614, %add3A_612] : memref<2x320000xi32, #tpu.memory_space<hbm>> -> memref<2x80xi32, #tpu.memory_space<hbm>>
      %dma_start3A_616 = tpu.memref_slice %arg16[%dma_start3A_613] : memref<5x!tpu.dma_semaphore, #tpu.memory_space<semaphore_mem>> -> memref<1x!tpu.dma_semaphore, #tpu.memory_space<semaphore_mem>>
      %dma_start3A_617 = tpu.memref_squeeze %dma_start3A_616 : memref<1x!tpu.dma_semaphore, #tpu.memory_space<semaphore_mem>> -> memref<!tpu.dma_semaphore, #tpu.memory_space<semaphore_mem>>
      %dma_start3A_618 = arith.constant 0 : i32
      %dma_start3A_619 = tpu.memref_slice %arg3[%dma_start3A_618, %add3A_612] : memref<2x320000xi32, #tpu.memory_space<hbm>> -> memref<2x80xi32, #tpu.memory_space<hbm>>
      tpu.enqueue_dma source(%dma_start3A_619 : memref<2x80xi32, #tpu.memory_space<hbm>>) target(%arg9 : memref<2x80xi32, #tpu.memory_space<vmem>>) target_semaphore(%dma_start3A_617 : memref<!tpu.dma_semaphore, #tpu.memory_space<semaphore_mem>>)
      %add3A_620 = arith.constant 2 : i32
      %add3A_621 = arith.addi %add3A_597, %add3A_620 : i32
      %mul3A_622 = arith.constant 80 : i32
      %mul3A_623 = arith.muli %add3A_621, %mul3A_622 : i32
      %add3A_624 = arith.addi %mul3A_4, %mul3A_623 : i32
      %dma_wait3A_625 = arith.constant 2 : i32
      %dma_wait3A_626 = arith.constant 0 : i32
      %dma_wait3A_627 = tpu.memref_slice %arg3[%dma_wait3A_626, %add3A_624] : memref<2x320000xi32, #tpu.memory_space<hbm>> -> memref<2x80xi32, #tpu.memory_space<hbm>>
      %dma_wait3A_628 = tpu.memref_slice %arg16[%dma_wait3A_625] : memref<5x!tpu.dma_semaphore, #tpu.memory_space<semaphore_mem>> -> memref<1x!tpu.dma_semaphore, #tpu.memory_space<semaphore_mem>>
      %dma_wait3A_629 = tpu.memref_squeeze %dma_wait3A_628 : memref<1x!tpu.dma_semaphore, #tpu.memory_space<semaphore_mem>> -> memref<!tpu.dma_semaphore, #tpu.memory_space<semaphore_mem>>
      %dma_wait3A_630 = arith.constant 0 : i32
      %dma_wait3A_631 = tpu.memref_slice %arg3[%dma_wait3A_630, %add3A_624] : memref<2x320000xi32, #tpu.memory_space<hbm>> -> memref<2x80xi32, #tpu.memory_space<hbm>>
      tpu.wait_dma2 semaphore(%dma_wait3A_629 : memref<!tpu.dma_semaphore, #tpu.memory_space<semaphore_mem>>) src(%dma_wait3A_631 : memref<2x80xi32, #tpu.memory_space<hbm>>) dst(%arg8 : memref<2x80xi32, #tpu.memory_space<vmem>>)
      %dma_start3A_632 = arith.constant 0 : i32
      %dma_start3A_633 = arith.constant 2 : i32
      %dma_start3A_634 = arith.constant 0 : i32
      %dma_start3A_635 = tpu.memref_slice %arg8[%dma_start3A_632, %dma_start3A_634] : memref<2x80xi32, #tpu.memory_space<vmem>> -> memref<1x80xi32, #tpu.memory_space<vmem>>
      %dma_start3A_636 = tpu.memref_squeeze %dma_start3A_635 : memref<1x80xi32, #tpu.memory_space<vmem>> -> memref<80xi32, #tpu.memory_space<vmem>>
      %dma_start3A_637 = arith.constant 0 : i32
      %dma_start3A_638 = arith.constant 0 : i32
      %dma_start3A_639 = tpu.memref_slice %arg2[%dma_start3A_637, %dma_start3A_638] : memref<10000x48xf32, #tpu.memory_space<hbm>> -> memref<10000x48xf32, #tpu.memory_space<hbm>>
      %dma_start3A_640 = tpu.memref_slice %arg17[%dma_start3A_633] : memref<5x!tpu.dma_semaphore, #tpu.memory_space<semaphore_mem>> -> memref<1x!tpu.dma_semaphore, #tpu.memory_space<semaphore_mem>>
      %dma_start3A_641 = tpu.memref_squeeze %dma_start3A_640 : memref<1x!tpu.dma_semaphore, #tpu.memory_space<semaphore_mem>> -> memref<!tpu.dma_semaphore, #tpu.memory_space<semaphore_mem>>
      tpu.enqueue_indirect_dma source(%dma_start3A_639 : memref<10000x48xf32, #tpu.memory_space<hbm>>) target(%arg13 : memref<80x48xf32, #tpu.memory_space<vmem>>) offsets(%dma_start3A_636 : memref<80xi32, #tpu.memory_space<vmem>>) semaphore(%dma_start3A_641 : memref<!tpu.dma_semaphore, #tpu.memory_space<semaphore_mem>>)
      %dma_wait3A_642 = arith.constant 0 : i32
      %dma_wait3A_643 = arith.constant 0 : i32
      %dma_wait3A_644 = arith.constant 0 : i32
      %dma_wait3A_645 = tpu.memref_slice %arg6[%dma_wait3A_642, %dma_wait3A_644] : memref<2x80xi32, #tpu.memory_space<vmem>> -> memref<1x80xi32, #tpu.memory_space<vmem>>
      %dma_wait3A_646 = tpu.memref_squeeze %dma_wait3A_645 : memref<1x80xi32, #tpu.memory_space<vmem>> -> memref<80xi32, #tpu.memory_space<vmem>>
      %dma_wait3A_647 = arith.constant 0 : i32
      %dma_wait3A_648 = arith.constant 0 : i32
      %dma_wait3A_649 = tpu.memref_slice %arg2[%dma_wait3A_647, %dma_wait3A_648] : memref<10000x48xf32, #tpu.memory_space<hbm>> -> memref<10000x48xf32, #tpu.memory_space<hbm>>
      %dma_wait3A_650 = tpu.memref_slice %arg17[%dma_wait3A_643] : memref<5x!tpu.dma_semaphore, #tpu.memory_space<semaphore_mem>> -> memref<1x!tpu.dma_semaphore, #tpu.memory_space<semaphore_mem>>
      %dma_wait3A_651 = tpu.memref_squeeze %dma_wait3A_650 : memref<1x!tpu.dma_semaphore, #tpu.memory_space<semaphore_mem>> -> memref<!tpu.dma_semaphore, #tpu.memory_space<semaphore_mem>>
      tpu.wait_indirect_dma semaphore(%dma_wait3A_651 : memref<!tpu.dma_semaphore, #tpu.memory_space<semaphore_mem>>) src(%dma_wait3A_649 : memref<10000x48xf32, #tpu.memory_space<hbm>>) dst(%arg11 : memref<80x48xf32, #tpu.memory_space<vmem>>)
      %dma_start3A_652 = arith.constant 1 : i32
      %dma_start3A_653 = arith.constant 0 : i32
      %dma_start3A_654 = arith.constant 0 : i32
      %dma_start3A_655 = tpu.memref_slice %arg6[%dma_start3A_652, %dma_start3A_654] : memref<2x80xi32, #tpu.memory_space<vmem>> -> memref<1x80xi32, #tpu.memory_space<vmem>>
      %dma_start3A_656 = tpu.memref_squeeze %dma_start3A_655 : memref<1x80xi32, #tpu.memory_space<vmem>> -> memref<80xi32, #tpu.memory_space<vmem>>
      %dma_start3A_657 = arith.constant 0 : i32
      %dma_start3A_658 = arith.constant 0 : i32
      %dma_start3A_659 = tpu.memref_slice %arg19[%dma_start3A_657, %dma_start3A_658] : memref<10000x48xf32, #tpu.memory_space<vmem_shared>> -> memref<10000x48xf32, #tpu.memory_space<vmem_shared>>
      %dma_start3A_660 = tpu.memref_slice %arg18[%dma_start3A_653] : memref<5x!tpu.dma_semaphore, #tpu.memory_space<semaphore_mem>> -> memref<1x!tpu.dma_semaphore, #tpu.memory_space<semaphore_mem>>
      %dma_start3A_661 = tpu.memref_squeeze %dma_start3A_660 : memref<1x!tpu.dma_semaphore, #tpu.memory_space<semaphore_mem>> -> memref<!tpu.dma_semaphore, #tpu.memory_space<semaphore_mem>>
      tpu.enqueue_indirect_dma source(%arg11 : memref<80x48xf32, #tpu.memory_space<vmem>>) target(%dma_start3A_659 : memref<10000x48xf32, #tpu.memory_space<vmem_shared>>) offsets(%dma_start3A_656 : memref<80xi32, #tpu.memory_space<vmem>>) semaphore(%dma_start3A_661 : memref<!tpu.dma_semaphore, #tpu.memory_space<semaphore_mem>>) {add = true}
      %mul3A_662 = arith.constant 5 : i32
      %mul3A_663 = arith.muli %scan3A_593, %mul3A_662 : i32
      %add3A_664 = arith.constant 1 : i32
      %add3A_665 = arith.addi %mul3A_663, %add3A_664 : i32
      %dma_wait3A_666 = arith.constant 1 : i32
      %dma_wait3A_667 = arith.constant 4 : i32
      %dma_wait3A_668 = arith.constant 0 : i32
      %dma_wait3A_669 = tpu.memref_slice %arg10[%dma_wait3A_666, %dma_wait3A_668] : memref<2x80xi32, #tpu.memory_space<vmem>> -> memref<1x80xi32, #tpu.memory_space<vmem>>
      %dma_wait3A_670 = tpu.memref_squeeze %dma_wait3A_669 : memref<1x80xi32, #tpu.memory_space<vmem>> -> memref<80xi32, #tpu.memory_space<vmem>>
      %dma_wait3A_671 = arith.constant 0 : i32
      %dma_wait3A_672 = arith.constant 0 : i32
      %dma_wait3A_673 = tpu.memref_slice %arg19[%dma_wait3A_671, %dma_wait3A_672] : memref<10000x48xf32, #tpu.memory_space<vmem_shared>> -> memref<10000x48xf32, #tpu.memory_space<vmem_shared>>
      %dma_wait3A_674 = tpu.memref_slice %arg18[%dma_wait3A_667] : memref<5x!tpu.dma_semaphore, #tpu.memory_space<semaphore_mem>> -> memref<1x!tpu.dma_semaphore, #tpu.memory_space<semaphore_mem>>
      %dma_wait3A_675 = tpu.memref_squeeze %dma_wait3A_674 : memref<1x!tpu.dma_semaphore, #tpu.memory_space<semaphore_mem>> -> memref<!tpu.dma_semaphore, #tpu.memory_space<semaphore_mem>>
      tpu.wait_indirect_dma semaphore(%dma_wait3A_675 : memref<!tpu.dma_semaphore, #tpu.memory_space<semaphore_mem>>) src(%arg15 : memref<80x48xf32, #tpu.memory_space<vmem>>) dst(%dma_wait3A_673 : memref<10000x48xf32, #tpu.memory_space<vmem_shared>>)
      %add3A_676 = arith.constant 3 : i32
      %add3A_677 = arith.addi %add3A_665, %add3A_676 : i32
      %mul3A_678 = arith.constant 80 : i32
      %mul3A_679 = arith.muli %add3A_677, %mul3A_678 : i32
      %add3A_680 = arith.addi %mul3A_4, %mul3A_679 : i32
      %dma_start3A_681 = arith.constant 4 : i32
      %dma_start3A_682 = arith.constant 0 : i32
      %dma_start3A_683 = tpu.memref_slice %arg3[%dma_start3A_682, %add3A_680] : memref<2x320000xi32, #tpu.memory_space<hbm>> -> memref<2x80xi32, #tpu.memory_space<hbm>>
      %dma_start3A_684 = tpu.memref_slice %arg16[%dma_start3A_681] : memref<5x!tpu.dma_semaphore, #tpu.memory_space<semaphore_mem>> -> memref<1x!tpu.dma_semaphore, #tpu.memory_space<semaphore_mem>>
      %dma_start3A_685 = tpu.memref_squeeze %dma_start3A_684 : memref<1x!tpu.dma_semaphore, #tpu.memory_space<semaphore_mem>> -> memref<!tpu.dma_semaphore, #tpu.memory_space<semaphore_mem>>
      %dma_start3A_686 = arith.constant 0 : i32
      %dma_start3A_687 = tpu.memref_slice %arg3[%dma_start3A_686, %add3A_680] : memref<2x320000xi32, #tpu.memory_space<hbm>> -> memref<2x80xi32, #tpu.memory_space<hbm>>
      tpu.enqueue_dma source(%dma_start3A_687 : memref<2x80xi32, #tpu.memory_space<hbm>>) target(%arg10 : memref<2x80xi32, #tpu.memory_space<vmem>>) target_semaphore(%dma_start3A_685 : memref<!tpu.dma_semaphore, #tpu.memory_space<semaphore_mem>>)
      %add3A_688 = arith.constant 2 : i32
      %add3A_689 = arith.addi %add3A_665, %add3A_688 : i32
      %mul3A_690 = arith.constant 80 : i32
      %mul3A_691 = arith.muli %add3A_689, %mul3A_690 : i32
      %add3A_692 = arith.addi %mul3A_4, %mul3A_691 : i32
      %dma_wait3A_693 = arith.constant 3 : i32
      %dma_wait3A_694 = arith.constant 0 : i32
      %dma_wait3A_695 = tpu.memref_slice %arg3[%dma_wait3A_694, %add3A_692] : memref<2x320000xi32, #tpu.memory_space<hbm>> -> memref<2x80xi32, #tpu.memory_space<hbm>>
      %dma_wait3A_696 = tpu.memref_slice %arg16[%dma_wait3A_693] : memref<5x!tpu.dma_semaphore, #tpu.memory_space<semaphore_mem>> -> memref<1x!tpu.dma_semaphore, #tpu.memory_space<semaphore_mem>>
      %dma_wait3A_697 = tpu.memref_squeeze %dma_wait3A_696 : memref<1x!tpu.dma_semaphore, #tpu.memory_space<semaphore_mem>> -> memref<!tpu.dma_semaphore, #tpu.memory_space<semaphore_mem>>
      %dma_wait3A_698 = arith.constant 0 : i32
      %dma_wait3A_699 = tpu.memref_slice %arg3[%dma_wait3A_698, %add3A_692] : memref<2x320000xi32, #tpu.memory_space<hbm>> -> memref<2x80xi32, #tpu.memory_space<hbm>>
      tpu.wait_dma2 semaphore(%dma_wait3A_697 : memref<!tpu.dma_semaphore, #tpu.memory_space<semaphore_mem>>) src(%dma_wait3A_699 : memref<2x80xi32, #tpu.memory_space<hbm>>) dst(%arg9 : memref<2x80xi32, #tpu.memory_space<vmem>>)
      %dma_start3A_700 = arith.constant 0 : i32
      %dma_start3A_701 = arith.constant 3 : i32
      %dma_start3A_702 = arith.constant 0 : i32
      %dma_start3A_703 = tpu.memref_slice %arg9[%dma_start3A_700, %dma_start3A_702] : memref<2x80xi32, #tpu.memory_space<vmem>> -> memref<1x80xi32, #tpu.memory_space<vmem>>
      %dma_start3A_704 = tpu.memref_squeeze %dma_start3A_703 : memref<1x80xi32, #tpu.memory_space<vmem>> -> memref<80xi32, #tpu.memory_space<vmem>>
      %dma_start3A_705 = arith.constant 0 : i32
      %dma_start3A_706 = arith.constant 0 : i32
      %dma_start3A_707 = tpu.memref_slice %arg2[%dma_start3A_705, %dma_start3A_706] : memref<10000x48xf32, #tpu.memory_space<hbm>> -> memref<10000x48xf32, #tpu.memory_space<hbm>>
      %dma_start3A_708 = tpu.memref_slice %arg17[%dma_start3A_701] : memref<5x!tpu.dma_semaphore, #tpu.memory_space<semaphore_mem>> -> memref<1x!tpu.dma_semaphore, #tpu.memory_space<semaphore_mem>>
      %dma_start3A_709 = tpu.memref_squeeze %dma_start3A_708 : memref<1x!tpu.dma_semaphore, #tpu.memory_space<semaphore_mem>> -> memref<!tpu.dma_semaphore, #tpu.memory_space<semaphore_mem>>
      tpu.enqueue_indirect_dma source(%dma_start3A_707 : memref<10000x48xf32, #tpu.memory_space<hbm>>) target(%arg14 : memref<80x48xf32, #tpu.memory_space<vmem>>) offsets(%dma_start3A_704 : memref<80xi32, #tpu.memory_space<vmem>>) semaphore(%dma_start3A_709 : memref<!tpu.dma_semaphore, #tpu.memory_space<semaphore_mem>>)
      %dma_wait3A_710 = arith.constant 0 : i32
      %dma_wait3A_711 = arith.constant 1 : i32
      %dma_wait3A_712 = arith.constant 0 : i32
      %dma_wait3A_713 = tpu.memref_slice %arg7[%dma_wait3A_710, %dma_wait3A_712] : memref<2x80xi32, #tpu.memory_space<vmem>> -> memref<1x80xi32, #tpu.memory_space<vmem>>
      %dma_wait3A_714 = tpu.memref_squeeze %dma_wait3A_713 : memref<1x80xi32, #tpu.memory_space<vmem>> -> memref<80xi32, #tpu.memory_space<vmem>>
      %dma_wait3A_715 = arith.constant 0 : i32
      %dma_wait3A_716 = arith.constant 0 : i32
      %dma_wait3A_717 = tpu.memref_slice %arg2[%dma_wait3A_715, %dma_wait3A_716] : memref<10000x48xf32, #tpu.memory_space<hbm>> -> memref<10000x48xf32, #tpu.memory_space<hbm>>
      %dma_wait3A_718 = tpu.memref_slice %arg17[%dma_wait3A_711] : memref<5x!tpu.dma_semaphore, #tpu.memory_space<semaphore_mem>> -> memref<1x!tpu.dma_semaphore, #tpu.memory_space<semaphore_mem>>
      %dma_wait3A_719 = tpu.memref_squeeze %dma_wait3A_718 : memref<1x!tpu.dma_semaphore, #tpu.memory_space<semaphore_mem>> -> memref<!tpu.dma_semaphore, #tpu.memory_space<semaphore_mem>>
      tpu.wait_indirect_dma semaphore(%dma_wait3A_719 : memref<!tpu.dma_semaphore, #tpu.memory_space<semaphore_mem>>) src(%dma_wait3A_717 : memref<10000x48xf32, #tpu.memory_space<hbm>>) dst(%arg12 : memref<80x48xf32, #tpu.memory_space<vmem>>)
      %dma_start3A_720 = arith.constant 1 : i32
      %dma_start3A_721 = arith.constant 1 : i32
      %dma_start3A_722 = arith.constant 0 : i32
      %dma_start3A_723 = tpu.memref_slice %arg7[%dma_start3A_720, %dma_start3A_722] : memref<2x80xi32, #tpu.memory_space<vmem>> -> memref<1x80xi32, #tpu.memory_space<vmem>>
      %dma_start3A_724 = tpu.memref_squeeze %dma_start3A_723 : memref<1x80xi32, #tpu.memory_space<vmem>> -> memref<80xi32, #tpu.memory_space<vmem>>
      %dma_start3A_725 = arith.constant 0 : i32
      %dma_start3A_726 = arith.constant 0 : i32
      %dma_start3A_727 = tpu.memref_slice %arg19[%dma_start3A_725, %dma_start3A_726] : memref<10000x48xf32, #tpu.memory_space<vmem_shared>> -> memref<10000x48xf32, #tpu.memory_space<vmem_shared>>
      %dma_start3A_728 = tpu.memref_slice %arg18[%dma_start3A_721] : memref<5x!tpu.dma_semaphore, #tpu.memory_space<semaphore_mem>> -> memref<1x!tpu.dma_semaphore, #tpu.memory_space<semaphore_mem>>
      %dma_start3A_729 = tpu.memref_squeeze %dma_start3A_728 : memref<1x!tpu.dma_semaphore, #tpu.memory_space<semaphore_mem>> -> memref<!tpu.dma_semaphore, #tpu.memory_space<semaphore_mem>>
      tpu.enqueue_indirect_dma source(%arg12 : memref<80x48xf32, #tpu.memory_space<vmem>>) target(%dma_start3A_727 : memref<10000x48xf32, #tpu.memory_space<vmem_shared>>) offsets(%dma_start3A_724 : memref<80xi32, #tpu.memory_space<vmem>>) semaphore(%dma_start3A_729 : memref<!tpu.dma_semaphore, #tpu.memory_space<semaphore_mem>>) {add = true}
      %mul3A_730 = arith.constant 5 : i32
      %mul3A_731 = arith.muli %scan3A_593, %mul3A_730 : i32
      %add3A_732 = arith.constant 2 : i32
      %add3A_733 = arith.addi %mul3A_731, %add3A_732 : i32
      %dma_wait3A_734 = arith.constant 1 : i32
      %dma_wait3A_735 = arith.constant 0 : i32
      %dma_wait3A_736 = arith.constant 0 : i32
      %dma_wait3A_737 = tpu.memref_slice %arg6[%dma_wait3A_734, %dma_wait3A_736] : memref<2x80xi32, #tpu.memory_space<vmem>> -> memref<1x80xi32, #tpu.memory_space<vmem>>
      %dma_wait3A_738 = tpu.memref_squeeze %dma_wait3A_737 : memref<1x80xi32, #tpu.memory_space<vmem>> -> memref<80xi32, #tpu.memory_space<vmem>>
      %dma_wait3A_739 = arith.constant 0 : i32
      %dma_wait3A_740 = arith.constant 0 : i32
      %dma_wait3A_741 = tpu.memref_slice %arg19[%dma_wait3A_739, %dma_wait3A_740] : memref<10000x48xf32, #tpu.memory_space<vmem_shared>> -> memref<10000x48xf32, #tpu.memory_space<vmem_shared>>
      %dma_wait3A_742 = tpu.memref_slice %arg18[%dma_wait3A_735] : memref<5x!tpu.dma_semaphore, #tpu.memory_space<semaphore_mem>> -> memref<1x!tpu.dma_semaphore, #tpu.memory_space<semaphore_mem>>
      %dma_wait3A_743 = tpu.memref_squeeze %dma_wait3A_742 : memref<1x!tpu.dma_semaphore, #tpu.memory_space<semaphore_mem>> -> memref<!tpu.dma_semaphore, #tpu.memory_space<semaphore_mem>>
      tpu.wait_indirect_dma semaphore(%dma_wait3A_743 : memref<!tpu.dma_semaphore, #tpu.memory_space<semaphore_mem>>) src(%arg11 : memref<80x48xf32, #tpu.memory_space<vmem>>) dst(%dma_wait3A_741 : memref<10000x48xf32, #tpu.memory_space<vmem_shared>>)
      %add3A_744 = arith.constant 3 : i32
      %add3A_745 = arith.addi %add3A_733, %add3A_744 : i32
      %mul3A_746 = arith.constant 80 : i32
      %mul3A_747 = arith.muli %add3A_745, %mul3A_746 : i32
      %add3A_748 = arith.addi %mul3A_4, %mul3A_747 : i32
      %dma_start3A_749 = arith.constant 0 : i32
      %dma_start3A_750 = arith.constant 0 : i32
      %dma_start3A_751 = tpu.memref_slice %arg3[%dma_start3A_750, %add3A_748] : memref<2x320000xi32, #tpu.memory_space<hbm>> -> memref<2x80xi32, #tpu.memory_space<hbm>>
      %dma_start3A_752 = tpu.memref_slice %arg16[%dma_start3A_749] : memref<5x!tpu.dma_semaphore, #tpu.memory_space<semaphore_mem>> -> memref<1x!tpu.dma_semaphore, #tpu.memory_space<semaphore_mem>>
      %dma_start3A_753 = tpu.memref_squeeze %dma_start3A_752 : memref<1x!tpu.dma_semaphore, #tpu.memory_space<semaphore_mem>> -> memref<!tpu.dma_semaphore, #tpu.memory_space<semaphore_mem>>
      %dma_start3A_754 = arith.constant 0 : i32
      %dma_start3A_755 = tpu.memref_slice %arg3[%dma_start3A_754, %add3A_748] : memref<2x320000xi32, #tpu.memory_space<hbm>> -> memref<2x80xi32, #tpu.memory_space<hbm>>
      tpu.enqueue_dma source(%dma_start3A_755 : memref<2x80xi32, #tpu.memory_space<hbm>>) target(%arg6 : memref<2x80xi32, #tpu.memory_space<vmem>>) target_semaphore(%dma_start3A_753 : memref<!tpu.dma_semaphore, #tpu.memory_space<semaphore_mem>>)
      %add3A_756 = arith.constant 2 : i32
      %add3A_757 = arith.addi %add3A_733, %add3A_756 : i32
      %mul3A_758 = arith.constant 80 : i32
      %mul3A_759 = arith.muli %add3A_757, %mul3A_758 : i32
      %add3A_760 = arith.addi %mul3A_4, %mul3A_759 : i32
      %dma_wait3A_761 = arith.constant 4 : i32
      %dma_wait3A_762 = arith.constant 0 : i32
      %dma_wait3A_763 = tpu.memref_slice %arg3[%dma_wait3A_762, %add3A_760] : memref<2x320000xi32, #tpu.memory_space<hbm>> -> memref<2x80xi32, #tpu.memory_space<hbm>>
      %dma_wait3A_764 = tpu.memref_slice %arg16[%dma_wait3A_761] : memref<5x!tpu.dma_semaphore, #tpu.memory_space<semaphore_mem>> -> memref<1x!tpu.dma_semaphore, #tpu.memory_space<semaphore_mem>>
      %dma_wait3A_765 = tpu.memref_squeeze %dma_wait3A_764 : memref<1x!tpu.dma_semaphore, #tpu.memory_space<semaphore_mem>> -> memref<!tpu.dma_semaphore, #tpu.memory_space<semaphore_mem>>
      %dma_wait3A_766 = arith.constant 0 : i32
      %dma_wait3A_767 = tpu.memref_slice %arg3[%dma_wait3A_766, %add3A_760] : memref<2x320000xi32, #tpu.memory_space<hbm>> -> memref<2x80xi32, #tpu.memory_space<hbm>>
      tpu.wait_dma2 semaphore(%dma_wait3A_765 : memref<!tpu.dma_semaphore, #tpu.memory_space<semaphore_mem>>) src(%dma_wait3A_767 : memref<2x80xi32, #tpu.memory_space<hbm>>) dst(%arg10 : memref<2x80xi32, #tpu.memory_space<vmem>>)
      %dma_start3A_768 = arith.constant 0 : i32
      %dma_start3A_769 = arith.constant 4 : i32
      %dma_start3A_770 = arith.constant 0 : i32
      %dma_start3A_771 = tpu.memref_slice %arg10[%dma_start3A_768, %dma_start3A_770] : memref<2x80xi32, #tpu.memory_space<vmem>> -> memref<1x80xi32, #tpu.memory_space<vmem>>
      %dma_start3A_772 = tpu.memref_squeeze %dma_start3A_771 : memref<1x80xi32, #tpu.memory_space<vmem>> -> memref<80xi32, #tpu.memory_space<vmem>>
      %dma_start3A_773 = arith.constant 0 : i32
      %dma_start3A_774 = arith.constant 0 : i32
      %dma_start3A_775 = tpu.memref_slice %arg2[%dma_start3A_773, %dma_start3A_774] : memref<10000x48xf32, #tpu.memory_space<hbm>> -> memref<10000x48xf32, #tpu.memory_space<hbm>>
      %dma_start3A_776 = tpu.memref_slice %arg17[%dma_start3A_769] : memref<5x!tpu.dma_semaphore, #tpu.memory_space<semaphore_mem>> -> memref<1x!tpu.dma_semaphore, #tpu.memory_space<semaphore_mem>>
      %dma_start3A_777 = tpu.memref_squeeze %dma_start3A_776 : memref<1x!tpu.dma_semaphore, #tpu.memory_space<semaphore_mem>> -> memref<!tpu.dma_semaphore, #tpu.memory_space<semaphore_mem>>
      tpu.enqueue_indirect_dma source(%dma_start3A_775 : memref<10000x48xf32, #tpu.memory_space<hbm>>) target(%arg15 : memref<80x48xf32, #tpu.memory_space<vmem>>) offsets(%dma_start3A_772 : memref<80xi32, #tpu.memory_space<vmem>>) semaphore(%dma_start3A_777 : memref<!tpu.dma_semaphore, #tpu.memory_space<semaphore_mem>>)
      %dma_wait3A_778 = arith.constant 0 : i32
      %dma_wait3A_779 = arith.constant 2 : i32
      %dma_wait3A_780 = arith.constant 0 : i32
      %dma_wait3A_781 = tpu.memref_slice %arg8[%dma_wait3A_778, %dma_wait3A_780] : memref<2x80xi32, #tpu.memory_space<vmem>> -> memref<1x80xi32, #tpu.memory_space<vmem>>
      %dma_wait3A_782 = tpu.memref_squeeze %dma_wait3A_781 : memref<1x80xi32, #tpu.memory_space<vmem>> -> memref<80xi32, #tpu.memory_space<vmem>>
      %dma_wait3A_783 = arith.constant 0 : i32
      %dma_wait3A_784 = arith.constant 0 : i32
      %dma_wait3A_785 = tpu.memref_slice %arg2[%dma_wait3A_783, %dma_wait3A_784] : memref<10000x48xf32, #tpu.memory_space<hbm>> -> memref<10000x48xf32, #tpu.memory_space<hbm>>
      %dma_wait3A_786 = tpu.memref_slice %arg17[%dma_wait3A_779] : memref<5x!tpu.dma_semaphore, #tpu.memory_space<semaphore_mem>> -> memref<1x!tpu.dma_semaphore, #tpu.memory_space<semaphore_mem>>
      %dma_wait3A_787 = tpu.memref_squeeze %dma_wait3A_786 : memref<1x!tpu.dma_semaphore, #tpu.memory_space<semaphore_mem>> -> memref<!tpu.dma_semaphore, #tpu.memory_space<semaphore_mem>>
      tpu.wait_indirect_dma semaphore(%dma_wait3A_787 : memref<!tpu.dma_semaphore, #tpu.memory_space<semaphore_mem>>) src(%dma_wait3A_785 : memref<10000x48xf32, #tpu.memory_space<hbm>>) dst(%arg13 : memref<80x48xf32, #tpu.memory_space<vmem>>)
      %dma_start3A_788 = arith.constant 1 : i32
      %dma_start3A_789 = arith.constant 2 : i32
      %dma_start3A_790 = arith.constant 0 : i32
      %dma_start3A_791 = tpu.memref_slice %arg8[%dma_start3A_788, %dma_start3A_790] : memref<2x80xi32, #tpu.memory_space<vmem>> -> memref<1x80xi32, #tpu.memory_space<vmem>>
      %dma_start3A_792 = tpu.memref_squeeze %dma_start3A_791 : memref<1x80xi32, #tpu.memory_space<vmem>> -> memref<80xi32, #tpu.memory_space<vmem>>
      %dma_start3A_793 = arith.constant 0 : i32
      %dma_start3A_794 = arith.constant 0 : i32
      %dma_start3A_795 = tpu.memref_slice %arg19[%dma_start3A_793, %dma_start3A_794] : memref<10000x48xf32, #tpu.memory_space<vmem_shared>> -> memref<10000x48xf32, #tpu.memory_space<vmem_shared>>
      %dma_start3A_796 = tpu.memref_slice %arg18[%dma_start3A_789] : memref<5x!tpu.dma_semaphore, #tpu.memory_space<semaphore_mem>> -> memref<1x!tpu.dma_semaphore, #tpu.memory_space<semaphore_mem>>
      %dma_start3A_797 = tpu.memref_squeeze %dma_start3A_796 : memref<1x!tpu.dma_semaphore, #tpu.memory_space<semaphore_mem>> -> memref<!tpu.dma_semaphore, #tpu.memory_space<semaphore_mem>>
      tpu.enqueue_indirect_dma source(%arg13 : memref<80x48xf32, #tpu.memory_space<vmem>>) target(%dma_start3A_795 : memref<10000x48xf32, #tpu.memory_space<vmem_shared>>) offsets(%dma_start3A_792 : memref<80xi32, #tpu.memory_space<vmem>>) semaphore(%dma_start3A_797 : memref<!tpu.dma_semaphore, #tpu.memory_space<semaphore_mem>>) {add = true}
      %mul3A_798 = arith.constant 5 : i32
      %mul3A_799 = arith.muli %scan3A_593, %mul3A_798 : i32
      %add3A_800 = arith.constant 3 : i32
      %add3A_801 = arith.addi %mul3A_799, %add3A_800 : i32
      %dma_wait3A_802 = arith.constant 1 : i32
      %dma_wait3A_803 = arith.constant 1 : i32
      %dma_wait3A_804 = arith.constant 0 : i32
      %dma_wait3A_805 = tpu.memref_slice %arg7[%dma_wait3A_802, %dma_wait3A_804] : memref<2x80xi32, #tpu.memory_space<vmem>> -> memref<1x80xi32, #tpu.memory_space<vmem>>
      %dma_wait3A_806 = tpu.memref_squeeze %dma_wait3A_805 : memref<1x80xi32, #tpu.memory_space<vmem>> -> memref<80xi32, #tpu.memory_space<vmem>>
      %dma_wait3A_807 = arith.constant 0 : i32
      %dma_wait3A_808 = arith.constant 0 : i32
      %dma_wait3A_809 = tpu.memref_slice %arg19[%dma_wait3A_807, %dma_wait3A_808] : memref<10000x48xf32, #tpu.memory_space<vmem_shared>> -> memref<10000x48xf32, #tpu.memory_space<vmem_shared>>
      %dma_wait3A_810 = tpu.memref_slice %arg18[%dma_wait3A_803] : memref<5x!tpu.dma_semaphore, #tpu.memory_space<semaphore_mem>> -> memref<1x!tpu.dma_semaphore, #tpu.memory_space<semaphore_mem>>
      %dma_wait3A_811 = tpu.memref_squeeze %dma_wait3A_810 : memref<1x!tpu.dma_semaphore, #tpu.memory_space<semaphore_mem>> -> memref<!tpu.dma_semaphore, #tpu.memory_space<semaphore_mem>>
      tpu.wait_indirect_dma semaphore(%dma_wait3A_811 : memref<!tpu.dma_semaphore, #tpu.memory_space<semaphore_mem>>) src(%arg12 : memref<80x48xf32, #tpu.memory_space<vmem>>) dst(%dma_wait3A_809 : memref<10000x48xf32, #tpu.memory_space<vmem_shared>>)
      %add3A_812 = arith.constant 3 : i32
      %add3A_813 = arith.addi %add3A_801, %add3A_812 : i32
      %mul3A_814 = arith.constant 80 : i32
      %mul3A_815 = arith.muli %add3A_813, %mul3A_814 : i32
      %add3A_816 = arith.addi %mul3A_4, %mul3A_815 : i32
      %dma_start3A_817 = arith.constant 1 : i32
      %dma_start3A_818 = arith.constant 0 : i32
      %dma_start3A_819 = tpu.memref_slice %arg3[%dma_start3A_818, %add3A_816] : memref<2x320000xi32, #tpu.memory_space<hbm>> -> memref<2x80xi32, #tpu.memory_space<hbm>>
      %dma_start3A_820 = tpu.memref_slice %arg16[%dma_start3A_817] : memref<5x!tpu.dma_semaphore, #tpu.memory_space<semaphore_mem>> -> memref<1x!tpu.dma_semaphore, #tpu.memory_space<semaphore_mem>>
      %dma_start3A_821 = tpu.memref_squeeze %dma_start3A_820 : memref<1x!tpu.dma_semaphore, #tpu.memory_space<semaphore_mem>> -> memref<!tpu.dma_semaphore, #tpu.memory_space<semaphore_mem>>
      %dma_start3A_822 = arith.constant 0 : i32
      %dma_start3A_823 = tpu.memref_slice %arg3[%dma_start3A_822, %add3A_816] : memref<2x320000xi32, #tpu.memory_space<hbm>> -> memref<2x80xi32, #tpu.memory_space<hbm>>
      tpu.enqueue_dma source(%dma_start3A_823 : memref<2x80xi32, #tpu.memory_space<hbm>>) target(%arg7 : memref<2x80xi32, #tpu.memory_space<vmem>>) target_semaphore(%dma_start3A_821 : memref<!tpu.dma_semaphore, #tpu.memory_space<semaphore_mem>>)
      %add3A_824 = arith.constant 2 : i32
      %add3A_825 = arith.addi %add3A_801, %add3A_824 : i32
      %mul3A_826 = arith.constant 80 : i32
      %mul3A_827 = arith.muli %add3A_825, %mul3A_826 : i32
      %add3A_828 = arith.addi %mul3A_4, %mul3A_827 : i32
      %dma_wait3A_829 = arith.constant 0 : i32
      %dma_wait3A_830 = arith.constant 0 : i32
      %dma_wait3A_831 = tpu.memref_slice %arg3[%dma_wait3A_830, %add3A_828] : memref<2x320000xi32, #tpu.memory_space<hbm>> -> memref<2x80xi32, #tpu.memory_space<hbm>>
      %dma_wait3A_832 = tpu.memref_slice %arg16[%dma_wait3A_829] : memref<5x!tpu.dma_semaphore, #tpu.memory_space<semaphore_mem>> -> memref<1x!tpu.dma_semaphore, #tpu.memory_space<semaphore_mem>>
      %dma_wait3A_833 = tpu.memref_squeeze %dma_wait3A_832 : memref<1x!tpu.dma_semaphore, #tpu.memory_space<semaphore_mem>> -> memref<!tpu.dma_semaphore, #tpu.memory_space<semaphore_mem>>
      %dma_wait3A_834 = arith.constant 0 : i32
      %dma_wait3A_835 = tpu.memref_slice %arg3[%dma_wait3A_834, %add3A_828] : memref<2x320000xi32, #tpu.memory_space<hbm>> -> memref<2x80xi32, #tpu.memory_space<hbm>>
      tpu.wait_dma2 semaphore(%dma_wait3A_833 : memref<!tpu.dma_semaphore, #tpu.memory_space<semaphore_mem>>) src(%dma_wait3A_835 : memref<2x80xi32, #tpu.memory_space<hbm>>) dst(%arg6 : memref<2x80xi32, #tpu.memory_space<vmem>>)
      %dma_start3A_836 = arith.constant 0 : i32
      %dma_start3A_837 = arith.constant 0 : i32
      %dma_start3A_838 = arith.constant 0 : i32
      %dma_start3A_839 = tpu.memref_slice %arg6[%dma_start3A_836, %dma_start3A_838] : memref<2x80xi32, #tpu.memory_space<vmem>> -> memref<1x80xi32, #tpu.memory_space<vmem>>
      %dma_start3A_840 = tpu.memref_squeeze %dma_start3A_839 : memref<1x80xi32, #tpu.memory_space<vmem>> -> memref<80xi32, #tpu.memory_space<vmem>>
      %dma_start3A_841 = arith.constant 0 : i32
      %dma_start3A_842 = arith.constant 0 : i32
      %dma_start3A_843 = tpu.memref_slice %arg2[%dma_start3A_841, %dma_start3A_842] : memref<10000x48xf32, #tpu.memory_space<hbm>> -> memref<10000x48xf32, #tpu.memory_space<hbm>>
      %dma_start3A_844 = tpu.memref_slice %arg17[%dma_start3A_837] : memref<5x!tpu.dma_semaphore, #tpu.memory_space<semaphore_mem>> -> memref<1x!tpu.dma_semaphore, #tpu.memory_space<semaphore_mem>>
      %dma_start3A_845 = tpu.memref_squeeze %dma_start3A_844 : memref<1x!tpu.dma_semaphore, #tpu.memory_space<semaphore_mem>> -> memref<!tpu.dma_semaphore, #tpu.memory_space<semaphore_mem>>
      tpu.enqueue_indirect_dma source(%dma_start3A_843 : memref<10000x48xf32, #tpu.memory_space<hbm>>) target(%arg11 : memref<80x48xf32, #tpu.memory_space<vmem>>) offsets(%dma_start3A_840 : memref<80xi32, #tpu.memory_space<vmem>>) semaphore(%dma_start3A_845 : memref<!tpu.dma_semaphore, #tpu.memory_space<semaphore_mem>>)
      %dma_wait3A_846 = arith.constant 0 : i32
      %dma_wait3A_847 = arith.constant 3 : i32
      %dma_wait3A_848 = arith.constant 0 : i32
      %dma_wait3A_849 = tpu.memref_slice %arg9[%dma_wait3A_846, %dma_wait3A_848] : memref<2x80xi32, #tpu.memory_space<vmem>> -> memref<1x80xi32, #tpu.memory_space<vmem>>
      %dma_wait3A_850 = tpu.memref_squeeze %dma_wait3A_849 : memref<1x80xi32, #tpu.memory_space<vmem>> -> memref<80xi32, #tpu.memory_space<vmem>>
      %dma_wait3A_851 = arith.constant 0 : i32
      %dma_wait3A_852 = arith.constant 0 : i32
      %dma_wait3A_853 = tpu.memref_slice %arg2[%dma_wait3A_851, %dma_wait3A_852] : memref<10000x48xf32, #tpu.memory_space<hbm>> -> memref<10000x48xf32, #tpu.memory_space<hbm>>
      %dma_wait3A_854 = tpu.memref_slice %arg17[%dma_wait3A_847] : memref<5x!tpu.dma_semaphore, #tpu.memory_space<semaphore_mem>> -> memref<1x!tpu.dma_semaphore, #tpu.memory_space<semaphore_mem>>
      %dma_wait3A_855 = tpu.memref_squeeze %dma_wait3A_854 : memref<1x!tpu.dma_semaphore, #tpu.memory_space<semaphore_mem>> -> memref<!tpu.dma_semaphore, #tpu.memory_space<semaphore_mem>>
      tpu.wait_indirect_dma semaphore(%dma_wait3A_855 : memref<!tpu.dma_semaphore, #tpu.memory_space<semaphore_mem>>) src(%dma_wait3A_853 : memref<10000x48xf32, #tpu.memory_space<hbm>>) dst(%arg14 : memref<80x48xf32, #tpu.memory_space<vmem>>)
      %dma_start3A_856 = arith.constant 1 : i32
      %dma_start3A_857 = arith.constant 3 : i32
      %dma_start3A_858 = arith.constant 0 : i32
      %dma_start3A_859 = tpu.memref_slice %arg9[%dma_start3A_856, %dma_start3A_858] : memref<2x80xi32, #tpu.memory_space<vmem>> -> memref<1x80xi32, #tpu.memory_space<vmem>>
      %dma_start3A_860 = tpu.memref_squeeze %dma_start3A_859 : memref<1x80xi32, #tpu.memory_space<vmem>> -> memref<80xi32, #tpu.memory_space<vmem>>
      %dma_start3A_861 = arith.constant 0 : i32
      %dma_start3A_862 = arith.constant 0 : i32
      %dma_start3A_863 = tpu.memref_slice %arg19[%dma_start3A_861, %dma_start3A_862] : memref<10000x48xf32, #tpu.memory_space<vmem_shared>> -> memref<10000x48xf32, #tpu.memory_space<vmem_shared>>
      %dma_start3A_864 = tpu.memref_slice %arg18[%dma_start3A_857] : memref<5x!tpu.dma_semaphore, #tpu.memory_space<semaphore_mem>> -> memref<1x!tpu.dma_semaphore, #tpu.memory_space<semaphore_mem>>
      %dma_start3A_865 = tpu.memref_squeeze %dma_start3A_864 : memref<1x!tpu.dma_semaphore, #tpu.memory_space<semaphore_mem>> -> memref<!tpu.dma_semaphore, #tpu.memory_space<semaphore_mem>>
      tpu.enqueue_indirect_dma source(%arg14 : memref<80x48xf32, #tpu.memory_space<vmem>>) target(%dma_start3A_863 : memref<10000x48xf32, #tpu.memory_space<vmem_shared>>) offsets(%dma_start3A_860 : memref<80xi32, #tpu.memory_space<vmem>>) semaphore(%dma_start3A_865 : memref<!tpu.dma_semaphore, #tpu.memory_space<semaphore_mem>>) {add = true}
      %mul3A_866 = arith.constant 5 : i32
      %mul3A_867 = arith.muli %scan3A_593, %mul3A_866 : i32
      %add3A_868 = arith.constant 4 : i32
      %add3A_869 = arith.addi %mul3A_867, %add3A_868 : i32
      %dma_wait3A_870 = arith.constant 1 : i32
      %dma_wait3A_871 = arith.constant 2 : i32
      %dma_wait3A_872 = arith.constant 0 : i32
      %dma_wait3A_873 = tpu.memref_slice %arg8[%dma_wait3A_870, %dma_wait3A_872] : memref<2x80xi32, #tpu.memory_space<vmem>> -> memref<1x80xi32, #tpu.memory_space<vmem>>
      %dma_wait3A_874 = tpu.memref_squeeze %dma_wait3A_873 : memref<1x80xi32, #tpu.memory_space<vmem>> -> memref<80xi32, #tpu.memory_space<vmem>>
      %dma_wait3A_875 = arith.constant 0 : i32
      %dma_wait3A_876 = arith.constant 0 : i32
      %dma_wait3A_877 = tpu.memref_slice %arg19[%dma_wait3A_875, %dma_wait3A_876] : memref<10000x48xf32, #tpu.memory_space<vmem_shared>> -> memref<10000x48xf32, #tpu.memory_space<vmem_shared>>
      %dma_wait3A_878 = tpu.memref_slice %arg18[%dma_wait3A_871] : memref<5x!tpu.dma_semaphore, #tpu.memory_space<semaphore_mem>> -> memref<1x!tpu.dma_semaphore, #tpu.memory_space<semaphore_mem>>
      %dma_wait3A_879 = tpu.memref_squeeze %dma_wait3A_878 : memref<1x!tpu.dma_semaphore, #tpu.memory_space<semaphore_mem>> -> memref<!tpu.dma_semaphore, #tpu.memory_space<semaphore_mem>>
      tpu.wait_indirect_dma semaphore(%dma_wait3A_879 : memref<!tpu.dma_semaphore, #tpu.memory_space<semaphore_mem>>) src(%arg13 : memref<80x48xf32, #tpu.memory_space<vmem>>) dst(%dma_wait3A_877 : memref<10000x48xf32, #tpu.memory_space<vmem_shared>>)
      %add3A_880 = arith.constant 3 : i32
      %add3A_881 = arith.addi %add3A_869, %add3A_880 : i32
      %mul3A_882 = arith.constant 80 : i32
      %mul3A_883 = arith.muli %add3A_881, %mul3A_882 : i32
      %add3A_884 = arith.addi %mul3A_4, %mul3A_883 : i32
      %dma_start3A_885 = arith.constant 2 : i32
      %dma_start3A_886 = arith.constant 0 : i32
      %dma_start3A_887 = tpu.memref_slice %arg3[%dma_start3A_886, %add3A_884] : memref<2x320000xi32, #tpu.memory_space<hbm>> -> memref<2x80xi32, #tpu.memory_space<hbm>>
      %dma_start3A_888 = tpu.memref_slice %arg16[%dma_start3A_885] : memref<5x!tpu.dma_semaphore, #tpu.memory_space<semaphore_mem>> -> memref<1x!tpu.dma_semaphore, #tpu.memory_space<semaphore_mem>>
      %dma_start3A_889 = tpu.memref_squeeze %dma_start3A_888 : memref<1x!tpu.dma_semaphore, #tpu.memory_space<semaphore_mem>> -> memref<!tpu.dma_semaphore, #tpu.memory_space<semaphore_mem>>
      %dma_start3A_890 = arith.constant 0 : i32
      %dma_start3A_891 = tpu.memref_slice %arg3[%dma_start3A_890, %add3A_884] : memref<2x320000xi32, #tpu.memory_space<hbm>> -> memref<2x80xi32, #tpu.memory_space<hbm>>
      tpu.enqueue_dma source(%dma_start3A_891 : memref<2x80xi32, #tpu.memory_space<hbm>>) target(%arg8 : memref<2x80xi32, #tpu.memory_space<vmem>>) target_semaphore(%dma_start3A_889 : memref<!tpu.dma_semaphore, #tpu.memory_space<semaphore_mem>>)
      %add3A_892 = arith.constant 2 : i32
      %add3A_893 = arith.addi %add3A_869, %add3A_892 : i32
      %mul3A_894 = arith.constant 80 : i32
      %mul3A_895 = arith.muli %add3A_893, %mul3A_894 : i32
      %add3A_896 = arith.addi %mul3A_4, %mul3A_895 : i32
      %dma_wait3A_897 = arith.constant 1 : i32
      %dma_wait3A_898 = arith.constant 0 : i32
      %dma_wait3A_899 = tpu.memref_slice %arg3[%dma_wait3A_898, %add3A_896] : memref<2x320000xi32, #tpu.memory_space<hbm>> -> memref<2x80xi32, #tpu.memory_space<hbm>>
      %dma_wait3A_900 = tpu.memref_slice %arg16[%dma_wait3A_897] : memref<5x!tpu.dma_semaphore, #tpu.memory_space<semaphore_mem>> -> memref<1x!tpu.dma_semaphore, #tpu.memory_space<semaphore_mem>>
      %dma_wait3A_901 = tpu.memref_squeeze %dma_wait3A_900 : memref<1x!tpu.dma_semaphore, #tpu.memory_space<semaphore_mem>> -> memref<!tpu.dma_semaphore, #tpu.memory_space<semaphore_mem>>
      %dma_wait3A_902 = arith.constant 0 : i32
      %dma_wait3A_903 = tpu.memref_slice %arg3[%dma_wait3A_902, %add3A_896] : memref<2x320000xi32, #tpu.memory_space<hbm>> -> memref<2x80xi32, #tpu.memory_space<hbm>>
      tpu.wait_dma2 semaphore(%dma_wait3A_901 : memref<!tpu.dma_semaphore, #tpu.memory_space<semaphore_mem>>) src(%dma_wait3A_903 : memref<2x80xi32, #tpu.memory_space<hbm>>) dst(%arg7 : memref<2x80xi32, #tpu.memory_space<vmem>>)
      %dma_start3A_904 = arith.constant 0 : i32
      %dma_start3A_905 = arith.constant 1 : i32
      %dma_start3A_906 = arith.constant 0 : i32
      %dma_start3A_907 = tpu.memref_slice %arg7[%dma_start3A_904, %dma_start3A_906] : memref<2x80xi32, #tpu.memory_space<vmem>> -> memref<1x80xi32, #tpu.memory_space<vmem>>
      %dma_start3A_908 = tpu.memref_squeeze %dma_start3A_907 : memref<1x80xi32, #tpu.memory_space<vmem>> -> memref<80xi32, #tpu.memory_space<vmem>>
      %dma_start3A_909 = arith.constant 0 : i32
      %dma_start3A_910 = arith.constant 0 : i32
      %dma_start3A_911 = tpu.memref_slice %arg2[%dma_start3A_909, %dma_start3A_910] : memref<10000x48xf32, #tpu.memory_space<hbm>> -> memref<10000x48xf32, #tpu.memory_space<hbm>>
      %dma_start3A_912 = tpu.memref_slice %arg17[%dma_start3A_905] : memref<5x!tpu.dma_semaphore, #tpu.memory_space<semaphore_mem>> -> memref<1x!tpu.dma_semaphore, #tpu.memory_space<semaphore_mem>>
      %dma_start3A_913 = tpu.memref_squeeze %dma_start3A_912 : memref<1x!tpu.dma_semaphore, #tpu.memory_space<semaphore_mem>> -> memref<!tpu.dma_semaphore, #tpu.memory_space<semaphore_mem>>
      tpu.enqueue_indirect_dma source(%dma_start3A_911 : memref<10000x48xf32, #tpu.memory_space<hbm>>) target(%arg12 : memref<80x48xf32, #tpu.memory_space<vmem>>) offsets(%dma_start3A_908 : memref<80xi32, #tpu.memory_space<vmem>>) semaphore(%dma_start3A_913 : memref<!tpu.dma_semaphore, #tpu.memory_space<semaphore_mem>>)
      %dma_wait3A_914 = arith.constant 0 : i32
      %dma_wait3A_915 = arith.constant 4 : i32
      %dma_wait3A_916 = arith.constant 0 : i32
      %dma_wait3A_917 = tpu.memref_slice %arg10[%dma_wait3A_914, %dma_wait3A_916] : memref<2x80xi32, #tpu.memory_space<vmem>> -> memref<1x80xi32, #tpu.memory_space<vmem>>
      %dma_wait3A_918 = tpu.memref_squeeze %dma_wait3A_917 : memref<1x80xi32, #tpu.memory_space<vmem>> -> memref<80xi32, #tpu.memory_space<vmem>>
      %dma_wait3A_919 = arith.constant 0 : i32
      %dma_wait3A_920 = arith.constant 0 : i32
      %dma_wait3A_921 = tpu.memref_slice %arg2[%dma_wait3A_919, %dma_wait3A_920] : memref<10000x48xf32, #tpu.memory_space<hbm>> -> memref<10000x48xf32, #tpu.memory_space<hbm>>
      %dma_wait3A_922 = tpu.memref_slice %arg17[%dma_wait3A_915] : memref<5x!tpu.dma_semaphore, #tpu.memory_space<semaphore_mem>> -> memref<1x!tpu.dma_semaphore, #tpu.memory_space<semaphore_mem>>
      %dma_wait3A_923 = tpu.memref_squeeze %dma_wait3A_922 : memref<1x!tpu.dma_semaphore, #tpu.memory_space<semaphore_mem>> -> memref<!tpu.dma_semaphore, #tpu.memory_space<semaphore_mem>>
      tpu.wait_indirect_dma semaphore(%dma_wait3A_923 : memref<!tpu.dma_semaphore, #tpu.memory_space<semaphore_mem>>) src(%dma_wait3A_921 : memref<10000x48xf32, #tpu.memory_space<hbm>>) dst(%arg15 : memref<80x48xf32, #tpu.memory_space<vmem>>)
      %dma_start3A_924 = arith.constant 1 : i32
      %dma_start3A_925 = arith.constant 4 : i32
      %dma_start3A_926 = arith.constant 0 : i32
      %dma_start3A_927 = tpu.memref_slice %arg10[%dma_start3A_924, %dma_start3A_926] : memref<2x80xi32, #tpu.memory_space<vmem>> -> memref<1x80xi32, #tpu.memory_space<vmem>>
      %dma_start3A_928 = tpu.memref_squeeze %dma_start3A_927 : memref<1x80xi32, #tpu.memory_space<vmem>> -> memref<80xi32, #tpu.memory_space<vmem>>
      %dma_start3A_929 = arith.constant 0 : i32
      %dma_start3A_930 = arith.constant 0 : i32
      %dma_start3A_931 = tpu.memref_slice %arg19[%dma_start3A_929, %dma_start3A_930] : memref<10000x48xf32, #tpu.memory_space<vmem_shared>> -> memref<10000x48xf32, #tpu.memory_space<vmem_shared>>
      %dma_start3A_932 = tpu.memref_slice %arg18[%dma_start3A_925] : memref<5x!tpu.dma_semaphore, #tpu.memory_space<semaphore_mem>> -> memref<1x!tpu.dma_semaphore, #tpu.memory_space<semaphore_mem>>
      %dma_start3A_933 = tpu.memref_squeeze %dma_start3A_932 : memref<1x!tpu.dma_semaphore, #tpu.memory_space<semaphore_mem>> -> memref<!tpu.dma_semaphore, #tpu.memory_space<semaphore_mem>>
      tpu.enqueue_indirect_dma source(%arg15 : memref<80x48xf32, #tpu.memory_space<vmem>>) target(%dma_start3A_931 : memref<10000x48xf32, #tpu.memory_space<vmem_shared>>) offsets(%dma_start3A_928 : memref<80xi32, #tpu.memory_space<vmem>>) semaphore(%dma_start3A_933 : memref<!tpu.dma_semaphore, #tpu.memory_space<semaphore_mem>>) {add = true}
    }
    %scan3A_342 = arith.constant 23 : i32
    %dma_wait3A_343 = arith.constant 1 : i32
    %dma_wait3A_344 = arith.constant 3 : i32
    %dma_wait3A_345 = arith.constant 0 : i32
    %dma_wait3A_346 = tpu.memref_slice %arg9[%dma_wait3A_343, %dma_wait3A_345] : memref<2x80xi32, #tpu.memory_space<vmem>> -> memref<1x80xi32, #tpu.memory_space<vmem>>
    %dma_wait3A_347 = tpu.memref_squeeze %dma_wait3A_346 : memref<1x80xi32, #tpu.memory_space<vmem>> -> memref<80xi32, #tpu.memory_space<vmem>>
    %dma_wait3A_348 = arith.constant 0 : i32
    %dma_wait3A_349 = arith.constant 0 : i32
    %dma_wait3A_350 = tpu.memref_slice %arg19[%dma_wait3A_348, %dma_wait3A_349] : memref<10000x48xf32, #tpu.memory_space<vmem_shared>> -> memref<10000x48xf32, #tpu.memory_space<vmem_shared>>
    %dma_wait3A_351 = tpu.memref_slice %arg18[%dma_wait3A_344] : memref<5x!tpu.dma_semaphore, #tpu.memory_space<semaphore_mem>> -> memref<1x!tpu.dma_semaphore, #tpu.memory_space<semaphore_mem>>
    %dma_wait3A_352 = tpu.memref_squeeze %dma_wait3A_351 : memref<1x!tpu.dma_semaphore, #tpu.memory_space<semaphore_mem>> -> memref<!tpu.dma_semaphore, #tpu.memory_space<semaphore_mem>>
    tpu.wait_indirect_dma semaphore(%dma_wait3A_352 : memref<!tpu.dma_semaphore, #tpu.memory_space<semaphore_mem>>) src(%arg14 : memref<80x48xf32, #tpu.memory_space<vmem>>) dst(%dma_wait3A_350 : memref<10000x48xf32, #tpu.memory_space<vmem_shared>>)
    %add3A_353 = arith.constant 9840 : i32
    %add3A_354 = arith.addi %mul3A_4, %add3A_353 : i32
    %dma_start3A_355 = arith.constant 3 : i32
    %dma_start3A_356 = arith.constant 0 : i32
    %dma_start3A_357 = tpu.memref_slice %arg3[%dma_start3A_356, %add3A_354] : memref<2x320000xi32, #tpu.memory_space<hbm>> -> memref<2x80xi32, #tpu.memory_space<hbm>>
    %dma_start3A_358 = tpu.memref_slice %arg16[%dma_start3A_355] : memref<5x!tpu.dma_semaphore, #tpu.memory_space<semaphore_mem>> -> memref<1x!tpu.dma_semaphore, #tpu.memory_space<semaphore_mem>>
    %dma_start3A_359 = tpu.memref_squeeze %dma_start3A_358 : memref<1x!tpu.dma_semaphore, #tpu.memory_space<semaphore_mem>> -> memref<!tpu.dma_semaphore, #tpu.memory_space<semaphore_mem>>
    %dma_start3A_360 = arith.constant 0 : i32
    %dma_start3A_361 = tpu.memref_slice %arg3[%dma_start3A_360, %add3A_354] : memref<2x320000xi32, #tpu.memory_space<hbm>> -> memref<2x80xi32, #tpu.memory_space<hbm>>
    tpu.enqueue_dma source(%dma_start3A_361 : memref<2x80xi32, #tpu.memory_space<hbm>>) target(%arg9 : memref<2x80xi32, #tpu.memory_space<vmem>>) target_semaphore(%dma_start3A_359 : memref<!tpu.dma_semaphore, #tpu.memory_space<semaphore_mem>>)
    %add3A_362 = arith.constant 9760 : i32
    %add3A_363 = arith.addi %mul3A_4, %add3A_362 : i32
    %dma_wait3A_364 = arith.constant 2 : i32
    %dma_wait3A_365 = arith.constant 0 : i32
    %dma_wait3A_366 = tpu.memref_slice %arg3[%dma_wait3A_365, %add3A_363] : memref<2x320000xi32, #tpu.memory_space<hbm>> -> memref<2x80xi32, #tpu.memory_space<hbm>>
    %dma_wait3A_367 = tpu.memref_slice %arg16[%dma_wait3A_364] : memref<5x!tpu.dma_semaphore, #tpu.memory_space<semaphore_mem>> -> memref<1x!tpu.dma_semaphore, #tpu.memory_space<semaphore_mem>>
    %dma_wait3A_368 = tpu.memref_squeeze %dma_wait3A_367 : memref<1x!tpu.dma_semaphore, #tpu.memory_space<semaphore_mem>> -> memref<!tpu.dma_semaphore, #tpu.memory_space<semaphore_mem>>
    %dma_wait3A_369 = arith.constant 0 : i32
    %dma_wait3A_370 = tpu.memref_slice %arg3[%dma_wait3A_369, %add3A_363] : memref<2x320000xi32, #tpu.memory_space<hbm>> -> memref<2x80xi32, #tpu.memory_space<hbm>>
    tpu.wait_dma2 semaphore(%dma_wait3A_368 : memref<!tpu.dma_semaphore, #tpu.memory_space<semaphore_mem>>) src(%dma_wait3A_370 : memref<2x80xi32, #tpu.memory_space<hbm>>) dst(%arg8 : memref<2x80xi32, #tpu.memory_space<vmem>>)
    %dma_start3A_371 = arith.constant 0 : i32
    %dma_start3A_372 = arith.constant 2 : i32
    %dma_start3A_373 = arith.constant 0 : i32
    %dma_start3A_374 = tpu.memref_slice %arg8[%dma_start3A_371, %dma_start3A_373] : memref<2x80xi32, #tpu.memory_space<vmem>> -> memref<1x80xi32, #tpu.memory_space<vmem>>
    %dma_start3A_375 = tpu.memref_squeeze %dma_start3A_374 : memref<1x80xi32, #tpu.memory_space<vmem>> -> memref<80xi32, #tpu.memory_space<vmem>>
    %dma_start3A_376 = arith.constant 0 : i32
    %dma_start3A_377 = arith.constant 0 : i32
    %dma_start3A_378 = tpu.memref_slice %arg2[%dma_start3A_376, %dma_start3A_377] : memref<10000x48xf32, #tpu.memory_space<hbm>> -> memref<10000x48xf32, #tpu.memory_space<hbm>>
    %dma_start3A_379 = tpu.memref_slice %arg17[%dma_start3A_372] : memref<5x!tpu.dma_semaphore, #tpu.memory_space<semaphore_mem>> -> memref<1x!tpu.dma_semaphore, #tpu.memory_space<semaphore_mem>>
    %dma_start3A_380 = tpu.memref_squeeze %dma_start3A_379 : memref<1x!tpu.dma_semaphore, #tpu.memory_space<semaphore_mem>> -> memref<!tpu.dma_semaphore, #tpu.memory_space<semaphore_mem>>
    tpu.enqueue_indirect_dma source(%dma_start3A_378 : memref<10000x48xf32, #tpu.memory_space<hbm>>) target(%arg13 : memref<80x48xf32, #tpu.memory_space<vmem>>) offsets(%dma_start3A_375 : memref<80xi32, #tpu.memory_space<vmem>>) semaphore(%dma_start3A_380 : memref<!tpu.dma_semaphore, #tpu.memory_space<semaphore_mem>>)
    %dma_wait3A_381 = arith.constant 0 : i32
    %dma_wait3A_382 = arith.constant 0 : i32
    %dma_wait3A_383 = arith.constant 0 : i32
    %dma_wait3A_384 = tpu.memref_slice %arg6[%dma_wait3A_381, %dma_wait3A_383] : memref<2x80xi32, #tpu.memory_space<vmem>> -> memref<1x80xi32, #tpu.memory_space<vmem>>
    %dma_wait3A_385 = tpu.memref_squeeze %dma_wait3A_384 : memref<1x80xi32, #tpu.memory_space<vmem>> -> memref<80xi32, #tpu.memory_space<vmem>>
    %dma_wait3A_386 = arith.constant 0 : i32
    %dma_wait3A_387 = arith.constant 0 : i32
    %dma_wait3A_388 = tpu.memref_slice %arg2[%dma_wait3A_386, %dma_wait3A_387] : memref<10000x48xf32, #tpu.memory_space<hbm>> -> memref<10000x48xf32, #tpu.memory_space<hbm>>
    %dma_wait3A_389 = tpu.memref_slice %arg17[%dma_wait3A_382] : memref<5x!tpu.dma_semaphore, #tpu.memory_space<semaphore_mem>> -> memref<1x!tpu.dma_semaphore, #tpu.memory_space<semaphore_mem>>
    %dma_wait3A_390 = tpu.memref_squeeze %dma_wait3A_389 : memref<1x!tpu.dma_semaphore, #tpu.memory_space<semaphore_mem>> -> memref<!tpu.dma_semaphore, #tpu.memory_space<semaphore_mem>>
    tpu.wait_indirect_dma semaphore(%dma_wait3A_390 : memref<!tpu.dma_semaphore, #tpu.memory_space<semaphore_mem>>) src(%dma_wait3A_388 : memref<10000x48xf32, #tpu.memory_space<hbm>>) dst(%arg11 : memref<80x48xf32, #tpu.memory_space<vmem>>)
    %dma_start3A_391 = arith.constant 1 : i32
    %dma_start3A_392 = arith.constant 0 : i32
    %dma_start3A_393 = arith.constant 0 : i32
    %dma_start3A_394 = tpu.memref_slice %arg6[%dma_start3A_391, %dma_start3A_393] : memref<2x80xi32, #tpu.memory_space<vmem>> -> memref<1x80xi32, #tpu.memory_space<vmem>>
    %dma_start3A_395 = tpu.memref_squeeze %dma_start3A_394 : memref<1x80xi32, #tpu.memory_space<vmem>> -> memref<80xi32, #tpu.memory_space<vmem>>
    %dma_start3A_396 = arith.constant 0 : i32
    %dma_start3A_397 = arith.constant 0 : i32
    %dma_start3A_398 = tpu.memref_slice %arg19[%dma_start3A_396, %dma_start3A_397] : memref<10000x48xf32, #tpu.memory_space<vmem_shared>> -> memref<10000x48xf32, #tpu.memory_space<vmem_shared>>
    %dma_start3A_399 = tpu.memref_slice %arg18[%dma_start3A_392] : memref<5x!tpu.dma_semaphore, #tpu.memory_space<semaphore_mem>> -> memref<1x!tpu.dma_semaphore, #tpu.memory_space<semaphore_mem>>
    %dma_start3A_400 = tpu.memref_squeeze %dma_start3A_399 : memref<1x!tpu.dma_semaphore, #tpu.memory_space<semaphore_mem>> -> memref<!tpu.dma_semaphore, #tpu.memory_space<semaphore_mem>>
    tpu.enqueue_indirect_dma source(%arg11 : memref<80x48xf32, #tpu.memory_space<vmem>>) target(%dma_start3A_398 : memref<10000x48xf32, #tpu.memory_space<vmem_shared>>) offsets(%dma_start3A_395 : memref<80xi32, #tpu.memory_space<vmem>>) semaphore(%dma_start3A_400 : memref<!tpu.dma_semaphore, #tpu.memory_space<semaphore_mem>>) {add = true}
    %dma_wait3A_401 = arith.constant 1 : i32
    %dma_wait3A_402 = arith.constant 4 : i32
    %dma_wait3A_403 = arith.constant 0 : i32
    %dma_wait3A_404 = tpu.memref_slice %arg10[%dma_wait3A_401, %dma_wait3A_403] : memref<2x80xi32, #tpu.memory_space<vmem>> -> memref<1x80xi32, #tpu.memory_space<vmem>>
    %dma_wait3A_405 = tpu.memref_squeeze %dma_wait3A_404 : memref<1x80xi32, #tpu.memory_space<vmem>> -> memref<80xi32, #tpu.memory_space<vmem>>
    %dma_wait3A_406 = arith.constant 0 : i32
    %dma_wait3A_407 = arith.constant 0 : i32
    %dma_wait3A_408 = tpu.memref_slice %arg19[%dma_wait3A_406, %dma_wait3A_407] : memref<10000x48xf32, #tpu.memory_space<vmem_shared>> -> memref<10000x48xf32, #tpu.memory_space<vmem_shared>>
    %dma_wait3A_409 = tpu.memref_slice %arg18[%dma_wait3A_402] : memref<5x!tpu.dma_semaphore, #tpu.memory_space<semaphore_mem>> -> memref<1x!tpu.dma_semaphore, #tpu.memory_space<semaphore_mem>>
    %dma_wait3A_410 = tpu.memref_squeeze %dma_wait3A_409 : memref<1x!tpu.dma_semaphore, #tpu.memory_space<semaphore_mem>> -> memref<!tpu.dma_semaphore, #tpu.memory_space<semaphore_mem>>
    tpu.wait_indirect_dma semaphore(%dma_wait3A_410 : memref<!tpu.dma_semaphore, #tpu.memory_space<semaphore_mem>>) src(%arg15 : memref<80x48xf32, #tpu.memory_space<vmem>>) dst(%dma_wait3A_408 : memref<10000x48xf32, #tpu.memory_space<vmem_shared>>)
    %add3A_411 = arith.constant 9920 : i32
    %add3A_412 = arith.addi %mul3A_4, %add3A_411 : i32
    %dma_start3A_413 = arith.constant 4 : i32
    %dma_start3A_414 = arith.constant 0 : i32
    %dma_start3A_415 = tpu.memref_slice %arg3[%dma_start3A_414, %add3A_412] : memref<2x320000xi32, #tpu.memory_space<hbm>> -> memref<2x80xi32, #tpu.memory_space<hbm>>
    %dma_start3A_416 = tpu.memref_slice %arg16[%dma_start3A_413] : memref<5x!tpu.dma_semaphore, #tpu.memory_space<semaphore_mem>> -> memref<1x!tpu.dma_semaphore, #tpu.memory_space<semaphore_mem>>
    %dma_start3A_417 = tpu.memref_squeeze %dma_start3A_416 : memref<1x!tpu.dma_semaphore, #tpu.memory_space<semaphore_mem>> -> memref<!tpu.dma_semaphore, #tpu.memory_space<semaphore_mem>>
    %dma_start3A_418 = arith.constant 0 : i32
    %dma_start3A_419 = tpu.memref_slice %arg3[%dma_start3A_418, %add3A_412] : memref<2x320000xi32, #tpu.memory_space<hbm>> -> memref<2x80xi32, #tpu.memory_space<hbm>>
    tpu.enqueue_dma source(%dma_start3A_419 : memref<2x80xi32, #tpu.memory_space<hbm>>) target(%arg10 : memref<2x80xi32, #tpu.memory_space<vmem>>) target_semaphore(%dma_start3A_417 : memref<!tpu.dma_semaphore, #tpu.memory_space<semaphore_mem>>)
    %add3A_420 = arith.constant 9840 : i32
    %add3A_421 = arith.addi %mul3A_4, %add3A_420 : i32
    %dma_wait3A_422 = arith.constant 3 : i32
    %dma_wait3A_423 = arith.constant 0 : i32
    %dma_wait3A_424 = tpu.memref_slice %arg3[%dma_wait3A_423, %add3A_421] : memref<2x320000xi32, #tpu.memory_space<hbm>> -> memref<2x80xi32, #tpu.memory_space<hbm>>
    %dma_wait3A_425 = tpu.memref_slice %arg16[%dma_wait3A_422] : memref<5x!tpu.dma_semaphore, #tpu.memory_space<semaphore_mem>> -> memref<1x!tpu.dma_semaphore, #tpu.memory_space<semaphore_mem>>
    %dma_wait3A_426 = tpu.memref_squeeze %dma_wait3A_425 : memref<1x!tpu.dma_semaphore, #tpu.memory_space<semaphore_mem>> -> memref<!tpu.dma_semaphore, #tpu.memory_space<semaphore_mem>>
    %dma_wait3A_427 = arith.constant 0 : i32
    %dma_wait3A_428 = tpu.memref_slice %arg3[%dma_wait3A_427, %add3A_421] : memref<2x320000xi32, #tpu.memory_space<hbm>> -> memref<2x80xi32, #tpu.memory_space<hbm>>
    tpu.wait_dma2 semaphore(%dma_wait3A_426 : memref<!tpu.dma_semaphore, #tpu.memory_space<semaphore_mem>>) src(%dma_wait3A_428 : memref<2x80xi32, #tpu.memory_space<hbm>>) dst(%arg9 : memref<2x80xi32, #tpu.memory_space<vmem>>)
    %dma_start3A_429 = arith.constant 0 : i32
    %dma_start3A_430 = arith.constant 3 : i32
    %dma_start3A_431 = arith.constant 0 : i32
    %dma_start3A_432 = tpu.memref_slice %arg9[%dma_start3A_429, %dma_start3A_431] : memref<2x80xi32, #tpu.memory_space<vmem>> -> memref<1x80xi32, #tpu.memory_space<vmem>>
    %dma_start3A_433 = tpu.memref_squeeze %dma_start3A_432 : memref<1x80xi32, #tpu.memory_space<vmem>> -> memref<80xi32, #tpu.memory_space<vmem>>
    %dma_start3A_434 = arith.constant 0 : i32
    %dma_start3A_435 = arith.constant 0 : i32
    %dma_start3A_436 = tpu.memref_slice %arg2[%dma_start3A_434, %dma_start3A_435] : memref<10000x48xf32, #tpu.memory_space<hbm>> -> memref<10000x48xf32, #tpu.memory_space<hbm>>
    %dma_start3A_437 = tpu.memref_slice %arg17[%dma_start3A_430] : memref<5x!tpu.dma_semaphore, #tpu.memory_space<semaphore_mem>> -> memref<1x!tpu.dma_semaphore, #tpu.memory_space<semaphore_mem>>
    %dma_start3A_438 = tpu.memref_squeeze %dma_start3A_437 : memref<1x!tpu.dma_semaphore, #tpu.memory_space<semaphore_mem>> -> memref<!tpu.dma_semaphore, #tpu.memory_space<semaphore_mem>>
    tpu.enqueue_indirect_dma source(%dma_start3A_436 : memref<10000x48xf32, #tpu.memory_space<hbm>>) target(%arg14 : memref<80x48xf32, #tpu.memory_space<vmem>>) offsets(%dma_start3A_433 : memref<80xi32, #tpu.memory_space<vmem>>) semaphore(%dma_start3A_438 : memref<!tpu.dma_semaphore, #tpu.memory_space<semaphore_mem>>)
    %dma_wait3A_439 = arith.constant 0 : i32
    %dma_wait3A_440 = arith.constant 1 : i32
    %dma_wait3A_441 = arith.constant 0 : i32
    %dma_wait3A_442 = tpu.memref_slice %arg7[%dma_wait3A_439, %dma_wait3A_441] : memref<2x80xi32, #tpu.memory_space<vmem>> -> memref<1x80xi32, #tpu.memory_space<vmem>>
    %dma_wait3A_443 = tpu.memref_squeeze %dma_wait3A_442 : memref<1x80xi32, #tpu.memory_space<vmem>> -> memref<80xi32, #tpu.memory_space<vmem>>
    %dma_wait3A_444 = arith.constant 0 : i32
    %dma_wait3A_445 = arith.constant 0 : i32
    %dma_wait3A_446 = tpu.memref_slice %arg2[%dma_wait3A_444, %dma_wait3A_445] : memref<10000x48xf32, #tpu.memory_space<hbm>> -> memref<10000x48xf32, #tpu.memory_space<hbm>>
    %dma_wait3A_447 = tpu.memref_slice %arg17[%dma_wait3A_440] : memref<5x!tpu.dma_semaphore, #tpu.memory_space<semaphore_mem>> -> memref<1x!tpu.dma_semaphore, #tpu.memory_space<semaphore_mem>>
    %dma_wait3A_448 = tpu.memref_squeeze %dma_wait3A_447 : memref<1x!tpu.dma_semaphore, #tpu.memory_space<semaphore_mem>> -> memref<!tpu.dma_semaphore, #tpu.memory_space<semaphore_mem>>
    tpu.wait_indirect_dma semaphore(%dma_wait3A_448 : memref<!tpu.dma_semaphore, #tpu.memory_space<semaphore_mem>>) src(%dma_wait3A_446 : memref<10000x48xf32, #tpu.memory_space<hbm>>) dst(%arg12 : memref<80x48xf32, #tpu.memory_space<vmem>>)
    %dma_start3A_449 = arith.constant 1 : i32
    %dma_start3A_450 = arith.constant 1 : i32
    %dma_start3A_451 = arith.constant 0 : i32
    %dma_start3A_452 = tpu.memref_slice %arg7[%dma_start3A_449, %dma_start3A_451] : memref<2x80xi32, #tpu.memory_space<vmem>> -> memref<1x80xi32, #tpu.memory_space<vmem>>
    %dma_start3A_453 = tpu.memref_squeeze %dma_start3A_452 : memref<1x80xi32, #tpu.memory_space<vmem>> -> memref<80xi32, #tpu.memory_space<vmem>>
    %dma_start3A_454 = arith.constant 0 : i32
    %dma_start3A_455 = arith.constant 0 : i32
    %dma_start3A_456 = tpu.memref_slice %arg19[%dma_start3A_454, %dma_start3A_455] : memref<10000x48xf32, #tpu.memory_space<vmem_shared>> -> memref<10000x48xf32, #tpu.memory_space<vmem_shared>>
    %dma_start3A_457 = tpu.memref_slice %arg18[%dma_start3A_450] : memref<5x!tpu.dma_semaphore, #tpu.memory_space<semaphore_mem>> -> memref<1x!tpu.dma_semaphore, #tpu.memory_space<semaphore_mem>>
    %dma_start3A_458 = tpu.memref_squeeze %dma_start3A_457 : memref<1x!tpu.dma_semaphore, #tpu.memory_space<semaphore_mem>> -> memref<!tpu.dma_semaphore, #tpu.memory_space<semaphore_mem>>
    tpu.enqueue_indirect_dma source(%arg12 : memref<80x48xf32, #tpu.memory_space<vmem>>) target(%dma_start3A_456 : memref<10000x48xf32, #tpu.memory_space<vmem_shared>>) offsets(%dma_start3A_453 : memref<80xi32, #tpu.memory_space<vmem>>) semaphore(%dma_start3A_458 : memref<!tpu.dma_semaphore, #tpu.memory_space<semaphore_mem>>) {add = true}
    %dma_wait3A_459 = arith.constant 1 : i32
    %dma_wait3A_460 = arith.constant 0 : i32
    %dma_wait3A_461 = arith.constant 0 : i32
    %dma_wait3A_462 = tpu.memref_slice %arg6[%dma_wait3A_459, %dma_wait3A_461] : memref<2x80xi32, #tpu.memory_space<vmem>> -> memref<1x80xi32, #tpu.memory_space<vmem>>
    %dma_wait3A_463 = tpu.memref_squeeze %dma_wait3A_462 : memref<1x80xi32, #tpu.memory_space<vmem>> -> memref<80xi32, #tpu.memory_space<vmem>>
    %dma_wait3A_464 = arith.constant 0 : i32
    %dma_wait3A_465 = arith.constant 0 : i32
    %dma_wait3A_466 = tpu.memref_slice %arg19[%dma_wait3A_464, %dma_wait3A_465] : memref<10000x48xf32, #tpu.memory_space<vmem_shared>> -> memref<10000x48xf32, #tpu.memory_space<vmem_shared>>
    %dma_wait3A_467 = tpu.memref_slice %arg18[%dma_wait3A_460] : memref<5x!tpu.dma_semaphore, #tpu.memory_space<semaphore_mem>> -> memref<1x!tpu.dma_semaphore, #tpu.memory_space<semaphore_mem>>
    %dma_wait3A_468 = tpu.memref_squeeze %dma_wait3A_467 : memref<1x!tpu.dma_semaphore, #tpu.memory_space<semaphore_mem>> -> memref<!tpu.dma_semaphore, #tpu.memory_space<semaphore_mem>>
    tpu.wait_indirect_dma semaphore(%dma_wait3A_468 : memref<!tpu.dma_semaphore, #tpu.memory_space<semaphore_mem>>) src(%arg11 : memref<80x48xf32, #tpu.memory_space<vmem>>) dst(%dma_wait3A_466 : memref<10000x48xf32, #tpu.memory_space<vmem_shared>>)
    %add3A_469 = arith.constant 9920 : i32
    %add3A_470 = arith.addi %mul3A_4, %add3A_469 : i32
    %dma_wait3A_471 = arith.constant 4 : i32
    %dma_wait3A_472 = arith.constant 0 : i32
    %dma_wait3A_473 = tpu.memref_slice %arg3[%dma_wait3A_472, %add3A_470] : memref<2x320000xi32, #tpu.memory_space<hbm>> -> memref<2x80xi32, #tpu.memory_space<hbm>>
    %dma_wait3A_474 = tpu.memref_slice %arg16[%dma_wait3A_471] : memref<5x!tpu.dma_semaphore, #tpu.memory_space<semaphore_mem>> -> memref<1x!tpu.dma_semaphore, #tpu.memory_space<semaphore_mem>>
    %dma_wait3A_475 = tpu.memref_squeeze %dma_wait3A_474 : memref<1x!tpu.dma_semaphore, #tpu.memory_space<semaphore_mem>> -> memref<!tpu.dma_semaphore, #tpu.memory_space<semaphore_mem>>
    %dma_wait3A_476 = arith.constant 0 : i32
    %dma_wait3A_477 = tpu.memref_slice %arg3[%dma_wait3A_476, %add3A_470] : memref<2x320000xi32, #tpu.memory_space<hbm>> -> memref<2x80xi32, #tpu.memory_space<hbm>>
    tpu.wait_dma2 semaphore(%dma_wait3A_475 : memref<!tpu.dma_semaphore, #tpu.memory_space<semaphore_mem>>) src(%dma_wait3A_477 : memref<2x80xi32, #tpu.memory_space<hbm>>) dst(%arg10 : memref<2x80xi32, #tpu.memory_space<vmem>>)
    %dma_start3A_478 = arith.constant 0 : i32
    %dma_start3A_479 = arith.constant 4 : i32
    %dma_start3A_480 = arith.constant 0 : i32
    %dma_start3A_481 = tpu.memref_slice %arg10[%dma_start3A_478, %dma_start3A_480] : memref<2x80xi32, #tpu.memory_space<vmem>> -> memref<1x80xi32, #tpu.memory_space<vmem>>
    %dma_start3A_482 = tpu.memref_squeeze %dma_start3A_481 : memref<1x80xi32, #tpu.memory_space<vmem>> -> memref<80xi32, #tpu.memory_space<vmem>>
    %dma_start3A_483 = arith.constant 0 : i32
    %dma_start3A_484 = arith.constant 0 : i32
    %dma_start3A_485 = tpu.memref_slice %arg2[%dma_start3A_483, %dma_start3A_484] : memref<10000x48xf32, #tpu.memory_space<hbm>> -> memref<10000x48xf32, #tpu.memory_space<hbm>>
    %dma_start3A_486 = tpu.memref_slice %arg17[%dma_start3A_479] : memref<5x!tpu.dma_semaphore, #tpu.memory_space<semaphore_mem>> -> memref<1x!tpu.dma_semaphore, #tpu.memory_space<semaphore_mem>>
    %dma_start3A_487 = tpu.memref_squeeze %dma_start3A_486 : memref<1x!tpu.dma_semaphore, #tpu.memory_space<semaphore_mem>> -> memref<!tpu.dma_semaphore, #tpu.memory_space<semaphore_mem>>
    tpu.enqueue_indirect_dma source(%dma_start3A_485 : memref<10000x48xf32, #tpu.memory_space<hbm>>) target(%arg15 : memref<80x48xf32, #tpu.memory_space<vmem>>) offsets(%dma_start3A_482 : memref<80xi32, #tpu.memory_space<vmem>>) semaphore(%dma_start3A_487 : memref<!tpu.dma_semaphore, #tpu.memory_space<semaphore_mem>>)
    %dma_wait3A_488 = arith.constant 0 : i32
    %dma_wait3A_489 = arith.constant 2 : i32
    %dma_wait3A_490 = arith.constant 0 : i32
    %dma_wait3A_491 = tpu.memref_slice %arg8[%dma_wait3A_488, %dma_wait3A_490] : memref<2x80xi32, #tpu.memory_space<vmem>> -> memref<1x80xi32, #tpu.memory_space<vmem>>
    %dma_wait3A_492 = tpu.memref_squeeze %dma_wait3A_491 : memref<1x80xi32, #tpu.memory_space<vmem>> -> memref<80xi32, #tpu.memory_space<vmem>>
    %dma_wait3A_493 = arith.constant 0 : i32
    %dma_wait3A_494 = arith.constant 0 : i32
    %dma_wait3A_495 = tpu.memref_slice %arg2[%dma_wait3A_493, %dma_wait3A_494] : memref<10000x48xf32, #tpu.memory_space<hbm>> -> memref<10000x48xf32, #tpu.memory_space<hbm>>
    %dma_wait3A_496 = tpu.memref_slice %arg17[%dma_wait3A_489] : memref<5x!tpu.dma_semaphore, #tpu.memory_space<semaphore_mem>> -> memref<1x!tpu.dma_semaphore, #tpu.memory_space<semaphore_mem>>
    %dma_wait3A_497 = tpu.memref_squeeze %dma_wait3A_496 : memref<1x!tpu.dma_semaphore, #tpu.memory_space<semaphore_mem>> -> memref<!tpu.dma_semaphore, #tpu.memory_space<semaphore_mem>>
    tpu.wait_indirect_dma semaphore(%dma_wait3A_497 : memref<!tpu.dma_semaphore, #tpu.memory_space<semaphore_mem>>) src(%dma_wait3A_495 : memref<10000x48xf32, #tpu.memory_space<hbm>>) dst(%arg13 : memref<80x48xf32, #tpu.memory_space<vmem>>)
    %dma_start3A_498 = arith.constant 1 : i32
    %dma_start3A_499 = arith.constant 2 : i32
    %dma_start3A_500 = arith.constant 0 : i32
    %dma_start3A_501 = tpu.memref_slice %arg8[%dma_start3A_498, %dma_start3A_500] : memref<2x80xi32, #tpu.memory_space<vmem>> -> memref<1x80xi32, #tpu.memory_space<vmem>>
    %dma_start3A_502 = tpu.memref_squeeze %dma_start3A_501 : memref<1x80xi32, #tpu.memory_space<vmem>> -> memref<80xi32, #tpu.memory_space<vmem>>
    %dma_start3A_503 = arith.constant 0 : i32
    %dma_start3A_504 = arith.constant 0 : i32
    %dma_start3A_505 = tpu.memref_slice %arg19[%dma_start3A_503, %dma_start3A_504] : memref<10000x48xf32, #tpu.memory_space<vmem_shared>> -> memref<10000x48xf32, #tpu.memory_space<vmem_shared>>
    %dma_start3A_506 = tpu.memref_slice %arg18[%dma_start3A_499] : memref<5x!tpu.dma_semaphore, #tpu.memory_space<semaphore_mem>> -> memref<1x!tpu.dma_semaphore, #tpu.memory_space<semaphore_mem>>
    %dma_start3A_507 = tpu.memref_squeeze %dma_start3A_506 : memref<1x!tpu.dma_semaphore, #tpu.memory_space<semaphore_mem>> -> memref<!tpu.dma_semaphore, #tpu.memory_space<semaphore_mem>>
    tpu.enqueue_indirect_dma source(%arg13 : memref<80x48xf32, #tpu.memory_space<vmem>>) target(%dma_start3A_505 : memref<10000x48xf32, #tpu.memory_space<vmem_shared>>) offsets(%dma_start3A_502 : memref<80xi32, #tpu.memory_space<vmem>>) semaphore(%dma_start3A_507 : memref<!tpu.dma_semaphore, #tpu.memory_space<semaphore_mem>>) {add = true}
    %dma_wait3A_508 = arith.constant 1 : i32
    %dma_wait3A_509 = arith.constant 1 : i32
    %dma_wait3A_510 = arith.constant 0 : i32
    %dma_wait3A_511 = tpu.memref_slice %arg7[%dma_wait3A_508, %dma_wait3A_510] : memref<2x80xi32, #tpu.memory_space<vmem>> -> memref<1x80xi32, #tpu.memory_space<vmem>>
    %dma_wait3A_512 = tpu.memref_squeeze %dma_wait3A_511 : memref<1x80xi32, #tpu.memory_space<vmem>> -> memref<80xi32, #tpu.memory_space<vmem>>
    %dma_wait3A_513 = arith.constant 0 : i32
    %dma_wait3A_514 = arith.constant 0 : i32
    %dma_wait3A_515 = tpu.memref_slice %arg19[%dma_wait3A_513, %dma_wait3A_514] : memref<10000x48xf32, #tpu.memory_space<vmem_shared>> -> memref<10000x48xf32, #tpu.memory_space<vmem_shared>>
    %dma_wait3A_516 = tpu.memref_slice %arg18[%dma_wait3A_509] : memref<5x!tpu.dma_semaphore, #tpu.memory_space<semaphore_mem>> -> memref<1x!tpu.dma_semaphore, #tpu.memory_space<semaphore_mem>>
    %dma_wait3A_517 = tpu.memref_squeeze %dma_wait3A_516 : memref<1x!tpu.dma_semaphore, #tpu.memory_space<semaphore_mem>> -> memref<!tpu.dma_semaphore, #tpu.memory_space<semaphore_mem>>
    tpu.wait_indirect_dma semaphore(%dma_wait3A_517 : memref<!tpu.dma_semaphore, #tpu.memory_space<semaphore_mem>>) src(%arg12 : memref<80x48xf32, #tpu.memory_space<vmem>>) dst(%dma_wait3A_515 : memref<10000x48xf32, #tpu.memory_space<vmem_shared>>)
    %dma_wait3A_518 = arith.constant 0 : i32
    %dma_wait3A_519 = arith.constant 3 : i32
    %dma_wait3A_520 = arith.constant 0 : i32
    %dma_wait3A_521 = tpu.memref_slice %arg9[%dma_wait3A_518, %dma_wait3A_520] : memref<2x80xi32, #tpu.memory_space<vmem>> -> memref<1x80xi32, #tpu.memory_space<vmem>>
    %dma_wait3A_522 = tpu.memref_squeeze %dma_wait3A_521 : memref<1x80xi32, #tpu.memory_space<vmem>> -> memref<80xi32, #tpu.memory_space<vmem>>
    %dma_wait3A_523 = arith.constant 0 : i32
    %dma_wait3A_524 = arith.constant 0 : i32
    %dma_wait3A_525 = tpu.memref_slice %arg2[%dma_wait3A_523, %dma_wait3A_524] : memref<10000x48xf32, #tpu.memory_space<hbm>> -> memref<10000x48xf32, #tpu.memory_space<hbm>>
    %dma_wait3A_526 = tpu.memref_slice %arg17[%dma_wait3A_519] : memref<5x!tpu.dma_semaphore, #tpu.memory_space<semaphore_mem>> -> memref<1x!tpu.dma_semaphore, #tpu.memory_space<semaphore_mem>>
    %dma_wait3A_527 = tpu.memref_squeeze %dma_wait3A_526 : memref<1x!tpu.dma_semaphore, #tpu.memory_space<semaphore_mem>> -> memref<!tpu.dma_semaphore, #tpu.memory_space<semaphore_mem>>
    tpu.wait_indirect_dma semaphore(%dma_wait3A_527 : memref<!tpu.dma_semaphore, #tpu.memory_space<semaphore_mem>>) src(%dma_wait3A_525 : memref<10000x48xf32, #tpu.memory_space<hbm>>) dst(%arg14 : memref<80x48xf32, #tpu.memory_space<vmem>>)
    %dma_start3A_528 = arith.constant 1 : i32
    %dma_start3A_529 = arith.constant 3 : i32
    %dma_start3A_530 = arith.constant 0 : i32
    %dma_start3A_531 = tpu.memref_slice %arg9[%dma_start3A_528, %dma_start3A_530] : memref<2x80xi32, #tpu.memory_space<vmem>> -> memref<1x80xi32, #tpu.memory_space<vmem>>
    %dma_start3A_532 = tpu.memref_squeeze %dma_start3A_531 : memref<1x80xi32, #tpu.memory_space<vmem>> -> memref<80xi32, #tpu.memory_space<vmem>>
    %dma_start3A_533 = arith.constant 0 : i32
    %dma_start3A_534 = arith.constant 0 : i32
    %dma_start3A_535 = tpu.memref_slice %arg19[%dma_start3A_533, %dma_start3A_534] : memref<10000x48xf32, #tpu.memory_space<vmem_shared>> -> memref<10000x48xf32, #tpu.memory_space<vmem_shared>>
    %dma_start3A_536 = tpu.memref_slice %arg18[%dma_start3A_529] : memref<5x!tpu.dma_semaphore, #tpu.memory_space<semaphore_mem>> -> memref<1x!tpu.dma_semaphore, #tpu.memory_space<semaphore_mem>>
    %dma_start3A_537 = tpu.memref_squeeze %dma_start3A_536 : memref<1x!tpu.dma_semaphore, #tpu.memory_space<semaphore_mem>> -> memref<!tpu.dma_semaphore, #tpu.memory_space<semaphore_mem>>
    tpu.enqueue_indirect_dma source(%arg14 : memref<80x48xf32, #tpu.memory_space<vmem>>) target(%dma_start3A_535 : memref<10000x48xf32, #tpu.memory_space<vmem_shared>>) offsets(%dma_start3A_532 : memref<80xi32, #tpu.memory_space<vmem>>) semaphore(%dma_start3A_537 : memref<!tpu.dma_semaphore, #tpu.memory_space<semaphore_mem>>) {add = true}
    %dma_wait3A_538 = arith.constant 1 : i32
    %dma_wait3A_539 = arith.constant 2 : i32
    %dma_wait3A_540 = arith.constant 0 : i32
    %dma_wait3A_541 = tpu.memref_slice %arg8[%dma_wait3A_538, %dma_wait3A_540] : memref<2x80xi32, #tpu.memory_space<vmem>> -> memref<1x80xi32, #tpu.memory_space<vmem>>
    %dma_wait3A_542 = tpu.memref_squeeze %dma_wait3A_541 : memref<1x80xi32, #tpu.memory_space<vmem>> -> memref<80xi32, #tpu.memory_space<vmem>>
    %dma_wait3A_543 = arith.constant 0 : i32
    %dma_wait3A_544 = arith.constant 0 : i32
    %dma_wait3A_545 = tpu.memref_slice %arg19[%dma_wait3A_543, %dma_wait3A_544] : memref<10000x48xf32, #tpu.memory_space<vmem_shared>> -> memref<10000x48xf32, #tpu.memory_space<vmem_shared>>
    %dma_wait3A_546 = tpu.memref_slice %arg18[%dma_wait3A_539] : memref<5x!tpu.dma_semaphore, #tpu.memory_space<semaphore_mem>> -> memref<1x!tpu.dma_semaphore, #tpu.memory_space<semaphore_mem>>
    %dma_wait3A_547 = tpu.memref_squeeze %dma_wait3A_546 : memref<1x!tpu.dma_semaphore, #tpu.memory_space<semaphore_mem>> -> memref<!tpu.dma_semaphore, #tpu.memory_space<semaphore_mem>>
    tpu.wait_indirect_dma semaphore(%dma_wait3A_547 : memref<!tpu.dma_semaphore, #tpu.memory_space<semaphore_mem>>) src(%arg13 : memref<80x48xf32, #tpu.memory_space<vmem>>) dst(%dma_wait3A_545 : memref<10000x48xf32, #tpu.memory_space<vmem_shared>>)
    %dma_wait3A_548 = arith.constant 0 : i32
    %dma_wait3A_549 = arith.constant 4 : i32
    %dma_wait3A_550 = arith.constant 0 : i32
    %dma_wait3A_551 = tpu.memref_slice %arg10[%dma_wait3A_548, %dma_wait3A_550] : memref<2x80xi32, #tpu.memory_space<vmem>> -> memref<1x80xi32, #tpu.memory_space<vmem>>
    %dma_wait3A_552 = tpu.memref_squeeze %dma_wait3A_551 : memref<1x80xi32, #tpu.memory_space<vmem>> -> memref<80xi32, #tpu.memory_space<vmem>>
    %dma_wait3A_553 = arith.constant 0 : i32
    %dma_wait3A_554 = arith.constant 0 : i32
    %dma_wait3A_555 = tpu.memref_slice %arg2[%dma_wait3A_553, %dma_wait3A_554] : memref<10000x48xf32, #tpu.memory_space<hbm>> -> memref<10000x48xf32, #tpu.memory_space<hbm>>
    %dma_wait3A_556 = tpu.memref_slice %arg17[%dma_wait3A_549] : memref<5x!tpu.dma_semaphore, #tpu.memory_space<semaphore_mem>> -> memref<1x!tpu.dma_semaphore, #tpu.memory_space<semaphore_mem>>
    %dma_wait3A_557 = tpu.memref_squeeze %dma_wait3A_556 : memref<1x!tpu.dma_semaphore, #tpu.memory_space<semaphore_mem>> -> memref<!tpu.dma_semaphore, #tpu.memory_space<semaphore_mem>>
    tpu.wait_indirect_dma semaphore(%dma_wait3A_557 : memref<!tpu.dma_semaphore, #tpu.memory_space<semaphore_mem>>) src(%dma_wait3A_555 : memref<10000x48xf32, #tpu.memory_space<hbm>>) dst(%arg15 : memref<80x48xf32, #tpu.memory_space<vmem>>)
    %dma_start3A_558 = arith.constant 1 : i32
    %dma_start3A_559 = arith.constant 4 : i32
    %dma_start3A_560 = arith.constant 0 : i32
    %dma_start3A_561 = tpu.memref_slice %arg10[%dma_start3A_558, %dma_start3A_560] : memref<2x80xi32, #tpu.memory_space<vmem>> -> memref<1x80xi32, #tpu.memory_space<vmem>>
    %dma_start3A_562 = tpu.memref_squeeze %dma_start3A_561 : memref<1x80xi32, #tpu.memory_space<vmem>> -> memref<80xi32, #tpu.memory_space<vmem>>
    %dma_start3A_563 = arith.constant 0 : i32
    %dma_start3A_564 = arith.constant 0 : i32
    %dma_start3A_565 = tpu.memref_slice %arg19[%dma_start3A_563, %dma_start3A_564] : memref<10000x48xf32, #tpu.memory_space<vmem_shared>> -> memref<10000x48xf32, #tpu.memory_space<vmem_shared>>
    %dma_start3A_566 = tpu.memref_slice %arg18[%dma_start3A_559] : memref<5x!tpu.dma_semaphore, #tpu.memory_space<semaphore_mem>> -> memref<1x!tpu.dma_semaphore, #tpu.memory_space<semaphore_mem>>
    %dma_start3A_567 = tpu.memref_squeeze %dma_start3A_566 : memref<1x!tpu.dma_semaphore, #tpu.memory_space<semaphore_mem>> -> memref<!tpu.dma_semaphore, #tpu.memory_space<semaphore_mem>>
    tpu.enqueue_indirect_dma source(%arg15 : memref<80x48xf32, #tpu.memory_space<vmem>>) target(%dma_start3A_565 : memref<10000x48xf32, #tpu.memory_space<vmem_shared>>) offsets(%dma_start3A_562 : memref<80xi32, #tpu.memory_space<vmem>>) semaphore(%dma_start3A_567 : memref<!tpu.dma_semaphore, #tpu.memory_space<semaphore_mem>>) {add = true}
    %dma_wait3A_568 = arith.constant 1 : i32
    %dma_wait3A_569 = arith.constant 3 : i32
    %dma_wait3A_570 = arith.constant 0 : i32
    %dma_wait3A_571 = tpu.memref_slice %arg9[%dma_wait3A_568, %dma_wait3A_570] : memref<2x80xi32, #tpu.memory_space<vmem>> -> memref<1x80xi32, #tpu.memory_space<vmem>>
    %dma_wait3A_572 = tpu.memref_squeeze %dma_wait3A_571 : memref<1x80xi32, #tpu.memory_space<vmem>> -> memref<80xi32, #tpu.memory_space<vmem>>
    %dma_wait3A_573 = arith.constant 0 : i32
    %dma_wait3A_574 = arith.constant 0 : i32
    %dma_wait3A_575 = tpu.memref_slice %arg19[%dma_wait3A_573, %dma_wait3A_574] : memref<10000x48xf32, #tpu.memory_space<vmem_shared>> -> memref<10000x48xf32, #tpu.memory_space<vmem_shared>>
    %dma_wait3A_576 = tpu.memref_slice %arg18[%dma_wait3A_569] : memref<5x!tpu.dma_semaphore, #tpu.memory_space<semaphore_mem>> -> memref<1x!tpu.dma_semaphore, #tpu.memory_space<semaphore_mem>>
    %dma_wait3A_577 = tpu.memref_squeeze %dma_wait3A_576 : memref<1x!tpu.dma_semaphore, #tpu.memory_space<semaphore_mem>> -> memref<!tpu.dma_semaphore, #tpu.memory_space<semaphore_mem>>
    tpu.wait_indirect_dma semaphore(%dma_wait3A_577 : memref<!tpu.dma_semaphore, #tpu.memory_space<semaphore_mem>>) src(%arg14 : memref<80x48xf32, #tpu.memory_space<vmem>>) dst(%dma_wait3A_575 : memref<10000x48xf32, #tpu.memory_space<vmem_shared>>)
    %dma_wait3A_578 = arith.constant 1 : i32
    %dma_wait3A_579 = arith.constant 4 : i32
    %dma_wait3A_580 = arith.constant 0 : i32
    %dma_wait3A_581 = tpu.memref_slice %arg10[%dma_wait3A_578, %dma_wait3A_580] : memref<2x80xi32, #tpu.memory_space<vmem>> -> memref<1x80xi32, #tpu.memory_space<vmem>>
    %dma_wait3A_582 = tpu.memref_squeeze %dma_wait3A_581 : memref<1x80xi32, #tpu.memory_space<vmem>> -> memref<80xi32, #tpu.memory_space<vmem>>
    %dma_wait3A_583 = arith.constant 0 : i32
    %dma_wait3A_584 = arith.constant 0 : i32
    %dma_wait3A_585 = tpu.memref_slice %arg19[%dma_wait3A_583, %dma_wait3A_584] : memref<10000x48xf32, #tpu.memory_space<vmem_shared>> -> memref<10000x48xf32, #tpu.memory_space<vmem_shared>>
    %dma_wait3A_586 = tpu.memref_slice %arg18[%dma_wait3A_579] : memref<5x!tpu.dma_semaphore, #tpu.memory_space<semaphore_mem>> -> memref<1x!tpu.dma_semaphore, #tpu.memory_space<semaphore_mem>>
    %dma_wait3A_587 = tpu.memref_squeeze %dma_wait3A_586 : memref<1x!tpu.dma_semaphore, #tpu.memory_space<semaphore_mem>> -> memref<!tpu.dma_semaphore, #tpu.memory_space<semaphore_mem>>
    tpu.wait_indirect_dma semaphore(%dma_wait3A_587 : memref<!tpu.dma_semaphore, #tpu.memory_space<semaphore_mem>>) src(%arg15 : memref<80x48xf32, #tpu.memory_space<vmem>>) dst(%dma_wait3A_585 : memref<10000x48xf32, #tpu.memory_space<vmem_shared>>)
    %barrier3A_588 = arith.constant 0 : index
    tpu.barrier barrier_id(%barrier3A_588)
    %mul3A_589 = arith.constant 625 : i32
    %mul3A_590 = arith.muli %arg1, %mul3A_589 : i32
    %mul3A_591 = arith.constant 625 : i32
    %mul3A_592 = arith.muli %arg1, %mul3A_591 : i32
    "tpu.region"() ({
      %run_scoped3A = tpu.sem_alloc : memref<!tpu.dma_semaphore, #tpu.memory_space<semaphore_mem>>
      %dma_start3A_593 = arith.constant 0 : i32
      %dma_start3A_594 = tpu.memref_slice %arg5[%arg0, %mul3A_592, %dma_start3A_593] : memref<2x10000x48xf32, #tpu.memory_space<hbm>> -> memref<1x625x48xf32, #tpu.memory_space<hbm>>
      %dma_start3A_595 = tpu.memref_squeeze %dma_start3A_594 : memref<1x625x48xf32, #tpu.memory_space<hbm>> -> memref<625x48xf32, #tpu.memory_space<hbm>>
      %dma_start3A_596 = arith.constant 0 : i32
      %dma_start3A_597 = tpu.memref_slice %arg19[%mul3A_590, %dma_start3A_596] : memref<10000x48xf32, #tpu.memory_space<vmem_shared>> -> memref<625x48xf32, #tpu.memory_space<vmem_shared>>
      tpu.enqueue_dma source(%dma_start3A_597 : memref<625x48xf32, #tpu.memory_space<vmem_shared>>) target(%dma_start3A_595 : memref<625x48xf32, #tpu.memory_space<hbm>>) target_semaphore(%run_scoped3A : memref<!tpu.dma_semaphore, #tpu.memory_space<semaphore_mem>>)
      %dma_wait3A_598 = arith.constant 0 : i32
      %dma_wait3A_599 = tpu.memref_slice %arg5[%arg0, %mul3A_592, %dma_wait3A_598] : memref<2x10000x48xf32, #tpu.memory_space<hbm>> -> memref<1x625x48xf32, #tpu.memory_space<hbm>>
      %dma_wait3A_600 = tpu.memref_squeeze %dma_wait3A_599 : memref<1x625x48xf32, #tpu.memory_space<hbm>> -> memref<625x48xf32, #tpu.memory_space<hbm>>
      %dma_wait3A_601 = arith.constant 0 : i32
      %dma_wait3A_602 = tpu.memref_slice %arg19[%mul3A_590, %dma_wait3A_601] : memref<10000x48xf32, #tpu.memory_space<vmem_shared>> -> memref<625x48xf32, #tpu.memory_space<vmem_shared>>
      tpu.wait_dma2 semaphore(%run_scoped3A : memref<!tpu.dma_semaphore, #tpu.memory_space<semaphore_mem>>) src(%dma_wait3A_602 : memref<625x48xf32, #tpu.memory_space<vmem_shared>>) dst(%dma_wait3A_600 : memref<625x48xf32, #tpu.memory_space<hbm>>)
      tpu.yield
    }) : () -> ()
    return
  }
}

module attributes {stable_mosaic.version = 14 : i64} {
  func.func @_stage1_body(%arg0: i32, %arg1: memref<2000x128xf32, #tpu.memory_space<vmem>>, %arg2: memref<128x136xf32, #tpu.memory_space<vmem>>, %arg3: memref<1x136xf32, #tpu.memory_space<vmem>>, %arg4: memref<2000x136xf32, #tpu.memory_space<vmem>>) attributes {dimension_semantics = [#tpu.dimension_semantics<arbitrary>], iteration_bounds = array<i64: 5>, scalar_prefetch = 0 : i64, scratch_operands = 0 : i64, tpu.core_type = #tpu.core_type<tc>, window_params = [{transform_indices = @transform_0, window_bounds = array<i64: 2000, 128>}, {pipeline_mode = #tpu.pipeline_mode<synchronous>, transform_indices = @transform_1, window_bounds = array<i64: 128, 136>}, {pipeline_mode = #tpu.pipeline_mode<synchronous>, transform_indices = @transform_2, window_bounds = array<i64: 1, 136>}, {transform_indices = @transform_3, window_bounds = array<i64: 2000, 136>}]} {
    %get3A = arith.constant 0 : index
    %get3A_0 = arith.constant 0 : index
    %get3A_1 = vector.load %arg1[%get3A, %get3A_0] : memref<2000x128xf32, #tpu.memory_space<vmem>>, vector<2000x128xf32>
    %get3A_2 = arith.constant 0 : index
    %get3A_3 = arith.constant 0 : index
    %get3A_4 = vector.load %arg2[%get3A_2, %get3A_3] : memref<128x136xf32, #tpu.memory_space<vmem>>, vector<128x136xf32>
    %dot_general3A = arith.constant dense<0.000000e+00> : vector<2000x136xf32>
    %dot_general3A_5 = tpu.matmul %get3A_1, %get3A_4, %dot_general3A {dimension_numbers = #tpu.dot_dimension_numbers<[1], [0], [0], [1], [0, 0, 1, 1], [], []>, transpose_lhs_hint = false} : vector<2000x128xf32>, vector<128x136xf32>, vector<2000x136xf32> -> vector<2000x136xf32>
    %get3A_6 = arith.constant 0 : index
    %get3A_7 = arith.constant 0 : index
    %get3A_8 = vector.load %arg3[%get3A_6, %get3A_7] : memref<1x136xf32, #tpu.memory_space<vmem>>, vector<1x136xf32>
    %add3A = vector.broadcast %get3A_8 : vector<1x136xf32> to vector<2000x136xf32>
    %add3A_9 = arith.addf %dot_general3A_5, %add3A : vector<2000x136xf32>
    %swap3A = arith.constant 0 : index
    %swap3A_10 = arith.constant 0 : index
    %swap3A_11 = vector.load %arg4[%swap3A, %swap3A_10] : memref<2000x136xf32, #tpu.memory_space<vmem>>, vector<2000x136xf32>
    tpu.vector_store %arg4[%swap3A, %swap3A_10], %add3A_9 {strides = array<i32>} : memref<2000x136xf32, #tpu.memory_space<vmem>>, vector<2000x136xf32>,
    return
  }
  func.func @transform_0(%arg0: i32) -> (i32, i32) {
    %c0_i32 = arith.constant 0 : i32
    %c0_i32_0 = arith.constant 0 : i32
    return %arg0, %c0_i32 : i32, i32
  }
  func.func @transform_1(%arg0: i32) -> (i32, i32) {
    %c0_i32 = arith.constant 0 : i32
    %c0_i32_0 = arith.constant 0 : i32
    %c0_i32_1 = arith.constant 0 : i32
    return %c0_i32, %c0_i32_0 : i32, i32
  }
  func.func @transform_2(%arg0: i32) -> (i32, i32) {
    %c0_i32 = arith.constant 0 : i32
    %c0_i32_0 = arith.constant 0 : i32
    %c0_i32_1 = arith.constant 0 : i32
    return %c0_i32, %c0_i32_0 : i32, i32
  }
  func.func @transform_3(%arg0: i32) -> (i32, i32) {
    %c0_i32 = arith.constant 0 : i32
    %c0_i32_0 = arith.constant 0 : i32
    return %arg0, %c0_i32 : i32, i32
  }
}

module attributes {stable_mosaic.version = 14 : i64} {
  func.func @_stage2_body(%arg0: i32, %arg1: memref<1x2000x136xf32, #tpu.memory_space<vmem>>, %arg2: memref<1x2000x136xf32, #tpu.memory_space<vmem>>, %arg3: memref<1x128xf32, #tpu.memory_space<vmem>>, %arg4: memref<128x128xf32, #tpu.memory_space<vmem>>, %arg5: memref<2000x128xf32, #tpu.memory_space<vmem>>, %arg6: memref<2000x1xf32, #tpu.memory_space<vmem>>) attributes {dimension_semantics = [#tpu.dimension_semantics<arbitrary>], iteration_bounds = array<i64: 5>, scalar_prefetch = 0 : i64, scratch_operands = 0 : i64, tpu.core_type = #tpu.core_type<tc>, window_params = [{transform_indices = @transform_0, window_bounds = array<i64: 1, 2000, 136>}, {transform_indices = @transform_1, window_bounds = array<i64: 1, 2000, 136>}, {pipeline_mode = #tpu.pipeline_mode<synchronous>, transform_indices = @transform_2, window_bounds = array<i64: 1, 128>}, {pipeline_mode = #tpu.pipeline_mode<synchronous>, transform_indices = @transform_3, window_bounds = array<i64: 128, 128>}, {transform_indices = @transform_4, window_bounds = array<i64: 2000, 128>}, {transform_indices = @transform_5, window_bounds = array<i64: 2000, 1>}]} {
    %get3A = arith.constant 0 : index
    %get3A_0 = arith.constant 0 : index
    %get3A_1 = arith.constant 0 : index
    %get3A_2 = vector.load %arg1[%get3A, %get3A_0, %get3A_1] : memref<1x2000x136xf32, #tpu.memory_space<vmem>>, vector<1x2000x136xf32>
    %get3A_3 = vector.shape_cast %get3A_2 : vector<1x2000x136xf32> to vector<2000x136xf32>
    %get3A_4 = arith.constant 0 : index
    %get3A_5 = arith.constant 0 : index
    %get3A_6 = arith.constant 0 : index
    %get3A_7 = vector.load %arg2[%get3A_4, %get3A_5, %get3A_6] : memref<1x2000x136xf32, #tpu.memory_space<vmem>>, vector<1x2000x136xf32>
    %get3A_8 = vector.shape_cast %get3A_7 : vector<1x2000x136xf32> to vector<2000x136xf32>
    %add3A = arith.addf %get3A_3, %get3A_8 : vector<2000x136xf32>
    %slice3A = vector.extract_strided_slice %add3A {offsets = [0, 128], sizes = [2000, 1], strides = [1, 1]} : vector<2000x136xf32> to vector<2000x1xf32>
    %max3A = arith.constant 1.000000e+00 : f32
    %max3A_9 = vector.broadcast %max3A : f32 to vector<2000x1xf32>
    %max3A_10 = arith.maximumf %slice3A, %max3A_9 : vector<2000x1xf32>
    %div3A = arith.constant 1.000000e+00 : f32
    %div3A_11 = vector.broadcast %div3A : f32 to vector<2000x1xf32>
    %div3A_12 = arith.divf %div3A_11, %max3A_10 : vector<2000x1xf32>
    %slice3A_13 = vector.extract_strided_slice %add3A {offsets = [0, 0], sizes = [2000, 128], strides = [1, 1]} : vector<2000x136xf32> to vector<2000x128xf32>
    %mul3A = vector.broadcast %div3A_12 : vector<2000x1xf32> to vector<2000x128xf32>
    %mul3A_14 = arith.mulf %slice3A_13, %mul3A : vector<2000x128xf32>
    %get3A_15 = arith.constant 0 : index
    %get3A_16 = arith.constant 0 : index
    %get3A_17 = vector.load %arg3[%get3A_15, %get3A_16] : memref<1x128xf32, #tpu.memory_space<vmem>>, vector<1x128xf32>
    %add3A_18 = vector.broadcast %get3A_17 : vector<1x128xf32> to vector<2000x128xf32>
    %add3A_19 = arith.addf %mul3A_14, %add3A_18 : vector<2000x128xf32>
    %max3A_20 = arith.constant 0.000000e+00 : f32
    %max3A_21 = vector.broadcast %max3A_20 : f32 to vector<2000x128xf32>
    %max3A_22 = arith.maximumf %add3A_19, %max3A_21 : vector<2000x128xf32>
    %get3A_23 = arith.constant 0 : index
    %get3A_24 = arith.constant 0 : index
    %get3A_25 = vector.load %arg4[%get3A_23, %get3A_24] : memref<128x128xf32, #tpu.memory_space<vmem>>, vector<128x128xf32>
    %dot_general3A = arith.constant dense<0.000000e+00> : vector<2000x128xf32>
    %dot_general3A_26 = tpu.matmul %max3A_22, %get3A_25, %dot_general3A {dimension_numbers = #tpu.dot_dimension_numbers<[1], [0], [0], [1], [0, 0, 1, 1], [], []>, transpose_lhs_hint = false} : vector<2000x128xf32>, vector<128x128xf32>, vector<2000x128xf32> -> vector<2000x128xf32>
    %swap3A = arith.constant 0 : index
    %swap3A_27 = arith.constant 0 : index
    %swap3A_28 = vector.load %arg5[%swap3A, %swap3A_27] : memref<2000x128xf32, #tpu.memory_space<vmem>>, vector<2000x128xf32>
    tpu.vector_store %arg5[%swap3A, %swap3A_27], %dot_general3A_26 {strides = array<i32>} : memref<2000x128xf32, #tpu.memory_space<vmem>>, vector<2000x128xf32>,
    %swap3A_29 = arith.constant 0 : index
    %swap3A_30 = arith.constant 0 : index
    %swap3A_31 = vector.load %arg6[%swap3A_29, %swap3A_30] : memref<2000x1xf32, #tpu.memory_space<vmem>>, vector<2000x1xf32>
    tpu.vector_store %arg6[%swap3A_29, %swap3A_30], %div3A_12 {strides = array<i32>} : memref<2000x1xf32, #tpu.memory_space<vmem>>, vector<2000x1xf32>,
    return
  }
  func.func @transform_0(%arg0: i32) -> (i32, i32, i32) {
    %c0_i32 = arith.constant 0 : i32
    %c0_i32_0 = arith.constant 0 : i32
    %c0_i32_1 = arith.constant 0 : i32
    return %c0_i32, %arg0, %c0_i32_0 : i32, i32, i32
  }
  func.func @transform_1(%arg0: i32) -> (i32, i32, i32) {
    %c1_i32 = arith.constant 1 : i32
    %c0_i32 = arith.constant 0 : i32
    %c0_i32_0 = arith.constant 0 : i32
    return %c1_i32, %arg0, %c0_i32 : i32, i32, i32
  }
  func.func @transform_2(%arg0: i32) -> (i32, i32) {
    %c0_i32 = arith.constant 0 : i32
    %c0_i32_0 = arith.constant 0 : i32
    %c0_i32_1 = arith.constant 0 : i32
    return %c0_i32, %c0_i32_0 : i32, i32
  }
  func.func @transform_3(%arg0: i32) -> (i32, i32) {
    %c0_i32 = arith.constant 0 : i32
    %c0_i32_0 = arith.constant 0 : i32
    %c0_i32_1 = arith.constant 0 : i32
    return %c0_i32, %c0_i32_0 : i32, i32
  }
  func.func @transform_4(%arg0: i32) -> (i32, i32) {
    %c0_i32 = arith.constant 0 : i32
    %c0_i32_0 = arith.constant 0 : i32
    return %arg0, %c0_i32 : i32, i32
  }
  func.func @transform_5(%arg0: i32) -> (i32, i32) {
    %c0_i32 = arith.constant 0 : i32
    %c0_i32_0 = arith.constant 0 : i32
    return %arg0, %c0_i32 : i32, i32
  }
}

module attributes {stable_mosaic.version = 14 : i64} {
  func.func @_stage3_body(%arg0: i32, %arg1: memref<1x2000x128xf32, #tpu.memory_space<vmem>>, %arg2: memref<1x2000x128xf32, #tpu.memory_space<vmem>>, %arg3: memref<2000x1xf32, #tpu.memory_space<vmem>>, %arg4: memref<1x128xf32, #tpu.memory_space<vmem>>, %arg5: memref<128x48xf32, #tpu.memory_space<vmem>>, %arg6: memref<2000x48xf32, #tpu.memory_space<vmem>>) attributes {dimension_semantics = [#tpu.dimension_semantics<arbitrary>], iteration_bounds = array<i64: 5>, scalar_prefetch = 0 : i64, scratch_operands = 0 : i64, tpu.core_type = #tpu.core_type<tc>, window_params = [{transform_indices = @transform_0, window_bounds = array<i64: 1, 2000, 128>}, {transform_indices = @transform_1, window_bounds = array<i64: 1, 2000, 128>}, {transform_indices = @transform_2, window_bounds = array<i64: 2000, 1>}, {pipeline_mode = #tpu.pipeline_mode<synchronous>, transform_indices = @transform_3, window_bounds = array<i64: 1, 128>}, {pipeline_mode = #tpu.pipeline_mode<synchronous>, transform_indices = @transform_4, window_bounds = array<i64: 128, 48>}, {transform_indices = @transform_5, window_bounds = array<i64: 2000, 48>}]} {
    %get3A = arith.constant 0 : index
    %get3A_0 = arith.constant 0 : index
    %get3A_1 = arith.constant 0 : index
    %get3A_2 = vector.load %arg1[%get3A, %get3A_0, %get3A_1] : memref<1x2000x128xf32, #tpu.memory_space<vmem>>, vector<1x2000x128xf32>
    %get3A_3 = vector.shape_cast %get3A_2 : vector<1x2000x128xf32> to vector<2000x128xf32>
    %get3A_4 = arith.constant 0 : index
    %get3A_5 = arith.constant 0 : index
    %get3A_6 = arith.constant 0 : index
    %get3A_7 = vector.load %arg2[%get3A_4, %get3A_5, %get3A_6] : memref<1x2000x128xf32, #tpu.memory_space<vmem>>, vector<1x2000x128xf32>
    %get3A_8 = vector.shape_cast %get3A_7 : vector<1x2000x128xf32> to vector<2000x128xf32>
    %add3A = arith.addf %get3A_3, %get3A_8 : vector<2000x128xf32>
    %get3A_9 = arith.constant 0 : index
    %get3A_10 = arith.constant 0 : index
    %get3A_11 = vector.load %arg3[%get3A_9, %get3A_10] : memref<2000x1xf32, #tpu.memory_space<vmem>>, vector<2000x1xf32>
    %mul3A = vector.broadcast %get3A_11 : vector<2000x1xf32> to vector<2000x128xf32>
    %mul3A_12 = arith.mulf %add3A, %mul3A : vector<2000x128xf32>
    %get3A_13 = arith.constant 0 : index
    %get3A_14 = arith.constant 0 : index
    %get3A_15 = vector.load %arg4[%get3A_13, %get3A_14] : memref<1x128xf32, #tpu.memory_space<vmem>>, vector<1x128xf32>
    %add3A_16 = vector.broadcast %get3A_15 : vector<1x128xf32> to vector<2000x128xf32>
    %add3A_17 = arith.addf %mul3A_12, %add3A_16 : vector<2000x128xf32>
    %max3A = arith.constant 0.000000e+00 : f32
    %max3A_18 = vector.broadcast %max3A : f32 to vector<2000x128xf32>
    %max3A_19 = arith.maximumf %add3A_17, %max3A_18 : vector<2000x128xf32>
    %get3A_20 = arith.constant 0 : index
    %get3A_21 = arith.constant 0 : index
    %get3A_22 = vector.load %arg5[%get3A_20, %get3A_21] : memref<128x48xf32, #tpu.memory_space<vmem>>, vector<128x48xf32>
    %dot_general3A = arith.constant dense<0.000000e+00> : vector<2000x48xf32>
    %dot_general3A_23 = tpu.matmul %max3A_19, %get3A_22, %dot_general3A {dimension_numbers = #tpu.dot_dimension_numbers<[1], [0], [0], [1], [0, 0, 1, 1], [], []>, transpose_lhs_hint = false} : vector<2000x128xf32>, vector<128x48xf32>, vector<2000x48xf32> -> vector<2000x48xf32>
    %swap3A = arith.constant 0 : index
    %swap3A_24 = arith.constant 0 : index
    %swap3A_25 = vector.load %arg6[%swap3A, %swap3A_24] : memref<2000x48xf32, #tpu.memory_space<vmem>>, vector<2000x48xf32>
    tpu.vector_store %arg6[%swap3A, %swap3A_24], %dot_general3A_23 {strides = array<i32>} : memref<2000x48xf32, #tpu.memory_space<vmem>>, vector<2000x48xf32>,
    return
  }
  func.func @transform_0(%arg0: i32) -> (i32, i32, i32) {
    %c0_i32 = arith.constant 0 : i32
    %c0_i32_0 = arith.constant 0 : i32
    %c0_i32_1 = arith.constant 0 : i32
    return %c0_i32, %arg0, %c0_i32_0 : i32, i32, i32
  }
  func.func @transform_1(%arg0: i32) -> (i32, i32, i32) {
    %c1_i32 = arith.constant 1 : i32
    %c0_i32 = arith.constant 0 : i32
    %c0_i32_0 = arith.constant 0 : i32
    return %c1_i32, %arg0, %c0_i32 : i32, i32, i32
  }
  func.func @transform_2(%arg0: i32) -> (i32, i32) {
    %c0_i32 = arith.constant 0 : i32
    %c0_i32_0 = arith.constant 0 : i32
    return %arg0, %c0_i32 : i32, i32
  }
  func.func @transform_3(%arg0: i32) -> (i32, i32) {
    %c0_i32 = arith.constant 0 : i32
    %c0_i32_0 = arith.constant 0 : i32
    %c0_i32_1 = arith.constant 0 : i32
    return %c0_i32, %c0_i32_0 : i32, i32
  }
  func.func @transform_4(%arg0: i32) -> (i32, i32) {
    %c0_i32 = arith.constant 0 : i32
    %c0_i32_0 = arith.constant 0 : i32
    %c0_i32_1 = arith.constant 0 : i32
    return %c0_i32, %c0_i32_0 : i32, i32
  }
  func.func @transform_5(%arg0: i32) -> (i32, i32) {
    %c0_i32 = arith.constant 0 : i32
    %c0_i32_0 = arith.constant 0 : i32
    return %arg0, %c0_i32 : i32, i32
  }
}

module attributes {stable_mosaic.version = 14 : i64} {
  func.func @_stage4_body(%arg0: i32, %arg1: memref<1x2000x48xf32, #tpu.memory_space<vmem>>, %arg2: memref<1x2000x48xf32, #tpu.memory_space<vmem>>, %arg3: memref<2000x1xf32, #tpu.memory_space<vmem>>, %arg4: memref<1x40xf32, #tpu.memory_space<vmem>>, %arg5: memref<2000x40xf32, #tpu.memory_space<vmem>>) attributes {dimension_semantics = [#tpu.dimension_semantics<arbitrary>], iteration_bounds = array<i64: 5>, scalar_prefetch = 0 : i64, scratch_operands = 0 : i64, tpu.core_type = #tpu.core_type<tc>, window_params = [{transform_indices = @transform_0, window_bounds = array<i64: 1, 2000, 48>}, {transform_indices = @transform_1, window_bounds = array<i64: 1, 2000, 48>}, {transform_indices = @transform_2, window_bounds = array<i64: 2000, 1>}, {pipeline_mode = #tpu.pipeline_mode<synchronous>, transform_indices = @transform_3, window_bounds = array<i64: 1, 40>}, {transform_indices = @transform_4, window_bounds = array<i64: 2000, 40>}]} {
    %get3A = arith.constant 0 : index
    %get3A_0 = arith.constant 0 : index
    %get3A_1 = arith.constant 0 : index
    %get3A_2 = vector.load %arg1[%get3A, %get3A_0, %get3A_1] : memref<1x2000x48xf32, #tpu.memory_space<vmem>>, vector<1x2000x40xf32>
    %get3A_3 = vector.shape_cast %get3A_2 : vector<1x2000x40xf32> to vector<2000x40xf32>
    %get3A_4 = arith.constant 0 : index
    %get3A_5 = arith.constant 0 : index
    %get3A_6 = arith.constant 0 : index
    %get3A_7 = vector.load %arg2[%get3A_4, %get3A_5, %get3A_6] : memref<1x2000x48xf32, #tpu.memory_space<vmem>>, vector<1x2000x40xf32>
    %get3A_8 = vector.shape_cast %get3A_7 : vector<1x2000x40xf32> to vector<2000x40xf32>
    %add3A = arith.addf %get3A_3, %get3A_8 : vector<2000x40xf32>
    %get3A_9 = arith.constant 0 : index
    %get3A_10 = arith.constant 0 : index
    %get3A_11 = vector.load %arg3[%get3A_9, %get3A_10] : memref<2000x1xf32, #tpu.memory_space<vmem>>, vector<2000x1xf32>
    %mul3A = vector.broadcast %get3A_11 : vector<2000x1xf32> to vector<2000x40xf32>
    %mul3A_12 = arith.mulf %add3A, %mul3A : vector<2000x40xf32>
    %get3A_13 = arith.constant 0 : index
    %get3A_14 = arith.constant 0 : index
    %get3A_15 = vector.load %arg4[%get3A_13, %get3A_14] : memref<1x40xf32, #tpu.memory_space<vmem>>, vector<1x40xf32>
    %add3A_16 = vector.broadcast %get3A_15 : vector<1x40xf32> to vector<2000x40xf32>
    %add3A_17 = arith.addf %mul3A_12, %add3A_16 : vector<2000x40xf32>
    %swap3A = arith.constant 0 : index
    %swap3A_18 = arith.constant 0 : index
    %swap3A_19 = vector.load %arg5[%swap3A, %swap3A_18] : memref<2000x40xf32, #tpu.memory_space<vmem>>, vector<2000x40xf32>
    tpu.vector_store %arg5[%swap3A, %swap3A_18], %add3A_17 {strides = array<i32>} : memref<2000x40xf32, #tpu.memory_space<vmem>>, vector<2000x40xf32>,
    return
  }
  func.func @transform_0(%arg0: i32) -> (i32, i32, i32) {
    %c0_i32 = arith.constant 0 : i32
    %c0_i32_0 = arith.constant 0 : i32
    %c0_i32_1 = arith.constant 0 : i32
    return %c0_i32, %arg0, %c0_i32_0 : i32, i32, i32
  }
  func.func @transform_1(%arg0: i32) -> (i32, i32, i32) {
    %c1_i32 = arith.constant 1 : i32
    %c0_i32 = arith.constant 0 : i32
    %c0_i32_0 = arith.constant 0 : i32
    return %c1_i32, %arg0, %c0_i32 : i32, i32, i32
  }
  func.func @transform_2(%arg0: i32) -> (i32, i32) {
    %c0_i32 = arith.constant 0 : i32
    %c0_i32_0 = arith.constant 0 : i32
    return %arg0, %c0_i32 : i32, i32
  }
  func.func @transform_3(%arg0: i32) -> (i32, i32) {
    %c0_i32 = arith.constant 0 : i32
    %c0_i32_0 = arith.constant 0 : i32
    %c0_i32_1 = arith.constant 0 : i32
    return %c0_i32, %c0_i32_0 : i32, i32
  }
  func.func @transform_4(%arg0: i32) -> (i32, i32) {
    %c0_i32 = arith.constant 0 : i32
    %c0_i32_0 = arith.constant 0 : i32
    return %arg0, %c0_i32 : i32, i32
  }
}

</mosaic_0001>

<sc_bundles>
// kernel: kernel.12.cloned.1.call-start
scs
__scs_entry_jumppad:
0x0: {  	(pc) =	sbr.rel $0x88, $3  }
0x1: {  	(tag) =	ssettag $0x0;
	lr =	simm.s32 $0x1  }
0x2: {  	[smem:$0x3F99] =	sst lr;
	_ =	strace $0xD0000000  }
0x3: {  	_ = 	snop  }
0x4: {  	_ = 	snop  }
0x5: {  	_ = 	snop  }
0x6: {  	_ = 	snop  }
0x7: {  	_ = 	snop  }
__scs_overlays_trampoline_lowered:
0x8: {  	[smem:$0x3FA8] =	sst s0  }
0x9: {  	[smem:$0x3FA9] =	sst s1  }
0xa: {  	[smem:$0x3FAA] =	sst s2  }
0xb: {  	[smem:$0x3FAB] =	sst s3  }
0xc: {  	[smem:$0x3FAC] =	sst s4  }
0xd: {  	[smem:$0x3FAD] =	sst s5  }
0xe: {  	[smem:$0x3FAE] =	sst s6  }
0xf: {  	[smem:$0x3FAF] =	sst s7  }
0x10: {  	[smem:$0x3FB0] =	sst s8  }
0x11: {  	[smem:$0x3FB1] =	sst s9;
	s0 =	simm.s32 @!p0 $0x0  }
0x12: {  	s1 =	sld [smem:$0x3F97];
	s0 =	simm.s32 @p0 $0x1  }
0x13: {  	[smem:$0x3FB2] =	sst s0;
	s0 =	simm.s32 @!p1 $0x0  }
0x14: {  	s2 =	sld [smem:$0x3F96];
	s0 =	simm.s32 @p1 $0x1  }
0x15: {  	[smem:$0x3FB3] =	sst s0;
	s0 =	simm.s32 @!p2 $0x0  }
0x16: {  	s3 =	sld [smem:$0x3FDB];
	s0 =	simm.s32 @p2 $0x1  }
0x17: {  	s4 =	simm.s32 $0x1BF5;
	[smem:$0x3FB5] =	sst s0  }
0x18: {  	s0 =	sld [smem:$0x3F98];
	_ =	swait.ge [sflag:s4], $0x0  }
0x19: {  	s7 =	sld [smem:$0x3F99]  }
0x1a: {  	s8 =	sadd.s32 $0xFFFFE003, lr  }
0x1b: {  	s9 =	sadd.s32 $0xFFFFFEF7, lr;
	s5 =	simm.s32 $0xFFFFFFFF;
	p2 =	slt.u32 s8, $0xFFFFF086  }
0x1c: {  	p1 =	slt.u32 s9, $0xF7A;
	s5 =	simm.s32 @!p2 $0x0  }
0x1d: {  	s5 =	simm.s32 @p1 $0x1;
	p0 =	seq.s32 s7, s2  }
0x1e: {  	s7 =	smul.u32 @!p0 $0xF7A, s2;
	p2 =	seq.s32 @!p0 s5, $0x0  }
0x1f: {  	s9 =	smul.u32 $0xF7A, s1;
	s8 =	simm.s32 @!p0 $0x1BF5;
	p2 =	por !p2, p0  }
0x20: {  	[sflag:s8] =	ssyncset.s32 @!p0 $0xFFFFF086;
	s6 =	sadd.s32 @!p0 s3, s7;
	s7 =	simm.s32 @!p0 $0x108  }
0x21: {  	s3 =	sadd.s32 s3, s9;
	s6 =	sadd.s32 @!p0 $0x88, s6;
	s7 =	simm.s32 @p2 $0x1082  }
0x22: {  	[simem:s7], [sflag:s8] =	dma.local @!p0 [hbm:s6], $0xF7A  }
0x23: {  	s9 =	sor.u32 $0xD0000000, s2;
	s6 =	simm.s32 $0x108;
	_ =	swait.ge @!p0 [sflag:s8], $0x0  }
0x24: {  	s3 =	sadd.s32 $0x88, s3;
	s6 =	simm.s32 @!p1 $0x1082;
	[sflag:s4] =	ssyncset.s32 $0xFFFFF086  }
0x25: {  	[simem:s6], [sflag:s4] =	dma.local [hbm:s3], $0xF7A  }
0x26: {  	[smem:$0x3F99] =	sst s1;
	(tag) =	ssettag s2;
	_ =	strace s9  }
0x27: {  	s1 =	sld [smem:$0x3FA9]  }
0x28: {  	s2 =	sld [smem:$0x3FAA]  }
0x29: {  	s4 =	sld [smem:$0x3FAC]  }
0x2a: {  	p0 =	seq.s32 s5, $0x0;
	s5 =	sld [smem:$0x3FAD]  }
0x2b: {  	s6 =	sld [smem:$0x3FAE]  }
0x2c: {  	s7 =	sld [smem:$0x3FAF]  }
0x2d: {  	s3 =	simm.s32 $0x108;
	s8 =	sld [smem:$0x3FB0]  }
0x2e: {  	s3 =	simm.s32 @!p0 $0x1082;
	s9 =	sld [smem:$0x3FB1]  }
0x2f: {  	lr =	sadd.s32 s0, s3;
	s0 =	sld [smem:$0x3FA8]  }
0x30: {  	s3 =	sld [smem:$0x3FAB]  }
0x31: {  	[smem:$0x3FB4] =	sst s10  }
0x32: {  	s10 =	sld [smem:$0x3FB2];
	_ =	sdelay $0x3  }
0x33: {  	p0 =	seq.s32 s10, $0x1;
	s10 =	sld [smem:$0x3FB4];
	_ =	sdelay $0x3  }
0x34: {  	[smem:$0x3FB4] =	sst s10  }
0x35: {  	s10 =	sld [smem:$0x3FB3];
	_ =	sdelay $0x3  }
0x36: {  	p1 =	seq.s32 s10, $0x1;
	s10 =	sld [smem:$0x3FB4];
	_ =	sdelay $0x3  }
0x37: {  	[smem:$0x3FB4] =	sst s10  }
0x38: {  	s10 =	sld [smem:$0x3FB5]  }
0x39: {  	_ = 	snop;
	(pc) =	sbr.ind lr, $3  }
0x3a: {  	_ = 	snop  }
0x3b: {  	_ = 	snop  }
0x3c: {  	p2 =	seq.s32 s10, $0x1;
	s10 =	sld [smem:$0x3FB4]  }
0x3d: {  	_ =	shalt  }
0x3e: {  	_ =	shalt  }
0x3f: {  	_ =	shalt  }
0x40: {  	_ =	shalt  }
0x41: {  	_ =	shalt  }
0x42: {  	_ =	shalt  }
0x43: {  	_ =	shalt  }
0x44: {  	_ =	shalt  }
0x45: {  	_ =	shalt  }
0x46: {  	_ =	shalt  }
0x47: {  	_ =	shalt  }
0x48: {  	_ =	shalt  }
0x49: {  	_ =	shalt  }
0x4a: {  	_ =	shalt  }
0x4b: {  	_ =	shalt  }
0x4c: {  	_ =	shalt  }
0x4d: {  	_ =	shalt  }
0x4e: {  	_ =	shalt  }
0x4f: {  	_ =	shalt  }
0x50: {  	_ =	shalt  }
0x51: {  	_ =	shalt  }
0x52: {  	_ =	shalt  }
0x53: {  	_ =	shalt  }
0x54: {  	_ =	shalt  }
0x55: {  	_ =	shalt  }
0x56: {  	_ =	shalt  }
0x57: {  	_ =	shalt  }
0x58: {  	_ =	shalt  }
0x59: {  	_ =	shalt  }
0x5a: {  	_ =	shalt  }
0x5b: {  	_ =	shalt  }
0x5c: {  	_ =	shalt  }
0x5d: {  	_ =	shalt  }
0x5e: {  	_ =	shalt  }
0x5f: {  	_ =	shalt  }
0x60: {  	_ =	shalt  }
0x61: {  	_ =	shalt  }
0x62: {  	_ =	shalt  }
0x63: {  	_ =	shalt  }
0x64: {  	_ =	shalt  }
0x65: {  	_ =	shalt  }
0x66: {  	_ =	shalt  }
0x67: {  	_ =	shalt  }
0x68: {  	_ =	shalt  }
0x69: {  	_ =	shalt  }
0x6a: {  	_ =	shalt  }
0x6b: {  	_ =	shalt  }
0x6c: {  	_ =	shalt  }
0x6d: {  	_ =	shalt  }
0x6e: {  	_ =	shalt  }
0x6f: {  	_ =	shalt  }
0x70: {  	_ =	shalt  }
0x71: {  	_ =	shalt  }
0x72: {  	_ =	shalt  }
0x73: {  	_ =	shalt  }
0x74: {  	_ =	shalt  }
0x75: {  	_ =	shalt  }
0x76: {  	_ =	shalt  }
0x77: {  	_ =	shalt  }
0x78: {  	_ =	shalt  }
0x79: {  	_ =	shalt  }
0x7a: {  	_ =	shalt  }
0x7b: {  	_ =	shalt  }
0x7c: {  	_ =	shalt  }
0x7d: {  	_ =	shalt  }
0x7e: {  	_ =	shalt  }
0x7f: {  	_ =	shalt  }
0x80: {  	_ =	shalt  }
0x81: {  	_ =	shalt  }
0x82: {  	_ =	shalt  }
0x83: {  	_ =	shalt  }
0x84: {  	_ =	shalt  }
0x85: {  	_ =	shalt  }
0x86: {  	_ =	shalt  }
0x87: {  	_ =	shalt  }
.Lfunc_end0:
.L_simem_size_0:
called_computation.1_lowered:
.L_overlay_start_0:
0x88: {  	s2 =	sld [smem:$0x3FD9]  }
0x89: {  	s3 =	sld [smem:$0x3FFE];
	_ =	sdelay $0x1  }
0x8a: {  	s1 =	srdreg.scid  }
0x8b: {  	s0 =	sand.u32 $0x1, s1  }
0x8c: {  	s17 =	sshll.u32 s0, $0xA;
	s2 =	sadd.s32 s3, s2  }
0x8d: {  	s2 =	sadd.s32 s2, s17  }
0x8e: {  	[smem:$0x3FC0] =	sst s2  }
0x8f: {  	_ = 	snop  }
0x90: {  	s2 =	sld [smem:$0x3FD0];
	(tm) =	ssettm $0x1  }
0x91: {  	s18 =	sld [smem:$0x3FFB];
	_ =	sdelay $0x3  }
0x92: {  	_ =	strace s18  }
0x93: {  	s3 =	sld [smem:$0x3FFC];
	_ =	sdelay $0x3  }
0x94: {  	_ =	strace s3  }
0x95: {  	s3 =	sld [smem:$0x3FFD];
	_ =	sdelay $0x3  }
0x96: {  	_ =	strace s3  }
0x97: {  	_ =	strace $0x8FFFFFFF  }
0x98: {  	s19 =	sld [smem:$0x3FDB];
	_ =	sdelay $0x1  }
0x99: {  	s4 =	simm.s32 $_scs_section_size  }
0x9a: {  	s5 =	simm.s32 $_size__tile_overlayer_lowered;
	s6 =	simm.s32 $_tile_overlayer_lowered  }
0x9b: {  	s22 =	simm.s32 $0x1BFF;
	s21 =	sshll.u32 s6, $0x1;
	s3 =	sadd.s32 s4, s19  }
0x9c: {  	s7 =	simm.s32 $0x0;
	s20 =	sshll.u32 s5, $0x1;
	s5 =	sadd.s32 s21, s3  }
0x9d: {  	[timem:s7], [sflag:s22] =	dma.local [hbm:s5], s20  }
0x9e: {  	_ =	swait.ge [sflag:s22], s20  }
0x9f: {  	s4 =	ssub.s32 $0x0, s20;
	[sflag:s22] =	ssyncset.done $0x0  }
0xa0: {  	[sflag:s22] =	ssyncadd.s32 s4;
	_ =	sdelay $0x1  }
0xa1: {  	s23 =	simm.s32 $0x1B8B  }
0xa2: {  	_ =	swait.ge [sflag:s23], $0x1  }
0xa3: {  	[sflag:s23] =	ssyncset.done $0x0  }
0xa4: {  	s25 =	simm.s32 $0x1B8E;
	s24 =	sld [smem:$0x3FFE];
	[sflag:s23] =	ssyncadd.s32 $0xFFFFFFFF  }
0xa5: {  	s26 =	simm.s32 $execute0_lowered;
	[smem:$0x3FD2] =	sst s25  }
0xa6: {  	s5 =	sshll.u32 s26, $0x1;
	_ =	strace $0x80000049;
	[dreg:$0x1] =	wrdreg $0xFFFFFFFF  }
0xa7: {  	s28 =	simm.s32 $_size_execute0_lowered;
	s3 =	sadd.s32 s3, s5;
	[dreg:$0x0] =	wrdreg $0x0  }
0xa8: {  	s5 =	sshll.u32 s28, $0x1;
	[dreg:$0x2] =	wrdreg s3  }
0xa9: {  	[dreg:$0x3] =	wrdreg s5  }
0xaa: {  	[dreg:$0x4] =	wrdreg $0xC0  }
0xab: {  	_ =	task [dreg:s7], $0x5FFFF  }
0xac: {  	[dreg:$0x1] =	wrdreg $0xFFFFFFFF  }
0xad: {  	[dreg:$0x0] =	wrdreg $0x60  }
0xae: {  	[dreg:$0x2] =	wrdreg s24  }
0xaf: {  	[dreg:$0x3] =	wrdreg s2  }
0xb0: {  	[dreg:$0x4] =	wrdreg $0xA2800  }
0xb1: {  	[dreg:$0x5] =	wrdreg $0x9  }
0xb2: {  	_ =	task.clear_ibuf [dreg:s7], $0x6FFFF;
	_ =	strace $0x90000049  }
0xb3: {  	s29 =	simm.s32 $0x9;
	_ =	strace $0x8000004B  }
0xb4: {  	_ =	swait.ge [sflag:s29], $0x1  }
0xb5: {  	[sflag:s29] =	ssyncadd.s32 $0xFFFFFFFF  }
0xb6: {  	_ =	strace $0x9000004B  }
0xb7: {  	_ =	sfence  }
0xb8: {  	s30 =	sld [smem:$0x0];
	_ =	sdelay $0x2  }
0xb9: {  	s31 =	sshll.u32 s1, $0xD;
	s1 =	sshrl.u32 s1, $0x2  }
0xba: {  	s3 =	sand.u32 $0x4000, s31;
	s1 =	sadd.s32 s1, s30  }
0xbb: {  	s0 =	sor.u32 s3, s0;
	s1 =	sshll.u32 s1, $0x11  }
0xbc: {  	s0 =	sor.u32 s1, s0  }
0xbd: {  	s0 =	sadd.s32 $0x8F2B, s0  }
0xbe: {  	[sflag:s0] =	ssyncadd.remote.s32 $0x1  }
0xbf: {  	_ =	sfence.sel $0xFFFF  }
0xc0: {  	[dreg:$0x0] =	wrdreg $0xFFFFFFFF;
	(pc) =	sbr.abs _section_cstart, $3  }
0xc1: {  	[dreg:$0x1] =	wrdreg $0xFFFFFFFF  }
0xc2: {  	_ =	task.clear_ibuf [dreg:s7], $0x2FFFF;
	_ =	strace $0x9FFFFFFF  }
0xc3: {  	(tm) =	ssettm $0x7FFFFFFF  }
tec
execute0_lowered:
.L_overlay_start_1:
0x0: {  	(tag) =	ssettag $0x1  }
0x1: {  	s0 =	rddreg [dreg:$0x0]  }
0x2: {  	s3 =	rddreg [dreg:$0x2];
	s4 =	simm.s32 $0x0;
	s1 =	srdreg.scid  }
0x3: {  	s11 =	stileid.u32;
	s28 =	simm.s32 $0x2A80;
	s29 =	simm.s32 $0x5  }
0x4: {  	s30 =	simm.s32 $0x1E0;
	s31 =	simm.s32 $0x3;
	[smem:$0x7FF] =	sst s4  }
0x5: {  	s1 =	sand.u32 $0x1, s1;
	s2 =	smul.u32 $0x13880, s11;
	s5 =	sadd.s32 $0x15200, s0  }
0x6: {  	s7 =	sadd.s32 $0x1800, s0;
	s8 =	sshll.u32 s11, $0x1;
	s26 =	smul.u32 $0x4E20, s11  }
0x7: {  	s11 =	sshll.u32 s11, $0x6;
	_ =	strace $0x8000004A;
	s6 =	smul.u32 $0x138800, s1  }
0x8: {  	s9 =	ssub.s32 $0x2, s1;
	s8 =	sor.u32 s1, s8;
	s1 =	smul.u32 $0x2710, s1  }
0x9: {  	s18 =	sor.u32 $0x1C0D, s11;
	s11 =	simm.s32 $0x7;
	s8 =	smul.u32 $0x2710, s8  }
0xa: {  	s10 =	sshrl.u32 s9, $0x1;
	[dreg:$0x8] =	wrdreg s18;
	s6 =	sadd.s32 s2, s6  }
0xb: {  	s2 =	sadd.s32 s2, s3;
	s1 =	sadd.s32 s1, s26;
	s8 =	sshrl.u32 s8, $0x3  }
0xc: {  	s6 =	sshrl.u32 s6, $0x3;
	s16 =	sadd.s32 $0x2D0, s1;
	s12 =	sadd.s32 s7, s8  }
0xd: {  	s21 =	sadd.s32 $0x280, s1;
	s8 =	sadd.s32 $0xA, s12;
	[dreg:$0x9] =	wrdreg s12  }
0xe: {  	s23 =	sadd.s32 $0x230, s1;
	s13 =	sadd.s32 $0x14, s12;
	[dreg:$0xa] =	wrdreg s8  }
0xf: {  	s1 =	sadd.s32 $0x1E0, s1;
	s14 =	sadd.s32 $0x1E, s12;
	[dreg:$0xb] =	wrdreg s13  }
0x10: {  	s0 =	sadd.s32 s6, s0;
	s15 =	sadd.s32 $0x28, s12;
	[dreg:$0xc] =	wrdreg s14  }
0x11: {  	s6 =	ssub.s32 s9, s10;
	s17 =	sadd.s32 $0x32, s12;
	[dreg:$0xd] =	wrdreg s15  }
0x12: {  	s22 =	sshrl.u32 s21, $0x3;
	s19 =	sadd.s32 $0x4C4, s12;
	[dreg:$0xe] =	wrdreg s17  }
0x13: {  	s9 =	sshrl.u32 s23, $0x3;
	s20 =	sadd.s32 $0x4CE, s12;
	[dreg:$0xf] =	wrdreg s19  }
0x14: {  	s1 =	sshrl.u32 s1, $0x3;
	s25 =	sadd.s32 $0x4D8, s12;
	[dreg:$0x10] =	wrdreg s20  }
0x15: {  	s21 =	simm.s32 $0x4E200;
	s24 =	sadd.s32 s9, s7;
	[dreg:$0x11] =	wrdreg s25  }
0x16: {  	s23 =	simm.s32 $0x1;
	s0 =	sadd.s32 $0x3C400, s0;
	[dreg:$0x6] =	wrdreg s24  }
0x17: {  	s10 =	simm.s32 $0x7A80;
	s26 =	smax.u32 s6, $0x1;
	[dreg:$0x12] =	wrdreg s0  }
0x18: {  	s1 =	sadd.s32 s1, s7;
	s9 =	simm.s32 $0x4;
	[dreg:$0x13] =	wrdreg s26  }
0x19: {  	s12 =	simm.s32 $0x190;
	s8 =	sshrl.u32 s16, $0x3;
	[dreg:$0x7] =	wrdreg s1  }
0x1a: {  	s19 =	sshrl.u32 s2, $0x3;
	s20 =	simm.s32 $0x50;
	s24 =	simm.s32 $0x280  }
0x1b: {  	s25 =	simm.s32 $0x140;
	s26 =	simm.s32 $0x2;
	s0 =	simm.s32 $0x5280  }
0x1c: {  	s2 =	simm.s32 $0x6;
	s1 =	simm.s32 $0xF0;
	s13 =	simm.s32 $0xA  }
0x1d: {  	s14 =	simm.s32 $0x8;
	s15 =	simm.s32 $0x230;
	s16 =	simm.s32 $0xB  }
0x1e: {  	s17 =	simm.s32 $0xC;
	s8 =	sadd.s32 s8, s7;
	[dreg:$0x14] =	wrdreg s19  }
0x1f: {  	[dreg:$0x4] =	wrdreg s8;
	s8 =	sadd.s32 s22, s7;
	s22 =	simm.s32 $0xA0  }
0x20: {  	s7 =	simm.s32 $0x0;
	[dreg:$0x5] =	wrdreg s8;
	s8 =	simm.s32 $0x9  }
.LBB2_1:
0x21: {  	[dreg:$0x15] =	wrdreg s7  }
0x22: {  	s7 =	simm.s32 $0xD;
	s6 =	rddreg [dreg:$0x1]  }
0x23: {  	[spmem:s19], [sflag:s18] =	dma.local [hbm:s6], $0x2710  }
0x24: {  	_ =	swait.ge [sflag:s7], $0x2710  }
0x25: {  	[sflag:s7] =	ssyncset.done $0x0  }
0x26: {  	[sflag:s7] =	ssyncadd.s32 $0xFFFFD8F0  }
0x27: {  	[bflag:$0x0] =	sbarrier.arrive $0xFFFF  }
0x28: {  	s19 =	rddreg [dreg:$0x9]  }
0x29: {  	[tilespmem:s4], [sflag:$0x1] =	stream.strided.gather [hbm4b:s19+s20], $0xA0, s21, s20, $0x38;
	[tilespmem:$0x1DB00] =	vst v63  }
0x2a: {  	s7 =	rddreg [dreg:$0xa]  }
0x2b: {  	[tilespmem:s22], [sflag:$0x2] =	stream.strided.gather [hbm4b:s7+s20], $0xA0, s21, s20, $0x38;
	[tilespmem:$0x1DB00] =	vst v63  }
0x2c: {  	_ =	swait.ge [sflag:s23], $0xA0  }
0x2d: {  	[sflag:s23] =	ssyncset.done $0x0  }
0x2e: {  	[sflag:s23] =	ssyncadd.s32 $0xFFFFFF60  }
0x2f: {  	[tilespmem:s24], [sflag:$0x5] =	stream.indirect.gather [hbm4b:s5+s20], $0x80, s4, s20, $0xb8;
	[tilespmem:$0x1DB00] =	vst v63  }
0x30: {  	s18 =	rddreg [dreg:$0xb]  }
0x31: {  	[tilespmem:s25], [sflag:$0x3] =	stream.strided.gather [hbm4b:s18+s20], $0xA0, s21, s20, $0x38;
	[tilespmem:$0x1DB00] =	vst v63  }
0x32: {  	_ =	swait.ge [sflag:s26], $0xA0  }
0x33: {  	[sflag:s26] =	ssyncset.done $0x0  }
0x34: {  	[sflag:s26] =	ssyncadd.s32 $0xFFFFFF60  }
0x35: {  	[tilespmem:s28], [sflag:$0x6] =	stream.indirect.gather [hbm4b:s5+s20], $0x80, s22, s20, $0xb8;
	[tilespmem:$0x1DB00] =	vst v63  }
0x36: {  	_ =	swait.ge [sflag:s29], $0x2800  }
0x37: {  	[sflag:s29] =	ssyncset.done $0x0  }
0x38: {  	[sflag:s29] =	ssyncadd.s32 $0xFFFFD800  }
0x39: {  	[spmem:s3] =	stream.indirect.scatter.add.f32 [tilespmem:s24], [sflag:$0x9], $0x80, s20, s20, $0xb8;
	[tilespmem:$0x1DB00] =	vst v63  }
0x3a: {  	s19 =	rddreg [dreg:$0xc]  }
0x3b: {  	[tilespmem:s30], [sflag:$0x4] =	stream.strided.gather [hbm4b:s19+s20], $0xA0, s21, s20, $0x38;
	[tilespmem:$0x1DB00] =	vst v63  }
0x3c: {  	_ =	swait.ge [sflag:s31], $0xA0  }
0x3d: {  	[sflag:s31] =	ssyncset.done $0x0  }
0x3e: {  	[sflag:s31] =	ssyncadd.s32 $0xFFFFFF60  }
0x3f: {  	[tilespmem:s0], [sflag:$0x7] =	stream.indirect.gather [hbm4b:s5+s20], $0x80, s25, s20, $0xb8;
	[tilespmem:$0x1DB00] =	vst v63  }
0x40: {  	_ =	swait.ge [sflag:s2], $0x2800  }
0x41: {  	[sflag:s2] =	ssyncset.done $0x0  }
0x42: {  	[sflag:s2] =	ssyncadd.s32 $0xFFFFD800  }
0x43: {  	[spmem:s3] =	stream.indirect.scatter.add.f32 [tilespmem:s28], [sflag:$0xA], $0x80, s1, s20, $0xb8;
	[tilespmem:$0x1DB00] =	vst v63  }
0x44: {  	_ =	swait.ge [sflag:s8], $0x2800  }
0x45: {  	[sflag:s8] =	ssyncset.done $0x0  }
0x46: {  	s7 =	rddreg [dreg:$0xd];
	[sflag:s8] =	ssyncadd.s32 $0xFFFFD800  }
0x47: {  	[tilespmem:s4], [sflag:$0x1] =	stream.strided.gather [hbm4b:s7+s20], $0xA0, s21, s20, $0x38;
	[tilespmem:$0x1DB00] =	vst v63  }
0x48: {  	_ =	swait.ge [sflag:s9], $0xA0  }
0x49: {  	[sflag:s9] =	ssyncset.done $0x0  }
0x4a: {  	[sflag:s9] =	ssyncadd.s32 $0xFFFFFF60  }
0x4b: {  	[tilespmem:s10], [sflag:$0x8] =	stream.indirect.gather [hbm4b:s5+s20], $0x80, s30, s20, $0xb8;
	[tilespmem:$0x1DB00] =	vst v63  }
0x4c: {  	_ =	swait.ge [sflag:s11], $0x2800  }
0x4d: {  	[sflag:s11] =	ssyncset.done $0x0  }
0x4e: {  	[sflag:s11] =	ssyncadd.s32 $0xFFFFD800  }
0x4f: {  	[spmem:s3] =	stream.indirect.scatter.add.f32 [tilespmem:s0], [sflag:$0xB], $0x80, s12, s20, $0xb8;
	[tilespmem:$0x1DB00] =	vst v63  }
0x50: {  	_ =	swait.ge [sflag:s13], $0x2800  }
0x51: {  	[sflag:s13] =	ssyncset.done $0x0  }
0x52: {  	s18 =	rddreg [dreg:$0xe];
	[sflag:s13] =	ssyncadd.s32 $0xFFFFD800  }
0x53: {  	[tilespmem:s22], [sflag:$0x2] =	stream.strided.gather [hbm4b:s18+s20], $0xA0, s21, s20, $0x38;
	[tilespmem:$0x1DB00] =	vst v63  }
0x54: {  	_ =	swait.ge [sflag:s23], $0xA0  }
0x55: {  	[sflag:s23] =	ssyncset.done $0x0  }
0x56: {  	[sflag:s23] =	ssyncadd.s32 $0xFFFFFF60  }
0x57: {  	[tilespmem:s24], [sflag:$0x5] =	stream.indirect.gather [hbm4b:s5+s20], $0x80, s4, s20, $0xb8;
	[tilespmem:$0x1DB00] =	vst v63  }
0x58: {  	_ =	swait.ge [sflag:s14], $0x2800  }
0x59: {  	[sflag:s14] =	ssyncset.done $0x0  }
0x5a: {  	[sflag:s14] =	ssyncadd.s32 $0xFFFFD800  }
0x5b: {  	[spmem:s3] =	stream.indirect.scatter.add.f32 [tilespmem:s10], [sflag:$0xC], $0x80, s15, s20, $0xb8;
	[tilespmem:$0x1DB00] =	vst v63  }
0x5c: {  	_ =	swait.ge [sflag:s16], $0x2800  }
0x5d: {  	s19 =	rddreg [dreg:$0x7];
	[sflag:s16] =	ssyncset.done $0x0  }
0x5e: {  	[sflag:s16] =	ssyncadd.s32 $0xFFFFD800;
	s6 =	sadd.s32 $0x0, s19  }
0x5f: {  	[tilespmem:s25], [sflag:$0x3] =	stream.strided.gather [hbm4b:s6+s20], $0xA0, s21, s20, $0x38;
	[tilespmem:$0x1DB00] =	vst v63  }
0x60: {  	_ =	swait.ge [sflag:s26], $0xA0  }
0x61: {  	[sflag:s26] =	ssyncset.done $0x0  }
0x62: {  	[sflag:s26] =	ssyncadd.s32 $0xFFFFFF60  }
0x63: {  	[tilespmem:s28], [sflag:$0x6] =	stream.indirect.gather [hbm4b:s5+s20], $0x80, s22, s20, $0xb8;
	[tilespmem:$0x1DB00] =	vst v63  }
0x64: {  	_ =	swait.ge [sflag:s29], $0x2800  }
0x65: {  	[sflag:s29] =	ssyncset.done $0x0  }
0x66: {  	[sflag:s29] =	ssyncadd.s32 $0xFFFFD800  }
0x67: {  	[spmem:s3] =	stream.indirect.scatter.add.f32 [tilespmem:s24], [sflag:$0x9], $0x80, s20, s20, $0xb8;
	[tilespmem:$0x1DB00] =	vst v63  }
0x68: {  	_ =	swait.ge [sflag:s17], $0x2800  }
0x69: {  	s7 =	rddreg [dreg:$0x6];
	[sflag:s17] =	ssyncset.done $0x0  }
0x6a: {  	[sflag:s17] =	ssyncadd.s32 $0xFFFFD800;
	s6 =	sadd.s32 $0x0, s7  }
0x6b: {  	[tilespmem:s30], [sflag:$0x4] =	stream.strided.gather [hbm4b:s6+s20], $0xA0, s21, s20, $0x38;
	[tilespmem:$0x1DB00] =	vst v63  }
0x6c: {  	_ =	swait.ge [sflag:s31], $0xA0  }
0x6d: {  	[sflag:s31] =	ssyncset.done $0x0  }
0x6e: {  	[sflag:s31] =	ssyncadd.s32 $0xFFFFFF60  }
0x6f: {  	[tilespmem:s0], [sflag:$0x7] =	stream.indirect.gather [hbm4b:s5+s20], $0x80, s25, s20, $0xb8;
	[tilespmem:$0x1DB00] =	vst v63  }
0x70: {  	_ =	swait.ge [sflag:s2], $0x2800  }
0x71: {  	[sflag:s2] =	ssyncset.done $0x0  }
0x72: {  	[sflag:s2] =	ssyncadd.s32 $0xFFFFD800  }
0x73: {  	[spmem:s3] =	stream.indirect.scatter.add.f32 [tilespmem:s28], [sflag:$0xA], $0x80, s1, s20, $0xb8;
	[tilespmem:$0x1DB00] =	vst v63  }
0x74: {  	_ =	swait.ge [sflag:s8], $0x2800  }
0x75: {  	s18 =	rddreg [dreg:$0x5];
	[sflag:s8] =	ssyncset.done $0x0  }
0x76: {  	[sflag:s8] =	ssyncadd.s32 $0xFFFFD800;
	s6 =	sadd.s32 $0x0, s18  }
0x77: {  	[tilespmem:s4], [sflag:$0x1] =	stream.strided.gather [hbm4b:s6+s20], $0xA0, s21, s20, $0x38;
	[tilespmem:$0x1DB00] =	vst v63  }
0x78: {  	_ =	swait.ge [sflag:s9], $0xA0  }
0x79: {  	[sflag:s9] =	ssyncset.done $0x0  }
0x7a: {  	[sflag:s9] =	ssyncadd.s32 $0xFFFFFF60  }
0x7b: {  	[tilespmem:s10], [sflag:$0x8] =	stream.indirect.gather [hbm4b:s5+s20], $0x80, s30, s20, $0xb8;
	[tilespmem:$0x1DB00] =	vst v63  }
0x7c: {  	_ =	swait.ge [sflag:s11], $0x2800  }
0x7d: {  	[sflag:s11] =	ssyncset.done $0x0  }
0x7e: {  	[sflag:s11] =	ssyncadd.s32 $0xFFFFD800  }
0x7f: {  	[spmem:s3] =	stream.indirect.scatter.add.f32 [tilespmem:s0], [sflag:$0xB], $0x80, s12, s20, $0xb8;
	[tilespmem:$0x1DB00] =	vst v63  }
0x80: {  	_ =	swait.ge [sflag:s13], $0x2800  }
0x81: {  	s19 =	rddreg [dreg:$0x4];
	[sflag:s13] =	ssyncset.done $0x0  }
0x82: {  	[sflag:s13] =	ssyncadd.s32 $0xFFFFD800;
	s6 =	sadd.s32 $0x0, s19  }
0x83: {  	[tilespmem:s22], [sflag:$0x2] =	stream.strided.gather [hbm4b:s6+s20], $0xA0, s21, s20, $0x38;
	[tilespmem:$0x1DB00] =	vst v63  }
0x84: {  	_ =	swait.ge [sflag:s23], $0xA0  }
0x85: {  	[sflag:s23] =	ssyncset.done $0x0  }
0x86: {  	[sflag:s23] =	ssyncadd.s32 $0xFFFFFF60  }
0x87: {  	[tilespmem:s24], [sflag:$0x5] =	stream.indirect.gather [hbm4b:s5+s20], $0x80, s4, s20, $0xb8;
	[tilespmem:$0x1DB00] =	vst v63  }
0x88: {  	_ =	swait.ge [sflag:s14], $0x2800  }
0x89: {  	[sflag:s14] =	ssyncset.done $0x0  }
0x8a: {  	s6 =	simm.s32 $0x28;
	[sflag:s14] =	ssyncadd.s32 $0xFFFFD800  }
.LBB2_2:
0x8b: {  	[spmem:s3] =	stream.indirect.scatter.add.f32 [tilespmem:s10], [sflag:$0xC], $0x80, s15, s20, $0xb8;
	[tilespmem:$0x1DB00] =	vst v63  }
0x8c: {  	_ =	swait.ge [sflag:s16], $0x2800  }
0x8d: {  	s18 =	smov.u32 s6;
	s19 =	rddreg [dreg:$0x7];
	[sflag:s16] =	ssyncset.done $0x0  }
0x8e: {  	[sflag:s16] =	ssyncadd.s32 $0xFFFFD800;
	s19 =	sadd.s32 s18, s19  }
0x8f: {  	[tilespmem:s25], [sflag:$0x3] =	stream.strided.gather [hbm4b:s19+s20], $0xA0, s21, s20, $0x38;
	[tilespmem:$0x1DB00] =	vst v63  }
0x90: {  	_ =	swait.ge [sflag:s26], $0xA0  }
0x91: {  	[sflag:s26] =	ssyncset.done $0x0  }
0x92: {  	[sflag:s26] =	ssyncadd.s32 $0xFFFFFF60  }
0x93: {  	[tilespmem:s28], [sflag:$0x6] =	stream.indirect.gather [hbm4b:s5+s20], $0x80, s22, s20, $0xb8;
	[tilespmem:$0x1DB00] =	vst v63  }
0x94: {  	_ =	swait.ge [sflag:s29], $0x2800  }
0x95: {  	[sflag:s29] =	ssyncset.done $0x0  }
0x96: {  	[sflag:s29] =	ssyncadd.s32 $0xFFFFD800  }
0x97: {  	[spmem:s3] =	stream.indirect.scatter.add.f32 [tilespmem:s24], [sflag:$0x9], $0x80, s20, s20, $0xb8;
	[tilespmem:$0x1DB00] =	vst v63  }
0x98: {  	_ =	swait.ge [sflag:s17], $0x2800  }
0x99: {  	s7 =	rddreg [dreg:$0x6];
	[sflag:s17] =	ssyncset.done $0x0  }
0x9a: {  	[sflag:s17] =	ssyncadd.s32 $0xFFFFD800;
	s19 =	sadd.s32 s18, s7  }
0x9b: {  	[tilespmem:s30], [sflag:$0x4] =	stream.strided.gather [hbm4b:s19+s20], $0xA0, s21, s20, $0x38;
	[tilespmem:$0x1DB00] =	vst v63  }
0x9c: {  	_ =	swait.ge [sflag:s31], $0xA0  }
0x9d: {  	[sflag:s31] =	ssyncset.done $0x0  }
0x9e: {  	[sflag:s31] =	ssyncadd.s32 $0xFFFFFF60  }
0x9f: {  	[tilespmem:s0], [sflag:$0x7] =	stream.indirect.gather [hbm4b:s5+s20], $0x80, s25, s20, $0xb8;
	[tilespmem:$0x1DB00] =	vst v63  }
0xa0: {  	_ =	swait.ge [sflag:s2], $0x2800  }
0xa1: {  	[sflag:s2] =	ssyncset.done $0x0  }
0xa2: {  	[sflag:s2] =	ssyncadd.s32 $0xFFFFD800  }
0xa3: {  	[spmem:s3] =	stream.indirect.scatter.add.f32 [tilespmem:s28], [sflag:$0xA], $0x80, s1, s20, $0xb8;
	[tilespmem:$0x1DB00] =	vst v63  }
0xa4: {  	_ =	swait.ge [sflag:s8], $0x2800  }
0xa5: {  	s7 =	rddreg [dreg:$0x5];
	[sflag:s8] =	ssyncset.done $0x0  }
0xa6: {  	[sflag:s8] =	ssyncadd.s32 $0xFFFFD800;
	s19 =	sadd.s32 s18, s7  }
0xa7: {  	[tilespmem:s4], [sflag:$0x1] =	stream.strided.gather [hbm4b:s19+s20], $0xA0, s21, s20, $0x38;
	[tilespmem:$0x1DB00] =	vst v63  }
0xa8: {  	_ =	swait.ge [sflag:s9], $0xA0  }
0xa9: {  	[sflag:s9] =	ssyncset.done $0x0  }
0xaa: {  	[sflag:s9] =	ssyncadd.s32 $0xFFFFFF60  }
0xab: {  	[tilespmem:s10], [sflag:$0x8] =	stream.indirect.gather [hbm4b:s5+s20], $0x80, s30, s20, $0xb8;
	[tilespmem:$0x1DB00] =	vst v63  }
0xac: {  	_ =	swait.ge [sflag:s11], $0x2800  }
0xad: {  	[sflag:s11] =	ssyncset.done $0x0  }
0xae: {  	[sflag:s11] =	ssyncadd.s32 $0xFFFFD800  }
0xaf: {  	[spmem:s3] =	stream.indirect.scatter.add.f32 [tilespmem:s0], [sflag:$0xB], $0x80, s12, s20, $0xb8;
	[tilespmem:$0x1DB00] =	vst v63  }
0xb0: {  	_ =	swait.ge [sflag:s13], $0x2800  }
0xb1: {  	s7 =	rddreg [dreg:$0x4];
	[sflag:s13] =	ssyncset.done $0x0  }
0xb2: {  	[sflag:s13] =	ssyncadd.s32 $0xFFFFD800;
	s18 =	sadd.s32 s18, s7  }
0xb3: {  	[tilespmem:s22], [sflag:$0x2] =	stream.strided.gather [hbm4b:s18+s20], $0xA0, s21, s20, $0x38;
	[tilespmem:$0x1DB00] =	vst v63  }
0xb4: {  	_ =	swait.ge [sflag:s23], $0xA0  }
0xb5: {  	p0 =	sne.s32 s6, $0x460;
	[sflag:s23] =	ssyncset.done $0x0  }
.Ltmp0:
0xb6: {  	[sflag:s23] =	ssyncadd.s32 $0xFFFFFF60;
	(pc) =	sbr.rel @p0 .LBB2_2-.Ltmp0, $4  }
0xb7: {  	[tilespmem:s24], [sflag:$0x5] =	stream.indirect.gather [hbm4b:s5+s20], $0x80, s4, s20, $0xb8;
	[tilespmem:$0x1DB00] =	vst v63  }
0xb8: {  	_ =	swait.ge [sflag:s14], $0x2800  }
0xb9: {  	[sflag:s14] =	ssyncset.done $0x0  }
0xba: {  	s6 =	sadd.s32 $0x28, s6;
	[sflag:s14] =	ssyncadd.s32 $0xFFFFD800  }
0xbb: {  	[spmem:s3] =	stream.indirect.scatter.add.f32 [tilespmem:s10], [sflag:$0xC], $0x80, s15, s20, $0xb8;
	[tilespmem:$0x1DB00] =	vst v63  }
0xbc: {  	_ =	swait.ge [sflag:s16], $0x2800  }
0xbd: {  	[sflag:s16] =	ssyncset.done $0x0  }
0xbe: {  	s6 =	rddreg [dreg:$0xf];
	[sflag:s16] =	ssyncadd.s32 $0xFFFFD800  }
0xbf: {  	[tilespmem:s25], [sflag:$0x3] =	stream.strided.gather [hbm4b:s6+s20], $0xA0, s21, s20, $0x38;
	[tilespmem:$0x1DB00] =	vst v63  }
0xc0: {  	_ =	swait.ge [sflag:s26], $0xA0  }
0xc1: {  	[sflag:s26] =	ssyncset.done $0x0  }
0xc2: {  	[sflag:s26] =	ssyncadd.s32 $0xFFFFFF60  }
0xc3: {  	[tilespmem:s28], [sflag:$0x6] =	stream.indirect.gather [hbm4b:s5+s20], $0x80, s22, s20, $0xb8;
	[tilespmem:$0x1DB00] =	vst v63  }
0xc4: {  	_ =	swait.ge [sflag:s29], $0x2800  }
0xc5: {  	[sflag:s29] =	ssyncset.done $0x0  }
0xc6: {  	[sflag:s29] =	ssyncadd.s32 $0xFFFFD800  }
0xc7: {  	[spmem:s3] =	stream.indirect.scatter.add.f32 [tilespmem:s24], [sflag:$0x9], $0x80, s20, s20, $0xb8;
	[tilespmem:$0x1DB00] =	vst v63  }
0xc8: {  	_ =	swait.ge [sflag:s17], $0x2800  }
0xc9: {  	[sflag:s17] =	ssyncset.done $0x0  }
0xca: {  	s18 =	rddreg [dreg:$0x10];
	[sflag:s17] =	ssyncadd.s32 $0xFFFFD800  }
0xcb: {  	[tilespmem:s30], [sflag:$0x4] =	stream.strided.gather [hbm4b:s18+s20], $0xA0, s21, s20, $0x38;
	[tilespmem:$0x1DB00] =	vst v63  }
0xcc: {  	_ =	swait.ge [sflag:s31], $0xA0  }
0xcd: {  	[sflag:s31] =	ssyncset.done $0x0  }
0xce: {  	[sflag:s31] =	ssyncadd.s32 $0xFFFFFF60  }
0xcf: {  	[tilespmem:s0], [sflag:$0x7] =	stream.indirect.gather [hbm4b:s5+s20], $0x80, s25, s20, $0xb8;
	[tilespmem:$0x1DB00] =	vst v63  }
0xd0: {  	_ =	swait.ge [sflag:s2], $0x2800  }
0xd1: {  	[sflag:s2] =	ssyncset.done $0x0  }
0xd2: {  	[sflag:s2] =	ssyncadd.s32 $0xFFFFD800  }
0xd3: {  	[spmem:s3] =	stream.indirect.scatter.add.f32 [tilespmem:s28], [sflag:$0xA], $0x80, s1, s20, $0xb8;
	[tilespmem:$0x1DB00] =	vst v63  }
0xd4: {  	_ =	swait.ge [sflag:s8], $0x2800  }
0xd5: {  	[sflag:s8] =	ssyncset.done $0x0  }
0xd6: {  	s19 =	rddreg [dreg:$0x11];
	[sflag:s8] =	ssyncadd.s32 $0xFFFFD800  }
0xd7: {  	[tilespmem:s4], [sflag:$0x1] =	stream.strided.gather [hbm4b:s19+s20], $0xA0, s21, s20, $0x38;
	[tilespmem:$0x1DB00] =	vst v63  }
0xd8: {  	_ =	swait.ge [sflag:s9], $0xA0  }
0xd9: {  	[sflag:s9] =	ssyncset.done $0x0  }
0xda: {  	[sflag:s9] =	ssyncadd.s32 $0xFFFFFF60  }
0xdb: {  	[tilespmem:s10], [sflag:$0x8] =	stream.indirect.gather [hbm4b:s5+s20], $0x80, s30, s20, $0xb8;
	[tilespmem:$0x1DB00] =	vst v63  }
0xdc: {  	_ =	swait.ge [sflag:s11], $0x2800  }
0xdd: {  	[sflag:s11] =	ssyncset.done $0x0  }
0xde: {  	[sflag:s11] =	ssyncadd.s32 $0xFFFFD800  }
0xdf: {  	[spmem:s3] =	stream.indirect.scatter.add.f32 [tilespmem:s0], [sflag:$0xB], $0x80, s12, s20, $0xb8;
	[tilespmem:$0x1DB00] =	vst v63  }
0xe0: {  	_ =	swait.ge [sflag:s13], $0x2800  }
0xe1: {  	[sflag:s13] =	ssyncset.done $0x0  }
0xe2: {  	[sflag:s13] =	ssyncadd.s32 $0xFFFFD800  }
0xe3: {  	_ =	swait.ge [sflag:s23], $0xA0  }
0xe4: {  	[sflag:s23] =	ssyncset.done $0x0  }
0xe5: {  	[sflag:s23] =	ssyncadd.s32 $0xFFFFFF60  }
0xe6: {  	[tilespmem:s24], [sflag:$0x5] =	stream.indirect.gather [hbm4b:s5+s20], $0x80, s4, s20, $0xb8;
	[tilespmem:$0x1DB00] =	vst v63  }
0xe7: {  	_ =	swait.ge [sflag:s14], $0x2800  }
0xe8: {  	[sflag:s14] =	ssyncset.done $0x0  }
0xe9: {  	[sflag:s14] =	ssyncadd.s32 $0xFFFFD800  }
0xea: {  	[spmem:s3] =	stream.indirect.scatter.add.f32 [tilespmem:s10], [sflag:$0xC], $0x80, s15, s20, $0xb8;
	[tilespmem:$0x1DB00] =	vst v63  }
0xeb: {  	_ =	swait.ge [sflag:s29], $0x2800  }
0xec: {  	[sflag:s29] =	ssyncset.done $0x0  }
0xed: {  	[sflag:s29] =	ssyncadd.s32 $0xFFFFD800  }
0xee: {  	[spmem:s3] =	stream.indirect.scatter.add.f32 [tilespmem:s24], [sflag:$0x9], $0x80, s20, s20, $0xb8;
	[tilespmem:$0x1DB00] =	vst v63  }
0xef: {  	_ =	swait.ge [sflag:s16], $0x2800  }
0xf0: {  	[sflag:s16] =	ssyncset.done $0x0  }
0xf1: {  	[sflag:s16] =	ssyncadd.s32 $0xFFFFD800  }
0xf2: {  	_ =	swait.ge [sflag:s17], $0x2800  }
0xf3: {  	[sflag:s17] =	ssyncset.done $0x0  }
0xf4: {  	[sflag:s17] =	ssyncadd.s32 $0xFFFFD800  }
0xf5: {  	_ =	swait.ge [sflag:s8], $0x2800  }
0xf6: {  	[sflag:s8] =	ssyncset.done $0x0  }
0xf7: {  	[sflag:s8] =	ssyncadd.s32 $0xFFFFD800  }
0xf8: {  	[bflag:$0x0] =	sbarrier.arrive $0xFFFF  }
0xf9: {  	s18 =	rddreg [dreg:$0x8]  }
0xfa: {  	s7 =	rddreg [dreg:$0x12]  }
0xfb: {  	s6 =	simm.s32 $0xD;
	s19 =	rddreg [dreg:$0x14]  }
0xfc: {  	[hbm:s7], [sflag:s18] =	dma.local [spmem:s19], $0x2710  }
0xfd: {  	_ =	swait.ge [sflag:s6], $0x2710  }
0xfe: {  	s7 =	rddreg [dreg:$0x15]  }
0xff: {  	[sflag:s6] =	ssyncset.done $0x0;
	s6 =	rddreg [dreg:$0x13];
	s7 =	sadd.s32 $0x1, s7  }
0x100: {  	p0 =	sne.s32 s7, s6  }
.Ltmp1:
0x101: {  	_ = 	snop;
	(pc) =	sbr.rel @p0 .LBB2_1-.Ltmp1, $3  }
0x102: {  	_ =	sdelay $0x1  }
0x103: {  	s6 =	simm.s32 $0xD  }
0x104: {  	[sflag:s6] =	ssyncadd.s32 $0xFFFFD8F0  }
0x105: {  	_ =	sfence.sel $0x180000  }
0x106: {  	[bflag:$0x0] =	sbarrier.arrive $0xFFFF  }
0x107: {  	_ =	strace $0x9000004A  }
0x108: {  	s0 =	stileid.u32;
	[bflag:$0x2] =	sbarrier.arrive $0xFFFF  }
0x109: {  	p0 =	sne.s32 s0, $0x0;
	s0 =	rddreg [dreg:$0x3]  }
0x10a: {  	s0 =	sadd.s32 @!p0 $0x100000, s0  }
0x10b: {  	[sflag:s0] =	ssyncadd.tile.s32 @!p0 $0x1;
	_ =	shalt  }
.Lfunc_end2:
_tile_overlayer_lowered:
.L_overlay_start_2:
0x10c: {  	(tag) =	ssettag $0x2  }
0x10d: {  	s0 =	rddreg [dreg:$0x0];
	s2 =	stileid.u32  }
0x10e: {  	s1 =	rddreg [dreg:$0x1];
	p0 =	sne.s32 s2, $0x0  }
0x10f: {  	s3 =	rddreg [dreg:$0x2];
	[bflag:$0x3] =	sbarrier.arrive $0xFFFF;
	s2 =	simm.s32 @!p0 $0x1C0D  }
0x110: {  	[timem:s3], [sflag:s2] =	dma.local @!p0 [hbm:s0], s1  }
0x111: {  	s0 =	simm.s32 @!p0 $0xD  }
0x112: {  	_ =	swait.ge @!p0 [sflag:s0], s1  }
0x113: {  	s1 =	ssub.s32 @!p0 $0x0, s1;
	[sflag:s0] =	ssyncset.done @!p0 $0x0  }
0x114: {  	[sflag:s0] =	ssyncadd.s32 @!p0 s1  }
0x115: {  	[bflag:$0x3] =	sbarrier.arrive $0xFFFF  }
0x116: {  	_ =	shalt  }

// kernel: kernel.15.cloned.1.call-start
scs
__scs_entry_jumppad:
0x0: {  	(pc) =	sbr.rel $0x88, $3  }
0x1: {  	(tag) =	ssettag $0x0;
	lr =	simm.s32 $0x1  }
0x2: {  	[smem:$0x3F99] =	sst lr;
	_ =	strace $0xD0000000  }
0x3: {  	_ = 	snop  }
0x4: {  	_ = 	snop  }
0x5: {  	_ = 	snop  }
0x6: {  	_ = 	snop  }
0x7: {  	_ = 	snop  }
__scs_overlays_trampoline_lowered:
0x8: {  	[smem:$0x3FA8] =	sst s0  }
0x9: {  	[smem:$0x3FA9] =	sst s1  }
0xa: {  	[smem:$0x3FAA] =	sst s2  }
0xb: {  	[smem:$0x3FAB] =	sst s3  }
0xc: {  	[smem:$0x3FAC] =	sst s4  }
0xd: {  	[smem:$0x3FAD] =	sst s5  }
0xe: {  	[smem:$0x3FAE] =	sst s6  }
0xf: {  	[smem:$0x3FAF] =	sst s7  }
0x10: {  	[smem:$0x3FB0] =	sst s8  }
0x11: {  	[smem:$0x3FB1] =	sst s9;
	s0 =	simm.s32 @!p0 $0x0  }
0x12: {  	s1 =	sld [smem:$0x3F97];
	s0 =	simm.s32 @p0 $0x1  }
0x13: {  	[smem:$0x3FB2] =	sst s0;
	s0 =	simm.s32 @!p1 $0x0  }
0x14: {  	s2 =	sld [smem:$0x3F96];
	s0 =	simm.s32 @p1 $0x1  }
0x15: {  	[smem:$0x3FB3] =	sst s0;
	s0 =	simm.s32 @!p2 $0x0  }
0x16: {  	s3 =	sld [smem:$0x3FDB];
	s0 =	simm.s32 @p2 $0x1  }
0x17: {  	s4 =	simm.s32 $0x1BF5;
	[smem:$0x3FB5] =	sst s0  }
0x18: {  	s0 =	sld [smem:$0x3F98];
	_ =	swait.ge [sflag:s4], $0x0  }
0x19: {  	s7 =	sld [smem:$0x3F99]  }
0x1a: {  	s8 =	sadd.s32 $0xFFFFE003, lr  }
0x1b: {  	s9 =	sadd.s32 $0xFFFFFEF7, lr;
	s5 =	simm.s32 $0xFFFFFFFF;
	p2 =	slt.u32 s8, $0xFFFFF086  }
0x1c: {  	p1 =	slt.u32 s9, $0xF7A;
	s5 =	simm.s32 @!p2 $0x0  }
0x1d: {  	s5 =	simm.s32 @p1 $0x1;
	p0 =	seq.s32 s7, s2  }
0x1e: {  	s7 =	smul.u32 @!p0 $0xF7A, s2;
	p2 =	seq.s32 @!p0 s5, $0x0  }
0x1f: {  	s9 =	smul.u32 $0xF7A, s1;
	s8 =	simm.s32 @!p0 $0x1BF5;
	p2 =	por !p2, p0  }
0x20: {  	[sflag:s8] =	ssyncset.s32 @!p0 $0xFFFFF086;
	s6 =	sadd.s32 @!p0 s3, s7;
	s7 =	simm.s32 @!p0 $0x108  }
0x21: {  	s3 =	sadd.s32 s3, s9;
	s6 =	sadd.s32 @!p0 $0x88, s6;
	s7 =	simm.s32 @p2 $0x1082  }
0x22: {  	[simem:s7], [sflag:s8] =	dma.local @!p0 [hbm:s6], $0xF7A  }
0x23: {  	s9 =	sor.u32 $0xD0000000, s2;
	s6 =	simm.s32 $0x108;
	_ =	swait.ge @!p0 [sflag:s8], $0x0  }
0x24: {  	s3 =	sadd.s32 $0x88, s3;
	s6 =	simm.s32 @!p1 $0x1082;
	[sflag:s4] =	ssyncset.s32 $0xFFFFF086  }
0x25: {  	[simem:s6], [sflag:s4] =	dma.local [hbm:s3], $0xF7A  }
0x26: {  	[smem:$0x3F99] =	sst s1;
	(tag) =	ssettag s2;
	_ =	strace s9  }
0x27: {  	s1 =	sld [smem:$0x3FA9]  }
0x28: {  	s2 =	sld [smem:$0x3FAA]  }
0x29: {  	s4 =	sld [smem:$0x3FAC]  }
0x2a: {  	p0 =	seq.s32 s5, $0x0;
	s5 =	sld [smem:$0x3FAD]  }
0x2b: {  	s6 =	sld [smem:$0x3FAE]  }
0x2c: {  	s7 =	sld [smem:$0x3FAF]  }
0x2d: {  	s3 =	simm.s32 $0x108;
	s8 =	sld [smem:$0x3FB0]  }
0x2e: {  	s3 =	simm.s32 @!p0 $0x1082;
	s9 =	sld [smem:$0x3FB1]  }
0x2f: {  	lr =	sadd.s32 s0, s3;
	s0 =	sld [smem:$0x3FA8]  }
0x30: {  	s3 =	sld [smem:$0x3FAB]  }
0x31: {  	[smem:$0x3FB4] =	sst s10  }
0x32: {  	s10 =	sld [smem:$0x3FB2];
	_ =	sdelay $0x3  }
0x33: {  	p0 =	seq.s32 s10, $0x1;
	s10 =	sld [smem:$0x3FB4];
	_ =	sdelay $0x3  }
0x34: {  	[smem:$0x3FB4] =	sst s10  }
0x35: {  	s10 =	sld [smem:$0x3FB3];
	_ =	sdelay $0x3  }
0x36: {  	p1 =	seq.s32 s10, $0x1;
	s10 =	sld [smem:$0x3FB4];
	_ =	sdelay $0x3  }
0x37: {  	[smem:$0x3FB4] =	sst s10  }
0x38: {  	s10 =	sld [smem:$0x3FB5]  }
0x39: {  	_ = 	snop;
	(pc) =	sbr.ind lr, $3  }
0x3a: {  	_ = 	snop  }
0x3b: {  	_ = 	snop  }
0x3c: {  	p2 =	seq.s32 s10, $0x1;
	s10 =	sld [smem:$0x3FB4]  }
0x3d: {  	_ =	shalt  }
0x3e: {  	_ =	shalt  }
0x3f: {  	_ =	shalt  }
0x40: {  	_ =	shalt  }
0x41: {  	_ =	shalt  }
0x42: {  	_ =	shalt  }
0x43: {  	_ =	shalt  }
0x44: {  	_ =	shalt  }
0x45: {  	_ =	shalt  }
0x46: {  	_ =	shalt  }
0x47: {  	_ =	shalt  }
0x48: {  	_ =	shalt  }
0x49: {  	_ =	shalt  }
0x4a: {  	_ =	shalt  }
0x4b: {  	_ =	shalt  }
0x4c: {  	_ =	shalt  }
0x4d: {  	_ =	shalt  }
0x4e: {  	_ =	shalt  }
0x4f: {  	_ =	shalt  }
0x50: {  	_ =	shalt  }
0x51: {  	_ =	shalt  }
0x52: {  	_ =	shalt  }
0x53: {  	_ =	shalt  }
0x54: {  	_ =	shalt  }
0x55: {  	_ =	shalt  }
0x56: {  	_ =	shalt  }
0x57: {  	_ =	shalt  }
0x58: {  	_ =	shalt  }
0x59: {  	_ =	shalt  }
0x5a: {  	_ =	shalt  }
0x5b: {  	_ =	shalt  }
0x5c: {  	_ =	shalt  }
0x5d: {  	_ =	shalt  }
0x5e: {  	_ =	shalt  }
0x5f: {  	_ =	shalt  }
0x60: {  	_ =	shalt  }
0x61: {  	_ =	shalt  }
0x62: {  	_ =	shalt  }
0x63: {  	_ =	shalt  }
0x64: {  	_ =	shalt  }
0x65: {  	_ =	shalt  }
0x66: {  	_ =	shalt  }
0x67: {  	_ =	shalt  }
0x68: {  	_ =	shalt  }
0x69: {  	_ =	shalt  }
0x6a: {  	_ =	shalt  }
0x6b: {  	_ =	shalt  }
0x6c: {  	_ =	shalt  }
0x6d: {  	_ =	shalt  }
0x6e: {  	_ =	shalt  }
0x6f: {  	_ =	shalt  }
0x70: {  	_ =	shalt  }
0x71: {  	_ =	shalt  }
0x72: {  	_ =	shalt  }
0x73: {  	_ =	shalt  }
0x74: {  	_ =	shalt  }
0x75: {  	_ =	shalt  }
0x76: {  	_ =	shalt  }
0x77: {  	_ =	shalt  }
0x78: {  	_ =	shalt  }
0x79: {  	_ =	shalt  }
0x7a: {  	_ =	shalt  }
0x7b: {  	_ =	shalt  }
0x7c: {  	_ =	shalt  }
0x7d: {  	_ =	shalt  }
0x7e: {  	_ =	shalt  }
0x7f: {  	_ =	shalt  }
0x80: {  	_ =	shalt  }
0x81: {  	_ =	shalt  }
0x82: {  	_ =	shalt  }
0x83: {  	_ =	shalt  }
0x84: {  	_ =	shalt  }
0x85: {  	_ =	shalt  }
0x86: {  	_ =	shalt  }
0x87: {  	_ =	shalt  }
.Lfunc_end0:
.L_simem_size_0:
called_computation.2_lowered:
.L_overlay_start_0:
0x88: {  	s2 =	sld [smem:$0x3FD9]  }
0x89: {  	s3 =	sld [smem:$0x3FFE];
	_ =	sdelay $0x1  }
0x8a: {  	s1 =	srdreg.scid  }
0x8b: {  	s0 =	sand.u32 $0x1, s1  }
0x8c: {  	s17 =	sshll.u32 s0, $0xA;
	s2 =	sadd.s32 s3, s2  }
0x8d: {  	s2 =	sadd.s32 s2, s17  }
0x8e: {  	[smem:$0x3FC0] =	sst s2  }
0x8f: {  	_ = 	snop  }
0x90: {  	s2 =	sld [smem:$0x3FD0];
	(tm) =	ssettm $0x1  }
0x91: {  	s18 =	sld [smem:$0x3FFB];
	_ =	sdelay $0x3  }
0x92: {  	_ =	strace s18  }
0x93: {  	s3 =	sld [smem:$0x3FFC];
	_ =	sdelay $0x3  }
0x94: {  	_ =	strace s3  }
0x95: {  	s3 =	sld [smem:$0x3FFD];
	_ =	sdelay $0x3  }
0x96: {  	_ =	strace s3  }
0x97: {  	_ =	strace $0x8FFFFFFF  }
0x98: {  	s19 =	sld [smem:$0x3FDB];
	_ =	sdelay $0x1  }
0x99: {  	s4 =	simm.s32 $_scs_section_size  }
0x9a: {  	s5 =	simm.s32 $_size__tile_overlayer_lowered;
	s6 =	simm.s32 $_tile_overlayer_lowered  }
0x9b: {  	s22 =	simm.s32 $0x1BFF;
	s21 =	sshll.u32 s6, $0x1;
	s3 =	sadd.s32 s4, s19  }
0x9c: {  	s7 =	simm.s32 $0x0;
	s20 =	sshll.u32 s5, $0x1;
	s5 =	sadd.s32 s21, s3  }
0x9d: {  	[timem:s7], [sflag:s22] =	dma.local [hbm:s5], s20  }
0x9e: {  	_ =	swait.ge [sflag:s22], s20  }
0x9f: {  	s4 =	ssub.s32 $0x0, s20;
	[sflag:s22] =	ssyncset.done $0x0  }
0xa0: {  	[sflag:s22] =	ssyncadd.s32 s4;
	_ =	sdelay $0x1  }
0xa1: {  	s23 =	simm.s32 $0x1B8B  }
0xa2: {  	_ =	swait.ge [sflag:s23], $0x1  }
0xa3: {  	[sflag:s23] =	ssyncset.done $0x0  }
0xa4: {  	s25 =	simm.s32 $0x1B8E;
	s24 =	sld [smem:$0x3FFE];
	[sflag:s23] =	ssyncadd.s32 $0xFFFFFFFF  }
0xa5: {  	s26 =	simm.s32 $execute0_lowered;
	[smem:$0x3FD2] =	sst s25  }
0xa6: {  	s5 =	sshll.u32 s26, $0x1;
	_ =	strace $0x8000004C;
	[dreg:$0x1] =	wrdreg $0xFFFFFFFF  }
0xa7: {  	s28 =	simm.s32 $_size_execute0_lowered;
	s3 =	sadd.s32 s3, s5;
	[dreg:$0x0] =	wrdreg $0x0  }
0xa8: {  	s5 =	sshll.u32 s28, $0x1;
	[dreg:$0x2] =	wrdreg s3  }
0xa9: {  	[dreg:$0x3] =	wrdreg s5  }
0xaa: {  	[dreg:$0x4] =	wrdreg $0xC0  }
0xab: {  	_ =	task [dreg:s7], $0x5FFFF  }
0xac: {  	[dreg:$0x1] =	wrdreg $0xFFFFFFFF  }
0xad: {  	[dreg:$0x0] =	wrdreg $0x60  }
0xae: {  	[dreg:$0x2] =	wrdreg s24  }
0xaf: {  	[dreg:$0x3] =	wrdreg s2  }
0xb0: {  	[dreg:$0x4] =	wrdreg $0x4E200  }
0xb1: {  	[dreg:$0x5] =	wrdreg $0x9  }
0xb2: {  	_ =	task.clear_ibuf [dreg:s7], $0x6FFFF;
	_ =	strace $0x9000004C  }
0xb3: {  	s29 =	simm.s32 $0x9;
	_ =	strace $0x8000004E  }
0xb4: {  	_ =	swait.ge [sflag:s29], $0x1  }
0xb5: {  	[sflag:s29] =	ssyncadd.s32 $0xFFFFFFFF  }
0xb6: {  	_ =	strace $0x9000004E  }
0xb7: {  	_ =	sfence  }
0xb8: {  	s30 =	sld [smem:$0x0];
	_ =	sdelay $0x2  }
0xb9: {  	s31 =	sshll.u32 s1, $0xD;
	s1 =	sshrl.u32 s1, $0x2  }
0xba: {  	s3 =	sand.u32 $0x4000, s31;
	s1 =	sadd.s32 s1, s30  }
0xbb: {  	s0 =	sor.u32 s3, s0;
	s1 =	sshll.u32 s1, $0x11  }
0xbc: {  	s0 =	sor.u32 s1, s0  }
0xbd: {  	s0 =	sadd.s32 $0x8F2B, s0  }
0xbe: {  	[sflag:s0] =	ssyncadd.remote.s32 $0x1  }
0xbf: {  	_ =	sfence.sel $0xFFFF  }
0xc0: {  	[dreg:$0x0] =	wrdreg $0xFFFFFFFF;
	(pc) =	sbr.abs _section_cstart, $3  }
0xc1: {  	[dreg:$0x1] =	wrdreg $0xFFFFFFFF  }
0xc2: {  	_ =	task.clear_ibuf [dreg:s7], $0x2FFFF;
	_ =	strace $0x9FFFFFFF  }
0xc3: {  	(tm) =	ssettm $0x7FFFFFFF  }
tec
execute0_lowered:
.L_overlay_start_1:
0x0: {  	(tag) =	ssettag $0x1  }
0x1: {  	s0 =	rddreg [dreg:$0x0]  }
0x2: {  	s3 =	rddreg [dreg:$0x2]  }
0x3: {  	s1 =	srdreg.scid;
	s4 =	stileid.u32  }
0x4: {  	s20 =	simm.s32 $0x0;
	s28 =	simm.s32 $0x2;
	s31 =	simm.s32 $0x3  }
0x5: {  	s1 =	sand.u32 $0x1, s1;
	s2 =	smul.u32 $0x7530, s4;
	[smem:$0x7FF] =	sst s20  }
0x6: {  	s7 =	sshll.u32 s4, $0x1;
	s5 =	sadd.s32 $0x15200, s0;
	s26 =	smul.u32 $0x4E20, s4  }
0x7: {  	s9 =	sadd.s32 $0x1800, s0;
	s24 =	sshll.u32 s4, $0x6;
	s6 =	smul.u32 $0x75300, s1  }
0x8: {  	s7 =	sor.u32 s1, s7;
	s8 =	ssub.s32 $0x2, s1;
	s1 =	smul.u32 $0x2710, s1  }
0x9: {  	_ =	strace $0x8000004D;
	s19 =	sor.u32 $0x1C10, s24;
	s7 =	smul.u32 $0x2710, s7  }
0xa: {  	s22 =	sshrl.u32 s8, $0x1;
	[dreg:$0xb] =	wrdreg s19;
	s6 =	sadd.s32 s2, s6  }
0xb: {  	s2 =	sadd.s32 s2, s3;
	s1 =	sadd.s32 s1, s26;
	s6 =	sshrl.u32 s6, $0x3  }
0xc: {  	[dreg:$0x9] =	wrdreg s2;
	s23 =	sshrl.u32 s7, $0x3;
	s15 =	sadd.s32 $0x3C0, s1  }
0xd: {  	s17 =	sadd.s32 $0x370, s1;
	s0 =	sadd.s32 s6, s0;
	s25 =	sadd.s32 s9, s23  }
0xe: {  	s6 =	ssub.s32 s8, s22;
	s29 =	sadd.s32 $0xA, s25;
	[dreg:$0xa] =	wrdreg s25  }
0xf: {  	s2 =	sshrl.u32 s15, $0x3;
	s30 =	sadd.s32 $0x14, s25;
	[dreg:$0xc] =	wrdreg s29  }
0x10: {  	s21 =	sshrl.u32 s17, $0x3;
	s7 =	sadd.s32 $0x1E, s25;
	[dreg:$0xd] =	wrdreg s30  }
0x11: {  	s23 =	sadd.s32 $0x320, s1;
	s10 =	sadd.s32 $0x28, s25;
	[dreg:$0xe] =	wrdreg s7  }
0x12: {  	s15 =	simm.s32 $0x8;
	s11 =	sadd.s32 $0x32, s25;
	[dreg:$0xf] =	wrdreg s10  }
0x13: {  	s17 =	simm.s32 $0xC;
	s12 =	sadd.s32 $0x3C, s25;
	[dreg:$0x10] =	wrdreg s11  }
0x14: {  	s8 =	simm.s32 $0xA;
	s13 =	sadd.s32 $0x46, s25;
	[dreg:$0x11] =	wrdreg s12  }
0x15: {  	s14 =	sadd.s32 $0x4CE, s25;
	s16 =	sadd.s32 $0x4D8, s25;
	[dreg:$0x12] =	wrdreg s13  }
0x16: {  	s0 =	sadd.s32 $0x23E00, s0;
	s18 =	sadd.s32 s2, s9;
	[dreg:$0x13] =	wrdreg s14  }
0x17: {  	s22 =	sadd.s32 s21, s9;
	s24 =	sshrl.u32 s23, $0x3;
	[dreg:$0x14] =	wrdreg s16  }
0x18: {  	s25 =	sadd.s32 $0x2D0, s1;
	s1 =	sadd.s32 $0x280, s1;
	[dreg:$0x15] =	wrdreg s0  }
0x19: {  	s23 =	simm.s32 $0x10;
	s21 =	simm.s32 $0x50;
	[dreg:$0x4] =	wrdreg s18  }
0x1a: {  	[dreg:$0x5] =	wrdreg s22;
	s0 =	sadd.s32 s24, s9;
	s2 =	sshrl.u32 s25, $0x3  }
0x1b: {  	s1 =	sshrl.u32 s1, $0x3;
	s29 =	smax.u32 s6, $0x1;
	s22 =	simm.s32 $0x4E200  }
0x1c: {  	s25 =	simm.s32 $0x1;
	s6 =	simm.s32 $0x4;
	s10 =	simm.s32 $0x7  }
0x1d: {  	s12 =	simm.s32 $0xB;
	s13 =	simm.s32 $0x5;
	s18 =	simm.s32 $0x9  }
0x1e: {  	s7 =	simm.s32 $0xD;
	s11 =	simm.s32 $0xE;
	[dreg:$0x6] =	wrdreg s0  }
0x1f: {  	s16 =	simm.s32 $0xF;
	s26 =	sadd.s32 s2, s9;
	[dreg:$0x16] =	wrdreg s29  }
0x20: {  	s24 =	simm.s32 $0xA0;
	s30 =	sadd.s32 s1, s9;
	[dreg:$0x7] =	wrdreg s26  }
0x21: {  	s1 =	simm.s32 $0x6;
	s0 =	simm.s32 $0x0;
	[dreg:$0x8] =	wrdreg s30  }
.LBB2_1:
0x22: {  	[dreg:$0x17] =	wrdreg s0  }
0x23: {  	s4 =	rddreg [dreg:$0x9]  }
0x24: {  	s29 =	rddreg [dreg:$0x1];
	s26 =	sshrl.u32 s4, $0x3  }
0x25: {  	[dreg:$0x18] =	wrdreg s26  }
0x26: {  	[spmem:s26], [sflag:s19] =	dma.local [hbm:s29], $0xEA6  }
0x27: {  	_ =	swait.ge [sflag:s23], $0xEA6  }
0x28: {  	[sflag:s23] =	ssyncset.done $0x0  }
0x29: {  	[sflag:s23] =	ssyncadd.s32 $0xFFFFF15A  }
0x2a: {  	[bflag:$0x0] =	sbarrier.arrive $0xFFFF  }
0x2b: {  	s30 =	rddreg [dreg:$0xa]  }
0x2c: {  	[tilespmem:s20], [sflag:$0x1] =	stream.strided.gather [hbm4b:s30+s21], $0xA0, s22, s21, $0x38;
	[tilespmem:$0xC350] =	vst v63  }
0x2d: {  	s0 =	rddreg [dreg:$0xc]  }
0x2e: {  	[tilespmem:s24], [sflag:$0x2] =	stream.strided.gather [hbm4b:s0+s21], $0xA0, s22, s21, $0x38;
	[tilespmem:$0xC350] =	vst v63  }
0x2f: {  	s14 =	simm.s32 $0x140;
	s2 =	rddreg [dreg:$0xd]  }
0x30: {  	[tilespmem:s14], [sflag:$0x3] =	stream.strided.gather [hbm4b:s2+s21], $0xA0, s22, s21, $0x38;
	[tilespmem:$0xC350] =	vst v63  }
0x31: {  	_ =	swait.ge [sflag:s25], $0xA0  }
0x32: {  	[sflag:s25] =	ssyncset.done $0x0  }
0x33: {  	s26 =	simm.s32 $0x320;
	[sflag:s25] =	ssyncadd.s32 $0xFFFFFF60  }
0x34: {  	[tilespmem:s26], [sflag:$0x6] =	stream.indirect.gather [hbm4b:s5+s21], $0x30, s20, s21, $0xb8;
	[tilespmem:$0xC350] =	vst v63  }
0x35: {  	_ =	swait.ge [sflag:s28], $0xA0  }
0x36: {  	[sflag:s28] =	ssyncset.done $0x0  }
0x37: {  	s29 =	simm.s32 $0x1220;
	[sflag:s28] =	ssyncadd.s32 $0xFFFFFF60  }
0x38: {  	[tilespmem:s29], [sflag:$0x7] =	stream.indirect.gather [hbm4b:s5+s21], $0x30, s24, s21, $0xb8;
	[tilespmem:$0xC350] =	vst v63  }
0x39: {  	s0 =	simm.s32 $0x1E0;
	s9 =	rddreg [dreg:$0xe]  }
0x3a: {  	[tilespmem:s0], [sflag:$0x4] =	stream.strided.gather [hbm4b:s9+s21], $0xA0, s22, s21, $0x38;
	[tilespmem:$0xC350] =	vst v63  }
0x3b: {  	_ =	swait.ge [sflag:s31], $0xA0  }
0x3c: {  	[sflag:s31] =	ssyncset.done $0x0  }
0x3d: {  	s30 =	simm.s32 $0x2120;
	[sflag:s31] =	ssyncadd.s32 $0xFFFFFF60  }
0x3e: {  	[tilespmem:s30], [sflag:$0x8] =	stream.indirect.gather [hbm4b:s5+s21], $0x30, s14, s21, $0xb8;
	[tilespmem:$0xC350] =	vst v63  }
0x3f: {  	_ =	swait.ge [sflag:s1], $0xF00  }
0x40: {  	[sflag:s1] =	ssyncset.done $0x0  }
0x41: {  	[sflag:s1] =	ssyncadd.s32 $0xFFFFF100  }
0x42: {  	[spmem:s3] =	stream.indirect.scatter.add.f32 [tilespmem:s26], [sflag:$0xB], $0x30, s21, s21, $0xb8;
	[tilespmem:$0xC350] =	vst v63  }
0x43: {  	s23 =	simm.s32 $0x280;
	s19 =	rddreg [dreg:$0xf]  }
0x44: {  	[tilespmem:s23], [sflag:$0x5] =	stream.strided.gather [hbm4b:s19+s21], $0xA0, s22, s21, $0x38;
	[tilespmem:$0xC350] =	vst v63  }
0x45: {  	_ =	swait.ge [sflag:s6], $0xA0  }
0x46: {  	[sflag:s6] =	ssyncset.done $0x0  }
0x47: {  	s9 =	simm.s32 $0x3020;
	[sflag:s6] =	ssyncadd.s32 $0xFFFFFF60  }
0x48: {  	[tilespmem:s9], [sflag:$0x9] =	stream.indirect.gather [hbm4b:s5+s21], $0x30, s0, s21, $0xb8;
	[tilespmem:$0xC350] =	vst v63  }
0x49: {  	_ =	swait.ge [sflag:s10], $0xF00  }
0x4a: {  	[sflag:s10] =	ssyncset.done $0x0  }
0x4b: {  	s2 =	simm.s32 $0xF0;
	[sflag:s10] =	ssyncadd.s32 $0xFFFFF100  }
0x4c: {  	[spmem:s3] =	stream.indirect.scatter.add.f32 [tilespmem:s29], [sflag:$0xC], $0x30, s2, s21, $0xb8;
	[tilespmem:$0xC350] =	vst v63  }
0x4d: {  	_ =	swait.ge [sflag:s12], $0xF00  }
0x4e: {  	[sflag:s12] =	ssyncset.done $0x0  }
0x4f: {  	s2 =	rddreg [dreg:$0x10];
	[sflag:s12] =	ssyncadd.s32 $0xFFFFF100  }
0x50: {  	[tilespmem:s20], [sflag:$0x1] =	stream.strided.gather [hbm4b:s2+s21], $0xA0, s22, s21, $0x38;
	[tilespmem:$0xC350] =	vst v63  }
0x51: {  	_ =	swait.ge [sflag:s13], $0xA0  }
0x52: {  	[sflag:s13] =	ssyncset.done $0x0  }
0x53: {  	s2 =	simm.s32 $0x3F20;
	[sflag:s13] =	ssyncadd.s32 $0xFFFFFF60  }
0x54: {  	[tilespmem:s2], [sflag:$0xA] =	stream.indirect.gather [hbm4b:s5+s21], $0x30, s23, s21, $0xb8;
	[tilespmem:$0xC350] =	vst v63  }
0x55: {  	_ =	swait.ge [sflag:s15], $0xF00  }
0x56: {  	[sflag:s15] =	ssyncset.done $0x0  }
0x57: {  	s19 =	simm.s32 $0x190;
	[sflag:s15] =	ssyncadd.s32 $0xFFFFF100  }
0x58: {  	[spmem:s3] =	stream.indirect.scatter.add.f32 [tilespmem:s30], [sflag:$0xD], $0x30, s19, s21, $0xb8;
	[tilespmem:$0xC350] =	vst v63  }
0x59: {  	_ =	swait.ge [sflag:s17], $0xF00  }
0x5a: {  	[sflag:s17] =	ssyncset.done $0x0  }
0x5b: {  	s19 =	rddreg [dreg:$0x11];
	[sflag:s17] =	ssyncadd.s32 $0xFFFFF100  }
0x5c: {  	[tilespmem:s24], [sflag:$0x2] =	stream.strided.gather [hbm4b:s19+s21], $0xA0, s22, s21, $0x38;
	[tilespmem:$0xC350] =	vst v63  }
0x5d: {  	_ =	swait.ge [sflag:s25], $0xA0  }
0x5e: {  	[sflag:s25] =	ssyncset.done $0x0  }
0x5f: {  	[sflag:s25] =	ssyncadd.s32 $0xFFFFFF60  }
0x60: {  	[tilespmem:s26], [sflag:$0x6] =	stream.indirect.gather [hbm4b:s5+s21], $0x30, s20, s21, $0xb8;
	[tilespmem:$0xC350] =	vst v63  }
0x61: {  	_ =	swait.ge [sflag:s18], $0xF00  }
0x62: {  	[sflag:s18] =	ssyncset.done $0x0  }
0x63: {  	s19 =	simm.s32 $0x230;
	[sflag:s18] =	ssyncadd.s32 $0xFFFFF100  }
0x64: {  	[spmem:s3] =	stream.indirect.scatter.add.f32 [tilespmem:s9], [sflag:$0xE], $0x30, s19, s21, $0xb8;
	[tilespmem:$0xC350] =	vst v63  }
0x65: {  	_ =	swait.ge [sflag:s7], $0xF00  }
0x66: {  	[sflag:s7] =	ssyncset.done $0x0  }
0x67: {  	s19 =	rddreg [dreg:$0x12];
	[sflag:s7] =	ssyncadd.s32 $0xFFFFF100  }
0x68: {  	[tilespmem:s14], [sflag:$0x3] =	stream.strided.gather [hbm4b:s19+s21], $0xA0, s22, s21, $0x38;
	[tilespmem:$0xC350] =	vst v63  }
0x69: {  	_ =	swait.ge [sflag:s28], $0xA0  }
0x6a: {  	[sflag:s28] =	ssyncset.done $0x0  }
0x6b: {  	[sflag:s28] =	ssyncadd.s32 $0xFFFFFF60  }
0x6c: {  	[tilespmem:s29], [sflag:$0x7] =	stream.indirect.gather [hbm4b:s5+s21], $0x30, s24, s21, $0xb8;
	[tilespmem:$0xC350] =	vst v63  }
0x6d: {  	_ =	swait.ge [sflag:s8], $0xF00  }
0x6e: {  	[sflag:s8] =	ssyncset.done $0x0  }
0x6f: {  	s19 =	simm.s32 $0x2D0;
	[sflag:s8] =	ssyncadd.s32 $0xFFFFF100  }
0x70: {  	[spmem:s3] =	stream.indirect.scatter.add.f32 [tilespmem:s2], [sflag:$0xF], $0x30, s19, s21, $0xb8;
	[tilespmem:$0xC350] =	vst v63  }
0x71: {  	_ =	swait.ge [sflag:s11], $0xF00  }
0x72: {  	s4 =	rddreg [dreg:$0x8];
	[sflag:s11] =	ssyncset.done $0x0  }
0x73: {  	[sflag:s11] =	ssyncadd.s32 $0xFFFFF100;
	s19 =	sadd.s32 $0x0, s4  }
0x74: {  	[tilespmem:s0], [sflag:$0x4] =	stream.strided.gather [hbm4b:s19+s21], $0xA0, s22, s21, $0x38;
	[tilespmem:$0xC350] =	vst v63  }
0x75: {  	_ =	swait.ge [sflag:s31], $0xA0  }
0x76: {  	[sflag:s31] =	ssyncset.done $0x0  }
0x77: {  	[sflag:s31] =	ssyncadd.s32 $0xFFFFFF60  }
0x78: {  	[tilespmem:s30], [sflag:$0x8] =	stream.indirect.gather [hbm4b:s5+s21], $0x30, s14, s21, $0xb8;
	[tilespmem:$0xC350] =	vst v63  }
0x79: {  	_ =	swait.ge [sflag:s1], $0xF00  }
0x7a: {  	[sflag:s1] =	ssyncset.done $0x0  }
0x7b: {  	[sflag:s1] =	ssyncadd.s32 $0xFFFFF100  }
0x7c: {  	[spmem:s3] =	stream.indirect.scatter.add.f32 [tilespmem:s26], [sflag:$0xB], $0x30, s21, s21, $0xb8;
	[tilespmem:$0xC350] =	vst v63  }
0x7d: {  	_ =	swait.ge [sflag:s16], $0xF00  }
0x7e: {  	s4 =	rddreg [dreg:$0x7];
	[sflag:s16] =	ssyncset.done $0x0  }
0x7f: {  	[sflag:s16] =	ssyncadd.s32 $0xFFFFF100;
	s19 =	sadd.s32 $0x0, s4  }
0x80: {  	[tilespmem:s23], [sflag:$0x5] =	stream.strided.gather [hbm4b:s19+s21], $0xA0, s22, s21, $0x38;
	[tilespmem:$0xC350] =	vst v63  }
0x81: {  	_ =	swait.ge [sflag:s6], $0xA0  }
0x82: {  	[sflag:s6] =	ssyncset.done $0x0  }
0x83: {  	[sflag:s6] =	ssyncadd.s32 $0xFFFFFF60  }
0x84: {  	[tilespmem:s9], [sflag:$0x9] =	stream.indirect.gather [hbm4b:s5+s21], $0x30, s0, s21, $0xb8;
	[tilespmem:$0xC350] =	vst v63  }
0x85: {  	_ =	swait.ge [sflag:s10], $0xF00  }
0x86: {  	[sflag:s10] =	ssyncset.done $0x0  }
0x87: {  	s19 =	simm.s32 $0xF0;
	[sflag:s10] =	ssyncadd.s32 $0xFFFFF100  }
0x88: {  	[spmem:s3] =	stream.indirect.scatter.add.f32 [tilespmem:s29], [sflag:$0xC], $0x30, s19, s21, $0xb8;
	[tilespmem:$0xC350] =	vst v63  }
0x89: {  	_ =	swait.ge [sflag:s12], $0xF00  }
0x8a: {  	s4 =	rddreg [dreg:$0x6];
	[sflag:s12] =	ssyncset.done $0x0  }
0x8b: {  	[sflag:s12] =	ssyncadd.s32 $0xFFFFF100;
	s19 =	sadd.s32 $0x0, s4  }
0x8c: {  	[tilespmem:s20], [sflag:$0x1] =	stream.strided.gather [hbm4b:s19+s21], $0xA0, s22, s21, $0x38;
	[tilespmem:$0xC350] =	vst v63  }
0x8d: {  	_ =	swait.ge [sflag:s13], $0xA0  }
0x8e: {  	[sflag:s13] =	ssyncset.done $0x0  }
0x8f: {  	[sflag:s13] =	ssyncadd.s32 $0xFFFFFF60  }
0x90: {  	[tilespmem:s2], [sflag:$0xA] =	stream.indirect.gather [hbm4b:s5+s21], $0x30, s23, s21, $0xb8;
	[tilespmem:$0xC350] =	vst v63  }
0x91: {  	_ =	swait.ge [sflag:s15], $0xF00  }
0x92: {  	[sflag:s15] =	ssyncset.done $0x0  }
0x93: {  	s19 =	simm.s32 $0x190;
	[sflag:s15] =	ssyncadd.s32 $0xFFFFF100  }
0x94: {  	[spmem:s3] =	stream.indirect.scatter.add.f32 [tilespmem:s30], [sflag:$0xD], $0x30, s19, s21, $0xb8;
	[tilespmem:$0xC350] =	vst v63  }
0x95: {  	_ =	swait.ge [sflag:s17], $0xF00  }
0x96: {  	s23 =	rddreg [dreg:$0x5];
	[sflag:s17] =	ssyncset.done $0x0  }
0x97: {  	[sflag:s17] =	ssyncadd.s32 $0xFFFFF100;
	s19 =	sadd.s32 $0x0, s23  }
0x98: {  	[tilespmem:s24], [sflag:$0x2] =	stream.strided.gather [hbm4b:s19+s21], $0xA0, s22, s21, $0x38;
	[tilespmem:$0xC350] =	vst v63  }
0x99: {  	_ =	swait.ge [sflag:s25], $0xA0  }
0x9a: {  	[sflag:s25] =	ssyncset.done $0x0  }
0x9b: {  	[sflag:s25] =	ssyncadd.s32 $0xFFFFFF60  }
0x9c: {  	[tilespmem:s26], [sflag:$0x6] =	stream.indirect.gather [hbm4b:s5+s21], $0x30, s20, s21, $0xb8;
	[tilespmem:$0xC350] =	vst v63  }
0x9d: {  	_ =	swait.ge [sflag:s18], $0xF00  }
0x9e: {  	[sflag:s18] =	ssyncset.done $0x0  }
0x9f: {  	s26 =	simm.s32 $0x230;
	[sflag:s18] =	ssyncadd.s32 $0xFFFFF100  }
0xa0: {  	[spmem:s3] =	stream.indirect.scatter.add.f32 [tilespmem:s9], [sflag:$0xE], $0x30, s26, s21, $0xb8;
	[tilespmem:$0xC350] =	vst v63  }
0xa1: {  	_ =	swait.ge [sflag:s7], $0xF00  }
0xa2: {  	s30 =	rddreg [dreg:$0x4];
	[sflag:s7] =	ssyncset.done $0x0  }
0xa3: {  	[sflag:s7] =	ssyncadd.s32 $0xFFFFF100;
	s19 =	sadd.s32 $0x0, s30  }
0xa4: {  	[tilespmem:s14], [sflag:$0x3] =	stream.strided.gather [hbm4b:s19+s21], $0xA0, s22, s21, $0x38;
	[tilespmem:$0xC350] =	vst v63  }
0xa5: {  	_ =	swait.ge [sflag:s28], $0xA0  }
0xa6: {  	[sflag:s28] =	ssyncset.done $0x0  }
0xa7: {  	[sflag:s28] =	ssyncadd.s32 $0xFFFFFF60  }
0xa8: {  	[tilespmem:s29], [sflag:$0x7] =	stream.indirect.gather [hbm4b:s5+s21], $0x30, s24, s21, $0xb8;
	[tilespmem:$0xC350] =	vst v63  }
0xa9: {  	_ =	swait.ge [sflag:s8], $0xF00  }
0xaa: {  	[sflag:s8] =	ssyncset.done $0x0  }
0xab: {  	s23 =	simm.s32 $0x0;
	s19 =	simm.s32 $0x32;
	[sflag:s8] =	ssyncadd.s32 $0xFFFFF100  }
.LBB2_2:
0xac: {  	s2 =	simm.s32 $0x3F20;
	s0 =	simm.s32 $0x2D0  }
0xad: {  	[spmem:s3] =	stream.indirect.scatter.add.f32 [tilespmem:s2], [sflag:$0xF], $0x30, s0, s21, $0xb8;
	[tilespmem:$0xC350] =	vst v63  }
0xae: {  	_ =	swait.ge [sflag:s11], $0xF00  }
0xaf: {  	s20 =	smov.u32 s19;
	s4 =	rddreg [dreg:$0x8];
	[sflag:s11] =	ssyncset.done $0x0  }
0xb0: {  	s0 =	simm.s32 $0x1E0;
	[sflag:s11] =	ssyncadd.s32 $0xFFFFF100;
	s4 =	sadd.s32 s20, s4  }
0xb1: {  	[tilespmem:s0], [sflag:$0x4] =	stream.strided.gather [hbm4b:s4+s21], $0xA0, s22, s21, $0x38;
	[tilespmem:$0xC350] =	vst v63  }
0xb2: {  	_ =	swait.ge [sflag:s31], $0xA0  }
0xb3: {  	[sflag:s31] =	ssyncset.done $0x0  }
0xb4: {  	s26 =	simm.s32 $0x140;
	s30 =	simm.s32 $0x2120;
	[sflag:s31] =	ssyncadd.s32 $0xFFFFFF60  }
0xb5: {  	[tilespmem:s30], [sflag:$0x8] =	stream.indirect.gather [hbm4b:s5+s21], $0x30, s26, s21, $0xb8;
	[tilespmem:$0xC350] =	vst v63  }
0xb6: {  	_ =	swait.ge [sflag:s1], $0xF00  }
0xb7: {  	[sflag:s1] =	ssyncset.done $0x0  }
0xb8: {  	s29 =	simm.s32 $0x320;
	[sflag:s1] =	ssyncadd.s32 $0xFFFFF100  }
0xb9: {  	[spmem:s3] =	stream.indirect.scatter.add.f32 [tilespmem:s29], [sflag:$0xB], $0x30, s21, s21, $0xb8;
	[tilespmem:$0xC350] =	vst v63  }
0xba: {  	_ =	swait.ge [sflag:s16], $0xF00  }
0xbb: {  	s14 =	rddreg [dreg:$0x7];
	[sflag:s16] =	ssyncset.done $0x0  }
0xbc: {  	s9 =	simm.s32 $0x280;
	[sflag:s16] =	ssyncadd.s32 $0xFFFFF100;
	s4 =	sadd.s32 s20, s14  }
0xbd: {  	[tilespmem:s9], [sflag:$0x5] =	stream.strided.gather [hbm4b:s4+s21], $0xA0, s22, s21, $0x38;
	[tilespmem:$0xC350] =	vst v63  }
0xbe: {  	_ =	swait.ge [sflag:s6], $0xA0  }
0xbf: {  	[sflag:s6] =	ssyncset.done $0x0  }
0xc0: {  	s14 =	simm.s32 $0x3020;
	[sflag:s6] =	ssyncadd.s32 $0xFFFFFF60  }
0xc1: {  	[tilespmem:s14], [sflag:$0x9] =	stream.indirect.gather [hbm4b:s5+s21], $0x30, s0, s21, $0xb8;
	[tilespmem:$0xC350] =	vst v63  }
0xc2: {  	_ =	swait.ge [sflag:s10], $0xF00  }
0xc3: {  	[sflag:s10] =	ssyncset.done $0x0  }
0xc4: {  	s4 =	simm.s32 $0xF0;
	s0 =	simm.s32 $0x1220;
	[sflag:s10] =	ssyncadd.s32 $0xFFFFF100  }
0xc5: {  	[spmem:s3] =	stream.indirect.scatter.add.f32 [tilespmem:s0], [sflag:$0xC], $0x30, s4, s21, $0xb8;
	[tilespmem:$0xC350] =	vst v63  }
0xc6: {  	_ =	swait.ge [sflag:s12], $0xF00  }
0xc7: {  	s4 =	rddreg [dreg:$0x6];
	[sflag:s12] =	ssyncset.done $0x0  }
0xc8: {  	[sflag:s12] =	ssyncadd.s32 $0xFFFFF100;
	s4 =	sadd.s32 s20, s4  }
0xc9: {  	[tilespmem:s23], [sflag:$0x1] =	stream.strided.gather [hbm4b:s4+s21], $0xA0, s22, s21, $0x38;
	[tilespmem:$0xC350] =	vst v63  }
0xca: {  	_ =	swait.ge [sflag:s13], $0xA0  }
0xcb: {  	[sflag:s13] =	ssyncset.done $0x0  }
0xcc: {  	[sflag:s13] =	ssyncadd.s32 $0xFFFFFF60  }
0xcd: {  	[tilespmem:s2], [sflag:$0xA] =	stream.indirect.gather [hbm4b:s5+s21], $0x30, s9, s21, $0xb8;
	[tilespmem:$0xC350] =	vst v63  }
0xce: {  	_ =	swait.ge [sflag:s15], $0xF00  }
0xcf: {  	[sflag:s15] =	ssyncset.done $0x0  }
0xd0: {  	s9 =	simm.s32 $0x190;
	[sflag:s15] =	ssyncadd.s32 $0xFFFFF100  }
0xd1: {  	[spmem:s3] =	stream.indirect.scatter.add.f32 [tilespmem:s30], [sflag:$0xD], $0x30, s9, s21, $0xb8;
	[tilespmem:$0xC350] =	vst v63  }
0xd2: {  	_ =	swait.ge [sflag:s17], $0xF00  }
0xd3: {  	s2 =	rddreg [dreg:$0x5];
	[sflag:s17] =	ssyncset.done $0x0  }
0xd4: {  	[sflag:s17] =	ssyncadd.s32 $0xFFFFF100;
	s4 =	sadd.s32 s20, s2  }
0xd5: {  	[tilespmem:s24], [sflag:$0x2] =	stream.strided.gather [hbm4b:s4+s21], $0xA0, s22, s21, $0x38;
	[tilespmem:$0xC350] =	vst v63  }
0xd6: {  	_ =	swait.ge [sflag:s25], $0xA0  }
0xd7: {  	[sflag:s25] =	ssyncset.done $0x0  }
0xd8: {  	[sflag:s25] =	ssyncadd.s32 $0xFFFFFF60  }
0xd9: {  	[tilespmem:s29], [sflag:$0x6] =	stream.indirect.gather [hbm4b:s5+s21], $0x30, s23, s21, $0xb8;
	[tilespmem:$0xC350] =	vst v63  }
0xda: {  	_ =	swait.ge [sflag:s18], $0xF00  }
0xdb: {  	[sflag:s18] =	ssyncset.done $0x0  }
0xdc: {  	s9 =	simm.s32 $0x230;
	[sflag:s18] =	ssyncadd.s32 $0xFFFFF100  }
0xdd: {  	[spmem:s3] =	stream.indirect.scatter.add.f32 [tilespmem:s14], [sflag:$0xE], $0x30, s9, s21, $0xb8;
	[tilespmem:$0xC350] =	vst v63  }
0xde: {  	_ =	swait.ge [sflag:s7], $0xF00  }
0xdf: {  	s29 =	rddreg [dreg:$0x4];
	[sflag:s7] =	ssyncset.done $0x0  }
0xe0: {  	[sflag:s7] =	ssyncadd.s32 $0xFFFFF100;
	s4 =	sadd.s32 s20, s29  }
0xe1: {  	[tilespmem:s26], [sflag:$0x3] =	stream.strided.gather [hbm4b:s4+s21], $0xA0, s22, s21, $0x38;
	[tilespmem:$0xC350] =	vst v63  }
0xe2: {  	_ =	swait.ge [sflag:s28], $0xA0  }
0xe3: {  	p0 =	sne.s32 s19, $0x44C;
	[sflag:s28] =	ssyncset.done $0x0  }
.Ltmp0:
0xe4: {  	[sflag:s28] =	ssyncadd.s32 $0xFFFFFF60;
	(pc) =	sbr.rel @p0 .LBB2_2-.Ltmp0, $4  }
0xe5: {  	[tilespmem:s0], [sflag:$0x7] =	stream.indirect.gather [hbm4b:s5+s21], $0x30, s24, s21, $0xb8;
	[tilespmem:$0xC350] =	vst v63  }
0xe6: {  	_ =	swait.ge [sflag:s8], $0xF00  }
0xe7: {  	s19 =	sadd.s32 $0x32, s19;
	s30 =	simm.s32 $0x320;
	[sflag:s8] =	ssyncset.done $0x0  }
0xe8: {  	s20 =	simm.s32 $0x140;
	s26 =	simm.s32 $0x1220;
	[sflag:s8] =	ssyncadd.s32 $0xFFFFF100  }
0xe9: {  	s23 =	simm.s32 $0x2D0;
	s9 =	simm.s32 $0x3F20  }
0xea: {  	[spmem:s3] =	stream.indirect.scatter.add.f32 [tilespmem:s9], [sflag:$0xF], $0x30, s23, s21, $0xb8;
	[tilespmem:$0xC350] =	vst v63  }
0xeb: {  	_ =	swait.ge [sflag:s11], $0xF00  }
0xec: {  	[sflag:s11] =	ssyncset.done $0x0  }
0xed: {  	s0 =	simm.s32 $0x1E0;
	s4 =	rddreg [dreg:$0x13];
	[sflag:s11] =	ssyncadd.s32 $0xFFFFF100  }
0xee: {  	[tilespmem:s0], [sflag:$0x4] =	stream.strided.gather [hbm4b:s4+s21], $0xA0, s22, s21, $0x38;
	[tilespmem:$0xC350] =	vst v63  }
0xef: {  	_ =	swait.ge [sflag:s31], $0xA0  }
0xf0: {  	[sflag:s31] =	ssyncset.done $0x0  }
0xf1: {  	s19 =	simm.s32 $0x2120;
	[sflag:s31] =	ssyncadd.s32 $0xFFFFFF60  }
0xf2: {  	[tilespmem:s19], [sflag:$0x8] =	stream.indirect.gather [hbm4b:s5+s21], $0x30, s20, s21, $0xb8;
	[tilespmem:$0xC350] =	vst v63  }
0xf3: {  	_ =	swait.ge [sflag:s1], $0xF00  }
0xf4: {  	[sflag:s1] =	ssyncset.done $0x0  }
0xf5: {  	[sflag:s1] =	ssyncadd.s32 $0xFFFFF100  }
0xf6: {  	[spmem:s3] =	stream.indirect.scatter.add.f32 [tilespmem:s30], [sflag:$0xB], $0x30, s21, s21, $0xb8;
	[tilespmem:$0xC350] =	vst v63  }
0xf7: {  	_ =	swait.ge [sflag:s16], $0xF00  }
0xf8: {  	[sflag:s16] =	ssyncset.done $0x0  }
0xf9: {  	s2 =	simm.s32 $0x280;
	s20 =	rddreg [dreg:$0x14];
	[sflag:s16] =	ssyncadd.s32 $0xFFFFF100  }
0xfa: {  	[tilespmem:s2], [sflag:$0x5] =	stream.strided.gather [hbm4b:s20+s21], $0xA0, s22, s21, $0x38;
	[tilespmem:$0xC350] =	vst v63  }
0xfb: {  	_ =	swait.ge [sflag:s6], $0xA0  }
0xfc: {  	[sflag:s6] =	ssyncset.done $0x0  }
0xfd: {  	s29 =	simm.s32 $0x3020;
	[sflag:s6] =	ssyncadd.s32 $0xFFFFFF60  }
0xfe: {  	[tilespmem:s29], [sflag:$0x9] =	stream.indirect.gather [hbm4b:s5+s21], $0x30, s0, s21, $0xb8;
	[tilespmem:$0xC350] =	vst v63  }
0xff: {  	_ =	swait.ge [sflag:s10], $0xF00  }
0x100: {  	[sflag:s10] =	ssyncset.done $0x0  }
0x101: {  	s30 =	simm.s32 $0xF0;
	[sflag:s10] =	ssyncadd.s32 $0xFFFFF100  }
0x102: {  	[spmem:s3] =	stream.indirect.scatter.add.f32 [tilespmem:s26], [sflag:$0xC], $0x30, s30, s21, $0xb8;
	[tilespmem:$0xC350] =	vst v63  }
0x103: {  	_ =	swait.ge [sflag:s12], $0xF00  }
0x104: {  	[sflag:s12] =	ssyncset.done $0x0  }
0x105: {  	[sflag:s12] =	ssyncadd.s32 $0xFFFFF100  }
0x106: {  	_ =	swait.ge [sflag:s13], $0xA0  }
0x107: {  	[sflag:s13] =	ssyncset.done $0x0  }
0x108: {  	[sflag:s13] =	ssyncadd.s32 $0xFFFFFF60  }
0x109: {  	[tilespmem:s9], [sflag:$0xA] =	stream.indirect.gather [hbm4b:s5+s21], $0x30, s2, s21, $0xb8;
	[tilespmem:$0xC350] =	vst v63  }
0x10a: {  	_ =	swait.ge [sflag:s15], $0xF00  }
0x10b: {  	[sflag:s15] =	ssyncset.done $0x0  }
0x10c: {  	s14 =	simm.s32 $0x190;
	[sflag:s15] =	ssyncadd.s32 $0xFFFFF100  }
0x10d: {  	[spmem:s3] =	stream.indirect.scatter.add.f32 [tilespmem:s19], [sflag:$0xD], $0x30, s14, s21, $0xb8;
	[tilespmem:$0xC350] =	vst v63  }
0x10e: {  	_ =	swait.ge [sflag:s17], $0xF00  }
0x10f: {  	[sflag:s17] =	ssyncset.done $0x0  }
0x110: {  	[sflag:s17] =	ssyncadd.s32 $0xFFFFF100  }
0x111: {  	_ =	swait.ge [sflag:s18], $0xF00  }
0x112: {  	[sflag:s18] =	ssyncset.done $0x0  }
0x113: {  	s20 =	simm.s32 $0x230;
	[sflag:s18] =	ssyncadd.s32 $0xFFFFF100  }
0x114: {  	[spmem:s3] =	stream.indirect.scatter.add.f32 [tilespmem:s29], [sflag:$0xE], $0x30, s20, s21, $0xb8;
	[tilespmem:$0xC350] =	vst v63  }
0x115: {  	_ =	swait.ge [sflag:s7], $0xF00  }
0x116: {  	[sflag:s7] =	ssyncset.done $0x0  }
0x117: {  	[sflag:s7] =	ssyncadd.s32 $0xFFFFF100  }
0x118: {  	_ =	swait.ge [sflag:s8], $0xF00  }
0x119: {  	[sflag:s8] =	ssyncset.done $0x0  }
0x11a: {  	[sflag:s8] =	ssyncadd.s32 $0xFFFFF100  }
0x11b: {  	[spmem:s3] =	stream.indirect.scatter.add.f32 [tilespmem:s9], [sflag:$0xF], $0x30, s23, s21, $0xb8;
	[tilespmem:$0xC350] =	vst v63  }
0x11c: {  	_ =	swait.ge [sflag:s11], $0xF00  }
0x11d: {  	[sflag:s11] =	ssyncset.done $0x0  }
0x11e: {  	[sflag:s11] =	ssyncadd.s32 $0xFFFFF100  }
0x11f: {  	_ =	swait.ge [sflag:s16], $0xF00  }
0x120: {  	[sflag:s16] =	ssyncset.done $0x0  }
0x121: {  	[sflag:s16] =	ssyncadd.s32 $0xFFFFF100  }
0x122: {  	[bflag:$0x0] =	sbarrier.arrive $0xFFFF  }
0x123: {  	s19 =	rddreg [dreg:$0xb]  }
0x124: {  	s23 =	rddreg [dreg:$0x15]  }
0x125: {  	s26 =	rddreg [dreg:$0x18]  }
0x126: {  	[hbm:s23], [sflag:s19] =	dma.local [spmem:s26], $0xEA6  }
0x127: {  	s23 =	simm.s32 $0x10  }
0x128: {  	_ =	swait.ge [sflag:s23], $0xEA6  }
0x129: {  	s29 =	rddreg [dreg:$0x17]  }
0x12a: {  	s30 =	rddreg [dreg:$0x16];
	s0 =	sadd.s32 $0x1, s29  }
0x12b: {  	p0 =	sne.s32 s0, s30  }
.Ltmp1:
0x12c: {  	_ = 	snop;
	(pc) =	sbr.rel @p0 .LBB2_1-.Ltmp1, $3  }
0x12d: {  	_ =	sdelay $0x1  }
0x12e: {  	[sflag:s23] =	ssyncset.done $0x0  }
0x12f: {  	s20 =	simm.s32 $0x0;
	[sflag:s23] =	ssyncadd.s32 $0xFFFFF15A  }
0x130: {  	_ =	sfence.sel $0x180000  }
0x131: {  	[bflag:$0x0] =	sbarrier.arrive $0xFFFF  }
0x132: {  	_ =	strace $0x9000004D  }
0x133: {  	s0 =	stileid.u32;
	[bflag:$0x2] =	sbarrier.arrive $0xFFFF  }
0x134: {  	p0 =	sne.s32 s0, $0x0;
	s0 =	rddreg [dreg:$0x3]  }
0x135: {  	s0 =	sadd.s32 @!p0 $0x100000, s0  }
0x136: {  	[sflag:s0] =	ssyncadd.tile.s32 @!p0 $0x1;
	_ =	shalt  }
.Lfunc_end2:
_tile_overlayer_lowered:
.L_overlay_start_2:
0x137: {  	(tag) =	ssettag $0x2  }
0x138: {  	s0 =	rddreg [dreg:$0x0];
	s2 =	stileid.u32  }
0x139: {  	s1 =	rddreg [dreg:$0x1];
	p0 =	sne.s32 s2, $0x0  }
0x13a: {  	s3 =	rddreg [dreg:$0x2];
	[bflag:$0x3] =	sbarrier.arrive $0xFFFF;
	s2 =	simm.s32 @!p0 $0x1C10  }
0x13b: {  	[timem:s3], [sflag:s2] =	dma.local @!p0 [hbm:s0], s1  }
0x13c: {  	s0 =	simm.s32 @!p0 $0x10  }
0x13d: {  	_ =	swait.ge @!p0 [sflag:s0], s1  }
0x13e: {  	s1 =	ssub.s32 @!p0 $0x0, s1;
	[sflag:s0] =	ssyncset.done @!p0 $0x0  }
0x13f: {  	[sflag:s0] =	ssyncadd.s32 @!p0 s1  }
0x140: {  	[bflag:$0x3] =	sbarrier.arrive $0xFFFF  }
0x141: {  	_ =	shalt  }

// kernel: kernel.9.cloned.1.call-start
scs
__scs_entry_jumppad:
0x0: {  	(pc) =	sbr.rel $0x88, $3  }
0x1: {  	(tag) =	ssettag $0x0;
	lr =	simm.s32 $0x1  }
0x2: {  	[smem:$0x3F99] =	sst lr;
	_ =	strace $0xD0000000  }
0x3: {  	_ = 	snop  }
0x4: {  	_ = 	snop  }
0x5: {  	_ = 	snop  }
0x6: {  	_ = 	snop  }
0x7: {  	_ = 	snop  }
__scs_overlays_trampoline_lowered:
0x8: {  	[smem:$0x3FA8] =	sst s0  }
0x9: {  	[smem:$0x3FA9] =	sst s1  }
0xa: {  	[smem:$0x3FAA] =	sst s2  }
0xb: {  	[smem:$0x3FAB] =	sst s3  }
0xc: {  	[smem:$0x3FAC] =	sst s4  }
0xd: {  	[smem:$0x3FAD] =	sst s5  }
0xe: {  	[smem:$0x3FAE] =	sst s6  }
0xf: {  	[smem:$0x3FAF] =	sst s7  }
0x10: {  	[smem:$0x3FB0] =	sst s8  }
0x11: {  	[smem:$0x3FB1] =	sst s9;
	s0 =	simm.s32 @!p0 $0x0  }
0x12: {  	s1 =	sld [smem:$0x3F97];
	s0 =	simm.s32 @p0 $0x1  }
0x13: {  	[smem:$0x3FB2] =	sst s0;
	s0 =	simm.s32 @!p1 $0x0  }
0x14: {  	s2 =	sld [smem:$0x3F96];
	s0 =	simm.s32 @p1 $0x1  }
0x15: {  	[smem:$0x3FB3] =	sst s0;
	s0 =	simm.s32 @!p2 $0x0  }
0x16: {  	s3 =	sld [smem:$0x3FDB];
	s0 =	simm.s32 @p2 $0x1  }
0x17: {  	s4 =	simm.s32 $0x1BF5;
	[smem:$0x3FB5] =	sst s0  }
0x18: {  	s0 =	sld [smem:$0x3F98];
	_ =	swait.ge [sflag:s4], $0x0  }
0x19: {  	s7 =	sld [smem:$0x3F99]  }
0x1a: {  	s8 =	sadd.s32 $0xFFFFE003, lr  }
0x1b: {  	s9 =	sadd.s32 $0xFFFFFEF7, lr;
	s5 =	simm.s32 $0xFFFFFFFF;
	p2 =	slt.u32 s8, $0xFFFFF086  }
0x1c: {  	p1 =	slt.u32 s9, $0xF7A;
	s5 =	simm.s32 @!p2 $0x0  }
0x1d: {  	s5 =	simm.s32 @p1 $0x1;
	p0 =	seq.s32 s7, s2  }
0x1e: {  	s7 =	smul.u32 @!p0 $0xF7A, s2;
	p2 =	seq.s32 @!p0 s5, $0x0  }
0x1f: {  	s9 =	smul.u32 $0xF7A, s1;
	s8 =	simm.s32 @!p0 $0x1BF5;
	p2 =	por !p2, p0  }
0x20: {  	[sflag:s8] =	ssyncset.s32 @!p0 $0xFFFFF086;
	s6 =	sadd.s32 @!p0 s3, s7;
	s7 =	simm.s32 @!p0 $0x108  }
0x21: {  	s3 =	sadd.s32 s3, s9;
	s6 =	sadd.s32 @!p0 $0x88, s6;
	s7 =	simm.s32 @p2 $0x1082  }
0x22: {  	[simem:s7], [sflag:s8] =	dma.local @!p0 [hbm:s6], $0xF7A  }
0x23: {  	s9 =	sor.u32 $0xD0000000, s2;
	s6 =	simm.s32 $0x108;
	_ =	swait.ge @!p0 [sflag:s8], $0x0  }
0x24: {  	s3 =	sadd.s32 $0x88, s3;
	s6 =	simm.s32 @!p1 $0x1082;
	[sflag:s4] =	ssyncset.s32 $0xFFFFF086  }
0x25: {  	[simem:s6], [sflag:s4] =	dma.local [hbm:s3], $0xF7A  }
0x26: {  	[smem:$0x3F99] =	sst s1;
	(tag) =	ssettag s2;
	_ =	strace s9  }
0x27: {  	s1 =	sld [smem:$0x3FA9]  }
0x28: {  	s2 =	sld [smem:$0x3FAA]  }
0x29: {  	s4 =	sld [smem:$0x3FAC]  }
0x2a: {  	p0 =	seq.s32 s5, $0x0;
	s5 =	sld [smem:$0x3FAD]  }
0x2b: {  	s6 =	sld [smem:$0x3FAE]  }
0x2c: {  	s7 =	sld [smem:$0x3FAF]  }
0x2d: {  	s3 =	simm.s32 $0x108;
	s8 =	sld [smem:$0x3FB0]  }
0x2e: {  	s3 =	simm.s32 @!p0 $0x1082;
	s9 =	sld [smem:$0x3FB1]  }
0x2f: {  	lr =	sadd.s32 s0, s3;
	s0 =	sld [smem:$0x3FA8]  }
0x30: {  	s3 =	sld [smem:$0x3FAB]  }
0x31: {  	[smem:$0x3FB4] =	sst s10  }
0x32: {  	s10 =	sld [smem:$0x3FB2];
	_ =	sdelay $0x3  }
0x33: {  	p0 =	seq.s32 s10, $0x1;
	s10 =	sld [smem:$0x3FB4];
	_ =	sdelay $0x3  }
0x34: {  	[smem:$0x3FB4] =	sst s10  }
0x35: {  	s10 =	sld [smem:$0x3FB3];
	_ =	sdelay $0x3  }
0x36: {  	p1 =	seq.s32 s10, $0x1;
	s10 =	sld [smem:$0x3FB4];
	_ =	sdelay $0x3  }
0x37: {  	[smem:$0x3FB4] =	sst s10  }
0x38: {  	s10 =	sld [smem:$0x3FB5]  }
0x39: {  	_ = 	snop;
	(pc) =	sbr.ind lr, $3  }
0x3a: {  	_ = 	snop  }
0x3b: {  	_ = 	snop  }
0x3c: {  	p2 =	seq.s32 s10, $0x1;
	s10 =	sld [smem:$0x3FB4]  }
0x3d: {  	_ =	shalt  }
0x3e: {  	_ =	shalt  }
0x3f: {  	_ =	shalt  }
0x40: {  	_ =	shalt  }
0x41: {  	_ =	shalt  }
0x42: {  	_ =	shalt  }
0x43: {  	_ =	shalt  }
0x44: {  	_ =	shalt  }
0x45: {  	_ =	shalt  }
0x46: {  	_ =	shalt  }
0x47: {  	_ =	shalt  }
0x48: {  	_ =	shalt  }
0x49: {  	_ =	shalt  }
0x4a: {  	_ =	shalt  }
0x4b: {  	_ =	shalt  }
0x4c: {  	_ =	shalt  }
0x4d: {  	_ =	shalt  }
0x4e: {  	_ =	shalt  }
0x4f: {  	_ =	shalt  }
0x50: {  	_ =	shalt  }
0x51: {  	_ =	shalt  }
0x52: {  	_ =	shalt  }
0x53: {  	_ =	shalt  }
0x54: {  	_ =	shalt  }
0x55: {  	_ =	shalt  }
0x56: {  	_ =	shalt  }
0x57: {  	_ =	shalt  }
0x58: {  	_ =	shalt  }
0x59: {  	_ =	shalt  }
0x5a: {  	_ =	shalt  }
0x5b: {  	_ =	shalt  }
0x5c: {  	_ =	shalt  }
0x5d: {  	_ =	shalt  }
0x5e: {  	_ =	shalt  }
0x5f: {  	_ =	shalt  }
0x60: {  	_ =	shalt  }
0x61: {  	_ =	shalt  }
0x62: {  	_ =	shalt  }
0x63: {  	_ =	shalt  }
0x64: {  	_ =	shalt  }
0x65: {  	_ =	shalt  }
0x66: {  	_ =	shalt  }
0x67: {  	_ =	shalt  }
0x68: {  	_ =	shalt  }
0x69: {  	_ =	shalt  }
0x6a: {  	_ =	shalt  }
0x6b: {  	_ =	shalt  }
0x6c: {  	_ =	shalt  }
0x6d: {  	_ =	shalt  }
0x6e: {  	_ =	shalt  }
0x6f: {  	_ =	shalt  }
0x70: {  	_ =	shalt  }
0x71: {  	_ =	shalt  }
0x72: {  	_ =	shalt  }
0x73: {  	_ =	shalt  }
0x74: {  	_ =	shalt  }
0x75: {  	_ =	shalt  }
0x76: {  	_ =	shalt  }
0x77: {  	_ =	shalt  }
0x78: {  	_ =	shalt  }
0x79: {  	_ =	shalt  }
0x7a: {  	_ =	shalt  }
0x7b: {  	_ =	shalt  }
0x7c: {  	_ =	shalt  }
0x7d: {  	_ =	shalt  }
0x7e: {  	_ =	shalt  }
0x7f: {  	_ =	shalt  }
0x80: {  	_ =	shalt  }
0x81: {  	_ =	shalt  }
0x82: {  	_ =	shalt  }
0x83: {  	_ =	shalt  }
0x84: {  	_ =	shalt  }
0x85: {  	_ =	shalt  }
0x86: {  	_ =	shalt  }
0x87: {  	_ =	shalt  }
.Lfunc_end0:
.L_simem_size_0:
called_computation_lowered:
.L_overlay_start_0:
0x88: {  	s2 =	sld [smem:$0x3FD9]  }
0x89: {  	s3 =	sld [smem:$0x3FFE];
	_ =	sdelay $0x1  }
0x8a: {  	s1 =	srdreg.scid  }
0x8b: {  	s0 =	sand.u32 $0x1, s1  }
0x8c: {  	s17 =	sshll.u32 s0, $0xA;
	s2 =	sadd.s32 s3, s2  }
0x8d: {  	s2 =	sadd.s32 s2, s17  }
0x8e: {  	[smem:$0x3FC0] =	sst s2  }
0x8f: {  	_ = 	snop  }
0x90: {  	s2 =	sld [smem:$0x3FD0];
	(tm) =	ssettm $0x1  }
0x91: {  	s18 =	sld [smem:$0x3FFB];
	_ =	sdelay $0x3  }
0x92: {  	_ =	strace s18  }
0x93: {  	s3 =	sld [smem:$0x3FFC];
	_ =	sdelay $0x3  }
0x94: {  	_ =	strace s3  }
0x95: {  	s3 =	sld [smem:$0x3FFD];
	_ =	sdelay $0x3  }
0x96: {  	_ =	strace s3  }
0x97: {  	_ =	strace $0x8FFFFFFF  }
0x98: {  	s19 =	sld [smem:$0x3FDB];
	_ =	sdelay $0x1  }
0x99: {  	s4 =	simm.s32 $_scs_section_size  }
0x9a: {  	s5 =	simm.s32 $_size__tile_overlayer_lowered;
	s6 =	simm.s32 $_tile_overlayer_lowered  }
0x9b: {  	s22 =	simm.s32 $0x1BFF;
	s21 =	sshll.u32 s6, $0x1;
	s3 =	sadd.s32 s4, s19  }
0x9c: {  	s7 =	simm.s32 $0x0;
	s20 =	sshll.u32 s5, $0x1;
	s5 =	sadd.s32 s21, s3  }
0x9d: {  	[timem:s7], [sflag:s22] =	dma.local [hbm:s5], s20  }
0x9e: {  	_ =	swait.ge [sflag:s22], s20  }
0x9f: {  	s4 =	ssub.s32 $0x0, s20;
	[sflag:s22] =	ssyncset.done $0x0  }
0xa0: {  	[sflag:s22] =	ssyncadd.s32 s4;
	_ =	sdelay $0x1  }
0xa1: {  	s23 =	simm.s32 $0x1B8B  }
0xa2: {  	_ =	swait.ge [sflag:s23], $0x1  }
0xa3: {  	[sflag:s23] =	ssyncset.done $0x0  }
0xa4: {  	s25 =	simm.s32 $0x1B8E;
	s24 =	sld [smem:$0x3FFE];
	[sflag:s23] =	ssyncadd.s32 $0xFFFFFFFF  }
0xa5: {  	s26 =	simm.s32 $execute0_lowered;
	[smem:$0x3FD2] =	sst s25  }
0xa6: {  	s5 =	sshll.u32 s26, $0x1;
	_ =	strace $0x80000046;
	[dreg:$0x1] =	wrdreg $0xFFFFFFFF  }
0xa7: {  	s28 =	simm.s32 $_size_execute0_lowered;
	s3 =	sadd.s32 s3, s5;
	[dreg:$0x0] =	wrdreg $0x0  }
0xa8: {  	s5 =	sshll.u32 s28, $0x1;
	[dreg:$0x2] =	wrdreg s3  }
0xa9: {  	[dreg:$0x3] =	wrdreg s5  }
0xaa: {  	[dreg:$0x4] =	wrdreg $0xC0  }
0xab: {  	_ =	task [dreg:s7], $0x5FFFF  }
0xac: {  	[dreg:$0x1] =	wrdreg $0xFFFFFFFF  }
0xad: {  	[dreg:$0x0] =	wrdreg $0x60  }
0xae: {  	[dreg:$0x2] =	wrdreg s24  }
0xaf: {  	[dreg:$0x3] =	wrdreg s2  }
0xb0: {  	[dreg:$0x4] =	wrdreg $0xAC800  }
0xb1: {  	[dreg:$0x5] =	wrdreg $0x9  }
0xb2: {  	_ =	task.clear_ibuf [dreg:s7], $0x6FFFF;
	_ =	strace $0x90000046  }
0xb3: {  	s29 =	simm.s32 $0x9;
	_ =	strace $0x80000048  }
0xb4: {  	_ =	swait.ge [sflag:s29], $0x1  }
0xb5: {  	[sflag:s29] =	ssyncadd.s32 $0xFFFFFFFF  }
0xb6: {  	_ =	strace $0x90000048  }
0xb7: {  	_ =	sfence  }
0xb8: {  	s30 =	sld [smem:$0x0];
	_ =	sdelay $0x2  }
0xb9: {  	s31 =	sshll.u32 s1, $0xD;
	s1 =	sshrl.u32 s1, $0x2  }
0xba: {  	s3 =	sand.u32 $0x4000, s31;
	s1 =	sadd.s32 s1, s30  }
0xbb: {  	s0 =	sor.u32 s3, s0;
	s1 =	sshll.u32 s1, $0x11  }
0xbc: {  	s0 =	sor.u32 s1, s0  }
0xbd: {  	s0 =	sadd.s32 $0x8F2B, s0  }
0xbe: {  	[sflag:s0] =	ssyncadd.remote.s32 $0x1  }
0xbf: {  	_ =	sfence.sel $0xFFFF  }
0xc0: {  	[dreg:$0x0] =	wrdreg $0xFFFFFFFF;
	(pc) =	sbr.abs _section_cstart, $3  }
0xc1: {  	[dreg:$0x1] =	wrdreg $0xFFFFFFFF  }
0xc2: {  	_ =	task.clear_ibuf [dreg:s7], $0x2FFFF;
	_ =	strace $0x9FFFFFFF  }
0xc3: {  	(tm) =	ssettm $0x7FFFFFFF  }
tec
execute0_lowered:
.L_overlay_start_1:
0x0: {  	(tag) =	ssettag $0x1  }
0x1: {  	s0 =	rddreg [dreg:$0x0]  }
0x2: {  	s3 =	rddreg [dreg:$0x2];
	s4 =	simm.s32 $0x0;
	s1 =	srdreg.scid  }
0x3: {  	s11 =	stileid.u32;
	s28 =	simm.s32 $0x2D00;
	s29 =	simm.s32 $0x5  }
0x4: {  	s30 =	simm.s32 $0x1E0;
	s31 =	simm.s32 $0x3;
	[smem:$0x7FF] =	sst s4  }
0x5: {  	s1 =	sand.u32 $0x1, s1;
	s2 =	smul.u32 $0x14C08, s11;
	s5 =	sadd.s32 $0x15200, s0  }
0x6: {  	s7 =	sadd.s32 $0x1800, s0;
	s8 =	sshll.u32 s11, $0x1;
	s26 =	smul.u32 $0x4E20, s11  }
0x7: {  	s11 =	sshll.u32 s11, $0x6;
	_ =	strace $0x80000047;
	s6 =	smul.u32 $0x14C080, s1  }
0x8: {  	s9 =	ssub.s32 $0x2, s1;
	s8 =	sor.u32 s1, s8;
	s1 =	smul.u32 $0x2710, s1  }
0x9: {  	s18 =	sor.u32 $0x1C0D, s11;
	s11 =	simm.s32 $0x7;
	s8 =	smul.u32 $0x2710, s8  }
0xa: {  	s10 =	sshrl.u32 s9, $0x1;
	[dreg:$0x8] =	wrdreg s18;
	s6 =	sadd.s32 s2, s6  }
0xb: {  	s2 =	sadd.s32 s2, s3;
	s1 =	sadd.s32 s1, s26;
	s8 =	sshrl.u32 s8, $0x3  }
0xc: {  	s6 =	sshrl.u32 s6, $0x3;
	s16 =	sadd.s32 $0x2D0, s1;
	s12 =	sadd.s32 s7, s8  }
0xd: {  	s21 =	sadd.s32 $0x280, s1;
	s8 =	sadd.s32 $0xA, s12;
	[dreg:$0x9] =	wrdreg s12  }
0xe: {  	s23 =	sadd.s32 $0x230, s1;
	s13 =	sadd.s32 $0x14, s12;
	[dreg:$0xa] =	wrdreg s8  }
0xf: {  	s1 =	sadd.s32 $0x1E0, s1;
	s14 =	sadd.s32 $0x1E, s12;
	[dreg:$0xb] =	wrdreg s13  }
0x10: {  	s0 =	sadd.s32 s6, s0;
	s15 =	sadd.s32 $0x28, s12;
	[dreg:$0xc] =	wrdreg s14  }
0x11: {  	s6 =	ssub.s32 s9, s10;
	s17 =	sadd.s32 $0x32, s12;
	[dreg:$0xd] =	wrdreg s15  }
0x12: {  	s22 =	sshrl.u32 s21, $0x3;
	s19 =	sadd.s32 $0x4C4, s12;
	[dreg:$0xe] =	wrdreg s17  }
0x13: {  	s9 =	sshrl.u32 s23, $0x3;
	s20 =	sadd.s32 $0x4CE, s12;
	[dreg:$0xf] =	wrdreg s19  }
0x14: {  	s1 =	sshrl.u32 s1, $0x3;
	s25 =	sadd.s32 $0x4D8, s12;
	[dreg:$0x10] =	wrdreg s20  }
0x15: {  	s21 =	simm.s32 $0x4E200;
	s24 =	sadd.s32 s9, s7;
	[dreg:$0x11] =	wrdreg s25  }
0x16: {  	s23 =	simm.s32 $0x1;
	s0 =	sadd.s32 $0x3EC00, s0;
	[dreg:$0x6] =	wrdreg s24  }
0x17: {  	s10 =	simm.s32 $0x8200;
	s26 =	smax.u32 s6, $0x1;
	[dreg:$0x12] =	wrdreg s0  }
0x18: {  	s1 =	sadd.s32 s1, s7;
	s9 =	simm.s32 $0x4;
	[dreg:$0x13] =	wrdreg s26  }
0x19: {  	s12 =	simm.s32 $0x190;
	s8 =	sshrl.u32 s16, $0x3;
	[dreg:$0x7] =	wrdreg s1  }
0x1a: {  	s19 =	sshrl.u32 s2, $0x3;
	s20 =	simm.s32 $0x50;
	s24 =	simm.s32 $0x280  }
0x1b: {  	s25 =	simm.s32 $0x140;
	s26 =	simm.s32 $0x2;
	s0 =	simm.s32 $0x5780  }
0x1c: {  	s2 =	simm.s32 $0x6;
	s1 =	simm.s32 $0xF0;
	s13 =	simm.s32 $0xA  }
0x1d: {  	s14 =	simm.s32 $0x8;
	s15 =	simm.s32 $0x230;
	s16 =	simm.s32 $0xB  }
0x1e: {  	s17 =	simm.s32 $0xC;
	s8 =	sadd.s32 s8, s7;
	[dreg:$0x14] =	wrdreg s19  }
0x1f: {  	[dreg:$0x4] =	wrdreg s8;
	s8 =	sadd.s32 s22, s7;
	s22 =	simm.s32 $0xA0  }
0x20: {  	s7 =	simm.s32 $0x0;
	[dreg:$0x5] =	wrdreg s8;
	s8 =	simm.s32 $0x9  }
.LBB2_1:
0x21: {  	[dreg:$0x15] =	wrdreg s7  }
0x22: {  	s7 =	simm.s32 $0xD;
	s6 =	rddreg [dreg:$0x1]  }
0x23: {  	[spmem:s19], [sflag:s18] =	dma.local [hbm:s6], $0x2981  }
0x24: {  	_ =	swait.ge [sflag:s7], $0x2981  }
0x25: {  	[sflag:s7] =	ssyncset.done $0x0  }
0x26: {  	[sflag:s7] =	ssyncadd.s32 $0xFFFFD67F  }
0x27: {  	[bflag:$0x0] =	sbarrier.arrive $0xFFFF  }
0x28: {  	s19 =	rddreg [dreg:$0x9]  }
0x29: {  	[tilespmem:s4], [sflag:$0x1] =	stream.strided.gather [hbm4b:s19+s20], $0xA0, s21, s20, $0x38;
	[tilespmem:$0x1F888] =	vst v63  }
0x2a: {  	s7 =	rddreg [dreg:$0xa]  }
0x2b: {  	[tilespmem:s22], [sflag:$0x2] =	stream.strided.gather [hbm4b:s7+s20], $0xA0, s21, s20, $0x38;
	[tilespmem:$0x1F888] =	vst v63  }
0x2c: {  	_ =	swait.ge [sflag:s23], $0xA0  }
0x2d: {  	[sflag:s23] =	ssyncset.done $0x0  }
0x2e: {  	[sflag:s23] =	ssyncadd.s32 $0xFFFFFF60  }
0x2f: {  	[tilespmem:s24], [sflag:$0x5] =	stream.indirect.gather [hbm4b:s5+s20], $0x88, s4, s20, $0xb8;
	[tilespmem:$0x1F888] =	vst v63  }
0x30: {  	s18 =	rddreg [dreg:$0xb]  }
0x31: {  	[tilespmem:s25], [sflag:$0x3] =	stream.strided.gather [hbm4b:s18+s20], $0xA0, s21, s20, $0x38;
	[tilespmem:$0x1F888] =	vst v63  }
0x32: {  	_ =	swait.ge [sflag:s26], $0xA0  }
0x33: {  	[sflag:s26] =	ssyncset.done $0x0  }
0x34: {  	[sflag:s26] =	ssyncadd.s32 $0xFFFFFF60  }
0x35: {  	[tilespmem:s28], [sflag:$0x6] =	stream.indirect.gather [hbm4b:s5+s20], $0x88, s22, s20, $0xb8;
	[tilespmem:$0x1F888] =	vst v63  }
0x36: {  	_ =	swait.ge [sflag:s29], $0x2A80  }
0x37: {  	[sflag:s29] =	ssyncset.done $0x0  }
0x38: {  	[sflag:s29] =	ssyncadd.s32 $0xFFFFD580  }
0x39: {  	[spmem:s3] =	stream.indirect.scatter.add.f32 [tilespmem:s24], [sflag:$0x9], $0x88, s20, s20, $0xb8;
	[tilespmem:$0x1F888] =	vst v63  }
0x3a: {  	s19 =	rddreg [dreg:$0xc]  }
0x3b: {  	[tilespmem:s30], [sflag:$0x4] =	stream.strided.gather [hbm4b:s19+s20], $0xA0, s21, s20, $0x38;
	[tilespmem:$0x1F888] =	vst v63  }
0x3c: {  	_ =	swait.ge [sflag:s31], $0xA0  }
0x3d: {  	[sflag:s31] =	ssyncset.done $0x0  }
0x3e: {  	[sflag:s31] =	ssyncadd.s32 $0xFFFFFF60  }
0x3f: {  	[tilespmem:s0], [sflag:$0x7] =	stream.indirect.gather [hbm4b:s5+s20], $0x88, s25, s20, $0xb8;
	[tilespmem:$0x1F888] =	vst v63  }
0x40: {  	_ =	swait.ge [sflag:s2], $0x2A80  }
0x41: {  	[sflag:s2] =	ssyncset.done $0x0  }
0x42: {  	[sflag:s2] =	ssyncadd.s32 $0xFFFFD580  }
0x43: {  	[spmem:s3] =	stream.indirect.scatter.add.f32 [tilespmem:s28], [sflag:$0xA], $0x88, s1, s20, $0xb8;
	[tilespmem:$0x1F888] =	vst v63  }
0x44: {  	_ =	swait.ge [sflag:s8], $0x2A80  }
0x45: {  	[sflag:s8] =	ssyncset.done $0x0  }
0x46: {  	s7 =	rddreg [dreg:$0xd];
	[sflag:s8] =	ssyncadd.s32 $0xFFFFD580  }
0x47: {  	[tilespmem:s4], [sflag:$0x1] =	stream.strided.gather [hbm4b:s7+s20], $0xA0, s21, s20, $0x38;
	[tilespmem:$0x1F888] =	vst v63  }
0x48: {  	_ =	swait.ge [sflag:s9], $0xA0  }
0x49: {  	[sflag:s9] =	ssyncset.done $0x0  }
0x4a: {  	[sflag:s9] =	ssyncadd.s32 $0xFFFFFF60  }
0x4b: {  	[tilespmem:s10], [sflag:$0x8] =	stream.indirect.gather [hbm4b:s5+s20], $0x88, s30, s20, $0xb8;
	[tilespmem:$0x1F888] =	vst v63  }
0x4c: {  	_ =	swait.ge [sflag:s11], $0x2A80  }
0x4d: {  	[sflag:s11] =	ssyncset.done $0x0  }
0x4e: {  	[sflag:s11] =	ssyncadd.s32 $0xFFFFD580  }
0x4f: {  	[spmem:s3] =	stream.indirect.scatter.add.f32 [tilespmem:s0], [sflag:$0xB], $0x88, s12, s20, $0xb8;
	[tilespmem:$0x1F888] =	vst v63  }
0x50: {  	_ =	swait.ge [sflag:s13], $0x2A80  }
0x51: {  	[sflag:s13] =	ssyncset.done $0x0  }
0x52: {  	s18 =	rddreg [dreg:$0xe];
	[sflag:s13] =	ssyncadd.s32 $0xFFFFD580  }
0x53: {  	[tilespmem:s22], [sflag:$0x2] =	stream.strided.gather [hbm4b:s18+s20], $0xA0, s21, s20, $0x38;
	[tilespmem:$0x1F888] =	vst v63  }
0x54: {  	_ =	swait.ge [sflag:s23], $0xA0  }
0x55: {  	[sflag:s23] =	ssyncset.done $0x0  }
0x56: {  	[sflag:s23] =	ssyncadd.s32 $0xFFFFFF60  }
0x57: {  	[tilespmem:s24], [sflag:$0x5] =	stream.indirect.gather [hbm4b:s5+s20], $0x88, s4, s20, $0xb8;
	[tilespmem:$0x1F888] =	vst v63  }
0x58: {  	_ =	swait.ge [sflag:s14], $0x2A80  }
0x59: {  	[sflag:s14] =	ssyncset.done $0x0  }
0x5a: {  	[sflag:s14] =	ssyncadd.s32 $0xFFFFD580  }
0x5b: {  	[spmem:s3] =	stream.indirect.scatter.add.f32 [tilespmem:s10], [sflag:$0xC], $0x88, s15, s20, $0xb8;
	[tilespmem:$0x1F888] =	vst v63  }
0x5c: {  	_ =	swait.ge [sflag:s16], $0x2A80  }
0x5d: {  	s19 =	rddreg [dreg:$0x7];
	[sflag:s16] =	ssyncset.done $0x0  }
0x5e: {  	[sflag:s16] =	ssyncadd.s32 $0xFFFFD580;
	s6 =	sadd.s32 $0x0, s19  }
0x5f: {  	[tilespmem:s25], [sflag:$0x3] =	stream.strided.gather [hbm4b:s6+s20], $0xA0, s21, s20, $0x38;
	[tilespmem:$0x1F888] =	vst v63  }
0x60: {  	_ =	swait.ge [sflag:s26], $0xA0  }
0x61: {  	[sflag:s26] =	ssyncset.done $0x0  }
0x62: {  	[sflag:s26] =	ssyncadd.s32 $0xFFFFFF60  }
0x63: {  	[tilespmem:s28], [sflag:$0x6] =	stream.indirect.gather [hbm4b:s5+s20], $0x88, s22, s20, $0xb8;
	[tilespmem:$0x1F888] =	vst v63  }
0x64: {  	_ =	swait.ge [sflag:s29], $0x2A80  }
0x65: {  	[sflag:s29] =	ssyncset.done $0x0  }
0x66: {  	[sflag:s29] =	ssyncadd.s32 $0xFFFFD580  }
0x67: {  	[spmem:s3] =	stream.indirect.scatter.add.f32 [tilespmem:s24], [sflag:$0x9], $0x88, s20, s20, $0xb8;
	[tilespmem:$0x1F888] =	vst v63  }
0x68: {  	_ =	swait.ge [sflag:s17], $0x2A80  }
0x69: {  	s7 =	rddreg [dreg:$0x6];
	[sflag:s17] =	ssyncset.done $0x0  }
0x6a: {  	[sflag:s17] =	ssyncadd.s32 $0xFFFFD580;
	s6 =	sadd.s32 $0x0, s7  }
0x6b: {  	[tilespmem:s30], [sflag:$0x4] =	stream.strided.gather [hbm4b:s6+s20], $0xA0, s21, s20, $0x38;
	[tilespmem:$0x1F888] =	vst v63  }
0x6c: {  	_ =	swait.ge [sflag:s31], $0xA0  }
0x6d: {  	[sflag:s31] =	ssyncset.done $0x0  }
0x6e: {  	[sflag:s31] =	ssyncadd.s32 $0xFFFFFF60  }
0x6f: {  	[tilespmem:s0], [sflag:$0x7] =	stream.indirect.gather [hbm4b:s5+s20], $0x88, s25, s20, $0xb8;
	[tilespmem:$0x1F888] =	vst v63  }
0x70: {  	_ =	swait.ge [sflag:s2], $0x2A80  }
0x71: {  	[sflag:s2] =	ssyncset.done $0x0  }
0x72: {  	[sflag:s2] =	ssyncadd.s32 $0xFFFFD580  }
0x73: {  	[spmem:s3] =	stream.indirect.scatter.add.f32 [tilespmem:s28], [sflag:$0xA], $0x88, s1, s20, $0xb8;
	[tilespmem:$0x1F888] =	vst v63  }
0x74: {  	_ =	swait.ge [sflag:s8], $0x2A80  }
0x75: {  	s18 =	rddreg [dreg:$0x5];
	[sflag:s8] =	ssyncset.done $0x0  }
0x76: {  	[sflag:s8] =	ssyncadd.s32 $0xFFFFD580;
	s6 =	sadd.s32 $0x0, s18  }
0x77: {  	[tilespmem:s4], [sflag:$0x1] =	stream.strided.gather [hbm4b:s6+s20], $0xA0, s21, s20, $0x38;
	[tilespmem:$0x1F888] =	vst v63  }
0x78: {  	_ =	swait.ge [sflag:s9], $0xA0  }
0x79: {  	[sflag:s9] =	ssyncset.done $0x0  }
0x7a: {  	[sflag:s9] =	ssyncadd.s32 $0xFFFFFF60  }
0x7b: {  	[tilespmem:s10], [sflag:$0x8] =	stream.indirect.gather [hbm4b:s5+s20], $0x88, s30, s20, $0xb8;
	[tilespmem:$0x1F888] =	vst v63  }
0x7c: {  	_ =	swait.ge [sflag:s11], $0x2A80  }
0x7d: {  	[sflag:s11] =	ssyncset.done $0x0  }
0x7e: {  	[sflag:s11] =	ssyncadd.s32 $0xFFFFD580  }
0x7f: {  	[spmem:s3] =	stream.indirect.scatter.add.f32 [tilespmem:s0], [sflag:$0xB], $0x88, s12, s20, $0xb8;
	[tilespmem:$0x1F888] =	vst v63  }
0x80: {  	_ =	swait.ge [sflag:s13], $0x2A80  }
0x81: {  	s19 =	rddreg [dreg:$0x4];
	[sflag:s13] =	ssyncset.done $0x0  }
0x82: {  	[sflag:s13] =	ssyncadd.s32 $0xFFFFD580;
	s6 =	sadd.s32 $0x0, s19  }
0x83: {  	[tilespmem:s22], [sflag:$0x2] =	stream.strided.gather [hbm4b:s6+s20], $0xA0, s21, s20, $0x38;
	[tilespmem:$0x1F888] =	vst v63  }
0x84: {  	_ =	swait.ge [sflag:s23], $0xA0  }
0x85: {  	[sflag:s23] =	ssyncset.done $0x0  }
0x86: {  	[sflag:s23] =	ssyncadd.s32 $0xFFFFFF60  }
0x87: {  	[tilespmem:s24], [sflag:$0x5] =	stream.indirect.gather [hbm4b:s5+s20], $0x88, s4, s20, $0xb8;
	[tilespmem:$0x1F888] =	vst v63  }
0x88: {  	_ =	swait.ge [sflag:s14], $0x2A80  }
0x89: {  	[sflag:s14] =	ssyncset.done $0x0  }
0x8a: {  	s6 =	simm.s32 $0x28;
	[sflag:s14] =	ssyncadd.s32 $0xFFFFD580  }
.LBB2_2:
0x8b: {  	[spmem:s3] =	stream.indirect.scatter.add.f32 [tilespmem:s10], [sflag:$0xC], $0x88, s15, s20, $0xb8;
	[tilespmem:$0x1F888] =	vst v63  }
0x8c: {  	_ =	swait.ge [sflag:s16], $0x2A80  }
0x8d: {  	s18 =	smov.u32 s6;
	s19 =	rddreg [dreg:$0x7];
	[sflag:s16] =	ssyncset.done $0x0  }
0x8e: {  	[sflag:s16] =	ssyncadd.s32 $0xFFFFD580;
	s19 =	sadd.s32 s18, s19  }
0x8f: {  	[tilespmem:s25], [sflag:$0x3] =	stream.strided.gather [hbm4b:s19+s20], $0xA0, s21, s20, $0x38;
	[tilespmem:$0x1F888] =	vst v63  }
0x90: {  	_ =	swait.ge [sflag:s26], $0xA0  }
0x91: {  	[sflag:s26] =	ssyncset.done $0x0  }
0x92: {  	[sflag:s26] =	ssyncadd.s32 $0xFFFFFF60  }
0x93: {  	[tilespmem:s28], [sflag:$0x6] =	stream.indirect.gather [hbm4b:s5+s20], $0x88, s22, s20, $0xb8;
	[tilespmem:$0x1F888] =	vst v63  }
0x94: {  	_ =	swait.ge [sflag:s29], $0x2A80  }
0x95: {  	[sflag:s29] =	ssyncset.done $0x0  }
0x96: {  	[sflag:s29] =	ssyncadd.s32 $0xFFFFD580  }
0x97: {  	[spmem:s3] =	stream.indirect.scatter.add.f32 [tilespmem:s24], [sflag:$0x9], $0x88, s20, s20, $0xb8;
	[tilespmem:$0x1F888] =	vst v63  }
0x98: {  	_ =	swait.ge [sflag:s17], $0x2A80  }
0x99: {  	s7 =	rddreg [dreg:$0x6];
	[sflag:s17] =	ssyncset.done $0x0  }
0x9a: {  	[sflag:s17] =	ssyncadd.s32 $0xFFFFD580;
	s19 =	sadd.s32 s18, s7  }
0x9b: {  	[tilespmem:s30], [sflag:$0x4] =	stream.strided.gather [hbm4b:s19+s20], $0xA0, s21, s20, $0x38;
	[tilespmem:$0x1F888] =	vst v63  }
0x9c: {  	_ =	swait.ge [sflag:s31], $0xA0  }
0x9d: {  	[sflag:s31] =	ssyncset.done $0x0  }
0x9e: {  	[sflag:s31] =	ssyncadd.s32 $0xFFFFFF60  }
0x9f: {  	[tilespmem:s0], [sflag:$0x7] =	stream.indirect.gather [hbm4b:s5+s20], $0x88, s25, s20, $0xb8;
	[tilespmem:$0x1F888] =	vst v63  }
0xa0: {  	_ =	swait.ge [sflag:s2], $0x2A80  }
0xa1: {  	[sflag:s2] =	ssyncset.done $0x0  }
0xa2: {  	[sflag:s2] =	ssyncadd.s32 $0xFFFFD580  }
0xa3: {  	[spmem:s3] =	stream.indirect.scatter.add.f32 [tilespmem:s28], [sflag:$0xA], $0x88, s1, s20, $0xb8;
	[tilespmem:$0x1F888] =	vst v63  }
0xa4: {  	_ =	swait.ge [sflag:s8], $0x2A80  }
0xa5: {  	s7 =	rddreg [dreg:$0x5];
	[sflag:s8] =	ssyncset.done $0x0  }
0xa6: {  	[sflag:s8] =	ssyncadd.s32 $0xFFFFD580;
	s19 =	sadd.s32 s18, s7  }
0xa7: {  	[tilespmem:s4], [sflag:$0x1] =	stream.strided.gather [hbm4b:s19+s20], $0xA0, s21, s20, $0x38;
	[tilespmem:$0x1F888] =	vst v63  }
0xa8: {  	_ =	swait.ge [sflag:s9], $0xA0  }
0xa9: {  	[sflag:s9] =	ssyncset.done $0x0  }
0xaa: {  	[sflag:s9] =	ssyncadd.s32 $0xFFFFFF60  }
0xab: {  	[tilespmem:s10], [sflag:$0x8] =	stream.indirect.gather [hbm4b:s5+s20], $0x88, s30, s20, $0xb8;
	[tilespmem:$0x1F888] =	vst v63  }
0xac: {  	_ =	swait.ge [sflag:s11], $0x2A80  }
0xad: {  	[sflag:s11] =	ssyncset.done $0x0  }
0xae: {  	[sflag:s11] =	ssyncadd.s32 $0xFFFFD580  }
0xaf: {  	[spmem:s3] =	stream.indirect.scatter.add.f32 [tilespmem:s0], [sflag:$0xB], $0x88, s12, s20, $0xb8;
	[tilespmem:$0x1F888] =	vst v63  }
0xb0: {  	_ =	swait.ge [sflag:s13], $0x2A80  }
0xb1: {  	s7 =	rddreg [dreg:$0x4];
	[sflag:s13] =	ssyncset.done $0x0  }
0xb2: {  	[sflag:s13] =	ssyncadd.s32 $0xFFFFD580;
	s18 =	sadd.s32 s18, s7  }
0xb3: {  	[tilespmem:s22], [sflag:$0x2] =	stream.strided.gather [hbm4b:s18+s20], $0xA0, s21, s20, $0x38;
	[tilespmem:$0x1F888] =	vst v63  }
0xb4: {  	_ =	swait.ge [sflag:s23], $0xA0  }
0xb5: {  	p0 =	sne.s32 s6, $0x460;
	[sflag:s23] =	ssyncset.done $0x0  }
.Ltmp0:
0xb6: {  	[sflag:s23] =	ssyncadd.s32 $0xFFFFFF60;
	(pc) =	sbr.rel @p0 .LBB2_2-.Ltmp0, $4  }
0xb7: {  	[tilespmem:s24], [sflag:$0x5] =	stream.indirect.gather [hbm4b:s5+s20], $0x88, s4, s20, $0xb8;
	[tilespmem:$0x1F888] =	vst v63  }
0xb8: {  	_ =	swait.ge [sflag:s14], $0x2A80  }
0xb9: {  	[sflag:s14] =	ssyncset.done $0x0  }
0xba: {  	s6 =	sadd.s32 $0x28, s6;
	[sflag:s14] =	ssyncadd.s32 $0xFFFFD580  }
0xbb: {  	[spmem:s3] =	stream.indirect.scatter.add.f32 [tilespmem:s10], [sflag:$0xC], $0x88, s15, s20, $0xb8;
	[tilespmem:$0x1F888] =	vst v63  }
0xbc: {  	_ =	swait.ge [sflag:s16], $0x2A80  }
0xbd: {  	[sflag:s16] =	ssyncset.done $0x0  }
0xbe: {  	s6 =	rddreg [dreg:$0xf];
	[sflag:s16] =	ssyncadd.s32 $0xFFFFD580  }
0xbf: {  	[tilespmem:s25], [sflag:$0x3] =	stream.strided.gather [hbm4b:s6+s20], $0xA0, s21, s20, $0x38;
	[tilespmem:$0x1F888] =	vst v63  }
0xc0: {  	_ =	swait.ge [sflag:s26], $0xA0  }
0xc1: {  	[sflag:s26] =	ssyncset.done $0x0  }
0xc2: {  	[sflag:s26] =	ssyncadd.s32 $0xFFFFFF60  }
0xc3: {  	[tilespmem:s28], [sflag:$0x6] =	stream.indirect.gather [hbm4b:s5+s20], $0x88, s22, s20, $0xb8;
	[tilespmem:$0x1F888] =	vst v63  }
0xc4: {  	_ =	swait.ge [sflag:s29], $0x2A80  }
0xc5: {  	[sflag:s29] =	ssyncset.done $0x0  }
0xc6: {  	[sflag:s29] =	ssyncadd.s32 $0xFFFFD580  }
0xc7: {  	[spmem:s3] =	stream.indirect.scatter.add.f32 [tilespmem:s24], [sflag:$0x9], $0x88, s20, s20, $0xb8;
	[tilespmem:$0x1F888] =	vst v63  }
0xc8: {  	_ =	swait.ge [sflag:s17], $0x2A80  }
0xc9: {  	[sflag:s17] =	ssyncset.done $0x0  }
0xca: {  	s18 =	rddreg [dreg:$0x10];
	[sflag:s17] =	ssyncadd.s32 $0xFFFFD580  }
0xcb: {  	[tilespmem:s30], [sflag:$0x4] =	stream.strided.gather [hbm4b:s18+s20], $0xA0, s21, s20, $0x38;
	[tilespmem:$0x1F888] =	vst v63  }
0xcc: {  	_ =	swait.ge [sflag:s31], $0xA0  }
0xcd: {  	[sflag:s31] =	ssyncset.done $0x0  }
0xce: {  	[sflag:s31] =	ssyncadd.s32 $0xFFFFFF60  }
0xcf: {  	[tilespmem:s0], [sflag:$0x7] =	stream.indirect.gather [hbm4b:s5+s20], $0x88, s25, s20, $0xb8;
	[tilespmem:$0x1F888] =	vst v63  }
0xd0: {  	_ =	swait.ge [sflag:s2], $0x2A80  }
0xd1: {  	[sflag:s2] =	ssyncset.done $0x0  }
0xd2: {  	[sflag:s2] =	ssyncadd.s32 $0xFFFFD580  }
0xd3: {  	[spmem:s3] =	stream.indirect.scatter.add.f32 [tilespmem:s28], [sflag:$0xA], $0x88, s1, s20, $0xb8;
	[tilespmem:$0x1F888] =	vst v63  }
0xd4: {  	_ =	swait.ge [sflag:s8], $0x2A80  }
0xd5: {  	[sflag:s8] =	ssyncset.done $0x0  }
0xd6: {  	s19 =	rddreg [dreg:$0x11];
	[sflag:s8] =	ssyncadd.s32 $0xFFFFD580  }
0xd7: {  	[tilespmem:s4], [sflag:$0x1] =	stream.strided.gather [hbm4b:s19+s20], $0xA0, s21, s20, $0x38;
	[tilespmem:$0x1F888] =	vst v63  }
0xd8: {  	_ =	swait.ge [sflag:s9], $0xA0  }
0xd9: {  	[sflag:s9] =	ssyncset.done $0x0  }
0xda: {  	[sflag:s9] =	ssyncadd.s32 $0xFFFFFF60  }
0xdb: {  	[tilespmem:s10], [sflag:$0x8] =	stream.indirect.gather [hbm4b:s5+s20], $0x88, s30, s20, $0xb8;
	[tilespmem:$0x1F888] =	vst v63  }
0xdc: {  	_ =	swait.ge [sflag:s11], $0x2A80  }
0xdd: {  	[sflag:s11] =	ssyncset.done $0x0  }
0xde: {  	[sflag:s11] =	ssyncadd.s32 $0xFFFFD580  }
0xdf: {  	[spmem:s3] =	stream.indirect.scatter.add.f32 [tilespmem:s0], [sflag:$0xB], $0x88, s12, s20, $0xb8;
	[tilespmem:$0x1F888] =	vst v63  }
0xe0: {  	_ =	swait.ge [sflag:s13], $0x2A80  }
0xe1: {  	[sflag:s13] =	ssyncset.done $0x0  }
0xe2: {  	[sflag:s13] =	ssyncadd.s32 $0xFFFFD580  }
0xe3: {  	_ =	swait.ge [sflag:s23], $0xA0  }
0xe4: {  	[sflag:s23] =	ssyncset.done $0x0  }
0xe5: {  	[sflag:s23] =	ssyncadd.s32 $0xFFFFFF60  }
0xe6: {  	[tilespmem:s24], [sflag:$0x5] =	stream.indirect.gather [hbm4b:s5+s20], $0x88, s4, s20, $0xb8;
	[tilespmem:$0x1F888] =	vst v63  }
0xe7: {  	_ =	swait.ge [sflag:s14], $0x2A80  }
0xe8: {  	[sflag:s14] =	ssyncset.done $0x0  }
0xe9: {  	[sflag:s14] =	ssyncadd.s32 $0xFFFFD580  }
0xea: {  	[spmem:s3] =	stream.indirect.scatter.add.f32 [tilespmem:s10], [sflag:$0xC], $0x88, s15, s20, $0xb8;
	[tilespmem:$0x1F888] =	vst v63  }
0xeb: {  	_ =	swait.ge [sflag:s29], $0x2A80  }
0xec: {  	[sflag:s29] =	ssyncset.done $0x0  }
0xed: {  	[sflag:s29] =	ssyncadd.s32 $0xFFFFD580  }
0xee: {  	[spmem:s3] =	stream.indirect.scatter.add.f32 [tilespmem:s24], [sflag:$0x9], $0x88, s20, s20, $0xb8;
	[tilespmem:$0x1F888] =	vst v63  }
0xef: {  	_ =	swait.ge [sflag:s16], $0x2A80  }
0xf0: {  	[sflag:s16] =	ssyncset.done $0x0  }
0xf1: {  	[sflag:s16] =	ssyncadd.s32 $0xFFFFD580  }
0xf2: {  	_ =	swait.ge [sflag:s17], $0x2A80  }
0xf3: {  	[sflag:s17] =	ssyncset.done $0x0  }
0xf4: {  	[sflag:s17] =	ssyncadd.s32 $0xFFFFD580  }
0xf5: {  	_ =	swait.ge [sflag:s8], $0x2A80  }
0xf6: {  	[sflag:s8] =	ssyncset.done $0x0  }
0xf7: {  	[sflag:s8] =	ssyncadd.s32 $0xFFFFD580  }
0xf8: {  	[bflag:$0x0] =	sbarrier.arrive $0xFFFF  }
0xf9: {  	s18 =	rddreg [dreg:$0x8]  }
0xfa: {  	s7 =	rddreg [dreg:$0x12]  }
0xfb: {  	s6 =	simm.s32 $0xD;
	s19 =	rddreg [dreg:$0x14]  }
0xfc: {  	[hbm:s7], [sflag:s18] =	dma.local [spmem:s19], $0x2981  }
0xfd: {  	_ =	swait.ge [sflag:s6], $0x2981  }
0xfe: {  	s7 =	rddreg [dreg:$0x15]  }
0xff: {  	[sflag:s6] =	ssyncset.done $0x0;
	s6 =	rddreg [dreg:$0x13];
	s7 =	sadd.s32 $0x1, s7  }
0x100: {  	p0 =	sne.s32 s7, s6  }
.Ltmp1:
0x101: {  	_ = 	snop;
	(pc) =	sbr.rel @p0 .LBB2_1-.Ltmp1, $3  }
0x102: {  	_ =	sdelay $0x1  }
0x103: {  	s6 =	simm.s32 $0xD  }
0x104: {  	[sflag:s6] =	ssyncadd.s32 $0xFFFFD67F  }
0x105: {  	_ =	sfence.sel $0x180000  }
0x106: {  	[bflag:$0x0] =	sbarrier.arrive $0xFFFF  }
0x107: {  	_ =	strace $0x90000047  }
0x108: {  	s0 =	stileid.u32;
	[bflag:$0x2] =	sbarrier.arrive $0xFFFF  }
0x109: {  	p0 =	sne.s32 s0, $0x0;
	s0 =	rddreg [dreg:$0x3]  }
0x10a: {  	s0 =	sadd.s32 @!p0 $0x100000, s0  }
0x10b: {  	[sflag:s0] =	ssyncadd.tile.s32 @!p0 $0x1;
	_ =	shalt  }
.Lfunc_end2:
_tile_overlayer_lowered:
.L_overlay_start_2:
0x10c: {  	(tag) =	ssettag $0x2  }
0x10d: {  	s0 =	rddreg [dreg:$0x0];
	s2 =	stileid.u32  }
0x10e: {  	s1 =	rddreg [dreg:$0x1];
	p0 =	sne.s32 s2, $0x0  }
0x10f: {  	s3 =	rddreg [dreg:$0x2];
	[bflag:$0x3] =	sbarrier.arrive $0xFFFF;
	s2 =	simm.s32 @!p0 $0x1C0D  }
0x110: {  	[timem:s3], [sflag:s2] =	dma.local @!p0 [hbm:s0], s1  }
0x111: {  	s0 =	simm.s32 @!p0 $0xD  }
0x112: {  	_ =	swait.ge @!p0 [sflag:s0], s1  }
0x113: {  	s1 =	ssub.s32 @!p0 $0x0, s1;
	[sflag:s0] =	ssyncset.done @!p0 $0x0  }
0x114: {  	[sflag:s0] =	ssyncadd.s32 @!p0 s1  }
0x115: {  	[bflag:$0x3] =	sbarrier.arrive $0xFFFF  }
0x116: {  	_ =	shalt  }

</sc_bundles>
